<compile_context>
chip_gen: v7x
topology: tpu7x:2x2x1
jax: 0.10.2.dev20260603
libtpu: 0.0.44.dev20260713+nightly
codegen_flags: <defaults>
</compile_context>

<pallas_src>
import functools

import jax
import jax.numpy as jnp
from jax import lax
from jax.experimental import pallas as pl
from jax.experimental.pallas import tpu as pltpu
from jax.experimental.pallas import tpu_sc as plsc

EMB = 64
LANE = 128
N = 1000000
LB = 8192
NQ = 31
Q = NQ * LB
TOTB = -(-N // LB)
HI = 0xFFFF0000


def _pack(ra, rb):
    ua = lax.bitcast_convert_type(ra, jnp.uint32)
    ub = lax.bitcast_convert_type(rb, jnp.uint32)
    packed = (ua & jnp.uint32(HI)) | lax.shift_right_logical(
        ub, jnp.uint32(16))
    return lax.bitcast_convert_type(packed, jnp.float32)


def _t_body(a_ref, b_ref, c_ref, d_ref, i_ref, o_ref):
    ident = i_ref[...].astype(jnp.bfloat16)
    dn = (((0,), (0,)), ((), ()))

    def tr(ref):
        return lax.dot_general(ref[...].astype(jnp.bfloat16), ident, dn,
                               preferred_element_type=jnp.float32)

    o_ref[:, 0:EMB] = _pack(tr(a_ref), tr(c_ref))
    o_ref[:, EMB:LANE] = _pack(tr(b_ref), tr(d_ref))


def _retile(tt, ident):
    bmap = [lambda i, k=k: (0, jnp.minimum(i + k * NQ, TOTB - 1))
            for k in range(4)]
    return pl.pallas_call(
        _t_body,
        grid=(NQ,),
        in_specs=[pl.BlockSpec((EMB, LB), bmap[k]) for k in range(4)]
        + [pl.BlockSpec((EMB, EMB), lambda i: (0, 0))],
        out_specs=pl.BlockSpec((LB, LANE), lambda i: (i, 0)),
        out_shape=jax.ShapeDtypeStruct((Q, LANE), jnp.float32),
    )(tt, tt, tt, tt, ident)


def _make_gather(B):
    info = plsc.get_sparse_core_info()
    NC, NS = info.num_cores, info.num_subcores
    NW = NC * NS
    b_per_w = B // NW

    mesh = plsc.VectorSubcoreMesh(core_axis_name="c", subcore_axis_name="s")

    @functools.partial(
        pl.kernel,
        mesh=mesh,
        compiler_params=pltpu.CompilerParams(
            use_tc_tiling_on_sc=True, needs_layout_passes=False),
        out_type=jax.ShapeDtypeStruct((B, LANE), jnp.float32),
        scratch_types=[
            pltpu.VMEM((b_per_w,), jnp.int32),
            pltpu.VMEM((b_per_w, LANE), jnp.float32),
            pltpu.SemaphoreType.DMA,
        ],
    )
    def gather_k(ix_hbm, emb_hbm, out_hbm, idxv, rows, gsem):
        wid = lax.axis_index("s") * NC + lax.axis_index("c")
        base = wid * b_per_w
        lanes = lax.iota(jnp.int32, 16)

        pltpu.sync_copy(ix_hbm.at[pl.ds(base, b_per_w)], idxv)
        for g in range(b_per_w // 16):
            sl = pl.ds(g * 16, 16)
            s = idxv[sl]
            k = (jnp.where(s >= Q, 1, 0) + jnp.where(s >= 2 * Q, 1, 0)
                 + jnp.where(s >= 3 * Q, 1, 0))
            idxv[sl] = s - k * Q

        def body(g, _):
            vec = idxv[pl.ds(g * 16, 16)]
            for l in range(16):
                s = jnp.sum(jnp.where(lanes == l, vec, 0))
                pltpu.async_copy(emb_hbm.at[s], rows.at[g * 16 + l], gsem)
            return 0

        lax.fori_loop(0, b_per_w // 16, body, 0)
        pltpu.make_async_copy(out_hbm.at[pl.ds(base, b_per_w)],
                              rows, gsem).wait()
        pltpu.sync_copy(rows, out_hbm.at[pl.ds(base, b_per_w)])

    return gather_k


def _unpack_select(x2_ref, xi_ref):
    r = xi_ref[...]
    k = (jnp.where(r >= Q, 1, 0) + jnp.where(r >= 2 * Q, 1, 0)
         + jnp.where(r >= 3 * Q, 1, 0))
    x = jnp.where((k & 1) == 1, x2_ref[:, EMB:LANE], x2_ref[:, 0:EMB])
    w = lax.bitcast_convert_type(x, jnp.uint32)
    hi = lax.bitcast_convert_type(w & jnp.uint32(HI), jnp.float32)
    lo = lax.bitcast_convert_type(lax.shift_left(w, jnp.uint32(16)),
                                  jnp.float32)
    return jnp.where(k >= 2, lo, hi)


def _mlp_body(u2_ref, v2_ref, ui_ref, vi_ref, w1a_ref, w1b_ref, b1_ref,
              w2_ref, b2_ref, o_ref):
    u = jnp.maximum(_unpack_select(u2_ref, ui_ref), 0.0)
    v = jnp.maximum(_unpack_select(v2_ref, vi_ref), 0.0)
    h = jnp.dot(u, w1a_ref[...], preferred_element_type=jnp.float32)
    h = h + jnp.dot(v, w1b_ref[...], preferred_element_type=jnp.float32)
    h = jnp.maximum(h + b1_ref[...], 0.0)
    o_ref[...] = jnp.sum(h * w2_ref[...], axis=1, keepdims=True) + b2_ref[...]


def kernel(u, v, user_emb, item_emb, W1, b1, W2, b2):
    B = u.shape[0]
    u32 = u.astype(jnp.int32)
    v32 = v.astype(jnp.int32)
    ident = jnp.eye(EMB, dtype=jnp.float32)
    gather_k = _make_gather(B)
    TU = _retile(user_emb.T, ident)
    U2 = gather_k(u32, TU)
    TV = _retile(item_emb.T, ident)
    V2 = gather_k(v32, TV)

    BLK = 2048
    grid = (B // BLK,)
    out = pl.pallas_call(
        _mlp_body,
        grid=grid,
        in_specs=[
            pl.BlockSpec((BLK, LANE), lambda i: (i, 0)),
            pl.BlockSpec((BLK, LANE), lambda i: (i, 0)),
            pl.BlockSpec((BLK, 1), lambda i: (i, 0)),
            pl.BlockSpec((BLK, 1), lambda i: (i, 0)),
            pl.BlockSpec((EMB, EMB), lambda i: (0, 0)),
            pl.BlockSpec((EMB, EMB), lambda i: (0, 0)),
            pl.BlockSpec((1, EMB), lambda i: (0, 0)),
            pl.BlockSpec((1, EMB), lambda i: (0, 0)),
            pl.BlockSpec((1, 1), lambda i: (0, 0)),
        ],
        out_specs=pl.BlockSpec((BLK, 1), lambda i: (i, 0)),
        out_shape=jax.ShapeDtypeStruct((B, 1), jnp.float32),
    )(U2, V2, u32.reshape(B, 1), v32.reshape(B, 1), W1[:EMB], W1[EMB:],
      b1.reshape(1, EMB), W2.reshape(1, EMB), b2.reshape(1, 1))
    return out

# --- scband reference (transcript-rebuilt; emitter-appended) ---
"""Pipeline reference for scband-collab-fnet-24412594111094 (READ-ONLY COPY).

The authoritative reference and input builder live on the scoring server;
editing this copy changes nothing except your own understanding.
"""

import jax, jax.numpy as jnp
import numpy as np

NUM_USERS = 1000000
NUM_ITEMS = 1000000
EMB = 64
HID = 64
BATCH = 16384

def setup_inputs(seed: int = 0) -> dict:
    key = jax.random.key(seed)
    k1, k2, k3, k4, k5, k6, k7, k8 = jax.random.split(key, 8)
    u = jax.random.randint(k1, (BATCH,), 0, NUM_USERS)
    v = jax.random.randint(k2, (BATCH,), 0, NUM_ITEMS)
    user_emb = jax.random.normal(k3, (NUM_USERS, EMB), dtype=jnp.float32)
    item_emb = jax.random.normal(k4, (NUM_ITEMS, EMB), dtype=jnp.float32)
    lim1 = 1.0 / np.sqrt(2 * EMB)
    W1 = jax.random.uniform(k5, (2 * EMB, HID), dtype=jnp.float32, minval=-lim1, maxval=lim1)
    b1 = jax.random.uniform(k6, (HID,), dtype=jnp.float32, minval=-lim1, maxval=lim1)
    lim2 = 1.0 / np.sqrt(HID)
    W2 = jax.random.uniform(k7, (HID, 1), dtype=jnp.float32, minval=-lim2, maxval=lim2)
    b2 = jax.random.uniform(k8, (1,), dtype=jnp.float32, minval=-lim2, maxval=lim2)
    return {"u": u, "v": v, "user_emb": user_emb, "item_emb": item_emb, "W1": W1, "b1": b1, "W2": W2, "b2": b2}

def reference(u, v, user_emb, item_emb, W1, b1, W2, b2):
    U = jnp.take(user_emb, u, axis=0)
    V = jnp.take(item_emb, v, axis=0)
    x = jax.nn.relu(jnp.concatenate([U, V], axis=1))
    # dropout is identity in eval mode
    x = jax.nn.relu(x @ W1 + b1)
    out = x @ W2 + b2
    return out

if __name__ == "__main__":
    import jax
    _d = setup_inputs()
    print(jax.jit(kernel)(*tuple(_d.values())))

</pallas_src>

<mosaic_0001>
#map = affine_map<(d0, d1) -> (0)>
#map1 = affine_map<(d0, d1) -> (0, 0)>
module attributes {stable_mosaic.version = 14 : i64} {
  func.func @gather_k(%arg0: i32, %arg1: i32, %arg2: memref<16384xi32, #tpu.memory_space<hbm>>, %arg3: memref<253952x128xf32, #tpu.memory_space<hbm>>, %arg4: memref<16384x128xf32, #tpu.memory_space<hbm>>, %arg5: memref<512xi32, #tpu.memory_space<vmem>>, %arg6: memref<512x128xf32, #tpu.memory_space<vmem>>, %arg7: memref<!tpu.dma_semaphore, #tpu.memory_space<semaphore_mem>>) attributes {dimension_semantics = [#tpu.dimension_semantics<core_parallel>, #tpu.dimension_semantics<subcore_parallel>], iteration_bounds = array<i64: 2, 16>, scalar_prefetch = 0 : i64, scratch_operands = 3 : i64, tpu.core_type = #tpu.core_type<sc_vector_subcore>, window_params = [{transform_indices = #map}, {transform_indices = #map1}, {transform_indices = #map1}]} {
    %mul3A = arith.constant 2 : i32
    %mul3A_0 = arith.muli %arg1, %mul3A : i32
    %add3A = arith.addi %mul3A_0, %arg0 : i32
    %mul3A_1 = arith.constant 512 : i32
    %mul3A_2 = arith.muli %add3A, %mul3A_1 : i32
    %iota3A = tpu.iota {dimensions = array<i32: 0>} : vector<16xi32>
    "tpu.region"() ({
      %run_scoped3A = tpu.sem_alloc : memref<!tpu.dma_semaphore, #tpu.memory_space<semaphore_mem>>
      %dma_start3A = tpu.memref_slice %arg2[%mul3A_2] : memref<16384xi32, #tpu.memory_space<hbm>> -> memref<512xi32, #tpu.memory_space<hbm>>
      %dma_start3A_1093 = tpu.memref_slice %arg2[%mul3A_2] : memref<16384xi32, #tpu.memory_space<hbm>> -> memref<512xi32, #tpu.memory_space<hbm>>
      tpu.enqueue_dma source(%dma_start3A_1093 : memref<512xi32, #tpu.memory_space<hbm>>) target(%arg5 : memref<512xi32, #tpu.memory_space<vmem>>) target_semaphore(%run_scoped3A : memref<!tpu.dma_semaphore, #tpu.memory_space<semaphore_mem>>)
      %dma_wait3A_1094 = tpu.memref_slice %arg2[%mul3A_2] : memref<16384xi32, #tpu.memory_space<hbm>> -> memref<512xi32, #tpu.memory_space<hbm>>
      %dma_wait3A_1095 = tpu.memref_slice %arg2[%mul3A_2] : memref<16384xi32, #tpu.memory_space<hbm>> -> memref<512xi32, #tpu.memory_space<hbm>>
      tpu.wait_dma2 semaphore(%run_scoped3A : memref<!tpu.dma_semaphore, #tpu.memory_space<semaphore_mem>>) src(%dma_wait3A_1095 : memref<512xi32, #tpu.memory_space<hbm>>) dst(%arg5 : memref<512xi32, #tpu.memory_space<vmem>>)
      tpu.yield
    }) : () -> ()
    %get3A = arith.constant 0 : index
    %get3A_3 = tpu.vector_load %arg5[%get3A] {strides = array<i32>} : memref<512xi32, #tpu.memory_space<vmem>>, vector<16xi32>,
    %ge3A = arith.constant 253952 : i32
    %ge3A_4 = vector.broadcast %ge3A : i32 to vector<16xi32>
    %ge3A_5 = arith.cmpi sge, %get3A_3, %ge3A_4 : vector<16xi32>
    %jit3A = arith.constant 1 : i32
    %jit3A_6 = arith.constant 0 : i32
    %broadcast_in_dim3A = vector.broadcast %jit3A : i32 to vector<16xi32>
    %broadcast_in_dim3A_7 = vector.broadcast %jit3A_6 : i32 to vector<16xi32>
    %select_n3A = arith.select %ge3A_5, %broadcast_in_dim3A, %broadcast_in_dim3A_7 : vector<16xi1>, vector<16xi32>
    %ge3A_8 = arith.constant 507904 : i32
    %ge3A_9 = vector.broadcast %ge3A_8 : i32 to vector<16xi32>
    %ge3A_10 = arith.cmpi sge, %get3A_3, %ge3A_9 : vector<16xi32>
    %jit3A_11 = arith.constant 1 : i32
    %jit3A_12 = arith.constant 0 : i32
    %broadcast_in_dim3A_13 = vector.broadcast %jit3A_11 : i32 to vector<16xi32>
    %broadcast_in_dim3A_14 = vector.broadcast %jit3A_12 : i32 to vector<16xi32>
    %select_n3A_15 = arith.select %ge3A_10, %broadcast_in_dim3A_13, %broadcast_in_dim3A_14 : vector<16xi1>, vector<16xi32>
    %add3A_16 = arith.addi %select_n3A, %select_n3A_15 : vector<16xi32>
    %ge3A_17 = arith.constant 761856 : i32
    %ge3A_18 = vector.broadcast %ge3A_17 : i32 to vector<16xi32>
    %ge3A_19 = arith.cmpi sge, %get3A_3, %ge3A_18 : vector<16xi32>
    %jit3A_20 = arith.constant 1 : i32
    %jit3A_21 = arith.constant 0 : i32
    %broadcast_in_dim3A_22 = vector.broadcast %jit3A_20 : i32 to vector<16xi32>
    %broadcast_in_dim3A_23 = vector.broadcast %jit3A_21 : i32 to vector<16xi32>
    %select_n3A_24 = arith.select %ge3A_19, %broadcast_in_dim3A_22, %broadcast_in_dim3A_23 : vector<16xi1>, vector<16xi32>
    %add3A_25 = arith.addi %add3A_16, %select_n3A_24 : vector<16xi32>
    %mul3A_26 = arith.constant 253952 : i32
    %mul3A_27 = vector.broadcast %mul3A_26 : i32 to vector<16xi32>
    %mul3A_28 = arith.muli %add3A_25, %mul3A_27 : vector<16xi32>
    %sub3A = arith.subi %get3A_3, %mul3A_28 : vector<16xi32>
    %swap3A = arith.constant 0 : index
    %swap3A_29 = tpu.vector_load %arg5[%swap3A] {strides = array<i32>} : memref<512xi32, #tpu.memory_space<vmem>>, vector<16xi32>,
    tpu.vector_store %arg5[%swap3A], %sub3A {strides = array<i32>} : memref<512xi32, #tpu.memory_space<vmem>>, vector<16xi32>,
    %get3A_30 = arith.constant 16 : index
    %get3A_31 = tpu.vector_load %arg5[%get3A_30] {strides = array<i32>} : memref<512xi32, #tpu.memory_space<vmem>>, vector<16xi32>,
    %ge3A_32 = arith.constant 253952 : i32
    %ge3A_33 = vector.broadcast %ge3A_32 : i32 to vector<16xi32>
    %ge3A_34 = arith.cmpi sge, %get3A_31, %ge3A_33 : vector<16xi32>
    %jit3A_35 = arith.constant 1 : i32
    %jit3A_36 = arith.constant 0 : i32
    %broadcast_in_dim3A_37 = vector.broadcast %jit3A_35 : i32 to vector<16xi32>
    %broadcast_in_dim3A_38 = vector.broadcast %jit3A_36 : i32 to vector<16xi32>
    %select_n3A_39 = arith.select %ge3A_34, %broadcast_in_dim3A_37, %broadcast_in_dim3A_38 : vector<16xi1>, vector<16xi32>
    %ge3A_40 = arith.constant 507904 : i32
    %ge3A_41 = vector.broadcast %ge3A_40 : i32 to vector<16xi32>
    %ge3A_42 = arith.cmpi sge, %get3A_31, %ge3A_41 : vector<16xi32>
    %jit3A_43 = arith.constant 1 : i32
    %jit3A_44 = arith.constant 0 : i32
    %broadcast_in_dim3A_45 = vector.broadcast %jit3A_43 : i32 to vector<16xi32>
    %broadcast_in_dim3A_46 = vector.broadcast %jit3A_44 : i32 to vector<16xi32>
    %select_n3A_47 = arith.select %ge3A_42, %broadcast_in_dim3A_45, %broadcast_in_dim3A_46 : vector<16xi1>, vector<16xi32>
    %add3A_48 = arith.addi %select_n3A_39, %select_n3A_47 : vector<16xi32>
    %ge3A_49 = arith.constant 761856 : i32
    %ge3A_50 = vector.broadcast %ge3A_49 : i32 to vector<16xi32>
    %ge3A_51 = arith.cmpi sge, %get3A_31, %ge3A_50 : vector<16xi32>
    %jit3A_52 = arith.constant 1 : i32
    %jit3A_53 = arith.constant 0 : i32
    %broadcast_in_dim3A_54 = vector.broadcast %jit3A_52 : i32 to vector<16xi32>
    %broadcast_in_dim3A_55 = vector.broadcast %jit3A_53 : i32 to vector<16xi32>
    %select_n3A_56 = arith.select %ge3A_51, %broadcast_in_dim3A_54, %broadcast_in_dim3A_55 : vector<16xi1>, vector<16xi32>
    %add3A_57 = arith.addi %add3A_48, %select_n3A_56 : vector<16xi32>
    %mul3A_58 = arith.constant 253952 : i32
    %mul3A_59 = vector.broadcast %mul3A_58 : i32 to vector<16xi32>
    %mul3A_60 = arith.muli %add3A_57, %mul3A_59 : vector<16xi32>
    %sub3A_61 = arith.subi %get3A_31, %mul3A_60 : vector<16xi32>
    %swap3A_62 = arith.constant 16 : index
    %swap3A_63 = tpu.vector_load %arg5[%swap3A_62] {strides = array<i32>} : memref<512xi32, #tpu.memory_space<vmem>>, vector<16xi32>,
    tpu.vector_store %arg5[%swap3A_62], %sub3A_61 {strides = array<i32>} : memref<512xi32, #tpu.memory_space<vmem>>, vector<16xi32>,
    %get3A_64 = arith.constant 32 : index
    %get3A_65 = tpu.vector_load %arg5[%get3A_64] {strides = array<i32>} : memref<512xi32, #tpu.memory_space<vmem>>, vector<16xi32>,
    %ge3A_66 = arith.constant 253952 : i32
    %ge3A_67 = vector.broadcast %ge3A_66 : i32 to vector<16xi32>
    %ge3A_68 = arith.cmpi sge, %get3A_65, %ge3A_67 : vector<16xi32>
    %jit3A_69 = arith.constant 1 : i32
    %jit3A_70 = arith.constant 0 : i32
    %broadcast_in_dim3A_71 = vector.broadcast %jit3A_69 : i32 to vector<16xi32>
    %broadcast_in_dim3A_72 = vector.broadcast %jit3A_70 : i32 to vector<16xi32>
    %select_n3A_73 = arith.select %ge3A_68, %broadcast_in_dim3A_71, %broadcast_in_dim3A_72 : vector<16xi1>, vector<16xi32>
    %ge3A_74 = arith.constant 507904 : i32
    %ge3A_75 = vector.broadcast %ge3A_74 : i32 to vector<16xi32>
    %ge3A_76 = arith.cmpi sge, %get3A_65, %ge3A_75 : vector<16xi32>
    %jit3A_77 = arith.constant 1 : i32
    %jit3A_78 = arith.constant 0 : i32
    %broadcast_in_dim3A_79 = vector.broadcast %jit3A_77 : i32 to vector<16xi32>
    %broadcast_in_dim3A_80 = vector.broadcast %jit3A_78 : i32 to vector<16xi32>
    %select_n3A_81 = arith.select %ge3A_76, %broadcast_in_dim3A_79, %broadcast_in_dim3A_80 : vector<16xi1>, vector<16xi32>
    %add3A_82 = arith.addi %select_n3A_73, %select_n3A_81 : vector<16xi32>
    %ge3A_83 = arith.constant 761856 : i32
    %ge3A_84 = vector.broadcast %ge3A_83 : i32 to vector<16xi32>
    %ge3A_85 = arith.cmpi sge, %get3A_65, %ge3A_84 : vector<16xi32>
    %jit3A_86 = arith.constant 1 : i32
    %jit3A_87 = arith.constant 0 : i32
    %broadcast_in_dim3A_88 = vector.broadcast %jit3A_86 : i32 to vector<16xi32>
    %broadcast_in_dim3A_89 = vector.broadcast %jit3A_87 : i32 to vector<16xi32>
    %select_n3A_90 = arith.select %ge3A_85, %broadcast_in_dim3A_88, %broadcast_in_dim3A_89 : vector<16xi1>, vector<16xi32>
    %add3A_91 = arith.addi %add3A_82, %select_n3A_90 : vector<16xi32>
    %mul3A_92 = arith.constant 253952 : i32
    %mul3A_93 = vector.broadcast %mul3A_92 : i32 to vector<16xi32>
    %mul3A_94 = arith.muli %add3A_91, %mul3A_93 : vector<16xi32>
    %sub3A_95 = arith.subi %get3A_65, %mul3A_94 : vector<16xi32>
    %swap3A_96 = arith.constant 32 : index
    %swap3A_97 = tpu.vector_load %arg5[%swap3A_96] {strides = array<i32>} : memref<512xi32, #tpu.memory_space<vmem>>, vector<16xi32>,
    tpu.vector_store %arg5[%swap3A_96], %sub3A_95 {strides = array<i32>} : memref<512xi32, #tpu.memory_space<vmem>>, vector<16xi32>,
    %get3A_98 = arith.constant 48 : index
    %get3A_99 = tpu.vector_load %arg5[%get3A_98] {strides = array<i32>} : memref<512xi32, #tpu.memory_space<vmem>>, vector<16xi32>,
    %ge3A_100 = arith.constant 253952 : i32
    %ge3A_101 = vector.broadcast %ge3A_100 : i32 to vector<16xi32>
    %ge3A_102 = arith.cmpi sge, %get3A_99, %ge3A_101 : vector<16xi32>
    %jit3A_103 = arith.constant 1 : i32
    %jit3A_104 = arith.constant 0 : i32
    %broadcast_in_dim3A_105 = vector.broadcast %jit3A_103 : i32 to vector<16xi32>
    %broadcast_in_dim3A_106 = vector.broadcast %jit3A_104 : i32 to vector<16xi32>
    %select_n3A_107 = arith.select %ge3A_102, %broadcast_in_dim3A_105, %broadcast_in_dim3A_106 : vector<16xi1>, vector<16xi32>
    %ge3A_108 = arith.constant 507904 : i32
    %ge3A_109 = vector.broadcast %ge3A_108 : i32 to vector<16xi32>
    %ge3A_110 = arith.cmpi sge, %get3A_99, %ge3A_109 : vector<16xi32>
    %jit3A_111 = arith.constant 1 : i32
    %jit3A_112 = arith.constant 0 : i32
    %broadcast_in_dim3A_113 = vector.broadcast %jit3A_111 : i32 to vector<16xi32>
    %broadcast_in_dim3A_114 = vector.broadcast %jit3A_112 : i32 to vector<16xi32>
    %select_n3A_115 = arith.select %ge3A_110, %broadcast_in_dim3A_113, %broadcast_in_dim3A_114 : vector<16xi1>, vector<16xi32>
    %add3A_116 = arith.addi %select_n3A_107, %select_n3A_115 : vector<16xi32>
    %ge3A_117 = arith.constant 761856 : i32
    %ge3A_118 = vector.broadcast %ge3A_117 : i32 to vector<16xi32>
    %ge3A_119 = arith.cmpi sge, %get3A_99, %ge3A_118 : vector<16xi32>
    %jit3A_120 = arith.constant 1 : i32
    %jit3A_121 = arith.constant 0 : i32
    %broadcast_in_dim3A_122 = vector.broadcast %jit3A_120 : i32 to vector<16xi32>
    %broadcast_in_dim3A_123 = vector.broadcast %jit3A_121 : i32 to vector<16xi32>
    %select_n3A_124 = arith.select %ge3A_119, %broadcast_in_dim3A_122, %broadcast_in_dim3A_123 : vector<16xi1>, vector<16xi32>
    %add3A_125 = arith.addi %add3A_116, %select_n3A_124 : vector<16xi32>
    %mul3A_126 = arith.constant 253952 : i32
    %mul3A_127 = vector.broadcast %mul3A_126 : i32 to vector<16xi32>
    %mul3A_128 = arith.muli %add3A_125, %mul3A_127 : vector<16xi32>
    %sub3A_129 = arith.subi %get3A_99, %mul3A_128 : vector<16xi32>
    %swap3A_130 = arith.constant 48 : index
    %swap3A_131 = tpu.vector_load %arg5[%swap3A_130] {strides = array<i32>} : memref<512xi32, #tpu.memory_space<vmem>>, vector<16xi32>,
    tpu.vector_store %arg5[%swap3A_130], %sub3A_129 {strides = array<i32>} : memref<512xi32, #tpu.memory_space<vmem>>, vector<16xi32>,
    %get3A_132 = arith.constant 64 : index
    %get3A_133 = tpu.vector_load %arg5[%get3A_132] {strides = array<i32>} : memref<512xi32, #tpu.memory_space<vmem>>, vector<16xi32>,
    %ge3A_134 = arith.constant 253952 : i32
    %ge3A_135 = vector.broadcast %ge3A_134 : i32 to vector<16xi32>
    %ge3A_136 = arith.cmpi sge, %get3A_133, %ge3A_135 : vector<16xi32>
    %jit3A_137 = arith.constant 1 : i32
    %jit3A_138 = arith.constant 0 : i32
    %broadcast_in_dim3A_139 = vector.broadcast %jit3A_137 : i32 to vector<16xi32>
    %broadcast_in_dim3A_140 = vector.broadcast %jit3A_138 : i32 to vector<16xi32>
    %select_n3A_141 = arith.select %ge3A_136, %broadcast_in_dim3A_139, %broadcast_in_dim3A_140 : vector<16xi1>, vector<16xi32>
    %ge3A_142 = arith.constant 507904 : i32
    %ge3A_143 = vector.broadcast %ge3A_142 : i32 to vector<16xi32>
    %ge3A_144 = arith.cmpi sge, %get3A_133, %ge3A_143 : vector<16xi32>
    %jit3A_145 = arith.constant 1 : i32
    %jit3A_146 = arith.constant 0 : i32
    %broadcast_in_dim3A_147 = vector.broadcast %jit3A_145 : i32 to vector<16xi32>
    %broadcast_in_dim3A_148 = vector.broadcast %jit3A_146 : i32 to vector<16xi32>
    %select_n3A_149 = arith.select %ge3A_144, %broadcast_in_dim3A_147, %broadcast_in_dim3A_148 : vector<16xi1>, vector<16xi32>
    %add3A_150 = arith.addi %select_n3A_141, %select_n3A_149 : vector<16xi32>
    %ge3A_151 = arith.constant 761856 : i32
    %ge3A_152 = vector.broadcast %ge3A_151 : i32 to vector<16xi32>
    %ge3A_153 = arith.cmpi sge, %get3A_133, %ge3A_152 : vector<16xi32>
    %jit3A_154 = arith.constant 1 : i32
    %jit3A_155 = arith.constant 0 : i32
    %broadcast_in_dim3A_156 = vector.broadcast %jit3A_154 : i32 to vector<16xi32>
    %broadcast_in_dim3A_157 = vector.broadcast %jit3A_155 : i32 to vector<16xi32>
    %select_n3A_158 = arith.select %ge3A_153, %broadcast_in_dim3A_156, %broadcast_in_dim3A_157 : vector<16xi1>, vector<16xi32>
    %add3A_159 = arith.addi %add3A_150, %select_n3A_158 : vector<16xi32>
    %mul3A_160 = arith.constant 253952 : i32
    %mul3A_161 = vector.broadcast %mul3A_160 : i32 to vector<16xi32>
    %mul3A_162 = arith.muli %add3A_159, %mul3A_161 : vector<16xi32>
    %sub3A_163 = arith.subi %get3A_133, %mul3A_162 : vector<16xi32>
    %swap3A_164 = arith.constant 64 : index
    %swap3A_165 = tpu.vector_load %arg5[%swap3A_164] {strides = array<i32>} : memref<512xi32, #tpu.memory_space<vmem>>, vector<16xi32>,
    tpu.vector_store %arg5[%swap3A_164], %sub3A_163 {strides = array<i32>} : memref<512xi32, #tpu.memory_space<vmem>>, vector<16xi32>,
    %get3A_166 = arith.constant 80 : index
    %get3A_167 = tpu.vector_load %arg5[%get3A_166] {strides = array<i32>} : memref<512xi32, #tpu.memory_space<vmem>>, vector<16xi32>,
    %ge3A_168 = arith.constant 253952 : i32
    %ge3A_169 = vector.broadcast %ge3A_168 : i32 to vector<16xi32>
    %ge3A_170 = arith.cmpi sge, %get3A_167, %ge3A_169 : vector<16xi32>
    %jit3A_171 = arith.constant 1 : i32
    %jit3A_172 = arith.constant 0 : i32
    %broadcast_in_dim3A_173 = vector.broadcast %jit3A_171 : i32 to vector<16xi32>
    %broadcast_in_dim3A_174 = vector.broadcast %jit3A_172 : i32 to vector<16xi32>
    %select_n3A_175 = arith.select %ge3A_170, %broadcast_in_dim3A_173, %broadcast_in_dim3A_174 : vector<16xi1>, vector<16xi32>
    %ge3A_176 = arith.constant 507904 : i32
    %ge3A_177 = vector.broadcast %ge3A_176 : i32 to vector<16xi32>
    %ge3A_178 = arith.cmpi sge, %get3A_167, %ge3A_177 : vector<16xi32>
    %jit3A_179 = arith.constant 1 : i32
    %jit3A_180 = arith.constant 0 : i32
    %broadcast_in_dim3A_181 = vector.broadcast %jit3A_179 : i32 to vector<16xi32>
    %broadcast_in_dim3A_182 = vector.broadcast %jit3A_180 : i32 to vector<16xi32>
    %select_n3A_183 = arith.select %ge3A_178, %broadcast_in_dim3A_181, %broadcast_in_dim3A_182 : vector<16xi1>, vector<16xi32>
    %add3A_184 = arith.addi %select_n3A_175, %select_n3A_183 : vector<16xi32>
    %ge3A_185 = arith.constant 761856 : i32
    %ge3A_186 = vector.broadcast %ge3A_185 : i32 to vector<16xi32>
    %ge3A_187 = arith.cmpi sge, %get3A_167, %ge3A_186 : vector<16xi32>
    %jit3A_188 = arith.constant 1 : i32
    %jit3A_189 = arith.constant 0 : i32
    %broadcast_in_dim3A_190 = vector.broadcast %jit3A_188 : i32 to vector<16xi32>
    %broadcast_in_dim3A_191 = vector.broadcast %jit3A_189 : i32 to vector<16xi32>
    %select_n3A_192 = arith.select %ge3A_187, %broadcast_in_dim3A_190, %broadcast_in_dim3A_191 : vector<16xi1>, vector<16xi32>
    %add3A_193 = arith.addi %add3A_184, %select_n3A_192 : vector<16xi32>
    %mul3A_194 = arith.constant 253952 : i32
    %mul3A_195 = vector.broadcast %mul3A_194 : i32 to vector<16xi32>
    %mul3A_196 = arith.muli %add3A_193, %mul3A_195 : vector<16xi32>
    %sub3A_197 = arith.subi %get3A_167, %mul3A_196 : vector<16xi32>
    %swap3A_198 = arith.constant 80 : index
    %swap3A_199 = tpu.vector_load %arg5[%swap3A_198] {strides = array<i32>} : memref<512xi32, #tpu.memory_space<vmem>>, vector<16xi32>,
    tpu.vector_store %arg5[%swap3A_198], %sub3A_197 {strides = array<i32>} : memref<512xi32, #tpu.memory_space<vmem>>, vector<16xi32>,
    %get3A_200 = arith.constant 96 : index
    %get3A_201 = tpu.vector_load %arg5[%get3A_200] {strides = array<i32>} : memref<512xi32, #tpu.memory_space<vmem>>, vector<16xi32>,
    %ge3A_202 = arith.constant 253952 : i32
    %ge3A_203 = vector.broadcast %ge3A_202 : i32 to vector<16xi32>
    %ge3A_204 = arith.cmpi sge, %get3A_201, %ge3A_203 : vector<16xi32>
    %jit3A_205 = arith.constant 1 : i32
    %jit3A_206 = arith.constant 0 : i32
    %broadcast_in_dim3A_207 = vector.broadcast %jit3A_205 : i32 to vector<16xi32>
    %broadcast_in_dim3A_208 = vector.broadcast %jit3A_206 : i32 to vector<16xi32>
    %select_n3A_209 = arith.select %ge3A_204, %broadcast_in_dim3A_207, %broadcast_in_dim3A_208 : vector<16xi1>, vector<16xi32>
    %ge3A_210 = arith.constant 507904 : i32
    %ge3A_211 = vector.broadcast %ge3A_210 : i32 to vector<16xi32>
    %ge3A_212 = arith.cmpi sge, %get3A_201, %ge3A_211 : vector<16xi32>
    %jit3A_213 = arith.constant 1 : i32
    %jit3A_214 = arith.constant 0 : i32
    %broadcast_in_dim3A_215 = vector.broadcast %jit3A_213 : i32 to vector<16xi32>
    %broadcast_in_dim3A_216 = vector.broadcast %jit3A_214 : i32 to vector<16xi32>
    %select_n3A_217 = arith.select %ge3A_212, %broadcast_in_dim3A_215, %broadcast_in_dim3A_216 : vector<16xi1>, vector<16xi32>
    %add3A_218 = arith.addi %select_n3A_209, %select_n3A_217 : vector<16xi32>
    %ge3A_219 = arith.constant 761856 : i32
    %ge3A_220 = vector.broadcast %ge3A_219 : i32 to vector<16xi32>
    %ge3A_221 = arith.cmpi sge, %get3A_201, %ge3A_220 : vector<16xi32>
    %jit3A_222 = arith.constant 1 : i32
    %jit3A_223 = arith.constant 0 : i32
    %broadcast_in_dim3A_224 = vector.broadcast %jit3A_222 : i32 to vector<16xi32>
    %broadcast_in_dim3A_225 = vector.broadcast %jit3A_223 : i32 to vector<16xi32>
    %select_n3A_226 = arith.select %ge3A_221, %broadcast_in_dim3A_224, %broadcast_in_dim3A_225 : vector<16xi1>, vector<16xi32>
    %add3A_227 = arith.addi %add3A_218, %select_n3A_226 : vector<16xi32>
    %mul3A_228 = arith.constant 253952 : i32
    %mul3A_229 = vector.broadcast %mul3A_228 : i32 to vector<16xi32>
    %mul3A_230 = arith.muli %add3A_227, %mul3A_229 : vector<16xi32>
    %sub3A_231 = arith.subi %get3A_201, %mul3A_230 : vector<16xi32>
    %swap3A_232 = arith.constant 96 : index
    %swap3A_233 = tpu.vector_load %arg5[%swap3A_232] {strides = array<i32>} : memref<512xi32, #tpu.memory_space<vmem>>, vector<16xi32>,
    tpu.vector_store %arg5[%swap3A_232], %sub3A_231 {strides = array<i32>} : memref<512xi32, #tpu.memory_space<vmem>>, vector<16xi32>,
    %get3A_234 = arith.constant 112 : index
    %get3A_235 = tpu.vector_load %arg5[%get3A_234] {strides = array<i32>} : memref<512xi32, #tpu.memory_space<vmem>>, vector<16xi32>,
    %ge3A_236 = arith.constant 253952 : i32
    %ge3A_237 = vector.broadcast %ge3A_236 : i32 to vector<16xi32>
    %ge3A_238 = arith.cmpi sge, %get3A_235, %ge3A_237 : vector<16xi32>
    %jit3A_239 = arith.constant 1 : i32
    %jit3A_240 = arith.constant 0 : i32
    %broadcast_in_dim3A_241 = vector.broadcast %jit3A_239 : i32 to vector<16xi32>
    %broadcast_in_dim3A_242 = vector.broadcast %jit3A_240 : i32 to vector<16xi32>
    %select_n3A_243 = arith.select %ge3A_238, %broadcast_in_dim3A_241, %broadcast_in_dim3A_242 : vector<16xi1>, vector<16xi32>
    %ge3A_244 = arith.constant 507904 : i32
    %ge3A_245 = vector.broadcast %ge3A_244 : i32 to vector<16xi32>
    %ge3A_246 = arith.cmpi sge, %get3A_235, %ge3A_245 : vector<16xi32>
    %jit3A_247 = arith.constant 1 : i32
    %jit3A_248 = arith.constant 0 : i32
    %broadcast_in_dim3A_249 = vector.broadcast %jit3A_247 : i32 to vector<16xi32>
    %broadcast_in_dim3A_250 = vector.broadcast %jit3A_248 : i32 to vector<16xi32>
    %select_n3A_251 = arith.select %ge3A_246, %broadcast_in_dim3A_249, %broadcast_in_dim3A_250 : vector<16xi1>, vector<16xi32>
    %add3A_252 = arith.addi %select_n3A_243, %select_n3A_251 : vector<16xi32>
    %ge3A_253 = arith.constant 761856 : i32
    %ge3A_254 = vector.broadcast %ge3A_253 : i32 to vector<16xi32>
    %ge3A_255 = arith.cmpi sge, %get3A_235, %ge3A_254 : vector<16xi32>
    %jit3A_256 = arith.constant 1 : i32
    %jit3A_257 = arith.constant 0 : i32
    %broadcast_in_dim3A_258 = vector.broadcast %jit3A_256 : i32 to vector<16xi32>
    %broadcast_in_dim3A_259 = vector.broadcast %jit3A_257 : i32 to vector<16xi32>
    %select_n3A_260 = arith.select %ge3A_255, %broadcast_in_dim3A_258, %broadcast_in_dim3A_259 : vector<16xi1>, vector<16xi32>
    %add3A_261 = arith.addi %add3A_252, %select_n3A_260 : vector<16xi32>
    %mul3A_262 = arith.constant 253952 : i32
    %mul3A_263 = vector.broadcast %mul3A_262 : i32 to vector<16xi32>
    %mul3A_264 = arith.muli %add3A_261, %mul3A_263 : vector<16xi32>
    %sub3A_265 = arith.subi %get3A_235, %mul3A_264 : vector<16xi32>
    %swap3A_266 = arith.constant 112 : index
    %swap3A_267 = tpu.vector_load %arg5[%swap3A_266] {strides = array<i32>} : memref<512xi32, #tpu.memory_space<vmem>>, vector<16xi32>,
    tpu.vector_store %arg5[%swap3A_266], %sub3A_265 {strides = array<i32>} : memref<512xi32, #tpu.memory_space<vmem>>, vector<16xi32>,
    %get3A_268 = arith.constant 128 : index
    %get3A_269 = tpu.vector_load %arg5[%get3A_268] {strides = array<i32>} : memref<512xi32, #tpu.memory_space<vmem>>, vector<16xi32>,
    %ge3A_270 = arith.constant 253952 : i32
    %ge3A_271 = vector.broadcast %ge3A_270 : i32 to vector<16xi32>
    %ge3A_272 = arith.cmpi sge, %get3A_269, %ge3A_271 : vector<16xi32>
    %jit3A_273 = arith.constant 1 : i32
    %jit3A_274 = arith.constant 0 : i32
    %broadcast_in_dim3A_275 = vector.broadcast %jit3A_273 : i32 to vector<16xi32>
    %broadcast_in_dim3A_276 = vector.broadcast %jit3A_274 : i32 to vector<16xi32>
    %select_n3A_277 = arith.select %ge3A_272, %broadcast_in_dim3A_275, %broadcast_in_dim3A_276 : vector<16xi1>, vector<16xi32>
    %ge3A_278 = arith.constant 507904 : i32
    %ge3A_279 = vector.broadcast %ge3A_278 : i32 to vector<16xi32>
    %ge3A_280 = arith.cmpi sge, %get3A_269, %ge3A_279 : vector<16xi32>
    %jit3A_281 = arith.constant 1 : i32
    %jit3A_282 = arith.constant 0 : i32
    %broadcast_in_dim3A_283 = vector.broadcast %jit3A_281 : i32 to vector<16xi32>
    %broadcast_in_dim3A_284 = vector.broadcast %jit3A_282 : i32 to vector<16xi32>
    %select_n3A_285 = arith.select %ge3A_280, %broadcast_in_dim3A_283, %broadcast_in_dim3A_284 : vector<16xi1>, vector<16xi32>
    %add3A_286 = arith.addi %select_n3A_277, %select_n3A_285 : vector<16xi32>
    %ge3A_287 = arith.constant 761856 : i32
    %ge3A_288 = vector.broadcast %ge3A_287 : i32 to vector<16xi32>
    %ge3A_289 = arith.cmpi sge, %get3A_269, %ge3A_288 : vector<16xi32>
    %jit3A_290 = arith.constant 1 : i32
    %jit3A_291 = arith.constant 0 : i32
    %broadcast_in_dim3A_292 = vector.broadcast %jit3A_290 : i32 to vector<16xi32>
    %broadcast_in_dim3A_293 = vector.broadcast %jit3A_291 : i32 to vector<16xi32>
    %select_n3A_294 = arith.select %ge3A_289, %broadcast_in_dim3A_292, %broadcast_in_dim3A_293 : vector<16xi1>, vector<16xi32>
    %add3A_295 = arith.addi %add3A_286, %select_n3A_294 : vector<16xi32>
    %mul3A_296 = arith.constant 253952 : i32
    %mul3A_297 = vector.broadcast %mul3A_296 : i32 to vector<16xi32>
    %mul3A_298 = arith.muli %add3A_295, %mul3A_297 : vector<16xi32>
    %sub3A_299 = arith.subi %get3A_269, %mul3A_298 : vector<16xi32>
    %swap3A_300 = arith.constant 128 : index
    %swap3A_301 = tpu.vector_load %arg5[%swap3A_300] {strides = array<i32>} : memref<512xi32, #tpu.memory_space<vmem>>, vector<16xi32>,
    tpu.vector_store %arg5[%swap3A_300], %sub3A_299 {strides = array<i32>} : memref<512xi32, #tpu.memory_space<vmem>>, vector<16xi32>,
    %get3A_302 = arith.constant 144 : index
    %get3A_303 = tpu.vector_load %arg5[%get3A_302] {strides = array<i32>} : memref<512xi32, #tpu.memory_space<vmem>>, vector<16xi32>,
    %ge3A_304 = arith.constant 253952 : i32
    %ge3A_305 = vector.broadcast %ge3A_304 : i32 to vector<16xi32>
    %ge3A_306 = arith.cmpi sge, %get3A_303, %ge3A_305 : vector<16xi32>
    %jit3A_307 = arith.constant 1 : i32
    %jit3A_308 = arith.constant 0 : i32
    %broadcast_in_dim3A_309 = vector.broadcast %jit3A_307 : i32 to vector<16xi32>
    %broadcast_in_dim3A_310 = vector.broadcast %jit3A_308 : i32 to vector<16xi32>
    %select_n3A_311 = arith.select %ge3A_306, %broadcast_in_dim3A_309, %broadcast_in_dim3A_310 : vector<16xi1>, vector<16xi32>
    %ge3A_312 = arith.constant 507904 : i32
    %ge3A_313 = vector.broadcast %ge3A_312 : i32 to vector<16xi32>
    %ge3A_314 = arith.cmpi sge, %get3A_303, %ge3A_313 : vector<16xi32>
    %jit3A_315 = arith.constant 1 : i32
    %jit3A_316 = arith.constant 0 : i32
    %broadcast_in_dim3A_317 = vector.broadcast %jit3A_315 : i32 to vector<16xi32>
    %broadcast_in_dim3A_318 = vector.broadcast %jit3A_316 : i32 to vector<16xi32>
    %select_n3A_319 = arith.select %ge3A_314, %broadcast_in_dim3A_317, %broadcast_in_dim3A_318 : vector<16xi1>, vector<16xi32>
    %add3A_320 = arith.addi %select_n3A_311, %select_n3A_319 : vector<16xi32>
    %ge3A_321 = arith.constant 761856 : i32
    %ge3A_322 = vector.broadcast %ge3A_321 : i32 to vector<16xi32>
    %ge3A_323 = arith.cmpi sge, %get3A_303, %ge3A_322 : vector<16xi32>
    %jit3A_324 = arith.constant 1 : i32
    %jit3A_325 = arith.constant 0 : i32
    %broadcast_in_dim3A_326 = vector.broadcast %jit3A_324 : i32 to vector<16xi32>
    %broadcast_in_dim3A_327 = vector.broadcast %jit3A_325 : i32 to vector<16xi32>
    %select_n3A_328 = arith.select %ge3A_323, %broadcast_in_dim3A_326, %broadcast_in_dim3A_327 : vector<16xi1>, vector<16xi32>
    %add3A_329 = arith.addi %add3A_320, %select_n3A_328 : vector<16xi32>
    %mul3A_330 = arith.constant 253952 : i32
    %mul3A_331 = vector.broadcast %mul3A_330 : i32 to vector<16xi32>
    %mul3A_332 = arith.muli %add3A_329, %mul3A_331 : vector<16xi32>
    %sub3A_333 = arith.subi %get3A_303, %mul3A_332 : vector<16xi32>
    %swap3A_334 = arith.constant 144 : index
    %swap3A_335 = tpu.vector_load %arg5[%swap3A_334] {strides = array<i32>} : memref<512xi32, #tpu.memory_space<vmem>>, vector<16xi32>,
    tpu.vector_store %arg5[%swap3A_334], %sub3A_333 {strides = array<i32>} : memref<512xi32, #tpu.memory_space<vmem>>, vector<16xi32>,
    %get3A_336 = arith.constant 160 : index
    %get3A_337 = tpu.vector_load %arg5[%get3A_336] {strides = array<i32>} : memref<512xi32, #tpu.memory_space<vmem>>, vector<16xi32>,
    %ge3A_338 = arith.constant 253952 : i32
    %ge3A_339 = vector.broadcast %ge3A_338 : i32 to vector<16xi32>
    %ge3A_340 = arith.cmpi sge, %get3A_337, %ge3A_339 : vector<16xi32>
    %jit3A_341 = arith.constant 1 : i32
    %jit3A_342 = arith.constant 0 : i32
    %broadcast_in_dim3A_343 = vector.broadcast %jit3A_341 : i32 to vector<16xi32>
    %broadcast_in_dim3A_344 = vector.broadcast %jit3A_342 : i32 to vector<16xi32>
    %select_n3A_345 = arith.select %ge3A_340, %broadcast_in_dim3A_343, %broadcast_in_dim3A_344 : vector<16xi1>, vector<16xi32>
    %ge3A_346 = arith.constant 507904 : i32
    %ge3A_347 = vector.broadcast %ge3A_346 : i32 to vector<16xi32>
    %ge3A_348 = arith.cmpi sge, %get3A_337, %ge3A_347 : vector<16xi32>
    %jit3A_349 = arith.constant 1 : i32
    %jit3A_350 = arith.constant 0 : i32
    %broadcast_in_dim3A_351 = vector.broadcast %jit3A_349 : i32 to vector<16xi32>
    %broadcast_in_dim3A_352 = vector.broadcast %jit3A_350 : i32 to vector<16xi32>
    %select_n3A_353 = arith.select %ge3A_348, %broadcast_in_dim3A_351, %broadcast_in_dim3A_352 : vector<16xi1>, vector<16xi32>
    %add3A_354 = arith.addi %select_n3A_345, %select_n3A_353 : vector<16xi32>
    %ge3A_355 = arith.constant 761856 : i32
    %ge3A_356 = vector.broadcast %ge3A_355 : i32 to vector<16xi32>
    %ge3A_357 = arith.cmpi sge, %get3A_337, %ge3A_356 : vector<16xi32>
    %jit3A_358 = arith.constant 1 : i32
    %jit3A_359 = arith.constant 0 : i32
    %broadcast_in_dim3A_360 = vector.broadcast %jit3A_358 : i32 to vector<16xi32>
    %broadcast_in_dim3A_361 = vector.broadcast %jit3A_359 : i32 to vector<16xi32>
    %select_n3A_362 = arith.select %ge3A_357, %broadcast_in_dim3A_360, %broadcast_in_dim3A_361 : vector<16xi1>, vector<16xi32>
    %add3A_363 = arith.addi %add3A_354, %select_n3A_362 : vector<16xi32>
    %mul3A_364 = arith.constant 253952 : i32
    %mul3A_365 = vector.broadcast %mul3A_364 : i32 to vector<16xi32>
    %mul3A_366 = arith.muli %add3A_363, %mul3A_365 : vector<16xi32>
    %sub3A_367 = arith.subi %get3A_337, %mul3A_366 : vector<16xi32>
    %swap3A_368 = arith.constant 160 : index
    %swap3A_369 = tpu.vector_load %arg5[%swap3A_368] {strides = array<i32>} : memref<512xi32, #tpu.memory_space<vmem>>, vector<16xi32>,
    tpu.vector_store %arg5[%swap3A_368], %sub3A_367 {strides = array<i32>} : memref<512xi32, #tpu.memory_space<vmem>>, vector<16xi32>,
    %get3A_370 = arith.constant 176 : index
    %get3A_371 = tpu.vector_load %arg5[%get3A_370] {strides = array<i32>} : memref<512xi32, #tpu.memory_space<vmem>>, vector<16xi32>,
    %ge3A_372 = arith.constant 253952 : i32
    %ge3A_373 = vector.broadcast %ge3A_372 : i32 to vector<16xi32>
    %ge3A_374 = arith.cmpi sge, %get3A_371, %ge3A_373 : vector<16xi32>
    %jit3A_375 = arith.constant 1 : i32
    %jit3A_376 = arith.constant 0 : i32
    %broadcast_in_dim3A_377 = vector.broadcast %jit3A_375 : i32 to vector<16xi32>
    %broadcast_in_dim3A_378 = vector.broadcast %jit3A_376 : i32 to vector<16xi32>
    %select_n3A_379 = arith.select %ge3A_374, %broadcast_in_dim3A_377, %broadcast_in_dim3A_378 : vector<16xi1>, vector<16xi32>
    %ge3A_380 = arith.constant 507904 : i32
    %ge3A_381 = vector.broadcast %ge3A_380 : i32 to vector<16xi32>
    %ge3A_382 = arith.cmpi sge, %get3A_371, %ge3A_381 : vector<16xi32>
    %jit3A_383 = arith.constant 1 : i32
    %jit3A_384 = arith.constant 0 : i32
    %broadcast_in_dim3A_385 = vector.broadcast %jit3A_383 : i32 to vector<16xi32>
    %broadcast_in_dim3A_386 = vector.broadcast %jit3A_384 : i32 to vector<16xi32>
    %select_n3A_387 = arith.select %ge3A_382, %broadcast_in_dim3A_385, %broadcast_in_dim3A_386 : vector<16xi1>, vector<16xi32>
    %add3A_388 = arith.addi %select_n3A_379, %select_n3A_387 : vector<16xi32>
    %ge3A_389 = arith.constant 761856 : i32
    %ge3A_390 = vector.broadcast %ge3A_389 : i32 to vector<16xi32>
    %ge3A_391 = arith.cmpi sge, %get3A_371, %ge3A_390 : vector<16xi32>
    %jit3A_392 = arith.constant 1 : i32
    %jit3A_393 = arith.constant 0 : i32
    %broadcast_in_dim3A_394 = vector.broadcast %jit3A_392 : i32 to vector<16xi32>
    %broadcast_in_dim3A_395 = vector.broadcast %jit3A_393 : i32 to vector<16xi32>
    %select_n3A_396 = arith.select %ge3A_391, %broadcast_in_dim3A_394, %broadcast_in_dim3A_395 : vector<16xi1>, vector<16xi32>
    %add3A_397 = arith.addi %add3A_388, %select_n3A_396 : vector<16xi32>
    %mul3A_398 = arith.constant 253952 : i32
    %mul3A_399 = vector.broadcast %mul3A_398 : i32 to vector<16xi32>
    %mul3A_400 = arith.muli %add3A_397, %mul3A_399 : vector<16xi32>
    %sub3A_401 = arith.subi %get3A_371, %mul3A_400 : vector<16xi32>
    %swap3A_402 = arith.constant 176 : index
    %swap3A_403 = tpu.vector_load %arg5[%swap3A_402] {strides = array<i32>} : memref<512xi32, #tpu.memory_space<vmem>>, vector<16xi32>,
    tpu.vector_store %arg5[%swap3A_402], %sub3A_401 {strides = array<i32>} : memref<512xi32, #tpu.memory_space<vmem>>, vector<16xi32>,
    %get3A_404 = arith.constant 192 : index
    %get3A_405 = tpu.vector_load %arg5[%get3A_404] {strides = array<i32>} : memref<512xi32, #tpu.memory_space<vmem>>, vector<16xi32>,
    %ge3A_406 = arith.constant 253952 : i32
    %ge3A_407 = vector.broadcast %ge3A_406 : i32 to vector<16xi32>
    %ge3A_408 = arith.cmpi sge, %get3A_405, %ge3A_407 : vector<16xi32>
    %jit3A_409 = arith.constant 1 : i32
    %jit3A_410 = arith.constant 0 : i32
    %broadcast_in_dim3A_411 = vector.broadcast %jit3A_409 : i32 to vector<16xi32>
    %broadcast_in_dim3A_412 = vector.broadcast %jit3A_410 : i32 to vector<16xi32>
    %select_n3A_413 = arith.select %ge3A_408, %broadcast_in_dim3A_411, %broadcast_in_dim3A_412 : vector<16xi1>, vector<16xi32>
    %ge3A_414 = arith.constant 507904 : i32
    %ge3A_415 = vector.broadcast %ge3A_414 : i32 to vector<16xi32>
    %ge3A_416 = arith.cmpi sge, %get3A_405, %ge3A_415 : vector<16xi32>
    %jit3A_417 = arith.constant 1 : i32
    %jit3A_418 = arith.constant 0 : i32
    %broadcast_in_dim3A_419 = vector.broadcast %jit3A_417 : i32 to vector<16xi32>
    %broadcast_in_dim3A_420 = vector.broadcast %jit3A_418 : i32 to vector<16xi32>
    %select_n3A_421 = arith.select %ge3A_416, %broadcast_in_dim3A_419, %broadcast_in_dim3A_420 : vector<16xi1>, vector<16xi32>
    %add3A_422 = arith.addi %select_n3A_413, %select_n3A_421 : vector<16xi32>
    %ge3A_423 = arith.constant 761856 : i32
    %ge3A_424 = vector.broadcast %ge3A_423 : i32 to vector<16xi32>
    %ge3A_425 = arith.cmpi sge, %get3A_405, %ge3A_424 : vector<16xi32>
    %jit3A_426 = arith.constant 1 : i32
    %jit3A_427 = arith.constant 0 : i32
    %broadcast_in_dim3A_428 = vector.broadcast %jit3A_426 : i32 to vector<16xi32>
    %broadcast_in_dim3A_429 = vector.broadcast %jit3A_427 : i32 to vector<16xi32>
    %select_n3A_430 = arith.select %ge3A_425, %broadcast_in_dim3A_428, %broadcast_in_dim3A_429 : vector<16xi1>, vector<16xi32>
    %add3A_431 = arith.addi %add3A_422, %select_n3A_430 : vector<16xi32>
    %mul3A_432 = arith.constant 253952 : i32
    %mul3A_433 = vector.broadcast %mul3A_432 : i32 to vector<16xi32>
    %mul3A_434 = arith.muli %add3A_431, %mul3A_433 : vector<16xi32>
    %sub3A_435 = arith.subi %get3A_405, %mul3A_434 : vector<16xi32>
    %swap3A_436 = arith.constant 192 : index
    %swap3A_437 = tpu.vector_load %arg5[%swap3A_436] {strides = array<i32>} : memref<512xi32, #tpu.memory_space<vmem>>, vector<16xi32>,
    tpu.vector_store %arg5[%swap3A_436], %sub3A_435 {strides = array<i32>} : memref<512xi32, #tpu.memory_space<vmem>>, vector<16xi32>,
    %get3A_438 = arith.constant 208 : index
    %get3A_439 = tpu.vector_load %arg5[%get3A_438] {strides = array<i32>} : memref<512xi32, #tpu.memory_space<vmem>>, vector<16xi32>,
    %ge3A_440 = arith.constant 253952 : i32
    %ge3A_441 = vector.broadcast %ge3A_440 : i32 to vector<16xi32>
    %ge3A_442 = arith.cmpi sge, %get3A_439, %ge3A_441 : vector<16xi32>
    %jit3A_443 = arith.constant 1 : i32
    %jit3A_444 = arith.constant 0 : i32
    %broadcast_in_dim3A_445 = vector.broadcast %jit3A_443 : i32 to vector<16xi32>
    %broadcast_in_dim3A_446 = vector.broadcast %jit3A_444 : i32 to vector<16xi32>
    %select_n3A_447 = arith.select %ge3A_442, %broadcast_in_dim3A_445, %broadcast_in_dim3A_446 : vector<16xi1>, vector<16xi32>
    %ge3A_448 = arith.constant 507904 : i32
    %ge3A_449 = vector.broadcast %ge3A_448 : i32 to vector<16xi32>
    %ge3A_450 = arith.cmpi sge, %get3A_439, %ge3A_449 : vector<16xi32>
    %jit3A_451 = arith.constant 1 : i32
    %jit3A_452 = arith.constant 0 : i32
    %broadcast_in_dim3A_453 = vector.broadcast %jit3A_451 : i32 to vector<16xi32>
    %broadcast_in_dim3A_454 = vector.broadcast %jit3A_452 : i32 to vector<16xi32>
    %select_n3A_455 = arith.select %ge3A_450, %broadcast_in_dim3A_453, %broadcast_in_dim3A_454 : vector<16xi1>, vector<16xi32>
    %add3A_456 = arith.addi %select_n3A_447, %select_n3A_455 : vector<16xi32>
    %ge3A_457 = arith.constant 761856 : i32
    %ge3A_458 = vector.broadcast %ge3A_457 : i32 to vector<16xi32>
    %ge3A_459 = arith.cmpi sge, %get3A_439, %ge3A_458 : vector<16xi32>
    %jit3A_460 = arith.constant 1 : i32
    %jit3A_461 = arith.constant 0 : i32
    %broadcast_in_dim3A_462 = vector.broadcast %jit3A_460 : i32 to vector<16xi32>
    %broadcast_in_dim3A_463 = vector.broadcast %jit3A_461 : i32 to vector<16xi32>
    %select_n3A_464 = arith.select %ge3A_459, %broadcast_in_dim3A_462, %broadcast_in_dim3A_463 : vector<16xi1>, vector<16xi32>
    %add3A_465 = arith.addi %add3A_456, %select_n3A_464 : vector<16xi32>
    %mul3A_466 = arith.constant 253952 : i32
    %mul3A_467 = vector.broadcast %mul3A_466 : i32 to vector<16xi32>
    %mul3A_468 = arith.muli %add3A_465, %mul3A_467 : vector<16xi32>
    %sub3A_469 = arith.subi %get3A_439, %mul3A_468 : vector<16xi32>
    %swap3A_470 = arith.constant 208 : index
    %swap3A_471 = tpu.vector_load %arg5[%swap3A_470] {strides = array<i32>} : memref<512xi32, #tpu.memory_space<vmem>>, vector<16xi32>,
    tpu.vector_store %arg5[%swap3A_470], %sub3A_469 {strides = array<i32>} : memref<512xi32, #tpu.memory_space<vmem>>, vector<16xi32>,
    %get3A_472 = arith.constant 224 : index
    %get3A_473 = tpu.vector_load %arg5[%get3A_472] {strides = array<i32>} : memref<512xi32, #tpu.memory_space<vmem>>, vector<16xi32>,
    %ge3A_474 = arith.constant 253952 : i32
    %ge3A_475 = vector.broadcast %ge3A_474 : i32 to vector<16xi32>
    %ge3A_476 = arith.cmpi sge, %get3A_473, %ge3A_475 : vector<16xi32>
    %jit3A_477 = arith.constant 1 : i32
    %jit3A_478 = arith.constant 0 : i32
    %broadcast_in_dim3A_479 = vector.broadcast %jit3A_477 : i32 to vector<16xi32>
    %broadcast_in_dim3A_480 = vector.broadcast %jit3A_478 : i32 to vector<16xi32>
    %select_n3A_481 = arith.select %ge3A_476, %broadcast_in_dim3A_479, %broadcast_in_dim3A_480 : vector<16xi1>, vector<16xi32>
    %ge3A_482 = arith.constant 507904 : i32
    %ge3A_483 = vector.broadcast %ge3A_482 : i32 to vector<16xi32>
    %ge3A_484 = arith.cmpi sge, %get3A_473, %ge3A_483 : vector<16xi32>
    %jit3A_485 = arith.constant 1 : i32
    %jit3A_486 = arith.constant 0 : i32
    %broadcast_in_dim3A_487 = vector.broadcast %jit3A_485 : i32 to vector<16xi32>
    %broadcast_in_dim3A_488 = vector.broadcast %jit3A_486 : i32 to vector<16xi32>
    %select_n3A_489 = arith.select %ge3A_484, %broadcast_in_dim3A_487, %broadcast_in_dim3A_488 : vector<16xi1>, vector<16xi32>
    %add3A_490 = arith.addi %select_n3A_481, %select_n3A_489 : vector<16xi32>
    %ge3A_491 = arith.constant 761856 : i32
    %ge3A_492 = vector.broadcast %ge3A_491 : i32 to vector<16xi32>
    %ge3A_493 = arith.cmpi sge, %get3A_473, %ge3A_492 : vector<16xi32>
    %jit3A_494 = arith.constant 1 : i32
    %jit3A_495 = arith.constant 0 : i32
    %broadcast_in_dim3A_496 = vector.broadcast %jit3A_494 : i32 to vector<16xi32>
    %broadcast_in_dim3A_497 = vector.broadcast %jit3A_495 : i32 to vector<16xi32>
    %select_n3A_498 = arith.select %ge3A_493, %broadcast_in_dim3A_496, %broadcast_in_dim3A_497 : vector<16xi1>, vector<16xi32>
    %add3A_499 = arith.addi %add3A_490, %select_n3A_498 : vector<16xi32>
    %mul3A_500 = arith.constant 253952 : i32
    %mul3A_501 = vector.broadcast %mul3A_500 : i32 to vector<16xi32>
    %mul3A_502 = arith.muli %add3A_499, %mul3A_501 : vector<16xi32>
    %sub3A_503 = arith.subi %get3A_473, %mul3A_502 : vector<16xi32>
    %swap3A_504 = arith.constant 224 : index
    %swap3A_505 = tpu.vector_load %arg5[%swap3A_504] {strides = array<i32>} : memref<512xi32, #tpu.memory_space<vmem>>, vector<16xi32>,
    tpu.vector_store %arg5[%swap3A_504], %sub3A_503 {strides = array<i32>} : memref<512xi32, #tpu.memory_space<vmem>>, vector<16xi32>,
    %get3A_506 = arith.constant 240 : index
    %get3A_507 = tpu.vector_load %arg5[%get3A_506] {strides = array<i32>} : memref<512xi32, #tpu.memory_space<vmem>>, vector<16xi32>,
    %ge3A_508 = arith.constant 253952 : i32
    %ge3A_509 = vector.broadcast %ge3A_508 : i32 to vector<16xi32>
    %ge3A_510 = arith.cmpi sge, %get3A_507, %ge3A_509 : vector<16xi32>
    %jit3A_511 = arith.constant 1 : i32
    %jit3A_512 = arith.constant 0 : i32
    %broadcast_in_dim3A_513 = vector.broadcast %jit3A_511 : i32 to vector<16xi32>
    %broadcast_in_dim3A_514 = vector.broadcast %jit3A_512 : i32 to vector<16xi32>
    %select_n3A_515 = arith.select %ge3A_510, %broadcast_in_dim3A_513, %broadcast_in_dim3A_514 : vector<16xi1>, vector<16xi32>
    %ge3A_516 = arith.constant 507904 : i32
    %ge3A_517 = vector.broadcast %ge3A_516 : i32 to vector<16xi32>
    %ge3A_518 = arith.cmpi sge, %get3A_507, %ge3A_517 : vector<16xi32>
    %jit3A_519 = arith.constant 1 : i32
    %jit3A_520 = arith.constant 0 : i32
    %broadcast_in_dim3A_521 = vector.broadcast %jit3A_519 : i32 to vector<16xi32>
    %broadcast_in_dim3A_522 = vector.broadcast %jit3A_520 : i32 to vector<16xi32>
    %select_n3A_523 = arith.select %ge3A_518, %broadcast_in_dim3A_521, %broadcast_in_dim3A_522 : vector<16xi1>, vector<16xi32>
    %add3A_524 = arith.addi %select_n3A_515, %select_n3A_523 : vector<16xi32>
    %ge3A_525 = arith.constant 761856 : i32
    %ge3A_526 = vector.broadcast %ge3A_525 : i32 to vector<16xi32>
    %ge3A_527 = arith.cmpi sge, %get3A_507, %ge3A_526 : vector<16xi32>
    %jit3A_528 = arith.constant 1 : i32
    %jit3A_529 = arith.constant 0 : i32
    %broadcast_in_dim3A_530 = vector.broadcast %jit3A_528 : i32 to vector<16xi32>
    %broadcast_in_dim3A_531 = vector.broadcast %jit3A_529 : i32 to vector<16xi32>
    %select_n3A_532 = arith.select %ge3A_527, %broadcast_in_dim3A_530, %broadcast_in_dim3A_531 : vector<16xi1>, vector<16xi32>
    %add3A_533 = arith.addi %add3A_524, %select_n3A_532 : vector<16xi32>
    %mul3A_534 = arith.constant 253952 : i32
    %mul3A_535 = vector.broadcast %mul3A_534 : i32 to vector<16xi32>
    %mul3A_536 = arith.muli %add3A_533, %mul3A_535 : vector<16xi32>
    %sub3A_537 = arith.subi %get3A_507, %mul3A_536 : vector<16xi32>
    %swap3A_538 = arith.constant 240 : index
    %swap3A_539 = tpu.vector_load %arg5[%swap3A_538] {strides = array<i32>} : memref<512xi32, #tpu.memory_space<vmem>>, vector<16xi32>,
    tpu.vector_store %arg5[%swap3A_538], %sub3A_537 {strides = array<i32>} : memref<512xi32, #tpu.memory_space<vmem>>, vector<16xi32>,
    %get3A_540 = arith.constant 256 : index
    %get3A_541 = tpu.vector_load %arg5[%get3A_540] {strides = array<i32>} : memref<512xi32, #tpu.memory_space<vmem>>, vector<16xi32>,
    %ge3A_542 = arith.constant 253952 : i32
    %ge3A_543 = vector.broadcast %ge3A_542 : i32 to vector<16xi32>
    %ge3A_544 = arith.cmpi sge, %get3A_541, %ge3A_543 : vector<16xi32>
    %jit3A_545 = arith.constant 1 : i32
    %jit3A_546 = arith.constant 0 : i32
    %broadcast_in_dim3A_547 = vector.broadcast %jit3A_545 : i32 to vector<16xi32>
    %broadcast_in_dim3A_548 = vector.broadcast %jit3A_546 : i32 to vector<16xi32>
    %select_n3A_549 = arith.select %ge3A_544, %broadcast_in_dim3A_547, %broadcast_in_dim3A_548 : vector<16xi1>, vector<16xi32>
    %ge3A_550 = arith.constant 507904 : i32
    %ge3A_551 = vector.broadcast %ge3A_550 : i32 to vector<16xi32>
    %ge3A_552 = arith.cmpi sge, %get3A_541, %ge3A_551 : vector<16xi32>
    %jit3A_553 = arith.constant 1 : i32
    %jit3A_554 = arith.constant 0 : i32
    %broadcast_in_dim3A_555 = vector.broadcast %jit3A_553 : i32 to vector<16xi32>
    %broadcast_in_dim3A_556 = vector.broadcast %jit3A_554 : i32 to vector<16xi32>
    %select_n3A_557 = arith.select %ge3A_552, %broadcast_in_dim3A_555, %broadcast_in_dim3A_556 : vector<16xi1>, vector<16xi32>
    %add3A_558 = arith.addi %select_n3A_549, %select_n3A_557 : vector<16xi32>
    %ge3A_559 = arith.constant 761856 : i32
    %ge3A_560 = vector.broadcast %ge3A_559 : i32 to vector<16xi32>
    %ge3A_561 = arith.cmpi sge, %get3A_541, %ge3A_560 : vector<16xi32>
    %jit3A_562 = arith.constant 1 : i32
    %jit3A_563 = arith.constant 0 : i32
    %broadcast_in_dim3A_564 = vector.broadcast %jit3A_562 : i32 to vector<16xi32>
    %broadcast_in_dim3A_565 = vector.broadcast %jit3A_563 : i32 to vector<16xi32>
    %select_n3A_566 = arith.select %ge3A_561, %broadcast_in_dim3A_564, %broadcast_in_dim3A_565 : vector<16xi1>, vector<16xi32>
    %add3A_567 = arith.addi %add3A_558, %select_n3A_566 : vector<16xi32>
    %mul3A_568 = arith.constant 253952 : i32
    %mul3A_569 = vector.broadcast %mul3A_568 : i32 to vector<16xi32>
    %mul3A_570 = arith.muli %add3A_567, %mul3A_569 : vector<16xi32>
    %sub3A_571 = arith.subi %get3A_541, %mul3A_570 : vector<16xi32>
    %swap3A_572 = arith.constant 256 : index
    %swap3A_573 = tpu.vector_load %arg5[%swap3A_572] {strides = array<i32>} : memref<512xi32, #tpu.memory_space<vmem>>, vector<16xi32>,
    tpu.vector_store %arg5[%swap3A_572], %sub3A_571 {strides = array<i32>} : memref<512xi32, #tpu.memory_space<vmem>>, vector<16xi32>,
    %get3A_574 = arith.constant 272 : index
    %get3A_575 = tpu.vector_load %arg5[%get3A_574] {strides = array<i32>} : memref<512xi32, #tpu.memory_space<vmem>>, vector<16xi32>,
    %ge3A_576 = arith.constant 253952 : i32
    %ge3A_577 = vector.broadcast %ge3A_576 : i32 to vector<16xi32>
    %ge3A_578 = arith.cmpi sge, %get3A_575, %ge3A_577 : vector<16xi32>
    %jit3A_579 = arith.constant 1 : i32
    %jit3A_580 = arith.constant 0 : i32
    %broadcast_in_dim3A_581 = vector.broadcast %jit3A_579 : i32 to vector<16xi32>
    %broadcast_in_dim3A_582 = vector.broadcast %jit3A_580 : i32 to vector<16xi32>
    %select_n3A_583 = arith.select %ge3A_578, %broadcast_in_dim3A_581, %broadcast_in_dim3A_582 : vector<16xi1>, vector<16xi32>
    %ge3A_584 = arith.constant 507904 : i32
    %ge3A_585 = vector.broadcast %ge3A_584 : i32 to vector<16xi32>
    %ge3A_586 = arith.cmpi sge, %get3A_575, %ge3A_585 : vector<16xi32>
    %jit3A_587 = arith.constant 1 : i32
    %jit3A_588 = arith.constant 0 : i32
    %broadcast_in_dim3A_589 = vector.broadcast %jit3A_587 : i32 to vector<16xi32>
    %broadcast_in_dim3A_590 = vector.broadcast %jit3A_588 : i32 to vector<16xi32>
    %select_n3A_591 = arith.select %ge3A_586, %broadcast_in_dim3A_589, %broadcast_in_dim3A_590 : vector<16xi1>, vector<16xi32>
    %add3A_592 = arith.addi %select_n3A_583, %select_n3A_591 : vector<16xi32>
    %ge3A_593 = arith.constant 761856 : i32
    %ge3A_594 = vector.broadcast %ge3A_593 : i32 to vector<16xi32>
    %ge3A_595 = arith.cmpi sge, %get3A_575, %ge3A_594 : vector<16xi32>
    %jit3A_596 = arith.constant 1 : i32
    %jit3A_597 = arith.constant 0 : i32
    %broadcast_in_dim3A_598 = vector.broadcast %jit3A_596 : i32 to vector<16xi32>
    %broadcast_in_dim3A_599 = vector.broadcast %jit3A_597 : i32 to vector<16xi32>
    %select_n3A_600 = arith.select %ge3A_595, %broadcast_in_dim3A_598, %broadcast_in_dim3A_599 : vector<16xi1>, vector<16xi32>
    %add3A_601 = arith.addi %add3A_592, %select_n3A_600 : vector<16xi32>
    %mul3A_602 = arith.constant 253952 : i32
    %mul3A_603 = vector.broadcast %mul3A_602 : i32 to vector<16xi32>
    %mul3A_604 = arith.muli %add3A_601, %mul3A_603 : vector<16xi32>
    %sub3A_605 = arith.subi %get3A_575, %mul3A_604 : vector<16xi32>
    %swap3A_606 = arith.constant 272 : index
    %swap3A_607 = tpu.vector_load %arg5[%swap3A_606] {strides = array<i32>} : memref<512xi32, #tpu.memory_space<vmem>>, vector<16xi32>,
    tpu.vector_store %arg5[%swap3A_606], %sub3A_605 {strides = array<i32>} : memref<512xi32, #tpu.memory_space<vmem>>, vector<16xi32>,
    %get3A_608 = arith.constant 288 : index
    %get3A_609 = tpu.vector_load %arg5[%get3A_608] {strides = array<i32>} : memref<512xi32, #tpu.memory_space<vmem>>, vector<16xi32>,
    %ge3A_610 = arith.constant 253952 : i32
    %ge3A_611 = vector.broadcast %ge3A_610 : i32 to vector<16xi32>
    %ge3A_612 = arith.cmpi sge, %get3A_609, %ge3A_611 : vector<16xi32>
    %jit3A_613 = arith.constant 1 : i32
    %jit3A_614 = arith.constant 0 : i32
    %broadcast_in_dim3A_615 = vector.broadcast %jit3A_613 : i32 to vector<16xi32>
    %broadcast_in_dim3A_616 = vector.broadcast %jit3A_614 : i32 to vector<16xi32>
    %select_n3A_617 = arith.select %ge3A_612, %broadcast_in_dim3A_615, %broadcast_in_dim3A_616 : vector<16xi1>, vector<16xi32>
    %ge3A_618 = arith.constant 507904 : i32
    %ge3A_619 = vector.broadcast %ge3A_618 : i32 to vector<16xi32>
    %ge3A_620 = arith.cmpi sge, %get3A_609, %ge3A_619 : vector<16xi32>
    %jit3A_621 = arith.constant 1 : i32
    %jit3A_622 = arith.constant 0 : i32
    %broadcast_in_dim3A_623 = vector.broadcast %jit3A_621 : i32 to vector<16xi32>
    %broadcast_in_dim3A_624 = vector.broadcast %jit3A_622 : i32 to vector<16xi32>
    %select_n3A_625 = arith.select %ge3A_620, %broadcast_in_dim3A_623, %broadcast_in_dim3A_624 : vector<16xi1>, vector<16xi32>
    %add3A_626 = arith.addi %select_n3A_617, %select_n3A_625 : vector<16xi32>
    %ge3A_627 = arith.constant 761856 : i32
    %ge3A_628 = vector.broadcast %ge3A_627 : i32 to vector<16xi32>
    %ge3A_629 = arith.cmpi sge, %get3A_609, %ge3A_628 : vector<16xi32>
    %jit3A_630 = arith.constant 1 : i32
    %jit3A_631 = arith.constant 0 : i32
    %broadcast_in_dim3A_632 = vector.broadcast %jit3A_630 : i32 to vector<16xi32>
    %broadcast_in_dim3A_633 = vector.broadcast %jit3A_631 : i32 to vector<16xi32>
    %select_n3A_634 = arith.select %ge3A_629, %broadcast_in_dim3A_632, %broadcast_in_dim3A_633 : vector<16xi1>, vector<16xi32>
    %add3A_635 = arith.addi %add3A_626, %select_n3A_634 : vector<16xi32>
    %mul3A_636 = arith.constant 253952 : i32
    %mul3A_637 = vector.broadcast %mul3A_636 : i32 to vector<16xi32>
    %mul3A_638 = arith.muli %add3A_635, %mul3A_637 : vector<16xi32>
    %sub3A_639 = arith.subi %get3A_609, %mul3A_638 : vector<16xi32>
    %swap3A_640 = arith.constant 288 : index
    %swap3A_641 = tpu.vector_load %arg5[%swap3A_640] {strides = array<i32>} : memref<512xi32, #tpu.memory_space<vmem>>, vector<16xi32>,
    tpu.vector_store %arg5[%swap3A_640], %sub3A_639 {strides = array<i32>} : memref<512xi32, #tpu.memory_space<vmem>>, vector<16xi32>,
    %get3A_642 = arith.constant 304 : index
    %get3A_643 = tpu.vector_load %arg5[%get3A_642] {strides = array<i32>} : memref<512xi32, #tpu.memory_space<vmem>>, vector<16xi32>,
    %ge3A_644 = arith.constant 253952 : i32
    %ge3A_645 = vector.broadcast %ge3A_644 : i32 to vector<16xi32>
    %ge3A_646 = arith.cmpi sge, %get3A_643, %ge3A_645 : vector<16xi32>
    %jit3A_647 = arith.constant 1 : i32
    %jit3A_648 = arith.constant 0 : i32
    %broadcast_in_dim3A_649 = vector.broadcast %jit3A_647 : i32 to vector<16xi32>
    %broadcast_in_dim3A_650 = vector.broadcast %jit3A_648 : i32 to vector<16xi32>
    %select_n3A_651 = arith.select %ge3A_646, %broadcast_in_dim3A_649, %broadcast_in_dim3A_650 : vector<16xi1>, vector<16xi32>
    %ge3A_652 = arith.constant 507904 : i32
    %ge3A_653 = vector.broadcast %ge3A_652 : i32 to vector<16xi32>
    %ge3A_654 = arith.cmpi sge, %get3A_643, %ge3A_653 : vector<16xi32>
    %jit3A_655 = arith.constant 1 : i32
    %jit3A_656 = arith.constant 0 : i32
    %broadcast_in_dim3A_657 = vector.broadcast %jit3A_655 : i32 to vector<16xi32>
    %broadcast_in_dim3A_658 = vector.broadcast %jit3A_656 : i32 to vector<16xi32>
    %select_n3A_659 = arith.select %ge3A_654, %broadcast_in_dim3A_657, %broadcast_in_dim3A_658 : vector<16xi1>, vector<16xi32>
    %add3A_660 = arith.addi %select_n3A_651, %select_n3A_659 : vector<16xi32>
    %ge3A_661 = arith.constant 761856 : i32
    %ge3A_662 = vector.broadcast %ge3A_661 : i32 to vector<16xi32>
    %ge3A_663 = arith.cmpi sge, %get3A_643, %ge3A_662 : vector<16xi32>
    %jit3A_664 = arith.constant 1 : i32
    %jit3A_665 = arith.constant 0 : i32
    %broadcast_in_dim3A_666 = vector.broadcast %jit3A_664 : i32 to vector<16xi32>
    %broadcast_in_dim3A_667 = vector.broadcast %jit3A_665 : i32 to vector<16xi32>
    %select_n3A_668 = arith.select %ge3A_663, %broadcast_in_dim3A_666, %broadcast_in_dim3A_667 : vector<16xi1>, vector<16xi32>
    %add3A_669 = arith.addi %add3A_660, %select_n3A_668 : vector<16xi32>
    %mul3A_670 = arith.constant 253952 : i32
    %mul3A_671 = vector.broadcast %mul3A_670 : i32 to vector<16xi32>
    %mul3A_672 = arith.muli %add3A_669, %mul3A_671 : vector<16xi32>
    %sub3A_673 = arith.subi %get3A_643, %mul3A_672 : vector<16xi32>
    %swap3A_674 = arith.constant 304 : index
    %swap3A_675 = tpu.vector_load %arg5[%swap3A_674] {strides = array<i32>} : memref<512xi32, #tpu.memory_space<vmem>>, vector<16xi32>,
    tpu.vector_store %arg5[%swap3A_674], %sub3A_673 {strides = array<i32>} : memref<512xi32, #tpu.memory_space<vmem>>, vector<16xi32>,
    %get3A_676 = arith.constant 320 : index
    %get3A_677 = tpu.vector_load %arg5[%get3A_676] {strides = array<i32>} : memref<512xi32, #tpu.memory_space<vmem>>, vector<16xi32>,
    %ge3A_678 = arith.constant 253952 : i32
    %ge3A_679 = vector.broadcast %ge3A_678 : i32 to vector<16xi32>
    %ge3A_680 = arith.cmpi sge, %get3A_677, %ge3A_679 : vector<16xi32>
    %jit3A_681 = arith.constant 1 : i32
    %jit3A_682 = arith.constant 0 : i32
    %broadcast_in_dim3A_683 = vector.broadcast %jit3A_681 : i32 to vector<16xi32>
    %broadcast_in_dim3A_684 = vector.broadcast %jit3A_682 : i32 to vector<16xi32>
    %select_n3A_685 = arith.select %ge3A_680, %broadcast_in_dim3A_683, %broadcast_in_dim3A_684 : vector<16xi1>, vector<16xi32>
    %ge3A_686 = arith.constant 507904 : i32
    %ge3A_687 = vector.broadcast %ge3A_686 : i32 to vector<16xi32>
    %ge3A_688 = arith.cmpi sge, %get3A_677, %ge3A_687 : vector<16xi32>
    %jit3A_689 = arith.constant 1 : i32
    %jit3A_690 = arith.constant 0 : i32
    %broadcast_in_dim3A_691 = vector.broadcast %jit3A_689 : i32 to vector<16xi32>
    %broadcast_in_dim3A_692 = vector.broadcast %jit3A_690 : i32 to vector<16xi32>
    %select_n3A_693 = arith.select %ge3A_688, %broadcast_in_dim3A_691, %broadcast_in_dim3A_692 : vector<16xi1>, vector<16xi32>
    %add3A_694 = arith.addi %select_n3A_685, %select_n3A_693 : vector<16xi32>
    %ge3A_695 = arith.constant 761856 : i32
    %ge3A_696 = vector.broadcast %ge3A_695 : i32 to vector<16xi32>
    %ge3A_697 = arith.cmpi sge, %get3A_677, %ge3A_696 : vector<16xi32>
    %jit3A_698 = arith.constant 1 : i32
    %jit3A_699 = arith.constant 0 : i32
    %broadcast_in_dim3A_700 = vector.broadcast %jit3A_698 : i32 to vector<16xi32>
    %broadcast_in_dim3A_701 = vector.broadcast %jit3A_699 : i32 to vector<16xi32>
    %select_n3A_702 = arith.select %ge3A_697, %broadcast_in_dim3A_700, %broadcast_in_dim3A_701 : vector<16xi1>, vector<16xi32>
    %add3A_703 = arith.addi %add3A_694, %select_n3A_702 : vector<16xi32>
    %mul3A_704 = arith.constant 253952 : i32
    %mul3A_705 = vector.broadcast %mul3A_704 : i32 to vector<16xi32>
    %mul3A_706 = arith.muli %add3A_703, %mul3A_705 : vector<16xi32>
    %sub3A_707 = arith.subi %get3A_677, %mul3A_706 : vector<16xi32>
    %swap3A_708 = arith.constant 320 : index
    %swap3A_709 = tpu.vector_load %arg5[%swap3A_708] {strides = array<i32>} : memref<512xi32, #tpu.memory_space<vmem>>, vector<16xi32>,
    tpu.vector_store %arg5[%swap3A_708], %sub3A_707 {strides = array<i32>} : memref<512xi32, #tpu.memory_space<vmem>>, vector<16xi32>,
    %get3A_710 = arith.constant 336 : index
    %get3A_711 = tpu.vector_load %arg5[%get3A_710] {strides = array<i32>} : memref<512xi32, #tpu.memory_space<vmem>>, vector<16xi32>,
    %ge3A_712 = arith.constant 253952 : i32
    %ge3A_713 = vector.broadcast %ge3A_712 : i32 to vector<16xi32>
    %ge3A_714 = arith.cmpi sge, %get3A_711, %ge3A_713 : vector<16xi32>
    %jit3A_715 = arith.constant 1 : i32
    %jit3A_716 = arith.constant 0 : i32
    %broadcast_in_dim3A_717 = vector.broadcast %jit3A_715 : i32 to vector<16xi32>
    %broadcast_in_dim3A_718 = vector.broadcast %jit3A_716 : i32 to vector<16xi32>
    %select_n3A_719 = arith.select %ge3A_714, %broadcast_in_dim3A_717, %broadcast_in_dim3A_718 : vector<16xi1>, vector<16xi32>
    %ge3A_720 = arith.constant 507904 : i32
    %ge3A_721 = vector.broadcast %ge3A_720 : i32 to vector<16xi32>
    %ge3A_722 = arith.cmpi sge, %get3A_711, %ge3A_721 : vector<16xi32>
    %jit3A_723 = arith.constant 1 : i32
    %jit3A_724 = arith.constant 0 : i32
    %broadcast_in_dim3A_725 = vector.broadcast %jit3A_723 : i32 to vector<16xi32>
    %broadcast_in_dim3A_726 = vector.broadcast %jit3A_724 : i32 to vector<16xi32>
    %select_n3A_727 = arith.select %ge3A_722, %broadcast_in_dim3A_725, %broadcast_in_dim3A_726 : vector<16xi1>, vector<16xi32>
    %add3A_728 = arith.addi %select_n3A_719, %select_n3A_727 : vector<16xi32>
    %ge3A_729 = arith.constant 761856 : i32
    %ge3A_730 = vector.broadcast %ge3A_729 : i32 to vector<16xi32>
    %ge3A_731 = arith.cmpi sge, %get3A_711, %ge3A_730 : vector<16xi32>
    %jit3A_732 = arith.constant 1 : i32
    %jit3A_733 = arith.constant 0 : i32
    %broadcast_in_dim3A_734 = vector.broadcast %jit3A_732 : i32 to vector<16xi32>
    %broadcast_in_dim3A_735 = vector.broadcast %jit3A_733 : i32 to vector<16xi32>
    %select_n3A_736 = arith.select %ge3A_731, %broadcast_in_dim3A_734, %broadcast_in_dim3A_735 : vector<16xi1>, vector<16xi32>
    %add3A_737 = arith.addi %add3A_728, %select_n3A_736 : vector<16xi32>
    %mul3A_738 = arith.constant 253952 : i32
    %mul3A_739 = vector.broadcast %mul3A_738 : i32 to vector<16xi32>
    %mul3A_740 = arith.muli %add3A_737, %mul3A_739 : vector<16xi32>
    %sub3A_741 = arith.subi %get3A_711, %mul3A_740 : vector<16xi32>
    %swap3A_742 = arith.constant 336 : index
    %swap3A_743 = tpu.vector_load %arg5[%swap3A_742] {strides = array<i32>} : memref<512xi32, #tpu.memory_space<vmem>>, vector<16xi32>,
    tpu.vector_store %arg5[%swap3A_742], %sub3A_741 {strides = array<i32>} : memref<512xi32, #tpu.memory_space<vmem>>, vector<16xi32>,
    %get3A_744 = arith.constant 352 : index
    %get3A_745 = tpu.vector_load %arg5[%get3A_744] {strides = array<i32>} : memref<512xi32, #tpu.memory_space<vmem>>, vector<16xi32>,
    %ge3A_746 = arith.constant 253952 : i32
    %ge3A_747 = vector.broadcast %ge3A_746 : i32 to vector<16xi32>
    %ge3A_748 = arith.cmpi sge, %get3A_745, %ge3A_747 : vector<16xi32>
    %jit3A_749 = arith.constant 1 : i32
    %jit3A_750 = arith.constant 0 : i32
    %broadcast_in_dim3A_751 = vector.broadcast %jit3A_749 : i32 to vector<16xi32>
    %broadcast_in_dim3A_752 = vector.broadcast %jit3A_750 : i32 to vector<16xi32>
    %select_n3A_753 = arith.select %ge3A_748, %broadcast_in_dim3A_751, %broadcast_in_dim3A_752 : vector<16xi1>, vector<16xi32>
    %ge3A_754 = arith.constant 507904 : i32
    %ge3A_755 = vector.broadcast %ge3A_754 : i32 to vector<16xi32>
    %ge3A_756 = arith.cmpi sge, %get3A_745, %ge3A_755 : vector<16xi32>
    %jit3A_757 = arith.constant 1 : i32
    %jit3A_758 = arith.constant 0 : i32
    %broadcast_in_dim3A_759 = vector.broadcast %jit3A_757 : i32 to vector<16xi32>
    %broadcast_in_dim3A_760 = vector.broadcast %jit3A_758 : i32 to vector<16xi32>
    %select_n3A_761 = arith.select %ge3A_756, %broadcast_in_dim3A_759, %broadcast_in_dim3A_760 : vector<16xi1>, vector<16xi32>
    %add3A_762 = arith.addi %select_n3A_753, %select_n3A_761 : vector<16xi32>
    %ge3A_763 = arith.constant 761856 : i32
    %ge3A_764 = vector.broadcast %ge3A_763 : i32 to vector<16xi32>
    %ge3A_765 = arith.cmpi sge, %get3A_745, %ge3A_764 : vector<16xi32>
    %jit3A_766 = arith.constant 1 : i32
    %jit3A_767 = arith.constant 0 : i32
    %broadcast_in_dim3A_768 = vector.broadcast %jit3A_766 : i32 to vector<16xi32>
    %broadcast_in_dim3A_769 = vector.broadcast %jit3A_767 : i32 to vector<16xi32>
    %select_n3A_770 = arith.select %ge3A_765, %broadcast_in_dim3A_768, %broadcast_in_dim3A_769 : vector<16xi1>, vector<16xi32>
    %add3A_771 = arith.addi %add3A_762, %select_n3A_770 : vector<16xi32>
    %mul3A_772 = arith.constant 253952 : i32
    %mul3A_773 = vector.broadcast %mul3A_772 : i32 to vector<16xi32>
    %mul3A_774 = arith.muli %add3A_771, %mul3A_773 : vector<16xi32>
    %sub3A_775 = arith.subi %get3A_745, %mul3A_774 : vector<16xi32>
    %swap3A_776 = arith.constant 352 : index
    %swap3A_777 = tpu.vector_load %arg5[%swap3A_776] {strides = array<i32>} : memref<512xi32, #tpu.memory_space<vmem>>, vector<16xi32>,
    tpu.vector_store %arg5[%swap3A_776], %sub3A_775 {strides = array<i32>} : memref<512xi32, #tpu.memory_space<vmem>>, vector<16xi32>,
    %get3A_778 = arith.constant 368 : index
    %get3A_779 = tpu.vector_load %arg5[%get3A_778] {strides = array<i32>} : memref<512xi32, #tpu.memory_space<vmem>>, vector<16xi32>,
    %ge3A_780 = arith.constant 253952 : i32
    %ge3A_781 = vector.broadcast %ge3A_780 : i32 to vector<16xi32>
    %ge3A_782 = arith.cmpi sge, %get3A_779, %ge3A_781 : vector<16xi32>
    %jit3A_783 = arith.constant 1 : i32
    %jit3A_784 = arith.constant 0 : i32
    %broadcast_in_dim3A_785 = vector.broadcast %jit3A_783 : i32 to vector<16xi32>
    %broadcast_in_dim3A_786 = vector.broadcast %jit3A_784 : i32 to vector<16xi32>
    %select_n3A_787 = arith.select %ge3A_782, %broadcast_in_dim3A_785, %broadcast_in_dim3A_786 : vector<16xi1>, vector<16xi32>
    %ge3A_788 = arith.constant 507904 : i32
    %ge3A_789 = vector.broadcast %ge3A_788 : i32 to vector<16xi32>
    %ge3A_790 = arith.cmpi sge, %get3A_779, %ge3A_789 : vector<16xi32>
    %jit3A_791 = arith.constant 1 : i32
    %jit3A_792 = arith.constant 0 : i32
    %broadcast_in_dim3A_793 = vector.broadcast %jit3A_791 : i32 to vector<16xi32>
    %broadcast_in_dim3A_794 = vector.broadcast %jit3A_792 : i32 to vector<16xi32>
    %select_n3A_795 = arith.select %ge3A_790, %broadcast_in_dim3A_793, %broadcast_in_dim3A_794 : vector<16xi1>, vector<16xi32>
    %add3A_796 = arith.addi %select_n3A_787, %select_n3A_795 : vector<16xi32>
    %ge3A_797 = arith.constant 761856 : i32
    %ge3A_798 = vector.broadcast %ge3A_797 : i32 to vector<16xi32>
    %ge3A_799 = arith.cmpi sge, %get3A_779, %ge3A_798 : vector<16xi32>
    %jit3A_800 = arith.constant 1 : i32
    %jit3A_801 = arith.constant 0 : i32
    %broadcast_in_dim3A_802 = vector.broadcast %jit3A_800 : i32 to vector<16xi32>
    %broadcast_in_dim3A_803 = vector.broadcast %jit3A_801 : i32 to vector<16xi32>
    %select_n3A_804 = arith.select %ge3A_799, %broadcast_in_dim3A_802, %broadcast_in_dim3A_803 : vector<16xi1>, vector<16xi32>
    %add3A_805 = arith.addi %add3A_796, %select_n3A_804 : vector<16xi32>
    %mul3A_806 = arith.constant 253952 : i32
    %mul3A_807 = vector.broadcast %mul3A_806 : i32 to vector<16xi32>
    %mul3A_808 = arith.muli %add3A_805, %mul3A_807 : vector<16xi32>
    %sub3A_809 = arith.subi %get3A_779, %mul3A_808 : vector<16xi32>
    %swap3A_810 = arith.constant 368 : index
    %swap3A_811 = tpu.vector_load %arg5[%swap3A_810] {strides = array<i32>} : memref<512xi32, #tpu.memory_space<vmem>>, vector<16xi32>,
    tpu.vector_store %arg5[%swap3A_810], %sub3A_809 {strides = array<i32>} : memref<512xi32, #tpu.memory_space<vmem>>, vector<16xi32>,
    %get3A_812 = arith.constant 384 : index
    %get3A_813 = tpu.vector_load %arg5[%get3A_812] {strides = array<i32>} : memref<512xi32, #tpu.memory_space<vmem>>, vector<16xi32>,
    %ge3A_814 = arith.constant 253952 : i32
    %ge3A_815 = vector.broadcast %ge3A_814 : i32 to vector<16xi32>
    %ge3A_816 = arith.cmpi sge, %get3A_813, %ge3A_815 : vector<16xi32>
    %jit3A_817 = arith.constant 1 : i32
    %jit3A_818 = arith.constant 0 : i32
    %broadcast_in_dim3A_819 = vector.broadcast %jit3A_817 : i32 to vector<16xi32>
    %broadcast_in_dim3A_820 = vector.broadcast %jit3A_818 : i32 to vector<16xi32>
    %select_n3A_821 = arith.select %ge3A_816, %broadcast_in_dim3A_819, %broadcast_in_dim3A_820 : vector<16xi1>, vector<16xi32>
    %ge3A_822 = arith.constant 507904 : i32
    %ge3A_823 = vector.broadcast %ge3A_822 : i32 to vector<16xi32>
    %ge3A_824 = arith.cmpi sge, %get3A_813, %ge3A_823 : vector<16xi32>
    %jit3A_825 = arith.constant 1 : i32
    %jit3A_826 = arith.constant 0 : i32
    %broadcast_in_dim3A_827 = vector.broadcast %jit3A_825 : i32 to vector<16xi32>
    %broadcast_in_dim3A_828 = vector.broadcast %jit3A_826 : i32 to vector<16xi32>
    %select_n3A_829 = arith.select %ge3A_824, %broadcast_in_dim3A_827, %broadcast_in_dim3A_828 : vector<16xi1>, vector<16xi32>
    %add3A_830 = arith.addi %select_n3A_821, %select_n3A_829 : vector<16xi32>
    %ge3A_831 = arith.constant 761856 : i32
    %ge3A_832 = vector.broadcast %ge3A_831 : i32 to vector<16xi32>
    %ge3A_833 = arith.cmpi sge, %get3A_813, %ge3A_832 : vector<16xi32>
    %jit3A_834 = arith.constant 1 : i32
    %jit3A_835 = arith.constant 0 : i32
    %broadcast_in_dim3A_836 = vector.broadcast %jit3A_834 : i32 to vector<16xi32>
    %broadcast_in_dim3A_837 = vector.broadcast %jit3A_835 : i32 to vector<16xi32>
    %select_n3A_838 = arith.select %ge3A_833, %broadcast_in_dim3A_836, %broadcast_in_dim3A_837 : vector<16xi1>, vector<16xi32>
    %add3A_839 = arith.addi %add3A_830, %select_n3A_838 : vector<16xi32>
    %mul3A_840 = arith.constant 253952 : i32
    %mul3A_841 = vector.broadcast %mul3A_840 : i32 to vector<16xi32>
    %mul3A_842 = arith.muli %add3A_839, %mul3A_841 : vector<16xi32>
    %sub3A_843 = arith.subi %get3A_813, %mul3A_842 : vector<16xi32>
    %swap3A_844 = arith.constant 384 : index
    %swap3A_845 = tpu.vector_load %arg5[%swap3A_844] {strides = array<i32>} : memref<512xi32, #tpu.memory_space<vmem>>, vector<16xi32>,
    tpu.vector_store %arg5[%swap3A_844], %sub3A_843 {strides = array<i32>} : memref<512xi32, #tpu.memory_space<vmem>>, vector<16xi32>,
    %get3A_846 = arith.constant 400 : index
    %get3A_847 = tpu.vector_load %arg5[%get3A_846] {strides = array<i32>} : memref<512xi32, #tpu.memory_space<vmem>>, vector<16xi32>,
    %ge3A_848 = arith.constant 253952 : i32
    %ge3A_849 = vector.broadcast %ge3A_848 : i32 to vector<16xi32>
    %ge3A_850 = arith.cmpi sge, %get3A_847, %ge3A_849 : vector<16xi32>
    %jit3A_851 = arith.constant 1 : i32
    %jit3A_852 = arith.constant 0 : i32
    %broadcast_in_dim3A_853 = vector.broadcast %jit3A_851 : i32 to vector<16xi32>
    %broadcast_in_dim3A_854 = vector.broadcast %jit3A_852 : i32 to vector<16xi32>
    %select_n3A_855 = arith.select %ge3A_850, %broadcast_in_dim3A_853, %broadcast_in_dim3A_854 : vector<16xi1>, vector<16xi32>
    %ge3A_856 = arith.constant 507904 : i32
    %ge3A_857 = vector.broadcast %ge3A_856 : i32 to vector<16xi32>
    %ge3A_858 = arith.cmpi sge, %get3A_847, %ge3A_857 : vector<16xi32>
    %jit3A_859 = arith.constant 1 : i32
    %jit3A_860 = arith.constant 0 : i32
    %broadcast_in_dim3A_861 = vector.broadcast %jit3A_859 : i32 to vector<16xi32>
    %broadcast_in_dim3A_862 = vector.broadcast %jit3A_860 : i32 to vector<16xi32>
    %select_n3A_863 = arith.select %ge3A_858, %broadcast_in_dim3A_861, %broadcast_in_dim3A_862 : vector<16xi1>, vector<16xi32>
    %add3A_864 = arith.addi %select_n3A_855, %select_n3A_863 : vector<16xi32>
    %ge3A_865 = arith.constant 761856 : i32
    %ge3A_866 = vector.broadcast %ge3A_865 : i32 to vector<16xi32>
    %ge3A_867 = arith.cmpi sge, %get3A_847, %ge3A_866 : vector<16xi32>
    %jit3A_868 = arith.constant 1 : i32
    %jit3A_869 = arith.constant 0 : i32
    %broadcast_in_dim3A_870 = vector.broadcast %jit3A_868 : i32 to vector<16xi32>
    %broadcast_in_dim3A_871 = vector.broadcast %jit3A_869 : i32 to vector<16xi32>
    %select_n3A_872 = arith.select %ge3A_867, %broadcast_in_dim3A_870, %broadcast_in_dim3A_871 : vector<16xi1>, vector<16xi32>
    %add3A_873 = arith.addi %add3A_864, %select_n3A_872 : vector<16xi32>
    %mul3A_874 = arith.constant 253952 : i32
    %mul3A_875 = vector.broadcast %mul3A_874 : i32 to vector<16xi32>
    %mul3A_876 = arith.muli %add3A_873, %mul3A_875 : vector<16xi32>
    %sub3A_877 = arith.subi %get3A_847, %mul3A_876 : vector<16xi32>
    %swap3A_878 = arith.constant 400 : index
    %swap3A_879 = tpu.vector_load %arg5[%swap3A_878] {strides = array<i32>} : memref<512xi32, #tpu.memory_space<vmem>>, vector<16xi32>,
    tpu.vector_store %arg5[%swap3A_878], %sub3A_877 {strides = array<i32>} : memref<512xi32, #tpu.memory_space<vmem>>, vector<16xi32>,
    %get3A_880 = arith.constant 416 : index
    %get3A_881 = tpu.vector_load %arg5[%get3A_880] {strides = array<i32>} : memref<512xi32, #tpu.memory_space<vmem>>, vector<16xi32>,
    %ge3A_882 = arith.constant 253952 : i32
    %ge3A_883 = vector.broadcast %ge3A_882 : i32 to vector<16xi32>
    %ge3A_884 = arith.cmpi sge, %get3A_881, %ge3A_883 : vector<16xi32>
    %jit3A_885 = arith.constant 1 : i32
    %jit3A_886 = arith.constant 0 : i32
    %broadcast_in_dim3A_887 = vector.broadcast %jit3A_885 : i32 to vector<16xi32>
    %broadcast_in_dim3A_888 = vector.broadcast %jit3A_886 : i32 to vector<16xi32>
    %select_n3A_889 = arith.select %ge3A_884, %broadcast_in_dim3A_887, %broadcast_in_dim3A_888 : vector<16xi1>, vector<16xi32>
    %ge3A_890 = arith.constant 507904 : i32
    %ge3A_891 = vector.broadcast %ge3A_890 : i32 to vector<16xi32>
    %ge3A_892 = arith.cmpi sge, %get3A_881, %ge3A_891 : vector<16xi32>
    %jit3A_893 = arith.constant 1 : i32
    %jit3A_894 = arith.constant 0 : i32
    %broadcast_in_dim3A_895 = vector.broadcast %jit3A_893 : i32 to vector<16xi32>
    %broadcast_in_dim3A_896 = vector.broadcast %jit3A_894 : i32 to vector<16xi32>
    %select_n3A_897 = arith.select %ge3A_892, %broadcast_in_dim3A_895, %broadcast_in_dim3A_896 : vector<16xi1>, vector<16xi32>
    %add3A_898 = arith.addi %select_n3A_889, %select_n3A_897 : vector<16xi32>
    %ge3A_899 = arith.constant 761856 : i32
    %ge3A_900 = vector.broadcast %ge3A_899 : i32 to vector<16xi32>
    %ge3A_901 = arith.cmpi sge, %get3A_881, %ge3A_900 : vector<16xi32>
    %jit3A_902 = arith.constant 1 : i32
    %jit3A_903 = arith.constant 0 : i32
    %broadcast_in_dim3A_904 = vector.broadcast %jit3A_902 : i32 to vector<16xi32>
    %broadcast_in_dim3A_905 = vector.broadcast %jit3A_903 : i32 to vector<16xi32>
    %select_n3A_906 = arith.select %ge3A_901, %broadcast_in_dim3A_904, %broadcast_in_dim3A_905 : vector<16xi1>, vector<16xi32>
    %add3A_907 = arith.addi %add3A_898, %select_n3A_906 : vector<16xi32>
    %mul3A_908 = arith.constant 253952 : i32
    %mul3A_909 = vector.broadcast %mul3A_908 : i32 to vector<16xi32>
    %mul3A_910 = arith.muli %add3A_907, %mul3A_909 : vector<16xi32>
    %sub3A_911 = arith.subi %get3A_881, %mul3A_910 : vector<16xi32>
    %swap3A_912 = arith.constant 416 : index
    %swap3A_913 = tpu.vector_load %arg5[%swap3A_912] {strides = array<i32>} : memref<512xi32, #tpu.memory_space<vmem>>, vector<16xi32>,
    tpu.vector_store %arg5[%swap3A_912], %sub3A_911 {strides = array<i32>} : memref<512xi32, #tpu.memory_space<vmem>>, vector<16xi32>,
    %get3A_914 = arith.constant 432 : index
    %get3A_915 = tpu.vector_load %arg5[%get3A_914] {strides = array<i32>} : memref<512xi32, #tpu.memory_space<vmem>>, vector<16xi32>,
    %ge3A_916 = arith.constant 253952 : i32
    %ge3A_917 = vector.broadcast %ge3A_916 : i32 to vector<16xi32>
    %ge3A_918 = arith.cmpi sge, %get3A_915, %ge3A_917 : vector<16xi32>
    %jit3A_919 = arith.constant 1 : i32
    %jit3A_920 = arith.constant 0 : i32
    %broadcast_in_dim3A_921 = vector.broadcast %jit3A_919 : i32 to vector<16xi32>
    %broadcast_in_dim3A_922 = vector.broadcast %jit3A_920 : i32 to vector<16xi32>
    %select_n3A_923 = arith.select %ge3A_918, %broadcast_in_dim3A_921, %broadcast_in_dim3A_922 : vector<16xi1>, vector<16xi32>
    %ge3A_924 = arith.constant 507904 : i32
    %ge3A_925 = vector.broadcast %ge3A_924 : i32 to vector<16xi32>
    %ge3A_926 = arith.cmpi sge, %get3A_915, %ge3A_925 : vector<16xi32>
    %jit3A_927 = arith.constant 1 : i32
    %jit3A_928 = arith.constant 0 : i32
    %broadcast_in_dim3A_929 = vector.broadcast %jit3A_927 : i32 to vector<16xi32>
    %broadcast_in_dim3A_930 = vector.broadcast %jit3A_928 : i32 to vector<16xi32>
    %select_n3A_931 = arith.select %ge3A_926, %broadcast_in_dim3A_929, %broadcast_in_dim3A_930 : vector<16xi1>, vector<16xi32>
    %add3A_932 = arith.addi %select_n3A_923, %select_n3A_931 : vector<16xi32>
    %ge3A_933 = arith.constant 761856 : i32
    %ge3A_934 = vector.broadcast %ge3A_933 : i32 to vector<16xi32>
    %ge3A_935 = arith.cmpi sge, %get3A_915, %ge3A_934 : vector<16xi32>
    %jit3A_936 = arith.constant 1 : i32
    %jit3A_937 = arith.constant 0 : i32
    %broadcast_in_dim3A_938 = vector.broadcast %jit3A_936 : i32 to vector<16xi32>
    %broadcast_in_dim3A_939 = vector.broadcast %jit3A_937 : i32 to vector<16xi32>
    %select_n3A_940 = arith.select %ge3A_935, %broadcast_in_dim3A_938, %broadcast_in_dim3A_939 : vector<16xi1>, vector<16xi32>
    %add3A_941 = arith.addi %add3A_932, %select_n3A_940 : vector<16xi32>
    %mul3A_942 = arith.constant 253952 : i32
    %mul3A_943 = vector.broadcast %mul3A_942 : i32 to vector<16xi32>
    %mul3A_944 = arith.muli %add3A_941, %mul3A_943 : vector<16xi32>
    %sub3A_945 = arith.subi %get3A_915, %mul3A_944 : vector<16xi32>
    %swap3A_946 = arith.constant 432 : index
    %swap3A_947 = tpu.vector_load %arg5[%swap3A_946] {strides = array<i32>} : memref<512xi32, #tpu.memory_space<vmem>>, vector<16xi32>,
    tpu.vector_store %arg5[%swap3A_946], %sub3A_945 {strides = array<i32>} : memref<512xi32, #tpu.memory_space<vmem>>, vector<16xi32>,
    %get3A_948 = arith.constant 448 : index
    %get3A_949 = tpu.vector_load %arg5[%get3A_948] {strides = array<i32>} : memref<512xi32, #tpu.memory_space<vmem>>, vector<16xi32>,
    %ge3A_950 = arith.constant 253952 : i32
    %ge3A_951 = vector.broadcast %ge3A_950 : i32 to vector<16xi32>
    %ge3A_952 = arith.cmpi sge, %get3A_949, %ge3A_951 : vector<16xi32>
    %jit3A_953 = arith.constant 1 : i32
    %jit3A_954 = arith.constant 0 : i32
    %broadcast_in_dim3A_955 = vector.broadcast %jit3A_953 : i32 to vector<16xi32>
    %broadcast_in_dim3A_956 = vector.broadcast %jit3A_954 : i32 to vector<16xi32>
    %select_n3A_957 = arith.select %ge3A_952, %broadcast_in_dim3A_955, %broadcast_in_dim3A_956 : vector<16xi1>, vector<16xi32>
    %ge3A_958 = arith.constant 507904 : i32
    %ge3A_959 = vector.broadcast %ge3A_958 : i32 to vector<16xi32>
    %ge3A_960 = arith.cmpi sge, %get3A_949, %ge3A_959 : vector<16xi32>
    %jit3A_961 = arith.constant 1 : i32
    %jit3A_962 = arith.constant 0 : i32
    %broadcast_in_dim3A_963 = vector.broadcast %jit3A_961 : i32 to vector<16xi32>
    %broadcast_in_dim3A_964 = vector.broadcast %jit3A_962 : i32 to vector<16xi32>
    %select_n3A_965 = arith.select %ge3A_960, %broadcast_in_dim3A_963, %broadcast_in_dim3A_964 : vector<16xi1>, vector<16xi32>
    %add3A_966 = arith.addi %select_n3A_957, %select_n3A_965 : vector<16xi32>
    %ge3A_967 = arith.constant 761856 : i32
    %ge3A_968 = vector.broadcast %ge3A_967 : i32 to vector<16xi32>
    %ge3A_969 = arith.cmpi sge, %get3A_949, %ge3A_968 : vector<16xi32>
    %jit3A_970 = arith.constant 1 : i32
    %jit3A_971 = arith.constant 0 : i32
    %broadcast_in_dim3A_972 = vector.broadcast %jit3A_970 : i32 to vector<16xi32>
    %broadcast_in_dim3A_973 = vector.broadcast %jit3A_971 : i32 to vector<16xi32>
    %select_n3A_974 = arith.select %ge3A_969, %broadcast_in_dim3A_972, %broadcast_in_dim3A_973 : vector<16xi1>, vector<16xi32>
    %add3A_975 = arith.addi %add3A_966, %select_n3A_974 : vector<16xi32>
    %mul3A_976 = arith.constant 253952 : i32
    %mul3A_977 = vector.broadcast %mul3A_976 : i32 to vector<16xi32>
    %mul3A_978 = arith.muli %add3A_975, %mul3A_977 : vector<16xi32>
    %sub3A_979 = arith.subi %get3A_949, %mul3A_978 : vector<16xi32>
    %swap3A_980 = arith.constant 448 : index
    %swap3A_981 = tpu.vector_load %arg5[%swap3A_980] {strides = array<i32>} : memref<512xi32, #tpu.memory_space<vmem>>, vector<16xi32>,
    tpu.vector_store %arg5[%swap3A_980], %sub3A_979 {strides = array<i32>} : memref<512xi32, #tpu.memory_space<vmem>>, vector<16xi32>,
    %get3A_982 = arith.constant 464 : index
    %get3A_983 = tpu.vector_load %arg5[%get3A_982] {strides = array<i32>} : memref<512xi32, #tpu.memory_space<vmem>>, vector<16xi32>,
    %ge3A_984 = arith.constant 253952 : i32
    %ge3A_985 = vector.broadcast %ge3A_984 : i32 to vector<16xi32>
    %ge3A_986 = arith.cmpi sge, %get3A_983, %ge3A_985 : vector<16xi32>
    %jit3A_987 = arith.constant 1 : i32
    %jit3A_988 = arith.constant 0 : i32
    %broadcast_in_dim3A_989 = vector.broadcast %jit3A_987 : i32 to vector<16xi32>
    %broadcast_in_dim3A_990 = vector.broadcast %jit3A_988 : i32 to vector<16xi32>
    %select_n3A_991 = arith.select %ge3A_986, %broadcast_in_dim3A_989, %broadcast_in_dim3A_990 : vector<16xi1>, vector<16xi32>
    %ge3A_992 = arith.constant 507904 : i32
    %ge3A_993 = vector.broadcast %ge3A_992 : i32 to vector<16xi32>
    %ge3A_994 = arith.cmpi sge, %get3A_983, %ge3A_993 : vector<16xi32>
    %jit3A_995 = arith.constant 1 : i32
    %jit3A_996 = arith.constant 0 : i32
    %broadcast_in_dim3A_997 = vector.broadcast %jit3A_995 : i32 to vector<16xi32>
    %broadcast_in_dim3A_998 = vector.broadcast %jit3A_996 : i32 to vector<16xi32>
    %select_n3A_999 = arith.select %ge3A_994, %broadcast_in_dim3A_997, %broadcast_in_dim3A_998 : vector<16xi1>, vector<16xi32>
    %add3A_1000 = arith.addi %select_n3A_991, %select_n3A_999 : vector<16xi32>
    %ge3A_1001 = arith.constant 761856 : i32
    %ge3A_1002 = vector.broadcast %ge3A_1001 : i32 to vector<16xi32>
    %ge3A_1003 = arith.cmpi sge, %get3A_983, %ge3A_1002 : vector<16xi32>
    %jit3A_1004 = arith.constant 1 : i32
    %jit3A_1005 = arith.constant 0 : i32
    %broadcast_in_dim3A_1006 = vector.broadcast %jit3A_1004 : i32 to vector<16xi32>
    %broadcast_in_dim3A_1007 = vector.broadcast %jit3A_1005 : i32 to vector<16xi32>
    %select_n3A_1008 = arith.select %ge3A_1003, %broadcast_in_dim3A_1006, %broadcast_in_dim3A_1007 : vector<16xi1>, vector<16xi32>
    %add3A_1009 = arith.addi %add3A_1000, %select_n3A_1008 : vector<16xi32>
    %mul3A_1010 = arith.constant 253952 : i32
    %mul3A_1011 = vector.broadcast %mul3A_1010 : i32 to vector<16xi32>
    %mul3A_1012 = arith.muli %add3A_1009, %mul3A_1011 : vector<16xi32>
    %sub3A_1013 = arith.subi %get3A_983, %mul3A_1012 : vector<16xi32>
    %swap3A_1014 = arith.constant 464 : index
    %swap3A_1015 = tpu.vector_load %arg5[%swap3A_1014] {strides = array<i32>} : memref<512xi32, #tpu.memory_space<vmem>>, vector<16xi32>,
    tpu.vector_store %arg5[%swap3A_1014], %sub3A_1013 {strides = array<i32>} : memref<512xi32, #tpu.memory_space<vmem>>, vector<16xi32>,
    %get3A_1016 = arith.constant 480 : index
    %get3A_1017 = tpu.vector_load %arg5[%get3A_1016] {strides = array<i32>} : memref<512xi32, #tpu.memory_space<vmem>>, vector<16xi32>,
    %ge3A_1018 = arith.constant 253952 : i32
    %ge3A_1019 = vector.broadcast %ge3A_1018 : i32 to vector<16xi32>
    %ge3A_1020 = arith.cmpi sge, %get3A_1017, %ge3A_1019 : vector<16xi32>
    %jit3A_1021 = arith.constant 1 : i32
    %jit3A_1022 = arith.constant 0 : i32
    %broadcast_in_dim3A_1023 = vector.broadcast %jit3A_1021 : i32 to vector<16xi32>
    %broadcast_in_dim3A_1024 = vector.broadcast %jit3A_1022 : i32 to vector<16xi32>
    %select_n3A_1025 = arith.select %ge3A_1020, %broadcast_in_dim3A_1023, %broadcast_in_dim3A_1024 : vector<16xi1>, vector<16xi32>
    %ge3A_1026 = arith.constant 507904 : i32
    %ge3A_1027 = vector.broadcast %ge3A_1026 : i32 to vector<16xi32>
    %ge3A_1028 = arith.cmpi sge, %get3A_1017, %ge3A_1027 : vector<16xi32>
    %jit3A_1029 = arith.constant 1 : i32
    %jit3A_1030 = arith.constant 0 : i32
    %broadcast_in_dim3A_1031 = vector.broadcast %jit3A_1029 : i32 to vector<16xi32>
    %broadcast_in_dim3A_1032 = vector.broadcast %jit3A_1030 : i32 to vector<16xi32>
    %select_n3A_1033 = arith.select %ge3A_1028, %broadcast_in_dim3A_1031, %broadcast_in_dim3A_1032 : vector<16xi1>, vector<16xi32>
    %add3A_1034 = arith.addi %select_n3A_1025, %select_n3A_1033 : vector<16xi32>
    %ge3A_1035 = arith.constant 761856 : i32
    %ge3A_1036 = vector.broadcast %ge3A_1035 : i32 to vector<16xi32>
    %ge3A_1037 = arith.cmpi sge, %get3A_1017, %ge3A_1036 : vector<16xi32>
    %jit3A_1038 = arith.constant 1 : i32
    %jit3A_1039 = arith.constant 0 : i32
    %broadcast_in_dim3A_1040 = vector.broadcast %jit3A_1038 : i32 to vector<16xi32>
    %broadcast_in_dim3A_1041 = vector.broadcast %jit3A_1039 : i32 to vector<16xi32>
    %select_n3A_1042 = arith.select %ge3A_1037, %broadcast_in_dim3A_1040, %broadcast_in_dim3A_1041 : vector<16xi1>, vector<16xi32>
    %add3A_1043 = arith.addi %add3A_1034, %select_n3A_1042 : vector<16xi32>
    %mul3A_1044 = arith.constant 253952 : i32
    %mul3A_1045 = vector.broadcast %mul3A_1044 : i32 to vector<16xi32>
    %mul3A_1046 = arith.muli %add3A_1043, %mul3A_1045 : vector<16xi32>
    %sub3A_1047 = arith.subi %get3A_1017, %mul3A_1046 : vector<16xi32>
    %swap3A_1048 = arith.constant 480 : index
    %swap3A_1049 = tpu.vector_load %arg5[%swap3A_1048] {strides = array<i32>} : memref<512xi32, #tpu.memory_space<vmem>>, vector<16xi32>,
    tpu.vector_store %arg5[%swap3A_1048], %sub3A_1047 {strides = array<i32>} : memref<512xi32, #tpu.memory_space<vmem>>, vector<16xi32>,
    %get3A_1050 = arith.constant 496 : index
    %get3A_1051 = tpu.vector_load %arg5[%get3A_1050] {strides = array<i32>} : memref<512xi32, #tpu.memory_space<vmem>>, vector<16xi32>,
    %ge3A_1052 = arith.constant 253952 : i32
    %ge3A_1053 = vector.broadcast %ge3A_1052 : i32 to vector<16xi32>
    %ge3A_1054 = arith.cmpi sge, %get3A_1051, %ge3A_1053 : vector<16xi32>
    %jit3A_1055 = arith.constant 1 : i32
    %jit3A_1056 = arith.constant 0 : i32
    %broadcast_in_dim3A_1057 = vector.broadcast %jit3A_1055 : i32 to vector<16xi32>
    %broadcast_in_dim3A_1058 = vector.broadcast %jit3A_1056 : i32 to vector<16xi32>
    %select_n3A_1059 = arith.select %ge3A_1054, %broadcast_in_dim3A_1057, %broadcast_in_dim3A_1058 : vector<16xi1>, vector<16xi32>
    %ge3A_1060 = arith.constant 507904 : i32
    %ge3A_1061 = vector.broadcast %ge3A_1060 : i32 to vector<16xi32>
    %ge3A_1062 = arith.cmpi sge, %get3A_1051, %ge3A_1061 : vector<16xi32>
    %jit3A_1063 = arith.constant 1 : i32
    %jit3A_1064 = arith.constant 0 : i32
    %broadcast_in_dim3A_1065 = vector.broadcast %jit3A_1063 : i32 to vector<16xi32>
    %broadcast_in_dim3A_1066 = vector.broadcast %jit3A_1064 : i32 to vector<16xi32>
    %select_n3A_1067 = arith.select %ge3A_1062, %broadcast_in_dim3A_1065, %broadcast_in_dim3A_1066 : vector<16xi1>, vector<16xi32>
    %add3A_1068 = arith.addi %select_n3A_1059, %select_n3A_1067 : vector<16xi32>
    %ge3A_1069 = arith.constant 761856 : i32
    %ge3A_1070 = vector.broadcast %ge3A_1069 : i32 to vector<16xi32>
    %ge3A_1071 = arith.cmpi sge, %get3A_1051, %ge3A_1070 : vector<16xi32>
    %jit3A_1072 = arith.constant 1 : i32
    %jit3A_1073 = arith.constant 0 : i32
    %broadcast_in_dim3A_1074 = vector.broadcast %jit3A_1072 : i32 to vector<16xi32>
    %broadcast_in_dim3A_1075 = vector.broadcast %jit3A_1073 : i32 to vector<16xi32>
    %select_n3A_1076 = arith.select %ge3A_1071, %broadcast_in_dim3A_1074, %broadcast_in_dim3A_1075 : vector<16xi1>, vector<16xi32>
    %add3A_1077 = arith.addi %add3A_1068, %select_n3A_1076 : vector<16xi32>
    %mul3A_1078 = arith.constant 253952 : i32
    %mul3A_1079 = vector.broadcast %mul3A_1078 : i32 to vector<16xi32>
    %mul3A_1080 = arith.muli %add3A_1077, %mul3A_1079 : vector<16xi32>
    %sub3A_1081 = arith.subi %get3A_1051, %mul3A_1080 : vector<16xi32>
    %swap3A_1082 = arith.constant 496 : index
    %swap3A_1083 = tpu.vector_load %arg5[%swap3A_1082] {strides = array<i32>} : memref<512xi32, #tpu.memory_space<vmem>>, vector<16xi32>,
    tpu.vector_store %arg5[%swap3A_1082], %sub3A_1081 {strides = array<i32>} : memref<512xi32, #tpu.memory_space<vmem>>, vector<16xi32>,
    %scan3A = arith.constant 0 : i32
    %scan3A_1084 = arith.constant 0 : i32
    %scan3A_1085 = arith.constant 32 : i32
    %scan3A_1086 = arith.addi %scan3A_1084, %scan3A_1085 : i32
    %scan3A_1087 = arith.constant 1 : i32
    %scan3A_1088 = scf.for %scan3A_1093 = %scan3A_1084 to %scan3A_1086 step %scan3A_1087 iter_args(%scan3A_1094 = %scan3A) -> (i32)  : i32 {
      %mul3A_1095 = arith.constant 16 : i32
      %mul3A_1096 = arith.muli %scan3A_1093, %mul3A_1095 : i32
      %get3A_1097 = arith.index_cast %mul3A_1096 : i32 to index
      %get3A_1098 = tpu.vector_load %arg5[%get3A_1097] {strides = array<i32>} : memref<512xi32, #tpu.memory_space<vmem>>, vector<16xi32>,
      %eq3A = arith.constant 0 : i32
      %eq3A_1099 = vector.broadcast %eq3A : i32 to vector<16xi32>
      %eq3A_1100 = arith.cmpi eq, %iota3A, %eq3A_1099 : vector<16xi32>
      %jit3A_1101 = arith.constant 0 : i32
      %broadcast_in_dim3A_1102 = vector.broadcast %jit3A_1101 : i32 to vector<16xi32>
      %select_n3A_1103 = arith.select %eq3A_1100, %get3A_1098, %broadcast_in_dim3A_1102 : vector<16xi1>, vector<16xi32>
      %reduce_sum3A = arith.constant true
      %reduce_sum3A_1104 = vector.broadcast %reduce_sum3A : i1 to vector<16xi1>
      %reduce_sum3A_1105 = tpu.scan <sum>, %select_n3A_1103 masked %reduce_sum3A_1104 : vector<16xi32>, vector<16xi1> -> vector<16xi32>
      %reduce_sum3A_1106 = vector.extract %reduce_sum3A_1105[15] : i32 from vector<16xi32>
      %mul3A_1107 = arith.constant 16 : i32
      %mul3A_1108 = arith.muli %scan3A_1093, %mul3A_1107 : i32
      %add3A_1109 = arith.constant 0 : i32
      %add3A_1110 = arith.addi %mul3A_1108, %add3A_1109 : i32
      %dma_start3A = arith.constant 0 : i32
      %dma_start3A_1111 = tpu.memref_slice %arg6[%add3A_1110, %dma_start3A] : memref<512x128xf32, #tpu.memory_space<vmem>> -> memref<1x128xf32, #tpu.memory_space<vmem>>
      %dma_start3A_1112 = tpu.memref_squeeze %dma_start3A_1111 : memref<1x128xf32, #tpu.memory_space<vmem>> -> memref<128xf32, #tpu.memory_space<vmem>>
      %dma_start3A_1113 = arith.constant 0 : i32
      %dma_start3A_1114 = tpu.memref_slice %arg3[%reduce_sum3A_1106, %dma_start3A_1113] : memref<253952x128xf32, #tpu.memory_space<hbm>> -> memref<1x128xf32, #tpu.memory_space<hbm>>
      %dma_start3A_1115 = tpu.memref_squeeze %dma_start3A_1114 : memref<1x128xf32, #tpu.memory_space<hbm>> -> memref<128xf32, #tpu.memory_space<hbm>>
      %dma_start3A_1116 = arith.constant 0 : i32
      %dma_start3A_1117 = tpu.memref_slice %arg6[%add3A_1110, %dma_start3A_1116] : memref<512x128xf32, #tpu.memory_space<vmem>> -> memref<1x128xf32, #tpu.memory_space<vmem>>
      %dma_start3A_1118 = tpu.memref_squeeze %dma_start3A_1117 : memref<1x128xf32, #tpu.memory_space<vmem>> -> memref<128xf32, #tpu.memory_space<vmem>>
      %dma_start3A_1119 = arith.constant 0 : i32
      %dma_start3A_1120 = tpu.memref_slice %arg3[%reduce_sum3A_1106, %dma_start3A_1119] : memref<253952x128xf32, #tpu.memory_space<hbm>> -> memref<1x128xf32, #tpu.memory_space<hbm>>
      %dma_start3A_1121 = tpu.memref_squeeze %dma_start3A_1120 : memref<1x128xf32, #tpu.memory_space<hbm>> -> memref<128xf32, #tpu.memory_space<hbm>>
      tpu.enqueue_dma source(%dma_start3A_1121 : memref<128xf32, #tpu.memory_space<hbm>>) target(%dma_start3A_1118 : memref<128xf32, #tpu.memory_space<vmem>>) target_semaphore(%arg7 : memref<!tpu.dma_semaphore, #tpu.memory_space<semaphore_mem>>)
      %eq3A_1122 = arith.constant 1 : i32
      %eq3A_1123 = vector.broadcast %eq3A_1122 : i32 to vector<16xi32>
      %eq3A_1124 = arith.cmpi eq, %iota3A, %eq3A_1123 : vector<16xi32>
      %jit3A_1125 = arith.constant 0 : i32
      %broadcast_in_dim3A_1126 = vector.broadcast %jit3A_1125 : i32 to vector<16xi32>
      %select_n3A_1127 = arith.select %eq3A_1124, %get3A_1098, %broadcast_in_dim3A_1126 : vector<16xi1>, vector<16xi32>
      %reduce_sum3A_1128 = arith.constant true
      %reduce_sum3A_1129 = vector.broadcast %reduce_sum3A_1128 : i1 to vector<16xi1>
      %reduce_sum3A_1130 = tpu.scan <sum>, %select_n3A_1127 masked %reduce_sum3A_1129 : vector<16xi32>, vector<16xi1> -> vector<16xi32>
      %reduce_sum3A_1131 = vector.extract %reduce_sum3A_1130[15] : i32 from vector<16xi32>
      %mul3A_1132 = arith.constant 16 : i32
      %mul3A_1133 = arith.muli %scan3A_1093, %mul3A_1132 : i32
      %add3A_1134 = arith.constant 1 : i32
      %add3A_1135 = arith.addi %mul3A_1133, %add3A_1134 : i32
      %dma_start3A_1136 = arith.constant 0 : i32
      %dma_start3A_1137 = tpu.memref_slice %arg6[%add3A_1135, %dma_start3A_1136] : memref<512x128xf32, #tpu.memory_space<vmem>> -> memref<1x128xf32, #tpu.memory_space<vmem>>
      %dma_start3A_1138 = tpu.memref_squeeze %dma_start3A_1137 : memref<1x128xf32, #tpu.memory_space<vmem>> -> memref<128xf32, #tpu.memory_space<vmem>>
      %dma_start3A_1139 = arith.constant 0 : i32
      %dma_start3A_1140 = tpu.memref_slice %arg3[%reduce_sum3A_1131, %dma_start3A_1139] : memref<253952x128xf32, #tpu.memory_space<hbm>> -> memref<1x128xf32, #tpu.memory_space<hbm>>
      %dma_start3A_1141 = tpu.memref_squeeze %dma_start3A_1140 : memref<1x128xf32, #tpu.memory_space<hbm>> -> memref<128xf32, #tpu.memory_space<hbm>>
      %dma_start3A_1142 = arith.constant 0 : i32
      %dma_start3A_1143 = tpu.memref_slice %arg6[%add3A_1135, %dma_start3A_1142] : memref<512x128xf32, #tpu.memory_space<vmem>> -> memref<1x128xf32, #tpu.memory_space<vmem>>
      %dma_start3A_1144 = tpu.memref_squeeze %dma_start3A_1143 : memref<1x128xf32, #tpu.memory_space<vmem>> -> memref<128xf32, #tpu.memory_space<vmem>>
      %dma_start3A_1145 = arith.constant 0 : i32
      %dma_start3A_1146 = tpu.memref_slice %arg3[%reduce_sum3A_1131, %dma_start3A_1145] : memref<253952x128xf32, #tpu.memory_space<hbm>> -> memref<1x128xf32, #tpu.memory_space<hbm>>
      %dma_start3A_1147 = tpu.memref_squeeze %dma_start3A_1146 : memref<1x128xf32, #tpu.memory_space<hbm>> -> memref<128xf32, #tpu.memory_space<hbm>>
      tpu.enqueue_dma source(%dma_start3A_1147 : memref<128xf32, #tpu.memory_space<hbm>>) target(%dma_start3A_1144 : memref<128xf32, #tpu.memory_space<vmem>>) target_semaphore(%arg7 : memref<!tpu.dma_semaphore, #tpu.memory_space<semaphore_mem>>)
      %eq3A_1148 = arith.constant 2 : i32
      %eq3A_1149 = vector.broadcast %eq3A_1148 : i32 to vector<16xi32>
      %eq3A_1150 = arith.cmpi eq, %iota3A, %eq3A_1149 : vector<16xi32>
      %jit3A_1151 = arith.constant 0 : i32
      %broadcast_in_dim3A_1152 = vector.broadcast %jit3A_1151 : i32 to vector<16xi32>
      %select_n3A_1153 = arith.select %eq3A_1150, %get3A_1098, %broadcast_in_dim3A_1152 : vector<16xi1>, vector<16xi32>
      %reduce_sum3A_1154 = arith.constant true
      %reduce_sum3A_1155 = vector.broadcast %reduce_sum3A_1154 : i1 to vector<16xi1>
      %reduce_sum3A_1156 = tpu.scan <sum>, %select_n3A_1153 masked %reduce_sum3A_1155 : vector<16xi32>, vector<16xi1> -> vector<16xi32>
      %reduce_sum3A_1157 = vector.extract %reduce_sum3A_1156[15] : i32 from vector<16xi32>
      %mul3A_1158 = arith.constant 16 : i32
      %mul3A_1159 = arith.muli %scan3A_1093, %mul3A_1158 : i32
      %add3A_1160 = arith.constant 2 : i32
      %add3A_1161 = arith.addi %mul3A_1159, %add3A_1160 : i32
      %dma_start3A_1162 = arith.constant 0 : i32
      %dma_start3A_1163 = tpu.memref_slice %arg6[%add3A_1161, %dma_start3A_1162] : memref<512x128xf32, #tpu.memory_space<vmem>> -> memref<1x128xf32, #tpu.memory_space<vmem>>
      %dma_start3A_1164 = tpu.memref_squeeze %dma_start3A_1163 : memref<1x128xf32, #tpu.memory_space<vmem>> -> memref<128xf32, #tpu.memory_space<vmem>>
      %dma_start3A_1165 = arith.constant 0 : i32
      %dma_start3A_1166 = tpu.memref_slice %arg3[%reduce_sum3A_1157, %dma_start3A_1165] : memref<253952x128xf32, #tpu.memory_space<hbm>> -> memref<1x128xf32, #tpu.memory_space<hbm>>
      %dma_start3A_1167 = tpu.memref_squeeze %dma_start3A_1166 : memref<1x128xf32, #tpu.memory_space<hbm>> -> memref<128xf32, #tpu.memory_space<hbm>>
      %dma_start3A_1168 = arith.constant 0 : i32
      %dma_start3A_1169 = tpu.memref_slice %arg6[%add3A_1161, %dma_start3A_1168] : memref<512x128xf32, #tpu.memory_space<vmem>> -> memref<1x128xf32, #tpu.memory_space<vmem>>
      %dma_start3A_1170 = tpu.memref_squeeze %dma_start3A_1169 : memref<1x128xf32, #tpu.memory_space<vmem>> -> memref<128xf32, #tpu.memory_space<vmem>>
      %dma_start3A_1171 = arith.constant 0 : i32
      %dma_start3A_1172 = tpu.memref_slice %arg3[%reduce_sum3A_1157, %dma_start3A_1171] : memref<253952x128xf32, #tpu.memory_space<hbm>> -> memref<1x128xf32, #tpu.memory_space<hbm>>
      %dma_start3A_1173 = tpu.memref_squeeze %dma_start3A_1172 : memref<1x128xf32, #tpu.memory_space<hbm>> -> memref<128xf32, #tpu.memory_space<hbm>>
      tpu.enqueue_dma source(%dma_start3A_1173 : memref<128xf32, #tpu.memory_space<hbm>>) target(%dma_start3A_1170 : memref<128xf32, #tpu.memory_space<vmem>>) target_semaphore(%arg7 : memref<!tpu.dma_semaphore, #tpu.memory_space<semaphore_mem>>)
      %eq3A_1174 = arith.constant 3 : i32
      %eq3A_1175 = vector.broadcast %eq3A_1174 : i32 to vector<16xi32>
      %eq3A_1176 = arith.cmpi eq, %iota3A, %eq3A_1175 : vector<16xi32>
      %jit3A_1177 = arith.constant 0 : i32
      %broadcast_in_dim3A_1178 = vector.broadcast %jit3A_1177 : i32 to vector<16xi32>
      %select_n3A_1179 = arith.select %eq3A_1176, %get3A_1098, %broadcast_in_dim3A_1178 : vector<16xi1>, vector<16xi32>
      %reduce_sum3A_1180 = arith.constant true
      %reduce_sum3A_1181 = vector.broadcast %reduce_sum3A_1180 : i1 to vector<16xi1>
      %reduce_sum3A_1182 = tpu.scan <sum>, %select_n3A_1179 masked %reduce_sum3A_1181 : vector<16xi32>, vector<16xi1> -> vector<16xi32>
      %reduce_sum3A_1183 = vector.extract %reduce_sum3A_1182[15] : i32 from vector<16xi32>
      %mul3A_1184 = arith.constant 16 : i32
      %mul3A_1185 = arith.muli %scan3A_1093, %mul3A_1184 : i32
      %add3A_1186 = arith.constant 3 : i32
      %add3A_1187 = arith.addi %mul3A_1185, %add3A_1186 : i32
      %dma_start3A_1188 = arith.constant 0 : i32
      %dma_start3A_1189 = tpu.memref_slice %arg6[%add3A_1187, %dma_start3A_1188] : memref<512x128xf32, #tpu.memory_space<vmem>> -> memref<1x128xf32, #tpu.memory_space<vmem>>
      %dma_start3A_1190 = tpu.memref_squeeze %dma_start3A_1189 : memref<1x128xf32, #tpu.memory_space<vmem>> -> memref<128xf32, #tpu.memory_space<vmem>>
      %dma_start3A_1191 = arith.constant 0 : i32
      %dma_start3A_1192 = tpu.memref_slice %arg3[%reduce_sum3A_1183, %dma_start3A_1191] : memref<253952x128xf32, #tpu.memory_space<hbm>> -> memref<1x128xf32, #tpu.memory_space<hbm>>
      %dma_start3A_1193 = tpu.memref_squeeze %dma_start3A_1192 : memref<1x128xf32, #tpu.memory_space<hbm>> -> memref<128xf32, #tpu.memory_space<hbm>>
      %dma_start3A_1194 = arith.constant 0 : i32
      %dma_start3A_1195 = tpu.memref_slice %arg6[%add3A_1187, %dma_start3A_1194] : memref<512x128xf32, #tpu.memory_space<vmem>> -> memref<1x128xf32, #tpu.memory_space<vmem>>
      %dma_start3A_1196 = tpu.memref_squeeze %dma_start3A_1195 : memref<1x128xf32, #tpu.memory_space<vmem>> -> memref<128xf32, #tpu.memory_space<vmem>>
      %dma_start3A_1197 = arith.constant 0 : i32
      %dma_start3A_1198 = tpu.memref_slice %arg3[%reduce_sum3A_1183, %dma_start3A_1197] : memref<253952x128xf32, #tpu.memory_space<hbm>> -> memref<1x128xf32, #tpu.memory_space<hbm>>
      %dma_start3A_1199 = tpu.memref_squeeze %dma_start3A_1198 : memref<1x128xf32, #tpu.memory_space<hbm>> -> memref<128xf32, #tpu.memory_space<hbm>>
      tpu.enqueue_dma source(%dma_start3A_1199 : memref<128xf32, #tpu.memory_space<hbm>>) target(%dma_start3A_1196 : memref<128xf32, #tpu.memory_space<vmem>>) target_semaphore(%arg7 : memref<!tpu.dma_semaphore, #tpu.memory_space<semaphore_mem>>)
      %eq3A_1200 = arith.constant 4 : i32
      %eq3A_1201 = vector.broadcast %eq3A_1200 : i32 to vector<16xi32>
      %eq3A_1202 = arith.cmpi eq, %iota3A, %eq3A_1201 : vector<16xi32>
      %jit3A_1203 = arith.constant 0 : i32
      %broadcast_in_dim3A_1204 = vector.broadcast %jit3A_1203 : i32 to vector<16xi32>
      %select_n3A_1205 = arith.select %eq3A_1202, %get3A_1098, %broadcast_in_dim3A_1204 : vector<16xi1>, vector<16xi32>
      %reduce_sum3A_1206 = arith.constant true
      %reduce_sum3A_1207 = vector.broadcast %reduce_sum3A_1206 : i1 to vector<16xi1>
      %reduce_sum3A_1208 = tpu.scan <sum>, %select_n3A_1205 masked %reduce_sum3A_1207 : vector<16xi32>, vector<16xi1> -> vector<16xi32>
      %reduce_sum3A_1209 = vector.extract %reduce_sum3A_1208[15] : i32 from vector<16xi32>
      %mul3A_1210 = arith.constant 16 : i32
      %mul3A_1211 = arith.muli %scan3A_1093, %mul3A_1210 : i32
      %add3A_1212 = arith.constant 4 : i32
      %add3A_1213 = arith.addi %mul3A_1211, %add3A_1212 : i32
      %dma_start3A_1214 = arith.constant 0 : i32
      %dma_start3A_1215 = tpu.memref_slice %arg6[%add3A_1213, %dma_start3A_1214] : memref<512x128xf32, #tpu.memory_space<vmem>> -> memref<1x128xf32, #tpu.memory_space<vmem>>
      %dma_start3A_1216 = tpu.memref_squeeze %dma_start3A_1215 : memref<1x128xf32, #tpu.memory_space<vmem>> -> memref<128xf32, #tpu.memory_space<vmem>>
      %dma_start3A_1217 = arith.constant 0 : i32
      %dma_start3A_1218 = tpu.memref_slice %arg3[%reduce_sum3A_1209, %dma_start3A_1217] : memref<253952x128xf32, #tpu.memory_space<hbm>> -> memref<1x128xf32, #tpu.memory_space<hbm>>
      %dma_start3A_1219 = tpu.memref_squeeze %dma_start3A_1218 : memref<1x128xf32, #tpu.memory_space<hbm>> -> memref<128xf32, #tpu.memory_space<hbm>>
      %dma_start3A_1220 = arith.constant 0 : i32
      %dma_start3A_1221 = tpu.memref_slice %arg6[%add3A_1213, %dma_start3A_1220] : memref<512x128xf32, #tpu.memory_space<vmem>> -> memref<1x128xf32, #tpu.memory_space<vmem>>
      %dma_start3A_1222 = tpu.memref_squeeze %dma_start3A_1221 : memref<1x128xf32, #tpu.memory_space<vmem>> -> memref<128xf32, #tpu.memory_space<vmem>>
      %dma_start3A_1223 = arith.constant 0 : i32
      %dma_start3A_1224 = tpu.memref_slice %arg3[%reduce_sum3A_1209, %dma_start3A_1223] : memref<253952x128xf32, #tpu.memory_space<hbm>> -> memref<1x128xf32, #tpu.memory_space<hbm>>
      %dma_start3A_1225 = tpu.memref_squeeze %dma_start3A_1224 : memref<1x128xf32, #tpu.memory_space<hbm>> -> memref<128xf32, #tpu.memory_space<hbm>>
      tpu.enqueue_dma source(%dma_start3A_1225 : memref<128xf32, #tpu.memory_space<hbm>>) target(%dma_start3A_1222 : memref<128xf32, #tpu.memory_space<vmem>>) target_semaphore(%arg7 : memref<!tpu.dma_semaphore, #tpu.memory_space<semaphore_mem>>)
      %eq3A_1226 = arith.constant 5 : i32
      %eq3A_1227 = vector.broadcast %eq3A_1226 : i32 to vector<16xi32>
      %eq3A_1228 = arith.cmpi eq, %iota3A, %eq3A_1227 : vector<16xi32>
      %jit3A_1229 = arith.constant 0 : i32
      %broadcast_in_dim3A_1230 = vector.broadcast %jit3A_1229 : i32 to vector<16xi32>
      %select_n3A_1231 = arith.select %eq3A_1228, %get3A_1098, %broadcast_in_dim3A_1230 : vector<16xi1>, vector<16xi32>
      %reduce_sum3A_1232 = arith.constant true
      %reduce_sum3A_1233 = vector.broadcast %reduce_sum3A_1232 : i1 to vector<16xi1>
      %reduce_sum3A_1234 = tpu.scan <sum>, %select_n3A_1231 masked %reduce_sum3A_1233 : vector<16xi32>, vector<16xi1> -> vector<16xi32>
      %reduce_sum3A_1235 = vector.extract %reduce_sum3A_1234[15] : i32 from vector<16xi32>
      %mul3A_1236 = arith.constant 16 : i32
      %mul3A_1237 = arith.muli %scan3A_1093, %mul3A_1236 : i32
      %add3A_1238 = arith.constant 5 : i32
      %add3A_1239 = arith.addi %mul3A_1237, %add3A_1238 : i32
      %dma_start3A_1240 = arith.constant 0 : i32
      %dma_start3A_1241 = tpu.memref_slice %arg6[%add3A_1239, %dma_start3A_1240] : memref<512x128xf32, #tpu.memory_space<vmem>> -> memref<1x128xf32, #tpu.memory_space<vmem>>
      %dma_start3A_1242 = tpu.memref_squeeze %dma_start3A_1241 : memref<1x128xf32, #tpu.memory_space<vmem>> -> memref<128xf32, #tpu.memory_space<vmem>>
      %dma_start3A_1243 = arith.constant 0 : i32
      %dma_start3A_1244 = tpu.memref_slice %arg3[%reduce_sum3A_1235, %dma_start3A_1243] : memref<253952x128xf32, #tpu.memory_space<hbm>> -> memref<1x128xf32, #tpu.memory_space<hbm>>
      %dma_start3A_1245 = tpu.memref_squeeze %dma_start3A_1244 : memref<1x128xf32, #tpu.memory_space<hbm>> -> memref<128xf32, #tpu.memory_space<hbm>>
      %dma_start3A_1246 = arith.constant 0 : i32
      %dma_start3A_1247 = tpu.memref_slice %arg6[%add3A_1239, %dma_start3A_1246] : memref<512x128xf32, #tpu.memory_space<vmem>> -> memref<1x128xf32, #tpu.memory_space<vmem>>
      %dma_start3A_1248 = tpu.memref_squeeze %dma_start3A_1247 : memref<1x128xf32, #tpu.memory_space<vmem>> -> memref<128xf32, #tpu.memory_space<vmem>>
      %dma_start3A_1249 = arith.constant 0 : i32
      %dma_start3A_1250 = tpu.memref_slice %arg3[%reduce_sum3A_1235, %dma_start3A_1249] : memref<253952x128xf32, #tpu.memory_space<hbm>> -> memref<1x128xf32, #tpu.memory_space<hbm>>
      %dma_start3A_1251 = tpu.memref_squeeze %dma_start3A_1250 : memref<1x128xf32, #tpu.memory_space<hbm>> -> memref<128xf32, #tpu.memory_space<hbm>>
      tpu.enqueue_dma source(%dma_start3A_1251 : memref<128xf32, #tpu.memory_space<hbm>>) target(%dma_start3A_1248 : memref<128xf32, #tpu.memory_space<vmem>>) target_semaphore(%arg7 : memref<!tpu.dma_semaphore, #tpu.memory_space<semaphore_mem>>)
      %eq3A_1252 = arith.constant 6 : i32
      %eq3A_1253 = vector.broadcast %eq3A_1252 : i32 to vector<16xi32>
      %eq3A_1254 = arith.cmpi eq, %iota3A, %eq3A_1253 : vector<16xi32>
      %jit3A_1255 = arith.constant 0 : i32
      %broadcast_in_dim3A_1256 = vector.broadcast %jit3A_1255 : i32 to vector<16xi32>
      %select_n3A_1257 = arith.select %eq3A_1254, %get3A_1098, %broadcast_in_dim3A_1256 : vector<16xi1>, vector<16xi32>
      %reduce_sum3A_1258 = arith.constant true
      %reduce_sum3A_1259 = vector.broadcast %reduce_sum3A_1258 : i1 to vector<16xi1>
      %reduce_sum3A_1260 = tpu.scan <sum>, %select_n3A_1257 masked %reduce_sum3A_1259 : vector<16xi32>, vector<16xi1> -> vector<16xi32>
      %reduce_sum3A_1261 = vector.extract %reduce_sum3A_1260[15] : i32 from vector<16xi32>
      %mul3A_1262 = arith.constant 16 : i32
      %mul3A_1263 = arith.muli %scan3A_1093, %mul3A_1262 : i32
      %add3A_1264 = arith.constant 6 : i32
      %add3A_1265 = arith.addi %mul3A_1263, %add3A_1264 : i32
      %dma_start3A_1266 = arith.constant 0 : i32
      %dma_start3A_1267 = tpu.memref_slice %arg6[%add3A_1265, %dma_start3A_1266] : memref<512x128xf32, #tpu.memory_space<vmem>> -> memref<1x128xf32, #tpu.memory_space<vmem>>
      %dma_start3A_1268 = tpu.memref_squeeze %dma_start3A_1267 : memref<1x128xf32, #tpu.memory_space<vmem>> -> memref<128xf32, #tpu.memory_space<vmem>>
      %dma_start3A_1269 = arith.constant 0 : i32
      %dma_start3A_1270 = tpu.memref_slice %arg3[%reduce_sum3A_1261, %dma_start3A_1269] : memref<253952x128xf32, #tpu.memory_space<hbm>> -> memref<1x128xf32, #tpu.memory_space<hbm>>
      %dma_start3A_1271 = tpu.memref_squeeze %dma_start3A_1270 : memref<1x128xf32, #tpu.memory_space<hbm>> -> memref<128xf32, #tpu.memory_space<hbm>>
      %dma_start3A_1272 = arith.constant 0 : i32
      %dma_start3A_1273 = tpu.memref_slice %arg6[%add3A_1265, %dma_start3A_1272] : memref<512x128xf32, #tpu.memory_space<vmem>> -> memref<1x128xf32, #tpu.memory_space<vmem>>
      %dma_start3A_1274 = tpu.memref_squeeze %dma_start3A_1273 : memref<1x128xf32, #tpu.memory_space<vmem>> -> memref<128xf32, #tpu.memory_space<vmem>>
      %dma_start3A_1275 = arith.constant 0 : i32
      %dma_start3A_1276 = tpu.memref_slice %arg3[%reduce_sum3A_1261, %dma_start3A_1275] : memref<253952x128xf32, #tpu.memory_space<hbm>> -> memref<1x128xf32, #tpu.memory_space<hbm>>
      %dma_start3A_1277 = tpu.memref_squeeze %dma_start3A_1276 : memref<1x128xf32, #tpu.memory_space<hbm>> -> memref<128xf32, #tpu.memory_space<hbm>>
      tpu.enqueue_dma source(%dma_start3A_1277 : memref<128xf32, #tpu.memory_space<hbm>>) target(%dma_start3A_1274 : memref<128xf32, #tpu.memory_space<vmem>>) target_semaphore(%arg7 : memref<!tpu.dma_semaphore, #tpu.memory_space<semaphore_mem>>)
      %eq3A_1278 = arith.constant 7 : i32
      %eq3A_1279 = vector.broadcast %eq3A_1278 : i32 to vector<16xi32>
      %eq3A_1280 = arith.cmpi eq, %iota3A, %eq3A_1279 : vector<16xi32>
      %jit3A_1281 = arith.constant 0 : i32
      %broadcast_in_dim3A_1282 = vector.broadcast %jit3A_1281 : i32 to vector<16xi32>
      %select_n3A_1283 = arith.select %eq3A_1280, %get3A_1098, %broadcast_in_dim3A_1282 : vector<16xi1>, vector<16xi32>
      %reduce_sum3A_1284 = arith.constant true
      %reduce_sum3A_1285 = vector.broadcast %reduce_sum3A_1284 : i1 to vector<16xi1>
      %reduce_sum3A_1286 = tpu.scan <sum>, %select_n3A_1283 masked %reduce_sum3A_1285 : vector<16xi32>, vector<16xi1> -> vector<16xi32>
      %reduce_sum3A_1287 = vector.extract %reduce_sum3A_1286[15] : i32 from vector<16xi32>
      %mul3A_1288 = arith.constant 16 : i32
      %mul3A_1289 = arith.muli %scan3A_1093, %mul3A_1288 : i32
      %add3A_1290 = arith.constant 7 : i32
      %add3A_1291 = arith.addi %mul3A_1289, %add3A_1290 : i32
      %dma_start3A_1292 = arith.constant 0 : i32
      %dma_start3A_1293 = tpu.memref_slice %arg6[%add3A_1291, %dma_start3A_1292] : memref<512x128xf32, #tpu.memory_space<vmem>> -> memref<1x128xf32, #tpu.memory_space<vmem>>
      %dma_start3A_1294 = tpu.memref_squeeze %dma_start3A_1293 : memref<1x128xf32, #tpu.memory_space<vmem>> -> memref<128xf32, #tpu.memory_space<vmem>>
      %dma_start3A_1295 = arith.constant 0 : i32
      %dma_start3A_1296 = tpu.memref_slice %arg3[%reduce_sum3A_1287, %dma_start3A_1295] : memref<253952x128xf32, #tpu.memory_space<hbm>> -> memref<1x128xf32, #tpu.memory_space<hbm>>
      %dma_start3A_1297 = tpu.memref_squeeze %dma_start3A_1296 : memref<1x128xf32, #tpu.memory_space<hbm>> -> memref<128xf32, #tpu.memory_space<hbm>>
      %dma_start3A_1298 = arith.constant 0 : i32
      %dma_start3A_1299 = tpu.memref_slice %arg6[%add3A_1291, %dma_start3A_1298] : memref<512x128xf32, #tpu.memory_space<vmem>> -> memref<1x128xf32, #tpu.memory_space<vmem>>
      %dma_start3A_1300 = tpu.memref_squeeze %dma_start3A_1299 : memref<1x128xf32, #tpu.memory_space<vmem>> -> memref<128xf32, #tpu.memory_space<vmem>>
      %dma_start3A_1301 = arith.constant 0 : i32
      %dma_start3A_1302 = tpu.memref_slice %arg3[%reduce_sum3A_1287, %dma_start3A_1301] : memref<253952x128xf32, #tpu.memory_space<hbm>> -> memref<1x128xf32, #tpu.memory_space<hbm>>
      %dma_start3A_1303 = tpu.memref_squeeze %dma_start3A_1302 : memref<1x128xf32, #tpu.memory_space<hbm>> -> memref<128xf32, #tpu.memory_space<hbm>>
      tpu.enqueue_dma source(%dma_start3A_1303 : memref<128xf32, #tpu.memory_space<hbm>>) target(%dma_start3A_1300 : memref<128xf32, #tpu.memory_space<vmem>>) target_semaphore(%arg7 : memref<!tpu.dma_semaphore, #tpu.memory_space<semaphore_mem>>)
      %eq3A_1304 = arith.constant 8 : i32
      %eq3A_1305 = vector.broadcast %eq3A_1304 : i32 to vector<16xi32>
      %eq3A_1306 = arith.cmpi eq, %iota3A, %eq3A_1305 : vector<16xi32>
      %jit3A_1307 = arith.constant 0 : i32
      %broadcast_in_dim3A_1308 = vector.broadcast %jit3A_1307 : i32 to vector<16xi32>
      %select_n3A_1309 = arith.select %eq3A_1306, %get3A_1098, %broadcast_in_dim3A_1308 : vector<16xi1>, vector<16xi32>
      %reduce_sum3A_1310 = arith.constant true
      %reduce_sum3A_1311 = vector.broadcast %reduce_sum3A_1310 : i1 to vector<16xi1>
      %reduce_sum3A_1312 = tpu.scan <sum>, %select_n3A_1309 masked %reduce_sum3A_1311 : vector<16xi32>, vector<16xi1> -> vector<16xi32>
      %reduce_sum3A_1313 = vector.extract %reduce_sum3A_1312[15] : i32 from vector<16xi32>
      %mul3A_1314 = arith.constant 16 : i32
      %mul3A_1315 = arith.muli %scan3A_1093, %mul3A_1314 : i32
      %add3A_1316 = arith.constant 8 : i32
      %add3A_1317 = arith.addi %mul3A_1315, %add3A_1316 : i32
      %dma_start3A_1318 = arith.constant 0 : i32
      %dma_start3A_1319 = tpu.memref_slice %arg6[%add3A_1317, %dma_start3A_1318] : memref<512x128xf32, #tpu.memory_space<vmem>> -> memref<1x128xf32, #tpu.memory_space<vmem>>
      %dma_start3A_1320 = tpu.memref_squeeze %dma_start3A_1319 : memref<1x128xf32, #tpu.memory_space<vmem>> -> memref<128xf32, #tpu.memory_space<vmem>>
      %dma_start3A_1321 = arith.constant 0 : i32
      %dma_start3A_1322 = tpu.memref_slice %arg3[%reduce_sum3A_1313, %dma_start3A_1321] : memref<253952x128xf32, #tpu.memory_space<hbm>> -> memref<1x128xf32, #tpu.memory_space<hbm>>
      %dma_start3A_1323 = tpu.memref_squeeze %dma_start3A_1322 : memref<1x128xf32, #tpu.memory_space<hbm>> -> memref<128xf32, #tpu.memory_space<hbm>>
      %dma_start3A_1324 = arith.constant 0 : i32
      %dma_start3A_1325 = tpu.memref_slice %arg6[%add3A_1317, %dma_start3A_1324] : memref<512x128xf32, #tpu.memory_space<vmem>> -> memref<1x128xf32, #tpu.memory_space<vmem>>
      %dma_start3A_1326 = tpu.memref_squeeze %dma_start3A_1325 : memref<1x128xf32, #tpu.memory_space<vmem>> -> memref<128xf32, #tpu.memory_space<vmem>>
      %dma_start3A_1327 = arith.constant 0 : i32
      %dma_start3A_1328 = tpu.memref_slice %arg3[%reduce_sum3A_1313, %dma_start3A_1327] : memref<253952x128xf32, #tpu.memory_space<hbm>> -> memref<1x128xf32, #tpu.memory_space<hbm>>
      %dma_start3A_1329 = tpu.memref_squeeze %dma_start3A_1328 : memref<1x128xf32, #tpu.memory_space<hbm>> -> memref<128xf32, #tpu.memory_space<hbm>>
      tpu.enqueue_dma source(%dma_start3A_1329 : memref<128xf32, #tpu.memory_space<hbm>>) target(%dma_start3A_1326 : memref<128xf32, #tpu.memory_space<vmem>>) target_semaphore(%arg7 : memref<!tpu.dma_semaphore, #tpu.memory_space<semaphore_mem>>)
      %eq3A_1330 = arith.constant 9 : i32
      %eq3A_1331 = vector.broadcast %eq3A_1330 : i32 to vector<16xi32>
      %eq3A_1332 = arith.cmpi eq, %iota3A, %eq3A_1331 : vector<16xi32>
      %jit3A_1333 = arith.constant 0 : i32
      %broadcast_in_dim3A_1334 = vector.broadcast %jit3A_1333 : i32 to vector<16xi32>
      %select_n3A_1335 = arith.select %eq3A_1332, %get3A_1098, %broadcast_in_dim3A_1334 : vector<16xi1>, vector<16xi32>
      %reduce_sum3A_1336 = arith.constant true
      %reduce_sum3A_1337 = vector.broadcast %reduce_sum3A_1336 : i1 to vector<16xi1>
      %reduce_sum3A_1338 = tpu.scan <sum>, %select_n3A_1335 masked %reduce_sum3A_1337 : vector<16xi32>, vector<16xi1> -> vector<16xi32>
      %reduce_sum3A_1339 = vector.extract %reduce_sum3A_1338[15] : i32 from vector<16xi32>
      %mul3A_1340 = arith.constant 16 : i32
      %mul3A_1341 = arith.muli %scan3A_1093, %mul3A_1340 : i32
      %add3A_1342 = arith.constant 9 : i32
      %add3A_1343 = arith.addi %mul3A_1341, %add3A_1342 : i32
      %dma_start3A_1344 = arith.constant 0 : i32
      %dma_start3A_1345 = tpu.memref_slice %arg6[%add3A_1343, %dma_start3A_1344] : memref<512x128xf32, #tpu.memory_space<vmem>> -> memref<1x128xf32, #tpu.memory_space<vmem>>
      %dma_start3A_1346 = tpu.memref_squeeze %dma_start3A_1345 : memref<1x128xf32, #tpu.memory_space<vmem>> -> memref<128xf32, #tpu.memory_space<vmem>>
      %dma_start3A_1347 = arith.constant 0 : i32
      %dma_start3A_1348 = tpu.memref_slice %arg3[%reduce_sum3A_1339, %dma_start3A_1347] : memref<253952x128xf32, #tpu.memory_space<hbm>> -> memref<1x128xf32, #tpu.memory_space<hbm>>
      %dma_start3A_1349 = tpu.memref_squeeze %dma_start3A_1348 : memref<1x128xf32, #tpu.memory_space<hbm>> -> memref<128xf32, #tpu.memory_space<hbm>>
      %dma_start3A_1350 = arith.constant 0 : i32
      %dma_start3A_1351 = tpu.memref_slice %arg6[%add3A_1343, %dma_start3A_1350] : memref<512x128xf32, #tpu.memory_space<vmem>> -> memref<1x128xf32, #tpu.memory_space<vmem>>
      %dma_start3A_1352 = tpu.memref_squeeze %dma_start3A_1351 : memref<1x128xf32, #tpu.memory_space<vmem>> -> memref<128xf32, #tpu.memory_space<vmem>>
      %dma_start3A_1353 = arith.constant 0 : i32
      %dma_start3A_1354 = tpu.memref_slice %arg3[%reduce_sum3A_1339, %dma_start3A_1353] : memref<253952x128xf32, #tpu.memory_space<hbm>> -> memref<1x128xf32, #tpu.memory_space<hbm>>
      %dma_start3A_1355 = tpu.memref_squeeze %dma_start3A_1354 : memref<1x128xf32, #tpu.memory_space<hbm>> -> memref<128xf32, #tpu.memory_space<hbm>>
      tpu.enqueue_dma source(%dma_start3A_1355 : memref<128xf32, #tpu.memory_space<hbm>>) target(%dma_start3A_1352 : memref<128xf32, #tpu.memory_space<vmem>>) target_semaphore(%arg7 : memref<!tpu.dma_semaphore, #tpu.memory_space<semaphore_mem>>)
      %eq3A_1356 = arith.constant 10 : i32
      %eq3A_1357 = vector.broadcast %eq3A_1356 : i32 to vector<16xi32>
      %eq3A_1358 = arith.cmpi eq, %iota3A, %eq3A_1357 : vector<16xi32>
      %jit3A_1359 = arith.constant 0 : i32
      %broadcast_in_dim3A_1360 = vector.broadcast %jit3A_1359 : i32 to vector<16xi32>
      %select_n3A_1361 = arith.select %eq3A_1358, %get3A_1098, %broadcast_in_dim3A_1360 : vector<16xi1>, vector<16xi32>
      %reduce_sum3A_1362 = arith.constant true
      %reduce_sum3A_1363 = vector.broadcast %reduce_sum3A_1362 : i1 to vector<16xi1>
      %reduce_sum3A_1364 = tpu.scan <sum>, %select_n3A_1361 masked %reduce_sum3A_1363 : vector<16xi32>, vector<16xi1> -> vector<16xi32>
      %reduce_sum3A_1365 = vector.extract %reduce_sum3A_1364[15] : i32 from vector<16xi32>
      %mul3A_1366 = arith.constant 16 : i32
      %mul3A_1367 = arith.muli %scan3A_1093, %mul3A_1366 : i32
      %add3A_1368 = arith.constant 10 : i32
      %add3A_1369 = arith.addi %mul3A_1367, %add3A_1368 : i32
      %dma_start3A_1370 = arith.constant 0 : i32
      %dma_start3A_1371 = tpu.memref_slice %arg6[%add3A_1369, %dma_start3A_1370] : memref<512x128xf32, #tpu.memory_space<vmem>> -> memref<1x128xf32, #tpu.memory_space<vmem>>
      %dma_start3A_1372 = tpu.memref_squeeze %dma_start3A_1371 : memref<1x128xf32, #tpu.memory_space<vmem>> -> memref<128xf32, #tpu.memory_space<vmem>>
      %dma_start3A_1373 = arith.constant 0 : i32
      %dma_start3A_1374 = tpu.memref_slice %arg3[%reduce_sum3A_1365, %dma_start3A_1373] : memref<253952x128xf32, #tpu.memory_space<hbm>> -> memref<1x128xf32, #tpu.memory_space<hbm>>
      %dma_start3A_1375 = tpu.memref_squeeze %dma_start3A_1374 : memref<1x128xf32, #tpu.memory_space<hbm>> -> memref<128xf32, #tpu.memory_space<hbm>>
      %dma_start3A_1376 = arith.constant 0 : i32
      %dma_start3A_1377 = tpu.memref_slice %arg6[%add3A_1369, %dma_start3A_1376] : memref<512x128xf32, #tpu.memory_space<vmem>> -> memref<1x128xf32, #tpu.memory_space<vmem>>
      %dma_start3A_1378 = tpu.memref_squeeze %dma_start3A_1377 : memref<1x128xf32, #tpu.memory_space<vmem>> -> memref<128xf32, #tpu.memory_space<vmem>>
      %dma_start3A_1379 = arith.constant 0 : i32
      %dma_start3A_1380 = tpu.memref_slice %arg3[%reduce_sum3A_1365, %dma_start3A_1379] : memref<253952x128xf32, #tpu.memory_space<hbm>> -> memref<1x128xf32, #tpu.memory_space<hbm>>
      %dma_start3A_1381 = tpu.memref_squeeze %dma_start3A_1380 : memref<1x128xf32, #tpu.memory_space<hbm>> -> memref<128xf32, #tpu.memory_space<hbm>>
      tpu.enqueue_dma source(%dma_start3A_1381 : memref<128xf32, #tpu.memory_space<hbm>>) target(%dma_start3A_1378 : memref<128xf32, #tpu.memory_space<vmem>>) target_semaphore(%arg7 : memref<!tpu.dma_semaphore, #tpu.memory_space<semaphore_mem>>)
      %eq3A_1382 = arith.constant 11 : i32
      %eq3A_1383 = vector.broadcast %eq3A_1382 : i32 to vector<16xi32>
      %eq3A_1384 = arith.cmpi eq, %iota3A, %eq3A_1383 : vector<16xi32>
      %jit3A_1385 = arith.constant 0 : i32
      %broadcast_in_dim3A_1386 = vector.broadcast %jit3A_1385 : i32 to vector<16xi32>
      %select_n3A_1387 = arith.select %eq3A_1384, %get3A_1098, %broadcast_in_dim3A_1386 : vector<16xi1>, vector<16xi32>
      %reduce_sum3A_1388 = arith.constant true
      %reduce_sum3A_1389 = vector.broadcast %reduce_sum3A_1388 : i1 to vector<16xi1>
      %reduce_sum3A_1390 = tpu.scan <sum>, %select_n3A_1387 masked %reduce_sum3A_1389 : vector<16xi32>, vector<16xi1> -> vector<16xi32>
      %reduce_sum3A_1391 = vector.extract %reduce_sum3A_1390[15] : i32 from vector<16xi32>
      %mul3A_1392 = arith.constant 16 : i32
      %mul3A_1393 = arith.muli %scan3A_1093, %mul3A_1392 : i32
      %add3A_1394 = arith.constant 11 : i32
      %add3A_1395 = arith.addi %mul3A_1393, %add3A_1394 : i32
      %dma_start3A_1396 = arith.constant 0 : i32
      %dma_start3A_1397 = tpu.memref_slice %arg6[%add3A_1395, %dma_start3A_1396] : memref<512x128xf32, #tpu.memory_space<vmem>> -> memref<1x128xf32, #tpu.memory_space<vmem>>
      %dma_start3A_1398 = tpu.memref_squeeze %dma_start3A_1397 : memref<1x128xf32, #tpu.memory_space<vmem>> -> memref<128xf32, #tpu.memory_space<vmem>>
      %dma_start3A_1399 = arith.constant 0 : i32
      %dma_start3A_1400 = tpu.memref_slice %arg3[%reduce_sum3A_1391, %dma_start3A_1399] : memref<253952x128xf32, #tpu.memory_space<hbm>> -> memref<1x128xf32, #tpu.memory_space<hbm>>
      %dma_start3A_1401 = tpu.memref_squeeze %dma_start3A_1400 : memref<1x128xf32, #tpu.memory_space<hbm>> -> memref<128xf32, #tpu.memory_space<hbm>>
      %dma_start3A_1402 = arith.constant 0 : i32
      %dma_start3A_1403 = tpu.memref_slice %arg6[%add3A_1395, %dma_start3A_1402] : memref<512x128xf32, #tpu.memory_space<vmem>> -> memref<1x128xf32, #tpu.memory_space<vmem>>
      %dma_start3A_1404 = tpu.memref_squeeze %dma_start3A_1403 : memref<1x128xf32, #tpu.memory_space<vmem>> -> memref<128xf32, #tpu.memory_space<vmem>>
      %dma_start3A_1405 = arith.constant 0 : i32
      %dma_start3A_1406 = tpu.memref_slice %arg3[%reduce_sum3A_1391, %dma_start3A_1405] : memref<253952x128xf32, #tpu.memory_space<hbm>> -> memref<1x128xf32, #tpu.memory_space<hbm>>
      %dma_start3A_1407 = tpu.memref_squeeze %dma_start3A_1406 : memref<1x128xf32, #tpu.memory_space<hbm>> -> memref<128xf32, #tpu.memory_space<hbm>>
      tpu.enqueue_dma source(%dma_start3A_1407 : memref<128xf32, #tpu.memory_space<hbm>>) target(%dma_start3A_1404 : memref<128xf32, #tpu.memory_space<vmem>>) target_semaphore(%arg7 : memref<!tpu.dma_semaphore, #tpu.memory_space<semaphore_mem>>)
      %eq3A_1408 = arith.constant 12 : i32
      %eq3A_1409 = vector.broadcast %eq3A_1408 : i32 to vector<16xi32>
      %eq3A_1410 = arith.cmpi eq, %iota3A, %eq3A_1409 : vector<16xi32>
      %jit3A_1411 = arith.constant 0 : i32
      %broadcast_in_dim3A_1412 = vector.broadcast %jit3A_1411 : i32 to vector<16xi32>
      %select_n3A_1413 = arith.select %eq3A_1410, %get3A_1098, %broadcast_in_dim3A_1412 : vector<16xi1>, vector<16xi32>
      %reduce_sum3A_1414 = arith.constant true
      %reduce_sum3A_1415 = vector.broadcast %reduce_sum3A_1414 : i1 to vector<16xi1>
      %reduce_sum3A_1416 = tpu.scan <sum>, %select_n3A_1413 masked %reduce_sum3A_1415 : vector<16xi32>, vector<16xi1> -> vector<16xi32>
      %reduce_sum3A_1417 = vector.extract %reduce_sum3A_1416[15] : i32 from vector<16xi32>
      %mul3A_1418 = arith.constant 16 : i32
      %mul3A_1419 = arith.muli %scan3A_1093, %mul3A_1418 : i32
      %add3A_1420 = arith.constant 12 : i32
      %add3A_1421 = arith.addi %mul3A_1419, %add3A_1420 : i32
      %dma_start3A_1422 = arith.constant 0 : i32
      %dma_start3A_1423 = tpu.memref_slice %arg6[%add3A_1421, %dma_start3A_1422] : memref<512x128xf32, #tpu.memory_space<vmem>> -> memref<1x128xf32, #tpu.memory_space<vmem>>
      %dma_start3A_1424 = tpu.memref_squeeze %dma_start3A_1423 : memref<1x128xf32, #tpu.memory_space<vmem>> -> memref<128xf32, #tpu.memory_space<vmem>>
      %dma_start3A_1425 = arith.constant 0 : i32
      %dma_start3A_1426 = tpu.memref_slice %arg3[%reduce_sum3A_1417, %dma_start3A_1425] : memref<253952x128xf32, #tpu.memory_space<hbm>> -> memref<1x128xf32, #tpu.memory_space<hbm>>
      %dma_start3A_1427 = tpu.memref_squeeze %dma_start3A_1426 : memref<1x128xf32, #tpu.memory_space<hbm>> -> memref<128xf32, #tpu.memory_space<hbm>>
      %dma_start3A_1428 = arith.constant 0 : i32
      %dma_start3A_1429 = tpu.memref_slice %arg6[%add3A_1421, %dma_start3A_1428] : memref<512x128xf32, #tpu.memory_space<vmem>> -> memref<1x128xf32, #tpu.memory_space<vmem>>
      %dma_start3A_1430 = tpu.memref_squeeze %dma_start3A_1429 : memref<1x128xf32, #tpu.memory_space<vmem>> -> memref<128xf32, #tpu.memory_space<vmem>>
      %dma_start3A_1431 = arith.constant 0 : i32
      %dma_start3A_1432 = tpu.memref_slice %arg3[%reduce_sum3A_1417, %dma_start3A_1431] : memref<253952x128xf32, #tpu.memory_space<hbm>> -> memref<1x128xf32, #tpu.memory_space<hbm>>
      %dma_start3A_1433 = tpu.memref_squeeze %dma_start3A_1432 : memref<1x128xf32, #tpu.memory_space<hbm>> -> memref<128xf32, #tpu.memory_space<hbm>>
      tpu.enqueue_dma source(%dma_start3A_1433 : memref<128xf32, #tpu.memory_space<hbm>>) target(%dma_start3A_1430 : memref<128xf32, #tpu.memory_space<vmem>>) target_semaphore(%arg7 : memref<!tpu.dma_semaphore, #tpu.memory_space<semaphore_mem>>)
      %eq3A_1434 = arith.constant 13 : i32
      %eq3A_1435 = vector.broadcast %eq3A_1434 : i32 to vector<16xi32>
      %eq3A_1436 = arith.cmpi eq, %iota3A, %eq3A_1435 : vector<16xi32>
      %jit3A_1437 = arith.constant 0 : i32
      %broadcast_in_dim3A_1438 = vector.broadcast %jit3A_1437 : i32 to vector<16xi32>
      %select_n3A_1439 = arith.select %eq3A_1436, %get3A_1098, %broadcast_in_dim3A_1438 : vector<16xi1>, vector<16xi32>
      %reduce_sum3A_1440 = arith.constant true
      %reduce_sum3A_1441 = vector.broadcast %reduce_sum3A_1440 : i1 to vector<16xi1>
      %reduce_sum3A_1442 = tpu.scan <sum>, %select_n3A_1439 masked %reduce_sum3A_1441 : vector<16xi32>, vector<16xi1> -> vector<16xi32>
      %reduce_sum3A_1443 = vector.extract %reduce_sum3A_1442[15] : i32 from vector<16xi32>
      %mul3A_1444 = arith.constant 16 : i32
      %mul3A_1445 = arith.muli %scan3A_1093, %mul3A_1444 : i32
      %add3A_1446 = arith.constant 13 : i32
      %add3A_1447 = arith.addi %mul3A_1445, %add3A_1446 : i32
      %dma_start3A_1448 = arith.constant 0 : i32
      %dma_start3A_1449 = tpu.memref_slice %arg6[%add3A_1447, %dma_start3A_1448] : memref<512x128xf32, #tpu.memory_space<vmem>> -> memref<1x128xf32, #tpu.memory_space<vmem>>
      %dma_start3A_1450 = tpu.memref_squeeze %dma_start3A_1449 : memref<1x128xf32, #tpu.memory_space<vmem>> -> memref<128xf32, #tpu.memory_space<vmem>>
      %dma_start3A_1451 = arith.constant 0 : i32
      %dma_start3A_1452 = tpu.memref_slice %arg3[%reduce_sum3A_1443, %dma_start3A_1451] : memref<253952x128xf32, #tpu.memory_space<hbm>> -> memref<1x128xf32, #tpu.memory_space<hbm>>
      %dma_start3A_1453 = tpu.memref_squeeze %dma_start3A_1452 : memref<1x128xf32, #tpu.memory_space<hbm>> -> memref<128xf32, #tpu.memory_space<hbm>>
      %dma_start3A_1454 = arith.constant 0 : i32
      %dma_start3A_1455 = tpu.memref_slice %arg6[%add3A_1447, %dma_start3A_1454] : memref<512x128xf32, #tpu.memory_space<vmem>> -> memref<1x128xf32, #tpu.memory_space<vmem>>
      %dma_start3A_1456 = tpu.memref_squeeze %dma_start3A_1455 : memref<1x128xf32, #tpu.memory_space<vmem>> -> memref<128xf32, #tpu.memory_space<vmem>>
      %dma_start3A_1457 = arith.constant 0 : i32
      %dma_start3A_1458 = tpu.memref_slice %arg3[%reduce_sum3A_1443, %dma_start3A_1457] : memref<253952x128xf32, #tpu.memory_space<hbm>> -> memref<1x128xf32, #tpu.memory_space<hbm>>
      %dma_start3A_1459 = tpu.memref_squeeze %dma_start3A_1458 : memref<1x128xf32, #tpu.memory_space<hbm>> -> memref<128xf32, #tpu.memory_space<hbm>>
      tpu.enqueue_dma source(%dma_start3A_1459 : memref<128xf32, #tpu.memory_space<hbm>>) target(%dma_start3A_1456 : memref<128xf32, #tpu.memory_space<vmem>>) target_semaphore(%arg7 : memref<!tpu.dma_semaphore, #tpu.memory_space<semaphore_mem>>)
      %eq3A_1460 = arith.constant 14 : i32
      %eq3A_1461 = vector.broadcast %eq3A_1460 : i32 to vector<16xi32>
      %eq3A_1462 = arith.cmpi eq, %iota3A, %eq3A_1461 : vector<16xi32>
      %jit3A_1463 = arith.constant 0 : i32
      %broadcast_in_dim3A_1464 = vector.broadcast %jit3A_1463 : i32 to vector<16xi32>
      %select_n3A_1465 = arith.select %eq3A_1462, %get3A_1098, %broadcast_in_dim3A_1464 : vector<16xi1>, vector<16xi32>
      %reduce_sum3A_1466 = arith.constant true
      %reduce_sum3A_1467 = vector.broadcast %reduce_sum3A_1466 : i1 to vector<16xi1>
      %reduce_sum3A_1468 = tpu.scan <sum>, %select_n3A_1465 masked %reduce_sum3A_1467 : vector<16xi32>, vector<16xi1> -> vector<16xi32>
      %reduce_sum3A_1469 = vector.extract %reduce_sum3A_1468[15] : i32 from vector<16xi32>
      %mul3A_1470 = arith.constant 16 : i32
      %mul3A_1471 = arith.muli %scan3A_1093, %mul3A_1470 : i32
      %add3A_1472 = arith.constant 14 : i32
      %add3A_1473 = arith.addi %mul3A_1471, %add3A_1472 : i32
      %dma_start3A_1474 = arith.constant 0 : i32
      %dma_start3A_1475 = tpu.memref_slice %arg6[%add3A_1473, %dma_start3A_1474] : memref<512x128xf32, #tpu.memory_space<vmem>> -> memref<1x128xf32, #tpu.memory_space<vmem>>
      %dma_start3A_1476 = tpu.memref_squeeze %dma_start3A_1475 : memref<1x128xf32, #tpu.memory_space<vmem>> -> memref<128xf32, #tpu.memory_space<vmem>>
      %dma_start3A_1477 = arith.constant 0 : i32
      %dma_start3A_1478 = tpu.memref_slice %arg3[%reduce_sum3A_1469, %dma_start3A_1477] : memref<253952x128xf32, #tpu.memory_space<hbm>> -> memref<1x128xf32, #tpu.memory_space<hbm>>
      %dma_start3A_1479 = tpu.memref_squeeze %dma_start3A_1478 : memref<1x128xf32, #tpu.memory_space<hbm>> -> memref<128xf32, #tpu.memory_space<hbm>>
      %dma_start3A_1480 = arith.constant 0 : i32
      %dma_start3A_1481 = tpu.memref_slice %arg6[%add3A_1473, %dma_start3A_1480] : memref<512x128xf32, #tpu.memory_space<vmem>> -> memref<1x128xf32, #tpu.memory_space<vmem>>
      %dma_start3A_1482 = tpu.memref_squeeze %dma_start3A_1481 : memref<1x128xf32, #tpu.memory_space<vmem>> -> memref<128xf32, #tpu.memory_space<vmem>>
      %dma_start3A_1483 = arith.constant 0 : i32
      %dma_start3A_1484 = tpu.memref_slice %arg3[%reduce_sum3A_1469, %dma_start3A_1483] : memref<253952x128xf32, #tpu.memory_space<hbm>> -> memref<1x128xf32, #tpu.memory_space<hbm>>
      %dma_start3A_1485 = tpu.memref_squeeze %dma_start3A_1484 : memref<1x128xf32, #tpu.memory_space<hbm>> -> memref<128xf32, #tpu.memory_space<hbm>>
      tpu.enqueue_dma source(%dma_start3A_1485 : memref<128xf32, #tpu.memory_space<hbm>>) target(%dma_start3A_1482 : memref<128xf32, #tpu.memory_space<vmem>>) target_semaphore(%arg7 : memref<!tpu.dma_semaphore, #tpu.memory_space<semaphore_mem>>)
      %eq3A_1486 = arith.constant 15 : i32
      %eq3A_1487 = vector.broadcast %eq3A_1486 : i32 to vector<16xi32>
      %eq3A_1488 = arith.cmpi eq, %iota3A, %eq3A_1487 : vector<16xi32>
      %jit3A_1489 = arith.constant 0 : i32
      %broadcast_in_dim3A_1490 = vector.broadcast %jit3A_1489 : i32 to vector<16xi32>
      %select_n3A_1491 = arith.select %eq3A_1488, %get3A_1098, %broadcast_in_dim3A_1490 : vector<16xi1>, vector<16xi32>
      %reduce_sum3A_1492 = arith.constant true
      %reduce_sum3A_1493 = vector.broadcast %reduce_sum3A_1492 : i1 to vector<16xi1>
      %reduce_sum3A_1494 = tpu.scan <sum>, %select_n3A_1491 masked %reduce_sum3A_1493 : vector<16xi32>, vector<16xi1> -> vector<16xi32>
      %reduce_sum3A_1495 = vector.extract %reduce_sum3A_1494[15] : i32 from vector<16xi32>
      %mul3A_1496 = arith.constant 16 : i32
      %mul3A_1497 = arith.muli %scan3A_1093, %mul3A_1496 : i32
      %add3A_1498 = arith.constant 15 : i32
      %add3A_1499 = arith.addi %mul3A_1497, %add3A_1498 : i32
      %dma_start3A_1500 = arith.constant 0 : i32
      %dma_start3A_1501 = tpu.memref_slice %arg6[%add3A_1499, %dma_start3A_1500] : memref<512x128xf32, #tpu.memory_space<vmem>> -> memref<1x128xf32, #tpu.memory_space<vmem>>
      %dma_start3A_1502 = tpu.memref_squeeze %dma_start3A_1501 : memref<1x128xf32, #tpu.memory_space<vmem>> -> memref<128xf32, #tpu.memory_space<vmem>>
      %dma_start3A_1503 = arith.constant 0 : i32
      %dma_start3A_1504 = tpu.memref_slice %arg3[%reduce_sum3A_1495, %dma_start3A_1503] : memref<253952x128xf32, #tpu.memory_space<hbm>> -> memref<1x128xf32, #tpu.memory_space<hbm>>
      %dma_start3A_1505 = tpu.memref_squeeze %dma_start3A_1504 : memref<1x128xf32, #tpu.memory_space<hbm>> -> memref<128xf32, #tpu.memory_space<hbm>>
      %dma_start3A_1506 = arith.constant 0 : i32
      %dma_start3A_1507 = tpu.memref_slice %arg6[%add3A_1499, %dma_start3A_1506] : memref<512x128xf32, #tpu.memory_space<vmem>> -> memref<1x128xf32, #tpu.memory_space<vmem>>
      %dma_start3A_1508 = tpu.memref_squeeze %dma_start3A_1507 : memref<1x128xf32, #tpu.memory_space<vmem>> -> memref<128xf32, #tpu.memory_space<vmem>>
      %dma_start3A_1509 = arith.constant 0 : i32
      %dma_start3A_1510 = tpu.memref_slice %arg3[%reduce_sum3A_1495, %dma_start3A_1509] : memref<253952x128xf32, #tpu.memory_space<hbm>> -> memref<1x128xf32, #tpu.memory_space<hbm>>
      %dma_start3A_1511 = tpu.memref_squeeze %dma_start3A_1510 : memref<1x128xf32, #tpu.memory_space<hbm>> -> memref<128xf32, #tpu.memory_space<hbm>>
      tpu.enqueue_dma source(%dma_start3A_1511 : memref<128xf32, #tpu.memory_space<hbm>>) target(%dma_start3A_1508 : memref<128xf32, #tpu.memory_space<vmem>>) target_semaphore(%arg7 : memref<!tpu.dma_semaphore, #tpu.memory_space<semaphore_mem>>)
      %scan3A_1512 = arith.constant 0 : i32
      scf.yield %scan3A_1512 : i32
    }
    %scan3A_1089 = arith.constant 32 : i32
    %dma_wait3A = arith.constant 0 : i32
    %dma_wait3A_1090 = tpu.memref_slice %arg4[%mul3A_2, %dma_wait3A] : memref<16384x128xf32, #tpu.memory_space<hbm>> -> memref<512x128xf32, #tpu.memory_space<hbm>>
    %dma_wait3A_1091 = arith.constant 0 : i32
    %dma_wait3A_1092 = tpu.memref_slice %arg4[%mul3A_2, %dma_wait3A_1091] : memref<16384x128xf32, #tpu.memory_space<hbm>> -> memref<512x128xf32, #tpu.memory_space<hbm>>
    tpu.wait_dma2 semaphore(%arg7 : memref<!tpu.dma_semaphore, #tpu.memory_space<semaphore_mem>>) src(%dma_wait3A_1092 : memref<512x128xf32, #tpu.memory_space<hbm>>) dst(%arg6 : memref<512x128xf32, #tpu.memory_space<vmem>>)
    "tpu.region"() ({
      %run_scoped3A = tpu.sem_alloc : memref<!tpu.dma_semaphore, #tpu.memory_space<semaphore_mem>>
      %dma_start3A = arith.constant 0 : i32
      %dma_start3A_1093 = tpu.memref_slice %arg4[%mul3A_2, %dma_start3A] : memref<16384x128xf32, #tpu.memory_space<hbm>> -> memref<512x128xf32, #tpu.memory_space<hbm>>
      %dma_start3A_1094 = arith.constant 0 : i32
      %dma_start3A_1095 = tpu.memref_slice %arg4[%mul3A_2, %dma_start3A_1094] : memref<16384x128xf32, #tpu.memory_space<hbm>> -> memref<512x128xf32, #tpu.memory_space<hbm>>
      tpu.enqueue_dma source(%arg6 : memref<512x128xf32, #tpu.memory_space<vmem>>) target(%dma_start3A_1095 : memref<512x128xf32, #tpu.memory_space<hbm>>) target_semaphore(%run_scoped3A : memref<!tpu.dma_semaphore, #tpu.memory_space<semaphore_mem>>)
      %dma_wait3A_1096 = arith.constant 0 : i32
      %dma_wait3A_1097 = tpu.memref_slice %arg4[%mul3A_2, %dma_wait3A_1096] : memref<16384x128xf32, #tpu.memory_space<hbm>> -> memref<512x128xf32, #tpu.memory_space<hbm>>
      %dma_wait3A_1098 = arith.constant 0 : i32
      %dma_wait3A_1099 = tpu.memref_slice %arg4[%mul3A_2, %dma_wait3A_1098] : memref<16384x128xf32, #tpu.memory_space<hbm>> -> memref<512x128xf32, #tpu.memory_space<hbm>>
      tpu.wait_dma2 semaphore(%run_scoped3A : memref<!tpu.dma_semaphore, #tpu.memory_space<semaphore_mem>>) src(%arg6 : memref<512x128xf32, #tpu.memory_space<vmem>>) dst(%dma_wait3A_1099 : memref<512x128xf32, #tpu.memory_space<hbm>>)
      tpu.yield
    }) : () -> ()
    return
  }
}

#map = affine_map<(d0, d1) -> (0)>
#map1 = affine_map<(d0, d1) -> (0, 0)>
module attributes {stable_mosaic.version = 14 : i64} {
  func.func @gather_k(%arg0: i32, %arg1: i32, %arg2: memref<16384xi32, #tpu.memory_space<hbm>>, %arg3: memref<253952x128xf32, #tpu.memory_space<hbm>>, %arg4: memref<16384x128xf32, #tpu.memory_space<hbm>>, %arg5: memref<512xi32, #tpu.memory_space<vmem>>, %arg6: memref<512x128xf32, #tpu.memory_space<vmem>>, %arg7: memref<!tpu.dma_semaphore, #tpu.memory_space<semaphore_mem>>) attributes {dimension_semantics = [#tpu.dimension_semantics<core_parallel>, #tpu.dimension_semantics<subcore_parallel>], iteration_bounds = array<i64: 2, 16>, scalar_prefetch = 0 : i64, scratch_operands = 3 : i64, tpu.core_type = #tpu.core_type<sc_vector_subcore>, window_params = [{transform_indices = #map}, {transform_indices = #map1}, {transform_indices = #map1}]} {
    %mul3A = arith.constant 2 : i32
    %mul3A_0 = arith.muli %arg1, %mul3A : i32
    %add3A = arith.addi %mul3A_0, %arg0 : i32
    %mul3A_1 = arith.constant 512 : i32
    %mul3A_2 = arith.muli %add3A, %mul3A_1 : i32
    %iota3A = tpu.iota {dimensions = array<i32: 0>} : vector<16xi32>
    "tpu.region"() ({
      %run_scoped3A = tpu.sem_alloc : memref<!tpu.dma_semaphore, #tpu.memory_space<semaphore_mem>>
      %dma_start3A = tpu.memref_slice %arg2[%mul3A_2] : memref<16384xi32, #tpu.memory_space<hbm>> -> memref<512xi32, #tpu.memory_space<hbm>>
      %dma_start3A_1093 = tpu.memref_slice %arg2[%mul3A_2] : memref<16384xi32, #tpu.memory_space<hbm>> -> memref<512xi32, #tpu.memory_space<hbm>>
      tpu.enqueue_dma source(%dma_start3A_1093 : memref<512xi32, #tpu.memory_space<hbm>>) target(%arg5 : memref<512xi32, #tpu.memory_space<vmem>>) target_semaphore(%run_scoped3A : memref<!tpu.dma_semaphore, #tpu.memory_space<semaphore_mem>>)
      %dma_wait3A_1094 = tpu.memref_slice %arg2[%mul3A_2] : memref<16384xi32, #tpu.memory_space<hbm>> -> memref<512xi32, #tpu.memory_space<hbm>>
      %dma_wait3A_1095 = tpu.memref_slice %arg2[%mul3A_2] : memref<16384xi32, #tpu.memory_space<hbm>> -> memref<512xi32, #tpu.memory_space<hbm>>
      tpu.wait_dma2 semaphore(%run_scoped3A : memref<!tpu.dma_semaphore, #tpu.memory_space<semaphore_mem>>) src(%dma_wait3A_1095 : memref<512xi32, #tpu.memory_space<hbm>>) dst(%arg5 : memref<512xi32, #tpu.memory_space<vmem>>)
      tpu.yield
    }) : () -> ()
    %get3A = arith.constant 0 : index
    %get3A_3 = tpu.vector_load %arg5[%get3A] {strides = array<i32>} : memref<512xi32, #tpu.memory_space<vmem>>, vector<16xi32>,
    %ge3A = arith.constant 253952 : i32
    %ge3A_4 = vector.broadcast %ge3A : i32 to vector<16xi32>
    %ge3A_5 = arith.cmpi sge, %get3A_3, %ge3A_4 : vector<16xi32>
    %jit3A = arith.constant 1 : i32
    %jit3A_6 = arith.constant 0 : i32
    %broadcast_in_dim3A = vector.broadcast %jit3A : i32 to vector<16xi32>
    %broadcast_in_dim3A_7 = vector.broadcast %jit3A_6 : i32 to vector<16xi32>
    %select_n3A = arith.select %ge3A_5, %broadcast_in_dim3A, %broadcast_in_dim3A_7 : vector<16xi1>, vector<16xi32>
    %ge3A_8 = arith.constant 507904 : i32
    %ge3A_9 = vector.broadcast %ge3A_8 : i32 to vector<16xi32>
    %ge3A_10 = arith.cmpi sge, %get3A_3, %ge3A_9 : vector<16xi32>
    %jit3A_11 = arith.constant 1 : i32
    %jit3A_12 = arith.constant 0 : i32
    %broadcast_in_dim3A_13 = vector.broadcast %jit3A_11 : i32 to vector<16xi32>
    %broadcast_in_dim3A_14 = vector.broadcast %jit3A_12 : i32 to vector<16xi32>
    %select_n3A_15 = arith.select %ge3A_10, %broadcast_in_dim3A_13, %broadcast_in_dim3A_14 : vector<16xi1>, vector<16xi32>
    %add3A_16 = arith.addi %select_n3A, %select_n3A_15 : vector<16xi32>
    %ge3A_17 = arith.constant 761856 : i32
    %ge3A_18 = vector.broadcast %ge3A_17 : i32 to vector<16xi32>
    %ge3A_19 = arith.cmpi sge, %get3A_3, %ge3A_18 : vector<16xi32>
    %jit3A_20 = arith.constant 1 : i32
    %jit3A_21 = arith.constant 0 : i32
    %broadcast_in_dim3A_22 = vector.broadcast %jit3A_20 : i32 to vector<16xi32>
    %broadcast_in_dim3A_23 = vector.broadcast %jit3A_21 : i32 to vector<16xi32>
    %select_n3A_24 = arith.select %ge3A_19, %broadcast_in_dim3A_22, %broadcast_in_dim3A_23 : vector<16xi1>, vector<16xi32>
    %add3A_25 = arith.addi %add3A_16, %select_n3A_24 : vector<16xi32>
    %mul3A_26 = arith.constant 253952 : i32
    %mul3A_27 = vector.broadcast %mul3A_26 : i32 to vector<16xi32>
    %mul3A_28 = arith.muli %add3A_25, %mul3A_27 : vector<16xi32>
    %sub3A = arith.subi %get3A_3, %mul3A_28 : vector<16xi32>
    %swap3A = arith.constant 0 : index
    %swap3A_29 = tpu.vector_load %arg5[%swap3A] {strides = array<i32>} : memref<512xi32, #tpu.memory_space<vmem>>, vector<16xi32>,
    tpu.vector_store %arg5[%swap3A], %sub3A {strides = array<i32>} : memref<512xi32, #tpu.memory_space<vmem>>, vector<16xi32>,
    %get3A_30 = arith.constant 16 : index
    %get3A_31 = tpu.vector_load %arg5[%get3A_30] {strides = array<i32>} : memref<512xi32, #tpu.memory_space<vmem>>, vector<16xi32>,
    %ge3A_32 = arith.constant 253952 : i32
    %ge3A_33 = vector.broadcast %ge3A_32 : i32 to vector<16xi32>
    %ge3A_34 = arith.cmpi sge, %get3A_31, %ge3A_33 : vector<16xi32>
    %jit3A_35 = arith.constant 1 : i32
    %jit3A_36 = arith.constant 0 : i32
    %broadcast_in_dim3A_37 = vector.broadcast %jit3A_35 : i32 to vector<16xi32>
    %broadcast_in_dim3A_38 = vector.broadcast %jit3A_36 : i32 to vector<16xi32>
    %select_n3A_39 = arith.select %ge3A_34, %broadcast_in_dim3A_37, %broadcast_in_dim3A_38 : vector<16xi1>, vector<16xi32>
    %ge3A_40 = arith.constant 507904 : i32
    %ge3A_41 = vector.broadcast %ge3A_40 : i32 to vector<16xi32>
    %ge3A_42 = arith.cmpi sge, %get3A_31, %ge3A_41 : vector<16xi32>
    %jit3A_43 = arith.constant 1 : i32
    %jit3A_44 = arith.constant 0 : i32
    %broadcast_in_dim3A_45 = vector.broadcast %jit3A_43 : i32 to vector<16xi32>
    %broadcast_in_dim3A_46 = vector.broadcast %jit3A_44 : i32 to vector<16xi32>
    %select_n3A_47 = arith.select %ge3A_42, %broadcast_in_dim3A_45, %broadcast_in_dim3A_46 : vector<16xi1>, vector<16xi32>
    %add3A_48 = arith.addi %select_n3A_39, %select_n3A_47 : vector<16xi32>
    %ge3A_49 = arith.constant 761856 : i32
    %ge3A_50 = vector.broadcast %ge3A_49 : i32 to vector<16xi32>
    %ge3A_51 = arith.cmpi sge, %get3A_31, %ge3A_50 : vector<16xi32>
    %jit3A_52 = arith.constant 1 : i32
    %jit3A_53 = arith.constant 0 : i32
    %broadcast_in_dim3A_54 = vector.broadcast %jit3A_52 : i32 to vector<16xi32>
    %broadcast_in_dim3A_55 = vector.broadcast %jit3A_53 : i32 to vector<16xi32>
    %select_n3A_56 = arith.select %ge3A_51, %broadcast_in_dim3A_54, %broadcast_in_dim3A_55 : vector<16xi1>, vector<16xi32>
    %add3A_57 = arith.addi %add3A_48, %select_n3A_56 : vector<16xi32>
    %mul3A_58 = arith.constant 253952 : i32
    %mul3A_59 = vector.broadcast %mul3A_58 : i32 to vector<16xi32>
    %mul3A_60 = arith.muli %add3A_57, %mul3A_59 : vector<16xi32>
    %sub3A_61 = arith.subi %get3A_31, %mul3A_60 : vector<16xi32>
    %swap3A_62 = arith.constant 16 : index
    %swap3A_63 = tpu.vector_load %arg5[%swap3A_62] {strides = array<i32>} : memref<512xi32, #tpu.memory_space<vmem>>, vector<16xi32>,
    tpu.vector_store %arg5[%swap3A_62], %sub3A_61 {strides = array<i32>} : memref<512xi32, #tpu.memory_space<vmem>>, vector<16xi32>,
    %get3A_64 = arith.constant 32 : index
    %get3A_65 = tpu.vector_load %arg5[%get3A_64] {strides = array<i32>} : memref<512xi32, #tpu.memory_space<vmem>>, vector<16xi32>,
    %ge3A_66 = arith.constant 253952 : i32
    %ge3A_67 = vector.broadcast %ge3A_66 : i32 to vector<16xi32>
    %ge3A_68 = arith.cmpi sge, %get3A_65, %ge3A_67 : vector<16xi32>
    %jit3A_69 = arith.constant 1 : i32
    %jit3A_70 = arith.constant 0 : i32
    %broadcast_in_dim3A_71 = vector.broadcast %jit3A_69 : i32 to vector<16xi32>
    %broadcast_in_dim3A_72 = vector.broadcast %jit3A_70 : i32 to vector<16xi32>
    %select_n3A_73 = arith.select %ge3A_68, %broadcast_in_dim3A_71, %broadcast_in_dim3A_72 : vector<16xi1>, vector<16xi32>
    %ge3A_74 = arith.constant 507904 : i32
    %ge3A_75 = vector.broadcast %ge3A_74 : i32 to vector<16xi32>
    %ge3A_76 = arith.cmpi sge, %get3A_65, %ge3A_75 : vector<16xi32>
    %jit3A_77 = arith.constant 1 : i32
    %jit3A_78 = arith.constant 0 : i32
    %broadcast_in_dim3A_79 = vector.broadcast %jit3A_77 : i32 to vector<16xi32>
    %broadcast_in_dim3A_80 = vector.broadcast %jit3A_78 : i32 to vector<16xi32>
    %select_n3A_81 = arith.select %ge3A_76, %broadcast_in_dim3A_79, %broadcast_in_dim3A_80 : vector<16xi1>, vector<16xi32>
    %add3A_82 = arith.addi %select_n3A_73, %select_n3A_81 : vector<16xi32>
    %ge3A_83 = arith.constant 761856 : i32
    %ge3A_84 = vector.broadcast %ge3A_83 : i32 to vector<16xi32>
    %ge3A_85 = arith.cmpi sge, %get3A_65, %ge3A_84 : vector<16xi32>
    %jit3A_86 = arith.constant 1 : i32
    %jit3A_87 = arith.constant 0 : i32
    %broadcast_in_dim3A_88 = vector.broadcast %jit3A_86 : i32 to vector<16xi32>
    %broadcast_in_dim3A_89 = vector.broadcast %jit3A_87 : i32 to vector<16xi32>
    %select_n3A_90 = arith.select %ge3A_85, %broadcast_in_dim3A_88, %broadcast_in_dim3A_89 : vector<16xi1>, vector<16xi32>
    %add3A_91 = arith.addi %add3A_82, %select_n3A_90 : vector<16xi32>
    %mul3A_92 = arith.constant 253952 : i32
    %mul3A_93 = vector.broadcast %mul3A_92 : i32 to vector<16xi32>
    %mul3A_94 = arith.muli %add3A_91, %mul3A_93 : vector<16xi32>
    %sub3A_95 = arith.subi %get3A_65, %mul3A_94 : vector<16xi32>
    %swap3A_96 = arith.constant 32 : index
    %swap3A_97 = tpu.vector_load %arg5[%swap3A_96] {strides = array<i32>} : memref<512xi32, #tpu.memory_space<vmem>>, vector<16xi32>,
    tpu.vector_store %arg5[%swap3A_96], %sub3A_95 {strides = array<i32>} : memref<512xi32, #tpu.memory_space<vmem>>, vector<16xi32>,
    %get3A_98 = arith.constant 48 : index
    %get3A_99 = tpu.vector_load %arg5[%get3A_98] {strides = array<i32>} : memref<512xi32, #tpu.memory_space<vmem>>, vector<16xi32>,
    %ge3A_100 = arith.constant 253952 : i32
    %ge3A_101 = vector.broadcast %ge3A_100 : i32 to vector<16xi32>
    %ge3A_102 = arith.cmpi sge, %get3A_99, %ge3A_101 : vector<16xi32>
    %jit3A_103 = arith.constant 1 : i32
    %jit3A_104 = arith.constant 0 : i32
    %broadcast_in_dim3A_105 = vector.broadcast %jit3A_103 : i32 to vector<16xi32>
    %broadcast_in_dim3A_106 = vector.broadcast %jit3A_104 : i32 to vector<16xi32>
    %select_n3A_107 = arith.select %ge3A_102, %broadcast_in_dim3A_105, %broadcast_in_dim3A_106 : vector<16xi1>, vector<16xi32>
    %ge3A_108 = arith.constant 507904 : i32
    %ge3A_109 = vector.broadcast %ge3A_108 : i32 to vector<16xi32>
    %ge3A_110 = arith.cmpi sge, %get3A_99, %ge3A_109 : vector<16xi32>
    %jit3A_111 = arith.constant 1 : i32
    %jit3A_112 = arith.constant 0 : i32
    %broadcast_in_dim3A_113 = vector.broadcast %jit3A_111 : i32 to vector<16xi32>
    %broadcast_in_dim3A_114 = vector.broadcast %jit3A_112 : i32 to vector<16xi32>
    %select_n3A_115 = arith.select %ge3A_110, %broadcast_in_dim3A_113, %broadcast_in_dim3A_114 : vector<16xi1>, vector<16xi32>
    %add3A_116 = arith.addi %select_n3A_107, %select_n3A_115 : vector<16xi32>
    %ge3A_117 = arith.constant 761856 : i32
    %ge3A_118 = vector.broadcast %ge3A_117 : i32 to vector<16xi32>
    %ge3A_119 = arith.cmpi sge, %get3A_99, %ge3A_118 : vector<16xi32>
    %jit3A_120 = arith.constant 1 : i32
    %jit3A_121 = arith.constant 0 : i32
    %broadcast_in_dim3A_122 = vector.broadcast %jit3A_120 : i32 to vector<16xi32>
    %broadcast_in_dim3A_123 = vector.broadcast %jit3A_121 : i32 to vector<16xi32>
    %select_n3A_124 = arith.select %ge3A_119, %broadcast_in_dim3A_122, %broadcast_in_dim3A_123 : vector<16xi1>, vector<16xi32>
    %add3A_125 = arith.addi %add3A_116, %select_n3A_124 : vector<16xi32>
    %mul3A_126 = arith.constant 253952 : i32
    %mul3A_127 = vector.broadcast %mul3A_126 : i32 to vector<16xi32>
    %mul3A_128 = arith.muli %add3A_125, %mul3A_127 : vector<16xi32>
    %sub3A_129 = arith.subi %get3A_99, %mul3A_128 : vector<16xi32>
    %swap3A_130 = arith.constant 48 : index
    %swap3A_131 = tpu.vector_load %arg5[%swap3A_130] {strides = array<i32>} : memref<512xi32, #tpu.memory_space<vmem>>, vector<16xi32>,
    tpu.vector_store %arg5[%swap3A_130], %sub3A_129 {strides = array<i32>} : memref<512xi32, #tpu.memory_space<vmem>>, vector<16xi32>,
    %get3A_132 = arith.constant 64 : index
    %get3A_133 = tpu.vector_load %arg5[%get3A_132] {strides = array<i32>} : memref<512xi32, #tpu.memory_space<vmem>>, vector<16xi32>,
    %ge3A_134 = arith.constant 253952 : i32
    %ge3A_135 = vector.broadcast %ge3A_134 : i32 to vector<16xi32>
    %ge3A_136 = arith.cmpi sge, %get3A_133, %ge3A_135 : vector<16xi32>
    %jit3A_137 = arith.constant 1 : i32
    %jit3A_138 = arith.constant 0 : i32
    %broadcast_in_dim3A_139 = vector.broadcast %jit3A_137 : i32 to vector<16xi32>
    %broadcast_in_dim3A_140 = vector.broadcast %jit3A_138 : i32 to vector<16xi32>
    %select_n3A_141 = arith.select %ge3A_136, %broadcast_in_dim3A_139, %broadcast_in_dim3A_140 : vector<16xi1>, vector<16xi32>
    %ge3A_142 = arith.constant 507904 : i32
    %ge3A_143 = vector.broadcast %ge3A_142 : i32 to vector<16xi32>
    %ge3A_144 = arith.cmpi sge, %get3A_133, %ge3A_143 : vector<16xi32>
    %jit3A_145 = arith.constant 1 : i32
    %jit3A_146 = arith.constant 0 : i32
    %broadcast_in_dim3A_147 = vector.broadcast %jit3A_145 : i32 to vector<16xi32>
    %broadcast_in_dim3A_148 = vector.broadcast %jit3A_146 : i32 to vector<16xi32>
    %select_n3A_149 = arith.select %ge3A_144, %broadcast_in_dim3A_147, %broadcast_in_dim3A_148 : vector<16xi1>, vector<16xi32>
    %add3A_150 = arith.addi %select_n3A_141, %select_n3A_149 : vector<16xi32>
    %ge3A_151 = arith.constant 761856 : i32
    %ge3A_152 = vector.broadcast %ge3A_151 : i32 to vector<16xi32>
    %ge3A_153 = arith.cmpi sge, %get3A_133, %ge3A_152 : vector<16xi32>
    %jit3A_154 = arith.constant 1 : i32
    %jit3A_155 = arith.constant 0 : i32
    %broadcast_in_dim3A_156 = vector.broadcast %jit3A_154 : i32 to vector<16xi32>
    %broadcast_in_dim3A_157 = vector.broadcast %jit3A_155 : i32 to vector<16xi32>
    %select_n3A_158 = arith.select %ge3A_153, %broadcast_in_dim3A_156, %broadcast_in_dim3A_157 : vector<16xi1>, vector<16xi32>
    %add3A_159 = arith.addi %add3A_150, %select_n3A_158 : vector<16xi32>
    %mul3A_160 = arith.constant 253952 : i32
    %mul3A_161 = vector.broadcast %mul3A_160 : i32 to vector<16xi32>
    %mul3A_162 = arith.muli %add3A_159, %mul3A_161 : vector<16xi32>
    %sub3A_163 = arith.subi %get3A_133, %mul3A_162 : vector<16xi32>
    %swap3A_164 = arith.constant 64 : index
    %swap3A_165 = tpu.vector_load %arg5[%swap3A_164] {strides = array<i32>} : memref<512xi32, #tpu.memory_space<vmem>>, vector<16xi32>,
    tpu.vector_store %arg5[%swap3A_164], %sub3A_163 {strides = array<i32>} : memref<512xi32, #tpu.memory_space<vmem>>, vector<16xi32>,
    %get3A_166 = arith.constant 80 : index
    %get3A_167 = tpu.vector_load %arg5[%get3A_166] {strides = array<i32>} : memref<512xi32, #tpu.memory_space<vmem>>, vector<16xi32>,
    %ge3A_168 = arith.constant 253952 : i32
    %ge3A_169 = vector.broadcast %ge3A_168 : i32 to vector<16xi32>
    %ge3A_170 = arith.cmpi sge, %get3A_167, %ge3A_169 : vector<16xi32>
    %jit3A_171 = arith.constant 1 : i32
    %jit3A_172 = arith.constant 0 : i32
    %broadcast_in_dim3A_173 = vector.broadcast %jit3A_171 : i32 to vector<16xi32>
    %broadcast_in_dim3A_174 = vector.broadcast %jit3A_172 : i32 to vector<16xi32>
    %select_n3A_175 = arith.select %ge3A_170, %broadcast_in_dim3A_173, %broadcast_in_dim3A_174 : vector<16xi1>, vector<16xi32>
    %ge3A_176 = arith.constant 507904 : i32
    %ge3A_177 = vector.broadcast %ge3A_176 : i32 to vector<16xi32>
    %ge3A_178 = arith.cmpi sge, %get3A_167, %ge3A_177 : vector<16xi32>
    %jit3A_179 = arith.constant 1 : i32
    %jit3A_180 = arith.constant 0 : i32
    %broadcast_in_dim3A_181 = vector.broadcast %jit3A_179 : i32 to vector<16xi32>
    %broadcast_in_dim3A_182 = vector.broadcast %jit3A_180 : i32 to vector<16xi32>
    %select_n3A_183 = arith.select %ge3A_178, %broadcast_in_dim3A_181, %broadcast_in_dim3A_182 : vector<16xi1>, vector<16xi32>
    %add3A_184 = arith.addi %select_n3A_175, %select_n3A_183 : vector<16xi32>
    %ge3A_185 = arith.constant 761856 : i32
    %ge3A_186 = vector.broadcast %ge3A_185 : i32 to vector<16xi32>
    %ge3A_187 = arith.cmpi sge, %get3A_167, %ge3A_186 : vector<16xi32>
    %jit3A_188 = arith.constant 1 : i32
    %jit3A_189 = arith.constant 0 : i32
    %broadcast_in_dim3A_190 = vector.broadcast %jit3A_188 : i32 to vector<16xi32>
    %broadcast_in_dim3A_191 = vector.broadcast %jit3A_189 : i32 to vector<16xi32>
    %select_n3A_192 = arith.select %ge3A_187, %broadcast_in_dim3A_190, %broadcast_in_dim3A_191 : vector<16xi1>, vector<16xi32>
    %add3A_193 = arith.addi %add3A_184, %select_n3A_192 : vector<16xi32>
    %mul3A_194 = arith.constant 253952 : i32
    %mul3A_195 = vector.broadcast %mul3A_194 : i32 to vector<16xi32>
    %mul3A_196 = arith.muli %add3A_193, %mul3A_195 : vector<16xi32>
    %sub3A_197 = arith.subi %get3A_167, %mul3A_196 : vector<16xi32>
    %swap3A_198 = arith.constant 80 : index
    %swap3A_199 = tpu.vector_load %arg5[%swap3A_198] {strides = array<i32>} : memref<512xi32, #tpu.memory_space<vmem>>, vector<16xi32>,
    tpu.vector_store %arg5[%swap3A_198], %sub3A_197 {strides = array<i32>} : memref<512xi32, #tpu.memory_space<vmem>>, vector<16xi32>,
    %get3A_200 = arith.constant 96 : index
    %get3A_201 = tpu.vector_load %arg5[%get3A_200] {strides = array<i32>} : memref<512xi32, #tpu.memory_space<vmem>>, vector<16xi32>,
    %ge3A_202 = arith.constant 253952 : i32
    %ge3A_203 = vector.broadcast %ge3A_202 : i32 to vector<16xi32>
    %ge3A_204 = arith.cmpi sge, %get3A_201, %ge3A_203 : vector<16xi32>
    %jit3A_205 = arith.constant 1 : i32
    %jit3A_206 = arith.constant 0 : i32
    %broadcast_in_dim3A_207 = vector.broadcast %jit3A_205 : i32 to vector<16xi32>
    %broadcast_in_dim3A_208 = vector.broadcast %jit3A_206 : i32 to vector<16xi32>
    %select_n3A_209 = arith.select %ge3A_204, %broadcast_in_dim3A_207, %broadcast_in_dim3A_208 : vector<16xi1>, vector<16xi32>
    %ge3A_210 = arith.constant 507904 : i32
    %ge3A_211 = vector.broadcast %ge3A_210 : i32 to vector<16xi32>
    %ge3A_212 = arith.cmpi sge, %get3A_201, %ge3A_211 : vector<16xi32>
    %jit3A_213 = arith.constant 1 : i32
    %jit3A_214 = arith.constant 0 : i32
    %broadcast_in_dim3A_215 = vector.broadcast %jit3A_213 : i32 to vector<16xi32>
    %broadcast_in_dim3A_216 = vector.broadcast %jit3A_214 : i32 to vector<16xi32>
    %select_n3A_217 = arith.select %ge3A_212, %broadcast_in_dim3A_215, %broadcast_in_dim3A_216 : vector<16xi1>, vector<16xi32>
    %add3A_218 = arith.addi %select_n3A_209, %select_n3A_217 : vector<16xi32>
    %ge3A_219 = arith.constant 761856 : i32
    %ge3A_220 = vector.broadcast %ge3A_219 : i32 to vector<16xi32>
    %ge3A_221 = arith.cmpi sge, %get3A_201, %ge3A_220 : vector<16xi32>
    %jit3A_222 = arith.constant 1 : i32
    %jit3A_223 = arith.constant 0 : i32
    %broadcast_in_dim3A_224 = vector.broadcast %jit3A_222 : i32 to vector<16xi32>
    %broadcast_in_dim3A_225 = vector.broadcast %jit3A_223 : i32 to vector<16xi32>
    %select_n3A_226 = arith.select %ge3A_221, %broadcast_in_dim3A_224, %broadcast_in_dim3A_225 : vector<16xi1>, vector<16xi32>
    %add3A_227 = arith.addi %add3A_218, %select_n3A_226 : vector<16xi32>
    %mul3A_228 = arith.constant 253952 : i32
    %mul3A_229 = vector.broadcast %mul3A_228 : i32 to vector<16xi32>
    %mul3A_230 = arith.muli %add3A_227, %mul3A_229 : vector<16xi32>
    %sub3A_231 = arith.subi %get3A_201, %mul3A_230 : vector<16xi32>
    %swap3A_232 = arith.constant 96 : index
    %swap3A_233 = tpu.vector_load %arg5[%swap3A_232] {strides = array<i32>} : memref<512xi32, #tpu.memory_space<vmem>>, vector<16xi32>,
    tpu.vector_store %arg5[%swap3A_232], %sub3A_231 {strides = array<i32>} : memref<512xi32, #tpu.memory_space<vmem>>, vector<16xi32>,
    %get3A_234 = arith.constant 112 : index
    %get3A_235 = tpu.vector_load %arg5[%get3A_234] {strides = array<i32>} : memref<512xi32, #tpu.memory_space<vmem>>, vector<16xi32>,
    %ge3A_236 = arith.constant 253952 : i32
    %ge3A_237 = vector.broadcast %ge3A_236 : i32 to vector<16xi32>
    %ge3A_238 = arith.cmpi sge, %get3A_235, %ge3A_237 : vector<16xi32>
    %jit3A_239 = arith.constant 1 : i32
    %jit3A_240 = arith.constant 0 : i32
    %broadcast_in_dim3A_241 = vector.broadcast %jit3A_239 : i32 to vector<16xi32>
    %broadcast_in_dim3A_242 = vector.broadcast %jit3A_240 : i32 to vector<16xi32>
    %select_n3A_243 = arith.select %ge3A_238, %broadcast_in_dim3A_241, %broadcast_in_dim3A_242 : vector<16xi1>, vector<16xi32>
    %ge3A_244 = arith.constant 507904 : i32
    %ge3A_245 = vector.broadcast %ge3A_244 : i32 to vector<16xi32>
    %ge3A_246 = arith.cmpi sge, %get3A_235, %ge3A_245 : vector<16xi32>
    %jit3A_247 = arith.constant 1 : i32
    %jit3A_248 = arith.constant 0 : i32
    %broadcast_in_dim3A_249 = vector.broadcast %jit3A_247 : i32 to vector<16xi32>
    %broadcast_in_dim3A_250 = vector.broadcast %jit3A_248 : i32 to vector<16xi32>
    %select_n3A_251 = arith.select %ge3A_246, %broadcast_in_dim3A_249, %broadcast_in_dim3A_250 : vector<16xi1>, vector<16xi32>
    %add3A_252 = arith.addi %select_n3A_243, %select_n3A_251 : vector<16xi32>
    %ge3A_253 = arith.constant 761856 : i32
    %ge3A_254 = vector.broadcast %ge3A_253 : i32 to vector<16xi32>
    %ge3A_255 = arith.cmpi sge, %get3A_235, %ge3A_254 : vector<16xi32>
    %jit3A_256 = arith.constant 1 : i32
    %jit3A_257 = arith.constant 0 : i32
    %broadcast_in_dim3A_258 = vector.broadcast %jit3A_256 : i32 to vector<16xi32>
    %broadcast_in_dim3A_259 = vector.broadcast %jit3A_257 : i32 to vector<16xi32>
    %select_n3A_260 = arith.select %ge3A_255, %broadcast_in_dim3A_258, %broadcast_in_dim3A_259 : vector<16xi1>, vector<16xi32>
    %add3A_261 = arith.addi %add3A_252, %select_n3A_260 : vector<16xi32>
    %mul3A_262 = arith.constant 253952 : i32
    %mul3A_263 = vector.broadcast %mul3A_262 : i32 to vector<16xi32>
    %mul3A_264 = arith.muli %add3A_261, %mul3A_263 : vector<16xi32>
    %sub3A_265 = arith.subi %get3A_235, %mul3A_264 : vector<16xi32>
    %swap3A_266 = arith.constant 112 : index
    %swap3A_267 = tpu.vector_load %arg5[%swap3A_266] {strides = array<i32>} : memref<512xi32, #tpu.memory_space<vmem>>, vector<16xi32>,
    tpu.vector_store %arg5[%swap3A_266], %sub3A_265 {strides = array<i32>} : memref<512xi32, #tpu.memory_space<vmem>>, vector<16xi32>,
    %get3A_268 = arith.constant 128 : index
    %get3A_269 = tpu.vector_load %arg5[%get3A_268] {strides = array<i32>} : memref<512xi32, #tpu.memory_space<vmem>>, vector<16xi32>,
    %ge3A_270 = arith.constant 253952 : i32
    %ge3A_271 = vector.broadcast %ge3A_270 : i32 to vector<16xi32>
    %ge3A_272 = arith.cmpi sge, %get3A_269, %ge3A_271 : vector<16xi32>
    %jit3A_273 = arith.constant 1 : i32
    %jit3A_274 = arith.constant 0 : i32
    %broadcast_in_dim3A_275 = vector.broadcast %jit3A_273 : i32 to vector<16xi32>
    %broadcast_in_dim3A_276 = vector.broadcast %jit3A_274 : i32 to vector<16xi32>
    %select_n3A_277 = arith.select %ge3A_272, %broadcast_in_dim3A_275, %broadcast_in_dim3A_276 : vector<16xi1>, vector<16xi32>
    %ge3A_278 = arith.constant 507904 : i32
    %ge3A_279 = vector.broadcast %ge3A_278 : i32 to vector<16xi32>
    %ge3A_280 = arith.cmpi sge, %get3A_269, %ge3A_279 : vector<16xi32>
    %jit3A_281 = arith.constant 1 : i32
    %jit3A_282 = arith.constant 0 : i32
    %broadcast_in_dim3A_283 = vector.broadcast %jit3A_281 : i32 to vector<16xi32>
    %broadcast_in_dim3A_284 = vector.broadcast %jit3A_282 : i32 to vector<16xi32>
    %select_n3A_285 = arith.select %ge3A_280, %broadcast_in_dim3A_283, %broadcast_in_dim3A_284 : vector<16xi1>, vector<16xi32>
    %add3A_286 = arith.addi %select_n3A_277, %select_n3A_285 : vector<16xi32>
    %ge3A_287 = arith.constant 761856 : i32
    %ge3A_288 = vector.broadcast %ge3A_287 : i32 to vector<16xi32>
    %ge3A_289 = arith.cmpi sge, %get3A_269, %ge3A_288 : vector<16xi32>
    %jit3A_290 = arith.constant 1 : i32
    %jit3A_291 = arith.constant 0 : i32
    %broadcast_in_dim3A_292 = vector.broadcast %jit3A_290 : i32 to vector<16xi32>
    %broadcast_in_dim3A_293 = vector.broadcast %jit3A_291 : i32 to vector<16xi32>
    %select_n3A_294 = arith.select %ge3A_289, %broadcast_in_dim3A_292, %broadcast_in_dim3A_293 : vector<16xi1>, vector<16xi32>
    %add3A_295 = arith.addi %add3A_286, %select_n3A_294 : vector<16xi32>
    %mul3A_296 = arith.constant 253952 : i32
    %mul3A_297 = vector.broadcast %mul3A_296 : i32 to vector<16xi32>
    %mul3A_298 = arith.muli %add3A_295, %mul3A_297 : vector<16xi32>
    %sub3A_299 = arith.subi %get3A_269, %mul3A_298 : vector<16xi32>
    %swap3A_300 = arith.constant 128 : index
    %swap3A_301 = tpu.vector_load %arg5[%swap3A_300] {strides = array<i32>} : memref<512xi32, #tpu.memory_space<vmem>>, vector<16xi32>,
    tpu.vector_store %arg5[%swap3A_300], %sub3A_299 {strides = array<i32>} : memref<512xi32, #tpu.memory_space<vmem>>, vector<16xi32>,
    %get3A_302 = arith.constant 144 : index
    %get3A_303 = tpu.vector_load %arg5[%get3A_302] {strides = array<i32>} : memref<512xi32, #tpu.memory_space<vmem>>, vector<16xi32>,
    %ge3A_304 = arith.constant 253952 : i32
    %ge3A_305 = vector.broadcast %ge3A_304 : i32 to vector<16xi32>
    %ge3A_306 = arith.cmpi sge, %get3A_303, %ge3A_305 : vector<16xi32>
    %jit3A_307 = arith.constant 1 : i32
    %jit3A_308 = arith.constant 0 : i32
    %broadcast_in_dim3A_309 = vector.broadcast %jit3A_307 : i32 to vector<16xi32>
    %broadcast_in_dim3A_310 = vector.broadcast %jit3A_308 : i32 to vector<16xi32>
    %select_n3A_311 = arith.select %ge3A_306, %broadcast_in_dim3A_309, %broadcast_in_dim3A_310 : vector<16xi1>, vector<16xi32>
    %ge3A_312 = arith.constant 507904 : i32
    %ge3A_313 = vector.broadcast %ge3A_312 : i32 to vector<16xi32>
    %ge3A_314 = arith.cmpi sge, %get3A_303, %ge3A_313 : vector<16xi32>
    %jit3A_315 = arith.constant 1 : i32
    %jit3A_316 = arith.constant 0 : i32
    %broadcast_in_dim3A_317 = vector.broadcast %jit3A_315 : i32 to vector<16xi32>
    %broadcast_in_dim3A_318 = vector.broadcast %jit3A_316 : i32 to vector<16xi32>
    %select_n3A_319 = arith.select %ge3A_314, %broadcast_in_dim3A_317, %broadcast_in_dim3A_318 : vector<16xi1>, vector<16xi32>
    %add3A_320 = arith.addi %select_n3A_311, %select_n3A_319 : vector<16xi32>
    %ge3A_321 = arith.constant 761856 : i32
    %ge3A_322 = vector.broadcast %ge3A_321 : i32 to vector<16xi32>
    %ge3A_323 = arith.cmpi sge, %get3A_303, %ge3A_322 : vector<16xi32>
    %jit3A_324 = arith.constant 1 : i32
    %jit3A_325 = arith.constant 0 : i32
    %broadcast_in_dim3A_326 = vector.broadcast %jit3A_324 : i32 to vector<16xi32>
    %broadcast_in_dim3A_327 = vector.broadcast %jit3A_325 : i32 to vector<16xi32>
    %select_n3A_328 = arith.select %ge3A_323, %broadcast_in_dim3A_326, %broadcast_in_dim3A_327 : vector<16xi1>, vector<16xi32>
    %add3A_329 = arith.addi %add3A_320, %select_n3A_328 : vector<16xi32>
    %mul3A_330 = arith.constant 253952 : i32
    %mul3A_331 = vector.broadcast %mul3A_330 : i32 to vector<16xi32>
    %mul3A_332 = arith.muli %add3A_329, %mul3A_331 : vector<16xi32>
    %sub3A_333 = arith.subi %get3A_303, %mul3A_332 : vector<16xi32>
    %swap3A_334 = arith.constant 144 : index
    %swap3A_335 = tpu.vector_load %arg5[%swap3A_334] {strides = array<i32>} : memref<512xi32, #tpu.memory_space<vmem>>, vector<16xi32>,
    tpu.vector_store %arg5[%swap3A_334], %sub3A_333 {strides = array<i32>} : memref<512xi32, #tpu.memory_space<vmem>>, vector<16xi32>,
    %get3A_336 = arith.constant 160 : index
    %get3A_337 = tpu.vector_load %arg5[%get3A_336] {strides = array<i32>} : memref<512xi32, #tpu.memory_space<vmem>>, vector<16xi32>,
    %ge3A_338 = arith.constant 253952 : i32
    %ge3A_339 = vector.broadcast %ge3A_338 : i32 to vector<16xi32>
    %ge3A_340 = arith.cmpi sge, %get3A_337, %ge3A_339 : vector<16xi32>
    %jit3A_341 = arith.constant 1 : i32
    %jit3A_342 = arith.constant 0 : i32
    %broadcast_in_dim3A_343 = vector.broadcast %jit3A_341 : i32 to vector<16xi32>
    %broadcast_in_dim3A_344 = vector.broadcast %jit3A_342 : i32 to vector<16xi32>
    %select_n3A_345 = arith.select %ge3A_340, %broadcast_in_dim3A_343, %broadcast_in_dim3A_344 : vector<16xi1>, vector<16xi32>
    %ge3A_346 = arith.constant 507904 : i32
    %ge3A_347 = vector.broadcast %ge3A_346 : i32 to vector<16xi32>
    %ge3A_348 = arith.cmpi sge, %get3A_337, %ge3A_347 : vector<16xi32>
    %jit3A_349 = arith.constant 1 : i32
    %jit3A_350 = arith.constant 0 : i32
    %broadcast_in_dim3A_351 = vector.broadcast %jit3A_349 : i32 to vector<16xi32>
    %broadcast_in_dim3A_352 = vector.broadcast %jit3A_350 : i32 to vector<16xi32>
    %select_n3A_353 = arith.select %ge3A_348, %broadcast_in_dim3A_351, %broadcast_in_dim3A_352 : vector<16xi1>, vector<16xi32>
    %add3A_354 = arith.addi %select_n3A_345, %select_n3A_353 : vector<16xi32>
    %ge3A_355 = arith.constant 761856 : i32
    %ge3A_356 = vector.broadcast %ge3A_355 : i32 to vector<16xi32>
    %ge3A_357 = arith.cmpi sge, %get3A_337, %ge3A_356 : vector<16xi32>
    %jit3A_358 = arith.constant 1 : i32
    %jit3A_359 = arith.constant 0 : i32
    %broadcast_in_dim3A_360 = vector.broadcast %jit3A_358 : i32 to vector<16xi32>
    %broadcast_in_dim3A_361 = vector.broadcast %jit3A_359 : i32 to vector<16xi32>
    %select_n3A_362 = arith.select %ge3A_357, %broadcast_in_dim3A_360, %broadcast_in_dim3A_361 : vector<16xi1>, vector<16xi32>
    %add3A_363 = arith.addi %add3A_354, %select_n3A_362 : vector<16xi32>
    %mul3A_364 = arith.constant 253952 : i32
    %mul3A_365 = vector.broadcast %mul3A_364 : i32 to vector<16xi32>
    %mul3A_366 = arith.muli %add3A_363, %mul3A_365 : vector<16xi32>
    %sub3A_367 = arith.subi %get3A_337, %mul3A_366 : vector<16xi32>
    %swap3A_368 = arith.constant 160 : index
    %swap3A_369 = tpu.vector_load %arg5[%swap3A_368] {strides = array<i32>} : memref<512xi32, #tpu.memory_space<vmem>>, vector<16xi32>,
    tpu.vector_store %arg5[%swap3A_368], %sub3A_367 {strides = array<i32>} : memref<512xi32, #tpu.memory_space<vmem>>, vector<16xi32>,
    %get3A_370 = arith.constant 176 : index
    %get3A_371 = tpu.vector_load %arg5[%get3A_370] {strides = array<i32>} : memref<512xi32, #tpu.memory_space<vmem>>, vector<16xi32>,
    %ge3A_372 = arith.constant 253952 : i32
    %ge3A_373 = vector.broadcast %ge3A_372 : i32 to vector<16xi32>
    %ge3A_374 = arith.cmpi sge, %get3A_371, %ge3A_373 : vector<16xi32>
    %jit3A_375 = arith.constant 1 : i32
    %jit3A_376 = arith.constant 0 : i32
    %broadcast_in_dim3A_377 = vector.broadcast %jit3A_375 : i32 to vector<16xi32>
    %broadcast_in_dim3A_378 = vector.broadcast %jit3A_376 : i32 to vector<16xi32>
    %select_n3A_379 = arith.select %ge3A_374, %broadcast_in_dim3A_377, %broadcast_in_dim3A_378 : vector<16xi1>, vector<16xi32>
    %ge3A_380 = arith.constant 507904 : i32
    %ge3A_381 = vector.broadcast %ge3A_380 : i32 to vector<16xi32>
    %ge3A_382 = arith.cmpi sge, %get3A_371, %ge3A_381 : vector<16xi32>
    %jit3A_383 = arith.constant 1 : i32
    %jit3A_384 = arith.constant 0 : i32
    %broadcast_in_dim3A_385 = vector.broadcast %jit3A_383 : i32 to vector<16xi32>
    %broadcast_in_dim3A_386 = vector.broadcast %jit3A_384 : i32 to vector<16xi32>
    %select_n3A_387 = arith.select %ge3A_382, %broadcast_in_dim3A_385, %broadcast_in_dim3A_386 : vector<16xi1>, vector<16xi32>
    %add3A_388 = arith.addi %select_n3A_379, %select_n3A_387 : vector<16xi32>
    %ge3A_389 = arith.constant 761856 : i32
    %ge3A_390 = vector.broadcast %ge3A_389 : i32 to vector<16xi32>
    %ge3A_391 = arith.cmpi sge, %get3A_371, %ge3A_390 : vector<16xi32>
    %jit3A_392 = arith.constant 1 : i32
    %jit3A_393 = arith.constant 0 : i32
    %broadcast_in_dim3A_394 = vector.broadcast %jit3A_392 : i32 to vector<16xi32>
    %broadcast_in_dim3A_395 = vector.broadcast %jit3A_393 : i32 to vector<16xi32>
    %select_n3A_396 = arith.select %ge3A_391, %broadcast_in_dim3A_394, %broadcast_in_dim3A_395 : vector<16xi1>, vector<16xi32>
    %add3A_397 = arith.addi %add3A_388, %select_n3A_396 : vector<16xi32>
    %mul3A_398 = arith.constant 253952 : i32
    %mul3A_399 = vector.broadcast %mul3A_398 : i32 to vector<16xi32>
    %mul3A_400 = arith.muli %add3A_397, %mul3A_399 : vector<16xi32>
    %sub3A_401 = arith.subi %get3A_371, %mul3A_400 : vector<16xi32>
    %swap3A_402 = arith.constant 176 : index
    %swap3A_403 = tpu.vector_load %arg5[%swap3A_402] {strides = array<i32>} : memref<512xi32, #tpu.memory_space<vmem>>, vector<16xi32>,
    tpu.vector_store %arg5[%swap3A_402], %sub3A_401 {strides = array<i32>} : memref<512xi32, #tpu.memory_space<vmem>>, vector<16xi32>,
    %get3A_404 = arith.constant 192 : index
    %get3A_405 = tpu.vector_load %arg5[%get3A_404] {strides = array<i32>} : memref<512xi32, #tpu.memory_space<vmem>>, vector<16xi32>,
    %ge3A_406 = arith.constant 253952 : i32
    %ge3A_407 = vector.broadcast %ge3A_406 : i32 to vector<16xi32>
    %ge3A_408 = arith.cmpi sge, %get3A_405, %ge3A_407 : vector<16xi32>
    %jit3A_409 = arith.constant 1 : i32
    %jit3A_410 = arith.constant 0 : i32
    %broadcast_in_dim3A_411 = vector.broadcast %jit3A_409 : i32 to vector<16xi32>
    %broadcast_in_dim3A_412 = vector.broadcast %jit3A_410 : i32 to vector<16xi32>
    %select_n3A_413 = arith.select %ge3A_408, %broadcast_in_dim3A_411, %broadcast_in_dim3A_412 : vector<16xi1>, vector<16xi32>
    %ge3A_414 = arith.constant 507904 : i32
    %ge3A_415 = vector.broadcast %ge3A_414 : i32 to vector<16xi32>
    %ge3A_416 = arith.cmpi sge, %get3A_405, %ge3A_415 : vector<16xi32>
    %jit3A_417 = arith.constant 1 : i32
    %jit3A_418 = arith.constant 0 : i32
    %broadcast_in_dim3A_419 = vector.broadcast %jit3A_417 : i32 to vector<16xi32>
    %broadcast_in_dim3A_420 = vector.broadcast %jit3A_418 : i32 to vector<16xi32>
    %select_n3A_421 = arith.select %ge3A_416, %broadcast_in_dim3A_419, %broadcast_in_dim3A_420 : vector<16xi1>, vector<16xi32>
    %add3A_422 = arith.addi %select_n3A_413, %select_n3A_421 : vector<16xi32>
    %ge3A_423 = arith.constant 761856 : i32
    %ge3A_424 = vector.broadcast %ge3A_423 : i32 to vector<16xi32>
    %ge3A_425 = arith.cmpi sge, %get3A_405, %ge3A_424 : vector<16xi32>
    %jit3A_426 = arith.constant 1 : i32
    %jit3A_427 = arith.constant 0 : i32
    %broadcast_in_dim3A_428 = vector.broadcast %jit3A_426 : i32 to vector<16xi32>
    %broadcast_in_dim3A_429 = vector.broadcast %jit3A_427 : i32 to vector<16xi32>
    %select_n3A_430 = arith.select %ge3A_425, %broadcast_in_dim3A_428, %broadcast_in_dim3A_429 : vector<16xi1>, vector<16xi32>
    %add3A_431 = arith.addi %add3A_422, %select_n3A_430 : vector<16xi32>
    %mul3A_432 = arith.constant 253952 : i32
    %mul3A_433 = vector.broadcast %mul3A_432 : i32 to vector<16xi32>
    %mul3A_434 = arith.muli %add3A_431, %mul3A_433 : vector<16xi32>
    %sub3A_435 = arith.subi %get3A_405, %mul3A_434 : vector<16xi32>
    %swap3A_436 = arith.constant 192 : index
    %swap3A_437 = tpu.vector_load %arg5[%swap3A_436] {strides = array<i32>} : memref<512xi32, #tpu.memory_space<vmem>>, vector<16xi32>,
    tpu.vector_store %arg5[%swap3A_436], %sub3A_435 {strides = array<i32>} : memref<512xi32, #tpu.memory_space<vmem>>, vector<16xi32>,
    %get3A_438 = arith.constant 208 : index
    %get3A_439 = tpu.vector_load %arg5[%get3A_438] {strides = array<i32>} : memref<512xi32, #tpu.memory_space<vmem>>, vector<16xi32>,
    %ge3A_440 = arith.constant 253952 : i32
    %ge3A_441 = vector.broadcast %ge3A_440 : i32 to vector<16xi32>
    %ge3A_442 = arith.cmpi sge, %get3A_439, %ge3A_441 : vector<16xi32>
    %jit3A_443 = arith.constant 1 : i32
    %jit3A_444 = arith.constant 0 : i32
    %broadcast_in_dim3A_445 = vector.broadcast %jit3A_443 : i32 to vector<16xi32>
    %broadcast_in_dim3A_446 = vector.broadcast %jit3A_444 : i32 to vector<16xi32>
    %select_n3A_447 = arith.select %ge3A_442, %broadcast_in_dim3A_445, %broadcast_in_dim3A_446 : vector<16xi1>, vector<16xi32>
    %ge3A_448 = arith.constant 507904 : i32
    %ge3A_449 = vector.broadcast %ge3A_448 : i32 to vector<16xi32>
    %ge3A_450 = arith.cmpi sge, %get3A_439, %ge3A_449 : vector<16xi32>
    %jit3A_451 = arith.constant 1 : i32
    %jit3A_452 = arith.constant 0 : i32
    %broadcast_in_dim3A_453 = vector.broadcast %jit3A_451 : i32 to vector<16xi32>
    %broadcast_in_dim3A_454 = vector.broadcast %jit3A_452 : i32 to vector<16xi32>
    %select_n3A_455 = arith.select %ge3A_450, %broadcast_in_dim3A_453, %broadcast_in_dim3A_454 : vector<16xi1>, vector<16xi32>
    %add3A_456 = arith.addi %select_n3A_447, %select_n3A_455 : vector<16xi32>
    %ge3A_457 = arith.constant 761856 : i32
    %ge3A_458 = vector.broadcast %ge3A_457 : i32 to vector<16xi32>
    %ge3A_459 = arith.cmpi sge, %get3A_439, %ge3A_458 : vector<16xi32>
    %jit3A_460 = arith.constant 1 : i32
    %jit3A_461 = arith.constant 0 : i32
    %broadcast_in_dim3A_462 = vector.broadcast %jit3A_460 : i32 to vector<16xi32>
    %broadcast_in_dim3A_463 = vector.broadcast %jit3A_461 : i32 to vector<16xi32>
    %select_n3A_464 = arith.select %ge3A_459, %broadcast_in_dim3A_462, %broadcast_in_dim3A_463 : vector<16xi1>, vector<16xi32>
    %add3A_465 = arith.addi %add3A_456, %select_n3A_464 : vector<16xi32>
    %mul3A_466 = arith.constant 253952 : i32
    %mul3A_467 = vector.broadcast %mul3A_466 : i32 to vector<16xi32>
    %mul3A_468 = arith.muli %add3A_465, %mul3A_467 : vector<16xi32>
    %sub3A_469 = arith.subi %get3A_439, %mul3A_468 : vector<16xi32>
    %swap3A_470 = arith.constant 208 : index
    %swap3A_471 = tpu.vector_load %arg5[%swap3A_470] {strides = array<i32>} : memref<512xi32, #tpu.memory_space<vmem>>, vector<16xi32>,
    tpu.vector_store %arg5[%swap3A_470], %sub3A_469 {strides = array<i32>} : memref<512xi32, #tpu.memory_space<vmem>>, vector<16xi32>,
    %get3A_472 = arith.constant 224 : index
    %get3A_473 = tpu.vector_load %arg5[%get3A_472] {strides = array<i32>} : memref<512xi32, #tpu.memory_space<vmem>>, vector<16xi32>,
    %ge3A_474 = arith.constant 253952 : i32
    %ge3A_475 = vector.broadcast %ge3A_474 : i32 to vector<16xi32>
    %ge3A_476 = arith.cmpi sge, %get3A_473, %ge3A_475 : vector<16xi32>
    %jit3A_477 = arith.constant 1 : i32
    %jit3A_478 = arith.constant 0 : i32
    %broadcast_in_dim3A_479 = vector.broadcast %jit3A_477 : i32 to vector<16xi32>
    %broadcast_in_dim3A_480 = vector.broadcast %jit3A_478 : i32 to vector<16xi32>
    %select_n3A_481 = arith.select %ge3A_476, %broadcast_in_dim3A_479, %broadcast_in_dim3A_480 : vector<16xi1>, vector<16xi32>
    %ge3A_482 = arith.constant 507904 : i32
    %ge3A_483 = vector.broadcast %ge3A_482 : i32 to vector<16xi32>
    %ge3A_484 = arith.cmpi sge, %get3A_473, %ge3A_483 : vector<16xi32>
    %jit3A_485 = arith.constant 1 : i32
    %jit3A_486 = arith.constant 0 : i32
    %broadcast_in_dim3A_487 = vector.broadcast %jit3A_485 : i32 to vector<16xi32>
    %broadcast_in_dim3A_488 = vector.broadcast %jit3A_486 : i32 to vector<16xi32>
    %select_n3A_489 = arith.select %ge3A_484, %broadcast_in_dim3A_487, %broadcast_in_dim3A_488 : vector<16xi1>, vector<16xi32>
    %add3A_490 = arith.addi %select_n3A_481, %select_n3A_489 : vector<16xi32>
    %ge3A_491 = arith.constant 761856 : i32
    %ge3A_492 = vector.broadcast %ge3A_491 : i32 to vector<16xi32>
    %ge3A_493 = arith.cmpi sge, %get3A_473, %ge3A_492 : vector<16xi32>
    %jit3A_494 = arith.constant 1 : i32
    %jit3A_495 = arith.constant 0 : i32
    %broadcast_in_dim3A_496 = vector.broadcast %jit3A_494 : i32 to vector<16xi32>
    %broadcast_in_dim3A_497 = vector.broadcast %jit3A_495 : i32 to vector<16xi32>
    %select_n3A_498 = arith.select %ge3A_493, %broadcast_in_dim3A_496, %broadcast_in_dim3A_497 : vector<16xi1>, vector<16xi32>
    %add3A_499 = arith.addi %add3A_490, %select_n3A_498 : vector<16xi32>
    %mul3A_500 = arith.constant 253952 : i32
    %mul3A_501 = vector.broadcast %mul3A_500 : i32 to vector<16xi32>
    %mul3A_502 = arith.muli %add3A_499, %mul3A_501 : vector<16xi32>
    %sub3A_503 = arith.subi %get3A_473, %mul3A_502 : vector<16xi32>
    %swap3A_504 = arith.constant 224 : index
    %swap3A_505 = tpu.vector_load %arg5[%swap3A_504] {strides = array<i32>} : memref<512xi32, #tpu.memory_space<vmem>>, vector<16xi32>,
    tpu.vector_store %arg5[%swap3A_504], %sub3A_503 {strides = array<i32>} : memref<512xi32, #tpu.memory_space<vmem>>, vector<16xi32>,
    %get3A_506 = arith.constant 240 : index
    %get3A_507 = tpu.vector_load %arg5[%get3A_506] {strides = array<i32>} : memref<512xi32, #tpu.memory_space<vmem>>, vector<16xi32>,
    %ge3A_508 = arith.constant 253952 : i32
    %ge3A_509 = vector.broadcast %ge3A_508 : i32 to vector<16xi32>
    %ge3A_510 = arith.cmpi sge, %get3A_507, %ge3A_509 : vector<16xi32>
    %jit3A_511 = arith.constant 1 : i32
    %jit3A_512 = arith.constant 0 : i32
    %broadcast_in_dim3A_513 = vector.broadcast %jit3A_511 : i32 to vector<16xi32>
    %broadcast_in_dim3A_514 = vector.broadcast %jit3A_512 : i32 to vector<16xi32>
    %select_n3A_515 = arith.select %ge3A_510, %broadcast_in_dim3A_513, %broadcast_in_dim3A_514 : vector<16xi1>, vector<16xi32>
    %ge3A_516 = arith.constant 507904 : i32
    %ge3A_517 = vector.broadcast %ge3A_516 : i32 to vector<16xi32>
    %ge3A_518 = arith.cmpi sge, %get3A_507, %ge3A_517 : vector<16xi32>
    %jit3A_519 = arith.constant 1 : i32
    %jit3A_520 = arith.constant 0 : i32
    %broadcast_in_dim3A_521 = vector.broadcast %jit3A_519 : i32 to vector<16xi32>
    %broadcast_in_dim3A_522 = vector.broadcast %jit3A_520 : i32 to vector<16xi32>
    %select_n3A_523 = arith.select %ge3A_518, %broadcast_in_dim3A_521, %broadcast_in_dim3A_522 : vector<16xi1>, vector<16xi32>
    %add3A_524 = arith.addi %select_n3A_515, %select_n3A_523 : vector<16xi32>
    %ge3A_525 = arith.constant 761856 : i32
    %ge3A_526 = vector.broadcast %ge3A_525 : i32 to vector<16xi32>
    %ge3A_527 = arith.cmpi sge, %get3A_507, %ge3A_526 : vector<16xi32>
    %jit3A_528 = arith.constant 1 : i32
    %jit3A_529 = arith.constant 0 : i32
    %broadcast_in_dim3A_530 = vector.broadcast %jit3A_528 : i32 to vector<16xi32>
    %broadcast_in_dim3A_531 = vector.broadcast %jit3A_529 : i32 to vector<16xi32>
    %select_n3A_532 = arith.select %ge3A_527, %broadcast_in_dim3A_530, %broadcast_in_dim3A_531 : vector<16xi1>, vector<16xi32>
    %add3A_533 = arith.addi %add3A_524, %select_n3A_532 : vector<16xi32>
    %mul3A_534 = arith.constant 253952 : i32
    %mul3A_535 = vector.broadcast %mul3A_534 : i32 to vector<16xi32>
    %mul3A_536 = arith.muli %add3A_533, %mul3A_535 : vector<16xi32>
    %sub3A_537 = arith.subi %get3A_507, %mul3A_536 : vector<16xi32>
    %swap3A_538 = arith.constant 240 : index
    %swap3A_539 = tpu.vector_load %arg5[%swap3A_538] {strides = array<i32>} : memref<512xi32, #tpu.memory_space<vmem>>, vector<16xi32>,
    tpu.vector_store %arg5[%swap3A_538], %sub3A_537 {strides = array<i32>} : memref<512xi32, #tpu.memory_space<vmem>>, vector<16xi32>,
    %get3A_540 = arith.constant 256 : index
    %get3A_541 = tpu.vector_load %arg5[%get3A_540] {strides = array<i32>} : memref<512xi32, #tpu.memory_space<vmem>>, vector<16xi32>,
    %ge3A_542 = arith.constant 253952 : i32
    %ge3A_543 = vector.broadcast %ge3A_542 : i32 to vector<16xi32>
    %ge3A_544 = arith.cmpi sge, %get3A_541, %ge3A_543 : vector<16xi32>
    %jit3A_545 = arith.constant 1 : i32
    %jit3A_546 = arith.constant 0 : i32
    %broadcast_in_dim3A_547 = vector.broadcast %jit3A_545 : i32 to vector<16xi32>
    %broadcast_in_dim3A_548 = vector.broadcast %jit3A_546 : i32 to vector<16xi32>
    %select_n3A_549 = arith.select %ge3A_544, %broadcast_in_dim3A_547, %broadcast_in_dim3A_548 : vector<16xi1>, vector<16xi32>
    %ge3A_550 = arith.constant 507904 : i32
    %ge3A_551 = vector.broadcast %ge3A_550 : i32 to vector<16xi32>
    %ge3A_552 = arith.cmpi sge, %get3A_541, %ge3A_551 : vector<16xi32>
    %jit3A_553 = arith.constant 1 : i32
    %jit3A_554 = arith.constant 0 : i32
    %broadcast_in_dim3A_555 = vector.broadcast %jit3A_553 : i32 to vector<16xi32>
    %broadcast_in_dim3A_556 = vector.broadcast %jit3A_554 : i32 to vector<16xi32>
    %select_n3A_557 = arith.select %ge3A_552, %broadcast_in_dim3A_555, %broadcast_in_dim3A_556 : vector<16xi1>, vector<16xi32>
    %add3A_558 = arith.addi %select_n3A_549, %select_n3A_557 : vector<16xi32>
    %ge3A_559 = arith.constant 761856 : i32
    %ge3A_560 = vector.broadcast %ge3A_559 : i32 to vector<16xi32>
    %ge3A_561 = arith.cmpi sge, %get3A_541, %ge3A_560 : vector<16xi32>
    %jit3A_562 = arith.constant 1 : i32
    %jit3A_563 = arith.constant 0 : i32
    %broadcast_in_dim3A_564 = vector.broadcast %jit3A_562 : i32 to vector<16xi32>
    %broadcast_in_dim3A_565 = vector.broadcast %jit3A_563 : i32 to vector<16xi32>
    %select_n3A_566 = arith.select %ge3A_561, %broadcast_in_dim3A_564, %broadcast_in_dim3A_565 : vector<16xi1>, vector<16xi32>
    %add3A_567 = arith.addi %add3A_558, %select_n3A_566 : vector<16xi32>
    %mul3A_568 = arith.constant 253952 : i32
    %mul3A_569 = vector.broadcast %mul3A_568 : i32 to vector<16xi32>
    %mul3A_570 = arith.muli %add3A_567, %mul3A_569 : vector<16xi32>
    %sub3A_571 = arith.subi %get3A_541, %mul3A_570 : vector<16xi32>
    %swap3A_572 = arith.constant 256 : index
    %swap3A_573 = tpu.vector_load %arg5[%swap3A_572] {strides = array<i32>} : memref<512xi32, #tpu.memory_space<vmem>>, vector<16xi32>,
    tpu.vector_store %arg5[%swap3A_572], %sub3A_571 {strides = array<i32>} : memref<512xi32, #tpu.memory_space<vmem>>, vector<16xi32>,
    %get3A_574 = arith.constant 272 : index
    %get3A_575 = tpu.vector_load %arg5[%get3A_574] {strides = array<i32>} : memref<512xi32, #tpu.memory_space<vmem>>, vector<16xi32>,
    %ge3A_576 = arith.constant 253952 : i32
    %ge3A_577 = vector.broadcast %ge3A_576 : i32 to vector<16xi32>
    %ge3A_578 = arith.cmpi sge, %get3A_575, %ge3A_577 : vector<16xi32>
    %jit3A_579 = arith.constant 1 : i32
    %jit3A_580 = arith.constant 0 : i32
    %broadcast_in_dim3A_581 = vector.broadcast %jit3A_579 : i32 to vector<16xi32>
    %broadcast_in_dim3A_582 = vector.broadcast %jit3A_580 : i32 to vector<16xi32>
    %select_n3A_583 = arith.select %ge3A_578, %broadcast_in_dim3A_581, %broadcast_in_dim3A_582 : vector<16xi1>, vector<16xi32>
    %ge3A_584 = arith.constant 507904 : i32
    %ge3A_585 = vector.broadcast %ge3A_584 : i32 to vector<16xi32>
    %ge3A_586 = arith.cmpi sge, %get3A_575, %ge3A_585 : vector<16xi32>
    %jit3A_587 = arith.constant 1 : i32
    %jit3A_588 = arith.constant 0 : i32
    %broadcast_in_dim3A_589 = vector.broadcast %jit3A_587 : i32 to vector<16xi32>
    %broadcast_in_dim3A_590 = vector.broadcast %jit3A_588 : i32 to vector<16xi32>
    %select_n3A_591 = arith.select %ge3A_586, %broadcast_in_dim3A_589, %broadcast_in_dim3A_590 : vector<16xi1>, vector<16xi32>
    %add3A_592 = arith.addi %select_n3A_583, %select_n3A_591 : vector<16xi32>
    %ge3A_593 = arith.constant 761856 : i32
    %ge3A_594 = vector.broadcast %ge3A_593 : i32 to vector<16xi32>
    %ge3A_595 = arith.cmpi sge, %get3A_575, %ge3A_594 : vector<16xi32>
    %jit3A_596 = arith.constant 1 : i32
    %jit3A_597 = arith.constant 0 : i32
    %broadcast_in_dim3A_598 = vector.broadcast %jit3A_596 : i32 to vector<16xi32>
    %broadcast_in_dim3A_599 = vector.broadcast %jit3A_597 : i32 to vector<16xi32>
    %select_n3A_600 = arith.select %ge3A_595, %broadcast_in_dim3A_598, %broadcast_in_dim3A_599 : vector<16xi1>, vector<16xi32>
    %add3A_601 = arith.addi %add3A_592, %select_n3A_600 : vector<16xi32>
    %mul3A_602 = arith.constant 253952 : i32
    %mul3A_603 = vector.broadcast %mul3A_602 : i32 to vector<16xi32>
    %mul3A_604 = arith.muli %add3A_601, %mul3A_603 : vector<16xi32>
    %sub3A_605 = arith.subi %get3A_575, %mul3A_604 : vector<16xi32>
    %swap3A_606 = arith.constant 272 : index
    %swap3A_607 = tpu.vector_load %arg5[%swap3A_606] {strides = array<i32>} : memref<512xi32, #tpu.memory_space<vmem>>, vector<16xi32>,
    tpu.vector_store %arg5[%swap3A_606], %sub3A_605 {strides = array<i32>} : memref<512xi32, #tpu.memory_space<vmem>>, vector<16xi32>,
    %get3A_608 = arith.constant 288 : index
    %get3A_609 = tpu.vector_load %arg5[%get3A_608] {strides = array<i32>} : memref<512xi32, #tpu.memory_space<vmem>>, vector<16xi32>,
    %ge3A_610 = arith.constant 253952 : i32
    %ge3A_611 = vector.broadcast %ge3A_610 : i32 to vector<16xi32>
    %ge3A_612 = arith.cmpi sge, %get3A_609, %ge3A_611 : vector<16xi32>
    %jit3A_613 = arith.constant 1 : i32
    %jit3A_614 = arith.constant 0 : i32
    %broadcast_in_dim3A_615 = vector.broadcast %jit3A_613 : i32 to vector<16xi32>
    %broadcast_in_dim3A_616 = vector.broadcast %jit3A_614 : i32 to vector<16xi32>
    %select_n3A_617 = arith.select %ge3A_612, %broadcast_in_dim3A_615, %broadcast_in_dim3A_616 : vector<16xi1>, vector<16xi32>
    %ge3A_618 = arith.constant 507904 : i32
    %ge3A_619 = vector.broadcast %ge3A_618 : i32 to vector<16xi32>
    %ge3A_620 = arith.cmpi sge, %get3A_609, %ge3A_619 : vector<16xi32>
    %jit3A_621 = arith.constant 1 : i32
    %jit3A_622 = arith.constant 0 : i32
    %broadcast_in_dim3A_623 = vector.broadcast %jit3A_621 : i32 to vector<16xi32>
    %broadcast_in_dim3A_624 = vector.broadcast %jit3A_622 : i32 to vector<16xi32>
    %select_n3A_625 = arith.select %ge3A_620, %broadcast_in_dim3A_623, %broadcast_in_dim3A_624 : vector<16xi1>, vector<16xi32>
    %add3A_626 = arith.addi %select_n3A_617, %select_n3A_625 : vector<16xi32>
    %ge3A_627 = arith.constant 761856 : i32
    %ge3A_628 = vector.broadcast %ge3A_627 : i32 to vector<16xi32>
    %ge3A_629 = arith.cmpi sge, %get3A_609, %ge3A_628 : vector<16xi32>
    %jit3A_630 = arith.constant 1 : i32
    %jit3A_631 = arith.constant 0 : i32
    %broadcast_in_dim3A_632 = vector.broadcast %jit3A_630 : i32 to vector<16xi32>
    %broadcast_in_dim3A_633 = vector.broadcast %jit3A_631 : i32 to vector<16xi32>
    %select_n3A_634 = arith.select %ge3A_629, %broadcast_in_dim3A_632, %broadcast_in_dim3A_633 : vector<16xi1>, vector<16xi32>
    %add3A_635 = arith.addi %add3A_626, %select_n3A_634 : vector<16xi32>
    %mul3A_636 = arith.constant 253952 : i32
    %mul3A_637 = vector.broadcast %mul3A_636 : i32 to vector<16xi32>
    %mul3A_638 = arith.muli %add3A_635, %mul3A_637 : vector<16xi32>
    %sub3A_639 = arith.subi %get3A_609, %mul3A_638 : vector<16xi32>
    %swap3A_640 = arith.constant 288 : index
    %swap3A_641 = tpu.vector_load %arg5[%swap3A_640] {strides = array<i32>} : memref<512xi32, #tpu.memory_space<vmem>>, vector<16xi32>,
    tpu.vector_store %arg5[%swap3A_640], %sub3A_639 {strides = array<i32>} : memref<512xi32, #tpu.memory_space<vmem>>, vector<16xi32>,
    %get3A_642 = arith.constant 304 : index
    %get3A_643 = tpu.vector_load %arg5[%get3A_642] {strides = array<i32>} : memref<512xi32, #tpu.memory_space<vmem>>, vector<16xi32>,
    %ge3A_644 = arith.constant 253952 : i32
    %ge3A_645 = vector.broadcast %ge3A_644 : i32 to vector<16xi32>
    %ge3A_646 = arith.cmpi sge, %get3A_643, %ge3A_645 : vector<16xi32>
    %jit3A_647 = arith.constant 1 : i32
    %jit3A_648 = arith.constant 0 : i32
    %broadcast_in_dim3A_649 = vector.broadcast %jit3A_647 : i32 to vector<16xi32>
    %broadcast_in_dim3A_650 = vector.broadcast %jit3A_648 : i32 to vector<16xi32>
    %select_n3A_651 = arith.select %ge3A_646, %broadcast_in_dim3A_649, %broadcast_in_dim3A_650 : vector<16xi1>, vector<16xi32>
    %ge3A_652 = arith.constant 507904 : i32
    %ge3A_653 = vector.broadcast %ge3A_652 : i32 to vector<16xi32>
    %ge3A_654 = arith.cmpi sge, %get3A_643, %ge3A_653 : vector<16xi32>
    %jit3A_655 = arith.constant 1 : i32
    %jit3A_656 = arith.constant 0 : i32
    %broadcast_in_dim3A_657 = vector.broadcast %jit3A_655 : i32 to vector<16xi32>
    %broadcast_in_dim3A_658 = vector.broadcast %jit3A_656 : i32 to vector<16xi32>
    %select_n3A_659 = arith.select %ge3A_654, %broadcast_in_dim3A_657, %broadcast_in_dim3A_658 : vector<16xi1>, vector<16xi32>
    %add3A_660 = arith.addi %select_n3A_651, %select_n3A_659 : vector<16xi32>
    %ge3A_661 = arith.constant 761856 : i32
    %ge3A_662 = vector.broadcast %ge3A_661 : i32 to vector<16xi32>
    %ge3A_663 = arith.cmpi sge, %get3A_643, %ge3A_662 : vector<16xi32>
    %jit3A_664 = arith.constant 1 : i32
    %jit3A_665 = arith.constant 0 : i32
    %broadcast_in_dim3A_666 = vector.broadcast %jit3A_664 : i32 to vector<16xi32>
    %broadcast_in_dim3A_667 = vector.broadcast %jit3A_665 : i32 to vector<16xi32>
    %select_n3A_668 = arith.select %ge3A_663, %broadcast_in_dim3A_666, %broadcast_in_dim3A_667 : vector<16xi1>, vector<16xi32>
    %add3A_669 = arith.addi %add3A_660, %select_n3A_668 : vector<16xi32>
    %mul3A_670 = arith.constant 253952 : i32
    %mul3A_671 = vector.broadcast %mul3A_670 : i32 to vector<16xi32>
    %mul3A_672 = arith.muli %add3A_669, %mul3A_671 : vector<16xi32>
    %sub3A_673 = arith.subi %get3A_643, %mul3A_672 : vector<16xi32>
    %swap3A_674 = arith.constant 304 : index
    %swap3A_675 = tpu.vector_load %arg5[%swap3A_674] {strides = array<i32>} : memref<512xi32, #tpu.memory_space<vmem>>, vector<16xi32>,
    tpu.vector_store %arg5[%swap3A_674], %sub3A_673 {strides = array<i32>} : memref<512xi32, #tpu.memory_space<vmem>>, vector<16xi32>,
    %get3A_676 = arith.constant 320 : index
    %get3A_677 = tpu.vector_load %arg5[%get3A_676] {strides = array<i32>} : memref<512xi32, #tpu.memory_space<vmem>>, vector<16xi32>,
    %ge3A_678 = arith.constant 253952 : i32
    %ge3A_679 = vector.broadcast %ge3A_678 : i32 to vector<16xi32>
    %ge3A_680 = arith.cmpi sge, %get3A_677, %ge3A_679 : vector<16xi32>
    %jit3A_681 = arith.constant 1 : i32
    %jit3A_682 = arith.constant 0 : i32
    %broadcast_in_dim3A_683 = vector.broadcast %jit3A_681 : i32 to vector<16xi32>
    %broadcast_in_dim3A_684 = vector.broadcast %jit3A_682 : i32 to vector<16xi32>
    %select_n3A_685 = arith.select %ge3A_680, %broadcast_in_dim3A_683, %broadcast_in_dim3A_684 : vector<16xi1>, vector<16xi32>
    %ge3A_686 = arith.constant 507904 : i32
    %ge3A_687 = vector.broadcast %ge3A_686 : i32 to vector<16xi32>
    %ge3A_688 = arith.cmpi sge, %get3A_677, %ge3A_687 : vector<16xi32>
    %jit3A_689 = arith.constant 1 : i32
    %jit3A_690 = arith.constant 0 : i32
    %broadcast_in_dim3A_691 = vector.broadcast %jit3A_689 : i32 to vector<16xi32>
    %broadcast_in_dim3A_692 = vector.broadcast %jit3A_690 : i32 to vector<16xi32>
    %select_n3A_693 = arith.select %ge3A_688, %broadcast_in_dim3A_691, %broadcast_in_dim3A_692 : vector<16xi1>, vector<16xi32>
    %add3A_694 = arith.addi %select_n3A_685, %select_n3A_693 : vector<16xi32>
    %ge3A_695 = arith.constant 761856 : i32
    %ge3A_696 = vector.broadcast %ge3A_695 : i32 to vector<16xi32>
    %ge3A_697 = arith.cmpi sge, %get3A_677, %ge3A_696 : vector<16xi32>
    %jit3A_698 = arith.constant 1 : i32
    %jit3A_699 = arith.constant 0 : i32
    %broadcast_in_dim3A_700 = vector.broadcast %jit3A_698 : i32 to vector<16xi32>
    %broadcast_in_dim3A_701 = vector.broadcast %jit3A_699 : i32 to vector<16xi32>
    %select_n3A_702 = arith.select %ge3A_697, %broadcast_in_dim3A_700, %broadcast_in_dim3A_701 : vector<16xi1>, vector<16xi32>
    %add3A_703 = arith.addi %add3A_694, %select_n3A_702 : vector<16xi32>
    %mul3A_704 = arith.constant 253952 : i32
    %mul3A_705 = vector.broadcast %mul3A_704 : i32 to vector<16xi32>
    %mul3A_706 = arith.muli %add3A_703, %mul3A_705 : vector<16xi32>
    %sub3A_707 = arith.subi %get3A_677, %mul3A_706 : vector<16xi32>
    %swap3A_708 = arith.constant 320 : index
    %swap3A_709 = tpu.vector_load %arg5[%swap3A_708] {strides = array<i32>} : memref<512xi32, #tpu.memory_space<vmem>>, vector<16xi32>,
    tpu.vector_store %arg5[%swap3A_708], %sub3A_707 {strides = array<i32>} : memref<512xi32, #tpu.memory_space<vmem>>, vector<16xi32>,
    %get3A_710 = arith.constant 336 : index
    %get3A_711 = tpu.vector_load %arg5[%get3A_710] {strides = array<i32>} : memref<512xi32, #tpu.memory_space<vmem>>, vector<16xi32>,
    %ge3A_712 = arith.constant 253952 : i32
    %ge3A_713 = vector.broadcast %ge3A_712 : i32 to vector<16xi32>
    %ge3A_714 = arith.cmpi sge, %get3A_711, %ge3A_713 : vector<16xi32>
    %jit3A_715 = arith.constant 1 : i32
    %jit3A_716 = arith.constant 0 : i32
    %broadcast_in_dim3A_717 = vector.broadcast %jit3A_715 : i32 to vector<16xi32>
    %broadcast_in_dim3A_718 = vector.broadcast %jit3A_716 : i32 to vector<16xi32>
    %select_n3A_719 = arith.select %ge3A_714, %broadcast_in_dim3A_717, %broadcast_in_dim3A_718 : vector<16xi1>, vector<16xi32>
    %ge3A_720 = arith.constant 507904 : i32
    %ge3A_721 = vector.broadcast %ge3A_720 : i32 to vector<16xi32>
    %ge3A_722 = arith.cmpi sge, %get3A_711, %ge3A_721 : vector<16xi32>
    %jit3A_723 = arith.constant 1 : i32
    %jit3A_724 = arith.constant 0 : i32
    %broadcast_in_dim3A_725 = vector.broadcast %jit3A_723 : i32 to vector<16xi32>
    %broadcast_in_dim3A_726 = vector.broadcast %jit3A_724 : i32 to vector<16xi32>
    %select_n3A_727 = arith.select %ge3A_722, %broadcast_in_dim3A_725, %broadcast_in_dim3A_726 : vector<16xi1>, vector<16xi32>
    %add3A_728 = arith.addi %select_n3A_719, %select_n3A_727 : vector<16xi32>
    %ge3A_729 = arith.constant 761856 : i32
    %ge3A_730 = vector.broadcast %ge3A_729 : i32 to vector<16xi32>
    %ge3A_731 = arith.cmpi sge, %get3A_711, %ge3A_730 : vector<16xi32>
    %jit3A_732 = arith.constant 1 : i32
    %jit3A_733 = arith.constant 0 : i32
    %broadcast_in_dim3A_734 = vector.broadcast %jit3A_732 : i32 to vector<16xi32>
    %broadcast_in_dim3A_735 = vector.broadcast %jit3A_733 : i32 to vector<16xi32>
    %select_n3A_736 = arith.select %ge3A_731, %broadcast_in_dim3A_734, %broadcast_in_dim3A_735 : vector<16xi1>, vector<16xi32>
    %add3A_737 = arith.addi %add3A_728, %select_n3A_736 : vector<16xi32>
    %mul3A_738 = arith.constant 253952 : i32
    %mul3A_739 = vector.broadcast %mul3A_738 : i32 to vector<16xi32>
    %mul3A_740 = arith.muli %add3A_737, %mul3A_739 : vector<16xi32>
    %sub3A_741 = arith.subi %get3A_711, %mul3A_740 : vector<16xi32>
    %swap3A_742 = arith.constant 336 : index
    %swap3A_743 = tpu.vector_load %arg5[%swap3A_742] {strides = array<i32>} : memref<512xi32, #tpu.memory_space<vmem>>, vector<16xi32>,
    tpu.vector_store %arg5[%swap3A_742], %sub3A_741 {strides = array<i32>} : memref<512xi32, #tpu.memory_space<vmem>>, vector<16xi32>,
    %get3A_744 = arith.constant 352 : index
    %get3A_745 = tpu.vector_load %arg5[%get3A_744] {strides = array<i32>} : memref<512xi32, #tpu.memory_space<vmem>>, vector<16xi32>,
    %ge3A_746 = arith.constant 253952 : i32
    %ge3A_747 = vector.broadcast %ge3A_746 : i32 to vector<16xi32>
    %ge3A_748 = arith.cmpi sge, %get3A_745, %ge3A_747 : vector<16xi32>
    %jit3A_749 = arith.constant 1 : i32
    %jit3A_750 = arith.constant 0 : i32
    %broadcast_in_dim3A_751 = vector.broadcast %jit3A_749 : i32 to vector<16xi32>
    %broadcast_in_dim3A_752 = vector.broadcast %jit3A_750 : i32 to vector<16xi32>
    %select_n3A_753 = arith.select %ge3A_748, %broadcast_in_dim3A_751, %broadcast_in_dim3A_752 : vector<16xi1>, vector<16xi32>
    %ge3A_754 = arith.constant 507904 : i32
    %ge3A_755 = vector.broadcast %ge3A_754 : i32 to vector<16xi32>
    %ge3A_756 = arith.cmpi sge, %get3A_745, %ge3A_755 : vector<16xi32>
    %jit3A_757 = arith.constant 1 : i32
    %jit3A_758 = arith.constant 0 : i32
    %broadcast_in_dim3A_759 = vector.broadcast %jit3A_757 : i32 to vector<16xi32>
    %broadcast_in_dim3A_760 = vector.broadcast %jit3A_758 : i32 to vector<16xi32>
    %select_n3A_761 = arith.select %ge3A_756, %broadcast_in_dim3A_759, %broadcast_in_dim3A_760 : vector<16xi1>, vector<16xi32>
    %add3A_762 = arith.addi %select_n3A_753, %select_n3A_761 : vector<16xi32>
    %ge3A_763 = arith.constant 761856 : i32
    %ge3A_764 = vector.broadcast %ge3A_763 : i32 to vector<16xi32>
    %ge3A_765 = arith.cmpi sge, %get3A_745, %ge3A_764 : vector<16xi32>
    %jit3A_766 = arith.constant 1 : i32
    %jit3A_767 = arith.constant 0 : i32
    %broadcast_in_dim3A_768 = vector.broadcast %jit3A_766 : i32 to vector<16xi32>
    %broadcast_in_dim3A_769 = vector.broadcast %jit3A_767 : i32 to vector<16xi32>
    %select_n3A_770 = arith.select %ge3A_765, %broadcast_in_dim3A_768, %broadcast_in_dim3A_769 : vector<16xi1>, vector<16xi32>
    %add3A_771 = arith.addi %add3A_762, %select_n3A_770 : vector<16xi32>
    %mul3A_772 = arith.constant 253952 : i32
    %mul3A_773 = vector.broadcast %mul3A_772 : i32 to vector<16xi32>
    %mul3A_774 = arith.muli %add3A_771, %mul3A_773 : vector<16xi32>
    %sub3A_775 = arith.subi %get3A_745, %mul3A_774 : vector<16xi32>
    %swap3A_776 = arith.constant 352 : index
    %swap3A_777 = tpu.vector_load %arg5[%swap3A_776] {strides = array<i32>} : memref<512xi32, #tpu.memory_space<vmem>>, vector<16xi32>,
    tpu.vector_store %arg5[%swap3A_776], %sub3A_775 {strides = array<i32>} : memref<512xi32, #tpu.memory_space<vmem>>, vector<16xi32>,
    %get3A_778 = arith.constant 368 : index
    %get3A_779 = tpu.vector_load %arg5[%get3A_778] {strides = array<i32>} : memref<512xi32, #tpu.memory_space<vmem>>, vector<16xi32>,
    %ge3A_780 = arith.constant 253952 : i32
    %ge3A_781 = vector.broadcast %ge3A_780 : i32 to vector<16xi32>
    %ge3A_782 = arith.cmpi sge, %get3A_779, %ge3A_781 : vector<16xi32>
    %jit3A_783 = arith.constant 1 : i32
    %jit3A_784 = arith.constant 0 : i32
    %broadcast_in_dim3A_785 = vector.broadcast %jit3A_783 : i32 to vector<16xi32>
    %broadcast_in_dim3A_786 = vector.broadcast %jit3A_784 : i32 to vector<16xi32>
    %select_n3A_787 = arith.select %ge3A_782, %broadcast_in_dim3A_785, %broadcast_in_dim3A_786 : vector<16xi1>, vector<16xi32>
    %ge3A_788 = arith.constant 507904 : i32
    %ge3A_789 = vector.broadcast %ge3A_788 : i32 to vector<16xi32>
    %ge3A_790 = arith.cmpi sge, %get3A_779, %ge3A_789 : vector<16xi32>
    %jit3A_791 = arith.constant 1 : i32
    %jit3A_792 = arith.constant 0 : i32
    %broadcast_in_dim3A_793 = vector.broadcast %jit3A_791 : i32 to vector<16xi32>
    %broadcast_in_dim3A_794 = vector.broadcast %jit3A_792 : i32 to vector<16xi32>
    %select_n3A_795 = arith.select %ge3A_790, %broadcast_in_dim3A_793, %broadcast_in_dim3A_794 : vector<16xi1>, vector<16xi32>
    %add3A_796 = arith.addi %select_n3A_787, %select_n3A_795 : vector<16xi32>
    %ge3A_797 = arith.constant 761856 : i32
    %ge3A_798 = vector.broadcast %ge3A_797 : i32 to vector<16xi32>
    %ge3A_799 = arith.cmpi sge, %get3A_779, %ge3A_798 : vector<16xi32>
    %jit3A_800 = arith.constant 1 : i32
    %jit3A_801 = arith.constant 0 : i32
    %broadcast_in_dim3A_802 = vector.broadcast %jit3A_800 : i32 to vector<16xi32>
    %broadcast_in_dim3A_803 = vector.broadcast %jit3A_801 : i32 to vector<16xi32>
    %select_n3A_804 = arith.select %ge3A_799, %broadcast_in_dim3A_802, %broadcast_in_dim3A_803 : vector<16xi1>, vector<16xi32>
    %add3A_805 = arith.addi %add3A_796, %select_n3A_804 : vector<16xi32>
    %mul3A_806 = arith.constant 253952 : i32
    %mul3A_807 = vector.broadcast %mul3A_806 : i32 to vector<16xi32>
    %mul3A_808 = arith.muli %add3A_805, %mul3A_807 : vector<16xi32>
    %sub3A_809 = arith.subi %get3A_779, %mul3A_808 : vector<16xi32>
    %swap3A_810 = arith.constant 368 : index
    %swap3A_811 = tpu.vector_load %arg5[%swap3A_810] {strides = array<i32>} : memref<512xi32, #tpu.memory_space<vmem>>, vector<16xi32>,
    tpu.vector_store %arg5[%swap3A_810], %sub3A_809 {strides = array<i32>} : memref<512xi32, #tpu.memory_space<vmem>>, vector<16xi32>,
    %get3A_812 = arith.constant 384 : index
    %get3A_813 = tpu.vector_load %arg5[%get3A_812] {strides = array<i32>} : memref<512xi32, #tpu.memory_space<vmem>>, vector<16xi32>,
    %ge3A_814 = arith.constant 253952 : i32
    %ge3A_815 = vector.broadcast %ge3A_814 : i32 to vector<16xi32>
    %ge3A_816 = arith.cmpi sge, %get3A_813, %ge3A_815 : vector<16xi32>
    %jit3A_817 = arith.constant 1 : i32
    %jit3A_818 = arith.constant 0 : i32
    %broadcast_in_dim3A_819 = vector.broadcast %jit3A_817 : i32 to vector<16xi32>
    %broadcast_in_dim3A_820 = vector.broadcast %jit3A_818 : i32 to vector<16xi32>
    %select_n3A_821 = arith.select %ge3A_816, %broadcast_in_dim3A_819, %broadcast_in_dim3A_820 : vector<16xi1>, vector<16xi32>
    %ge3A_822 = arith.constant 507904 : i32
    %ge3A_823 = vector.broadcast %ge3A_822 : i32 to vector<16xi32>
    %ge3A_824 = arith.cmpi sge, %get3A_813, %ge3A_823 : vector<16xi32>
    %jit3A_825 = arith.constant 1 : i32
    %jit3A_826 = arith.constant 0 : i32
    %broadcast_in_dim3A_827 = vector.broadcast %jit3A_825 : i32 to vector<16xi32>
    %broadcast_in_dim3A_828 = vector.broadcast %jit3A_826 : i32 to vector<16xi32>
    %select_n3A_829 = arith.select %ge3A_824, %broadcast_in_dim3A_827, %broadcast_in_dim3A_828 : vector<16xi1>, vector<16xi32>
    %add3A_830 = arith.addi %select_n3A_821, %select_n3A_829 : vector<16xi32>
    %ge3A_831 = arith.constant 761856 : i32
    %ge3A_832 = vector.broadcast %ge3A_831 : i32 to vector<16xi32>
    %ge3A_833 = arith.cmpi sge, %get3A_813, %ge3A_832 : vector<16xi32>
    %jit3A_834 = arith.constant 1 : i32
    %jit3A_835 = arith.constant 0 : i32
    %broadcast_in_dim3A_836 = vector.broadcast %jit3A_834 : i32 to vector<16xi32>
    %broadcast_in_dim3A_837 = vector.broadcast %jit3A_835 : i32 to vector<16xi32>
    %select_n3A_838 = arith.select %ge3A_833, %broadcast_in_dim3A_836, %broadcast_in_dim3A_837 : vector<16xi1>, vector<16xi32>
    %add3A_839 = arith.addi %add3A_830, %select_n3A_838 : vector<16xi32>
    %mul3A_840 = arith.constant 253952 : i32
    %mul3A_841 = vector.broadcast %mul3A_840 : i32 to vector<16xi32>
    %mul3A_842 = arith.muli %add3A_839, %mul3A_841 : vector<16xi32>
    %sub3A_843 = arith.subi %get3A_813, %mul3A_842 : vector<16xi32>
    %swap3A_844 = arith.constant 384 : index
    %swap3A_845 = tpu.vector_load %arg5[%swap3A_844] {strides = array<i32>} : memref<512xi32, #tpu.memory_space<vmem>>, vector<16xi32>,
    tpu.vector_store %arg5[%swap3A_844], %sub3A_843 {strides = array<i32>} : memref<512xi32, #tpu.memory_space<vmem>>, vector<16xi32>,
    %get3A_846 = arith.constant 400 : index
    %get3A_847 = tpu.vector_load %arg5[%get3A_846] {strides = array<i32>} : memref<512xi32, #tpu.memory_space<vmem>>, vector<16xi32>,
    %ge3A_848 = arith.constant 253952 : i32
    %ge3A_849 = vector.broadcast %ge3A_848 : i32 to vector<16xi32>
    %ge3A_850 = arith.cmpi sge, %get3A_847, %ge3A_849 : vector<16xi32>
    %jit3A_851 = arith.constant 1 : i32
    %jit3A_852 = arith.constant 0 : i32
    %broadcast_in_dim3A_853 = vector.broadcast %jit3A_851 : i32 to vector<16xi32>
    %broadcast_in_dim3A_854 = vector.broadcast %jit3A_852 : i32 to vector<16xi32>
    %select_n3A_855 = arith.select %ge3A_850, %broadcast_in_dim3A_853, %broadcast_in_dim3A_854 : vector<16xi1>, vector<16xi32>
    %ge3A_856 = arith.constant 507904 : i32
    %ge3A_857 = vector.broadcast %ge3A_856 : i32 to vector<16xi32>
    %ge3A_858 = arith.cmpi sge, %get3A_847, %ge3A_857 : vector<16xi32>
    %jit3A_859 = arith.constant 1 : i32
    %jit3A_860 = arith.constant 0 : i32
    %broadcast_in_dim3A_861 = vector.broadcast %jit3A_859 : i32 to vector<16xi32>
    %broadcast_in_dim3A_862 = vector.broadcast %jit3A_860 : i32 to vector<16xi32>
    %select_n3A_863 = arith.select %ge3A_858, %broadcast_in_dim3A_861, %broadcast_in_dim3A_862 : vector<16xi1>, vector<16xi32>
    %add3A_864 = arith.addi %select_n3A_855, %select_n3A_863 : vector<16xi32>
    %ge3A_865 = arith.constant 761856 : i32
    %ge3A_866 = vector.broadcast %ge3A_865 : i32 to vector<16xi32>
    %ge3A_867 = arith.cmpi sge, %get3A_847, %ge3A_866 : vector<16xi32>
    %jit3A_868 = arith.constant 1 : i32
    %jit3A_869 = arith.constant 0 : i32
    %broadcast_in_dim3A_870 = vector.broadcast %jit3A_868 : i32 to vector<16xi32>
    %broadcast_in_dim3A_871 = vector.broadcast %jit3A_869 : i32 to vector<16xi32>
    %select_n3A_872 = arith.select %ge3A_867, %broadcast_in_dim3A_870, %broadcast_in_dim3A_871 : vector<16xi1>, vector<16xi32>
    %add3A_873 = arith.addi %add3A_864, %select_n3A_872 : vector<16xi32>
    %mul3A_874 = arith.constant 253952 : i32
    %mul3A_875 = vector.broadcast %mul3A_874 : i32 to vector<16xi32>
    %mul3A_876 = arith.muli %add3A_873, %mul3A_875 : vector<16xi32>
    %sub3A_877 = arith.subi %get3A_847, %mul3A_876 : vector<16xi32>
    %swap3A_878 = arith.constant 400 : index
    %swap3A_879 = tpu.vector_load %arg5[%swap3A_878] {strides = array<i32>} : memref<512xi32, #tpu.memory_space<vmem>>, vector<16xi32>,
    tpu.vector_store %arg5[%swap3A_878], %sub3A_877 {strides = array<i32>} : memref<512xi32, #tpu.memory_space<vmem>>, vector<16xi32>,
    %get3A_880 = arith.constant 416 : index
    %get3A_881 = tpu.vector_load %arg5[%get3A_880] {strides = array<i32>} : memref<512xi32, #tpu.memory_space<vmem>>, vector<16xi32>,
    %ge3A_882 = arith.constant 253952 : i32
    %ge3A_883 = vector.broadcast %ge3A_882 : i32 to vector<16xi32>
    %ge3A_884 = arith.cmpi sge, %get3A_881, %ge3A_883 : vector<16xi32>
    %jit3A_885 = arith.constant 1 : i32
    %jit3A_886 = arith.constant 0 : i32
    %broadcast_in_dim3A_887 = vector.broadcast %jit3A_885 : i32 to vector<16xi32>
    %broadcast_in_dim3A_888 = vector.broadcast %jit3A_886 : i32 to vector<16xi32>
    %select_n3A_889 = arith.select %ge3A_884, %broadcast_in_dim3A_887, %broadcast_in_dim3A_888 : vector<16xi1>, vector<16xi32>
    %ge3A_890 = arith.constant 507904 : i32
    %ge3A_891 = vector.broadcast %ge3A_890 : i32 to vector<16xi32>
    %ge3A_892 = arith.cmpi sge, %get3A_881, %ge3A_891 : vector<16xi32>
    %jit3A_893 = arith.constant 1 : i32
    %jit3A_894 = arith.constant 0 : i32
    %broadcast_in_dim3A_895 = vector.broadcast %jit3A_893 : i32 to vector<16xi32>
    %broadcast_in_dim3A_896 = vector.broadcast %jit3A_894 : i32 to vector<16xi32>
    %select_n3A_897 = arith.select %ge3A_892, %broadcast_in_dim3A_895, %broadcast_in_dim3A_896 : vector<16xi1>, vector<16xi32>
    %add3A_898 = arith.addi %select_n3A_889, %select_n3A_897 : vector<16xi32>
    %ge3A_899 = arith.constant 761856 : i32
    %ge3A_900 = vector.broadcast %ge3A_899 : i32 to vector<16xi32>
    %ge3A_901 = arith.cmpi sge, %get3A_881, %ge3A_900 : vector<16xi32>
    %jit3A_902 = arith.constant 1 : i32
    %jit3A_903 = arith.constant 0 : i32
    %broadcast_in_dim3A_904 = vector.broadcast %jit3A_902 : i32 to vector<16xi32>
    %broadcast_in_dim3A_905 = vector.broadcast %jit3A_903 : i32 to vector<16xi32>
    %select_n3A_906 = arith.select %ge3A_901, %broadcast_in_dim3A_904, %broadcast_in_dim3A_905 : vector<16xi1>, vector<16xi32>
    %add3A_907 = arith.addi %add3A_898, %select_n3A_906 : vector<16xi32>
    %mul3A_908 = arith.constant 253952 : i32
    %mul3A_909 = vector.broadcast %mul3A_908 : i32 to vector<16xi32>
    %mul3A_910 = arith.muli %add3A_907, %mul3A_909 : vector<16xi32>
    %sub3A_911 = arith.subi %get3A_881, %mul3A_910 : vector<16xi32>
    %swap3A_912 = arith.constant 416 : index
    %swap3A_913 = tpu.vector_load %arg5[%swap3A_912] {strides = array<i32>} : memref<512xi32, #tpu.memory_space<vmem>>, vector<16xi32>,
    tpu.vector_store %arg5[%swap3A_912], %sub3A_911 {strides = array<i32>} : memref<512xi32, #tpu.memory_space<vmem>>, vector<16xi32>,
    %get3A_914 = arith.constant 432 : index
    %get3A_915 = tpu.vector_load %arg5[%get3A_914] {strides = array<i32>} : memref<512xi32, #tpu.memory_space<vmem>>, vector<16xi32>,
    %ge3A_916 = arith.constant 253952 : i32
    %ge3A_917 = vector.broadcast %ge3A_916 : i32 to vector<16xi32>
    %ge3A_918 = arith.cmpi sge, %get3A_915, %ge3A_917 : vector<16xi32>
    %jit3A_919 = arith.constant 1 : i32
    %jit3A_920 = arith.constant 0 : i32
    %broadcast_in_dim3A_921 = vector.broadcast %jit3A_919 : i32 to vector<16xi32>
    %broadcast_in_dim3A_922 = vector.broadcast %jit3A_920 : i32 to vector<16xi32>
    %select_n3A_923 = arith.select %ge3A_918, %broadcast_in_dim3A_921, %broadcast_in_dim3A_922 : vector<16xi1>, vector<16xi32>
    %ge3A_924 = arith.constant 507904 : i32
    %ge3A_925 = vector.broadcast %ge3A_924 : i32 to vector<16xi32>
    %ge3A_926 = arith.cmpi sge, %get3A_915, %ge3A_925 : vector<16xi32>
    %jit3A_927 = arith.constant 1 : i32
    %jit3A_928 = arith.constant 0 : i32
    %broadcast_in_dim3A_929 = vector.broadcast %jit3A_927 : i32 to vector<16xi32>
    %broadcast_in_dim3A_930 = vector.broadcast %jit3A_928 : i32 to vector<16xi32>
    %select_n3A_931 = arith.select %ge3A_926, %broadcast_in_dim3A_929, %broadcast_in_dim3A_930 : vector<16xi1>, vector<16xi32>
    %add3A_932 = arith.addi %select_n3A_923, %select_n3A_931 : vector<16xi32>
    %ge3A_933 = arith.constant 761856 : i32
    %ge3A_934 = vector.broadcast %ge3A_933 : i32 to vector<16xi32>
    %ge3A_935 = arith.cmpi sge, %get3A_915, %ge3A_934 : vector<16xi32>
    %jit3A_936 = arith.constant 1 : i32
    %jit3A_937 = arith.constant 0 : i32
    %broadcast_in_dim3A_938 = vector.broadcast %jit3A_936 : i32 to vector<16xi32>
    %broadcast_in_dim3A_939 = vector.broadcast %jit3A_937 : i32 to vector<16xi32>
    %select_n3A_940 = arith.select %ge3A_935, %broadcast_in_dim3A_938, %broadcast_in_dim3A_939 : vector<16xi1>, vector<16xi32>
    %add3A_941 = arith.addi %add3A_932, %select_n3A_940 : vector<16xi32>
    %mul3A_942 = arith.constant 253952 : i32
    %mul3A_943 = vector.broadcast %mul3A_942 : i32 to vector<16xi32>
    %mul3A_944 = arith.muli %add3A_941, %mul3A_943 : vector<16xi32>
    %sub3A_945 = arith.subi %get3A_915, %mul3A_944 : vector<16xi32>
    %swap3A_946 = arith.constant 432 : index
    %swap3A_947 = tpu.vector_load %arg5[%swap3A_946] {strides = array<i32>} : memref<512xi32, #tpu.memory_space<vmem>>, vector<16xi32>,
    tpu.vector_store %arg5[%swap3A_946], %sub3A_945 {strides = array<i32>} : memref<512xi32, #tpu.memory_space<vmem>>, vector<16xi32>,
    %get3A_948 = arith.constant 448 : index
    %get3A_949 = tpu.vector_load %arg5[%get3A_948] {strides = array<i32>} : memref<512xi32, #tpu.memory_space<vmem>>, vector<16xi32>,
    %ge3A_950 = arith.constant 253952 : i32
    %ge3A_951 = vector.broadcast %ge3A_950 : i32 to vector<16xi32>
    %ge3A_952 = arith.cmpi sge, %get3A_949, %ge3A_951 : vector<16xi32>
    %jit3A_953 = arith.constant 1 : i32
    %jit3A_954 = arith.constant 0 : i32
    %broadcast_in_dim3A_955 = vector.broadcast %jit3A_953 : i32 to vector<16xi32>
    %broadcast_in_dim3A_956 = vector.broadcast %jit3A_954 : i32 to vector<16xi32>
    %select_n3A_957 = arith.select %ge3A_952, %broadcast_in_dim3A_955, %broadcast_in_dim3A_956 : vector<16xi1>, vector<16xi32>
    %ge3A_958 = arith.constant 507904 : i32
    %ge3A_959 = vector.broadcast %ge3A_958 : i32 to vector<16xi32>
    %ge3A_960 = arith.cmpi sge, %get3A_949, %ge3A_959 : vector<16xi32>
    %jit3A_961 = arith.constant 1 : i32
    %jit3A_962 = arith.constant 0 : i32
    %broadcast_in_dim3A_963 = vector.broadcast %jit3A_961 : i32 to vector<16xi32>
    %broadcast_in_dim3A_964 = vector.broadcast %jit3A_962 : i32 to vector<16xi32>
    %select_n3A_965 = arith.select %ge3A_960, %broadcast_in_dim3A_963, %broadcast_in_dim3A_964 : vector<16xi1>, vector<16xi32>
    %add3A_966 = arith.addi %select_n3A_957, %select_n3A_965 : vector<16xi32>
    %ge3A_967 = arith.constant 761856 : i32
    %ge3A_968 = vector.broadcast %ge3A_967 : i32 to vector<16xi32>
    %ge3A_969 = arith.cmpi sge, %get3A_949, %ge3A_968 : vector<16xi32>
    %jit3A_970 = arith.constant 1 : i32
    %jit3A_971 = arith.constant 0 : i32
    %broadcast_in_dim3A_972 = vector.broadcast %jit3A_970 : i32 to vector<16xi32>
    %broadcast_in_dim3A_973 = vector.broadcast %jit3A_971 : i32 to vector<16xi32>
    %select_n3A_974 = arith.select %ge3A_969, %broadcast_in_dim3A_972, %broadcast_in_dim3A_973 : vector<16xi1>, vector<16xi32>
    %add3A_975 = arith.addi %add3A_966, %select_n3A_974 : vector<16xi32>
    %mul3A_976 = arith.constant 253952 : i32
    %mul3A_977 = vector.broadcast %mul3A_976 : i32 to vector<16xi32>
    %mul3A_978 = arith.muli %add3A_975, %mul3A_977 : vector<16xi32>
    %sub3A_979 = arith.subi %get3A_949, %mul3A_978 : vector<16xi32>
    %swap3A_980 = arith.constant 448 : index
    %swap3A_981 = tpu.vector_load %arg5[%swap3A_980] {strides = array<i32>} : memref<512xi32, #tpu.memory_space<vmem>>, vector<16xi32>,
    tpu.vector_store %arg5[%swap3A_980], %sub3A_979 {strides = array<i32>} : memref<512xi32, #tpu.memory_space<vmem>>, vector<16xi32>,
    %get3A_982 = arith.constant 464 : index
    %get3A_983 = tpu.vector_load %arg5[%get3A_982] {strides = array<i32>} : memref<512xi32, #tpu.memory_space<vmem>>, vector<16xi32>,
    %ge3A_984 = arith.constant 253952 : i32
    %ge3A_985 = vector.broadcast %ge3A_984 : i32 to vector<16xi32>
    %ge3A_986 = arith.cmpi sge, %get3A_983, %ge3A_985 : vector<16xi32>
    %jit3A_987 = arith.constant 1 : i32
    %jit3A_988 = arith.constant 0 : i32
    %broadcast_in_dim3A_989 = vector.broadcast %jit3A_987 : i32 to vector<16xi32>
    %broadcast_in_dim3A_990 = vector.broadcast %jit3A_988 : i32 to vector<16xi32>
    %select_n3A_991 = arith.select %ge3A_986, %broadcast_in_dim3A_989, %broadcast_in_dim3A_990 : vector<16xi1>, vector<16xi32>
    %ge3A_992 = arith.constant 507904 : i32
    %ge3A_993 = vector.broadcast %ge3A_992 : i32 to vector<16xi32>
    %ge3A_994 = arith.cmpi sge, %get3A_983, %ge3A_993 : vector<16xi32>
    %jit3A_995 = arith.constant 1 : i32
    %jit3A_996 = arith.constant 0 : i32
    %broadcast_in_dim3A_997 = vector.broadcast %jit3A_995 : i32 to vector<16xi32>
    %broadcast_in_dim3A_998 = vector.broadcast %jit3A_996 : i32 to vector<16xi32>
    %select_n3A_999 = arith.select %ge3A_994, %broadcast_in_dim3A_997, %broadcast_in_dim3A_998 : vector<16xi1>, vector<16xi32>
    %add3A_1000 = arith.addi %select_n3A_991, %select_n3A_999 : vector<16xi32>
    %ge3A_1001 = arith.constant 761856 : i32
    %ge3A_1002 = vector.broadcast %ge3A_1001 : i32 to vector<16xi32>
    %ge3A_1003 = arith.cmpi sge, %get3A_983, %ge3A_1002 : vector<16xi32>
    %jit3A_1004 = arith.constant 1 : i32
    %jit3A_1005 = arith.constant 0 : i32
    %broadcast_in_dim3A_1006 = vector.broadcast %jit3A_1004 : i32 to vector<16xi32>
    %broadcast_in_dim3A_1007 = vector.broadcast %jit3A_1005 : i32 to vector<16xi32>
    %select_n3A_1008 = arith.select %ge3A_1003, %broadcast_in_dim3A_1006, %broadcast_in_dim3A_1007 : vector<16xi1>, vector<16xi32>
    %add3A_1009 = arith.addi %add3A_1000, %select_n3A_1008 : vector<16xi32>
    %mul3A_1010 = arith.constant 253952 : i32
    %mul3A_1011 = vector.broadcast %mul3A_1010 : i32 to vector<16xi32>
    %mul3A_1012 = arith.muli %add3A_1009, %mul3A_1011 : vector<16xi32>
    %sub3A_1013 = arith.subi %get3A_983, %mul3A_1012 : vector<16xi32>
    %swap3A_1014 = arith.constant 464 : index
    %swap3A_1015 = tpu.vector_load %arg5[%swap3A_1014] {strides = array<i32>} : memref<512xi32, #tpu.memory_space<vmem>>, vector<16xi32>,
    tpu.vector_store %arg5[%swap3A_1014], %sub3A_1013 {strides = array<i32>} : memref<512xi32, #tpu.memory_space<vmem>>, vector<16xi32>,
    %get3A_1016 = arith.constant 480 : index
    %get3A_1017 = tpu.vector_load %arg5[%get3A_1016] {strides = array<i32>} : memref<512xi32, #tpu.memory_space<vmem>>, vector<16xi32>,
    %ge3A_1018 = arith.constant 253952 : i32
    %ge3A_1019 = vector.broadcast %ge3A_1018 : i32 to vector<16xi32>
    %ge3A_1020 = arith.cmpi sge, %get3A_1017, %ge3A_1019 : vector<16xi32>
    %jit3A_1021 = arith.constant 1 : i32
    %jit3A_1022 = arith.constant 0 : i32
    %broadcast_in_dim3A_1023 = vector.broadcast %jit3A_1021 : i32 to vector<16xi32>
    %broadcast_in_dim3A_1024 = vector.broadcast %jit3A_1022 : i32 to vector<16xi32>
    %select_n3A_1025 = arith.select %ge3A_1020, %broadcast_in_dim3A_1023, %broadcast_in_dim3A_1024 : vector<16xi1>, vector<16xi32>
    %ge3A_1026 = arith.constant 507904 : i32
    %ge3A_1027 = vector.broadcast %ge3A_1026 : i32 to vector<16xi32>
    %ge3A_1028 = arith.cmpi sge, %get3A_1017, %ge3A_1027 : vector<16xi32>
    %jit3A_1029 = arith.constant 1 : i32
    %jit3A_1030 = arith.constant 0 : i32
    %broadcast_in_dim3A_1031 = vector.broadcast %jit3A_1029 : i32 to vector<16xi32>
    %broadcast_in_dim3A_1032 = vector.broadcast %jit3A_1030 : i32 to vector<16xi32>
    %select_n3A_1033 = arith.select %ge3A_1028, %broadcast_in_dim3A_1031, %broadcast_in_dim3A_1032 : vector<16xi1>, vector<16xi32>
    %add3A_1034 = arith.addi %select_n3A_1025, %select_n3A_1033 : vector<16xi32>
    %ge3A_1035 = arith.constant 761856 : i32
    %ge3A_1036 = vector.broadcast %ge3A_1035 : i32 to vector<16xi32>
    %ge3A_1037 = arith.cmpi sge, %get3A_1017, %ge3A_1036 : vector<16xi32>
    %jit3A_1038 = arith.constant 1 : i32
    %jit3A_1039 = arith.constant 0 : i32
    %broadcast_in_dim3A_1040 = vector.broadcast %jit3A_1038 : i32 to vector<16xi32>
    %broadcast_in_dim3A_1041 = vector.broadcast %jit3A_1039 : i32 to vector<16xi32>
    %select_n3A_1042 = arith.select %ge3A_1037, %broadcast_in_dim3A_1040, %broadcast_in_dim3A_1041 : vector<16xi1>, vector<16xi32>
    %add3A_1043 = arith.addi %add3A_1034, %select_n3A_1042 : vector<16xi32>
    %mul3A_1044 = arith.constant 253952 : i32
    %mul3A_1045 = vector.broadcast %mul3A_1044 : i32 to vector<16xi32>
    %mul3A_1046 = arith.muli %add3A_1043, %mul3A_1045 : vector<16xi32>
    %sub3A_1047 = arith.subi %get3A_1017, %mul3A_1046 : vector<16xi32>
    %swap3A_1048 = arith.constant 480 : index
    %swap3A_1049 = tpu.vector_load %arg5[%swap3A_1048] {strides = array<i32>} : memref<512xi32, #tpu.memory_space<vmem>>, vector<16xi32>,
    tpu.vector_store %arg5[%swap3A_1048], %sub3A_1047 {strides = array<i32>} : memref<512xi32, #tpu.memory_space<vmem>>, vector<16xi32>,
    %get3A_1050 = arith.constant 496 : index
    %get3A_1051 = tpu.vector_load %arg5[%get3A_1050] {strides = array<i32>} : memref<512xi32, #tpu.memory_space<vmem>>, vector<16xi32>,
    %ge3A_1052 = arith.constant 253952 : i32
    %ge3A_1053 = vector.broadcast %ge3A_1052 : i32 to vector<16xi32>
    %ge3A_1054 = arith.cmpi sge, %get3A_1051, %ge3A_1053 : vector<16xi32>
    %jit3A_1055 = arith.constant 1 : i32
    %jit3A_1056 = arith.constant 0 : i32
    %broadcast_in_dim3A_1057 = vector.broadcast %jit3A_1055 : i32 to vector<16xi32>
    %broadcast_in_dim3A_1058 = vector.broadcast %jit3A_1056 : i32 to vector<16xi32>
    %select_n3A_1059 = arith.select %ge3A_1054, %broadcast_in_dim3A_1057, %broadcast_in_dim3A_1058 : vector<16xi1>, vector<16xi32>
    %ge3A_1060 = arith.constant 507904 : i32
    %ge3A_1061 = vector.broadcast %ge3A_1060 : i32 to vector<16xi32>
    %ge3A_1062 = arith.cmpi sge, %get3A_1051, %ge3A_1061 : vector<16xi32>
    %jit3A_1063 = arith.constant 1 : i32
    %jit3A_1064 = arith.constant 0 : i32
    %broadcast_in_dim3A_1065 = vector.broadcast %jit3A_1063 : i32 to vector<16xi32>
    %broadcast_in_dim3A_1066 = vector.broadcast %jit3A_1064 : i32 to vector<16xi32>
    %select_n3A_1067 = arith.select %ge3A_1062, %broadcast_in_dim3A_1065, %broadcast_in_dim3A_1066 : vector<16xi1>, vector<16xi32>
    %add3A_1068 = arith.addi %select_n3A_1059, %select_n3A_1067 : vector<16xi32>
    %ge3A_1069 = arith.constant 761856 : i32
    %ge3A_1070 = vector.broadcast %ge3A_1069 : i32 to vector<16xi32>
    %ge3A_1071 = arith.cmpi sge, %get3A_1051, %ge3A_1070 : vector<16xi32>
    %jit3A_1072 = arith.constant 1 : i32
    %jit3A_1073 = arith.constant 0 : i32
    %broadcast_in_dim3A_1074 = vector.broadcast %jit3A_1072 : i32 to vector<16xi32>
    %broadcast_in_dim3A_1075 = vector.broadcast %jit3A_1073 : i32 to vector<16xi32>
    %select_n3A_1076 = arith.select %ge3A_1071, %broadcast_in_dim3A_1074, %broadcast_in_dim3A_1075 : vector<16xi1>, vector<16xi32>
    %add3A_1077 = arith.addi %add3A_1068, %select_n3A_1076 : vector<16xi32>
    %mul3A_1078 = arith.constant 253952 : i32
    %mul3A_1079 = vector.broadcast %mul3A_1078 : i32 to vector<16xi32>
    %mul3A_1080 = arith.muli %add3A_1077, %mul3A_1079 : vector<16xi32>
    %sub3A_1081 = arith.subi %get3A_1051, %mul3A_1080 : vector<16xi32>
    %swap3A_1082 = arith.constant 496 : index
    %swap3A_1083 = tpu.vector_load %arg5[%swap3A_1082] {strides = array<i32>} : memref<512xi32, #tpu.memory_space<vmem>>, vector<16xi32>,
    tpu.vector_store %arg5[%swap3A_1082], %sub3A_1081 {strides = array<i32>} : memref<512xi32, #tpu.memory_space<vmem>>, vector<16xi32>,
    %scan3A = arith.constant 0 : i32
    %scan3A_1084 = arith.constant 0 : i32
    %scan3A_1085 = arith.constant 32 : i32
    %scan3A_1086 = arith.addi %scan3A_1084, %scan3A_1085 : i32
    %scan3A_1087 = arith.constant 1 : i32
    %scan3A_1088 = scf.for %scan3A_1093 = %scan3A_1084 to %scan3A_1086 step %scan3A_1087 iter_args(%scan3A_1094 = %scan3A) -> (i32)  : i32 {
      %mul3A_1095 = arith.constant 16 : i32
      %mul3A_1096 = arith.muli %scan3A_1093, %mul3A_1095 : i32
      %get3A_1097 = arith.index_cast %mul3A_1096 : i32 to index
      %get3A_1098 = tpu.vector_load %arg5[%get3A_1097] {strides = array<i32>} : memref<512xi32, #tpu.memory_space<vmem>>, vector<16xi32>,
      %eq3A = arith.constant 0 : i32
      %eq3A_1099 = vector.broadcast %eq3A : i32 to vector<16xi32>
      %eq3A_1100 = arith.cmpi eq, %iota3A, %eq3A_1099 : vector<16xi32>
      %jit3A_1101 = arith.constant 0 : i32
      %broadcast_in_dim3A_1102 = vector.broadcast %jit3A_1101 : i32 to vector<16xi32>
      %select_n3A_1103 = arith.select %eq3A_1100, %get3A_1098, %broadcast_in_dim3A_1102 : vector<16xi1>, vector<16xi32>
      %reduce_sum3A = arith.constant true
      %reduce_sum3A_1104 = vector.broadcast %reduce_sum3A : i1 to vector<16xi1>
      %reduce_sum3A_1105 = tpu.scan <sum>, %select_n3A_1103 masked %reduce_sum3A_1104 : vector<16xi32>, vector<16xi1> -> vector<16xi32>
      %reduce_sum3A_1106 = vector.extract %reduce_sum3A_1105[15] : i32 from vector<16xi32>
      %mul3A_1107 = arith.constant 16 : i32
      %mul3A_1108 = arith.muli %scan3A_1093, %mul3A_1107 : i32
      %add3A_1109 = arith.constant 0 : i32
      %add3A_1110 = arith.addi %mul3A_1108, %add3A_1109 : i32
      %dma_start3A = arith.constant 0 : i32
      %dma_start3A_1111 = tpu.memref_slice %arg6[%add3A_1110, %dma_start3A] : memref<512x128xf32, #tpu.memory_space<vmem>> -> memref<1x128xf32, #tpu.memory_space<vmem>>
      %dma_start3A_1112 = tpu.memref_squeeze %dma_start3A_1111 : memref<1x128xf32, #tpu.memory_space<vmem>> -> memref<128xf32, #tpu.memory_space<vmem>>
      %dma_start3A_1113 = arith.constant 0 : i32
      %dma_start3A_1114 = tpu.memref_slice %arg3[%reduce_sum3A_1106, %dma_start3A_1113] : memref<253952x128xf32, #tpu.memory_space<hbm>> -> memref<1x128xf32, #tpu.memory_space<hbm>>
      %dma_start3A_1115 = tpu.memref_squeeze %dma_start3A_1114 : memref<1x128xf32, #tpu.memory_space<hbm>> -> memref<128xf32, #tpu.memory_space<hbm>>
      %dma_start3A_1116 = arith.constant 0 : i32
      %dma_start3A_1117 = tpu.memref_slice %arg6[%add3A_1110, %dma_start3A_1116] : memref<512x128xf32, #tpu.memory_space<vmem>> -> memref<1x128xf32, #tpu.memory_space<vmem>>
      %dma_start3A_1118 = tpu.memref_squeeze %dma_start3A_1117 : memref<1x128xf32, #tpu.memory_space<vmem>> -> memref<128xf32, #tpu.memory_space<vmem>>
      %dma_start3A_1119 = arith.constant 0 : i32
      %dma_start3A_1120 = tpu.memref_slice %arg3[%reduce_sum3A_1106, %dma_start3A_1119] : memref<253952x128xf32, #tpu.memory_space<hbm>> -> memref<1x128xf32, #tpu.memory_space<hbm>>
      %dma_start3A_1121 = tpu.memref_squeeze %dma_start3A_1120 : memref<1x128xf32, #tpu.memory_space<hbm>> -> memref<128xf32, #tpu.memory_space<hbm>>
      tpu.enqueue_dma source(%dma_start3A_1121 : memref<128xf32, #tpu.memory_space<hbm>>) target(%dma_start3A_1118 : memref<128xf32, #tpu.memory_space<vmem>>) target_semaphore(%arg7 : memref<!tpu.dma_semaphore, #tpu.memory_space<semaphore_mem>>)
      %eq3A_1122 = arith.constant 1 : i32
      %eq3A_1123 = vector.broadcast %eq3A_1122 : i32 to vector<16xi32>
      %eq3A_1124 = arith.cmpi eq, %iota3A, %eq3A_1123 : vector<16xi32>
      %jit3A_1125 = arith.constant 0 : i32
      %broadcast_in_dim3A_1126 = vector.broadcast %jit3A_1125 : i32 to vector<16xi32>
      %select_n3A_1127 = arith.select %eq3A_1124, %get3A_1098, %broadcast_in_dim3A_1126 : vector<16xi1>, vector<16xi32>
      %reduce_sum3A_1128 = arith.constant true
      %reduce_sum3A_1129 = vector.broadcast %reduce_sum3A_1128 : i1 to vector<16xi1>
      %reduce_sum3A_1130 = tpu.scan <sum>, %select_n3A_1127 masked %reduce_sum3A_1129 : vector<16xi32>, vector<16xi1> -> vector<16xi32>
      %reduce_sum3A_1131 = vector.extract %reduce_sum3A_1130[15] : i32 from vector<16xi32>
      %mul3A_1132 = arith.constant 16 : i32
      %mul3A_1133 = arith.muli %scan3A_1093, %mul3A_1132 : i32
      %add3A_1134 = arith.constant 1 : i32
      %add3A_1135 = arith.addi %mul3A_1133, %add3A_1134 : i32
      %dma_start3A_1136 = arith.constant 0 : i32
      %dma_start3A_1137 = tpu.memref_slice %arg6[%add3A_1135, %dma_start3A_1136] : memref<512x128xf32, #tpu.memory_space<vmem>> -> memref<1x128xf32, #tpu.memory_space<vmem>>
      %dma_start3A_1138 = tpu.memref_squeeze %dma_start3A_1137 : memref<1x128xf32, #tpu.memory_space<vmem>> -> memref<128xf32, #tpu.memory_space<vmem>>
      %dma_start3A_1139 = arith.constant 0 : i32
      %dma_start3A_1140 = tpu.memref_slice %arg3[%reduce_sum3A_1131, %dma_start3A_1139] : memref<253952x128xf32, #tpu.memory_space<hbm>> -> memref<1x128xf32, #tpu.memory_space<hbm>>
      %dma_start3A_1141 = tpu.memref_squeeze %dma_start3A_1140 : memref<1x128xf32, #tpu.memory_space<hbm>> -> memref<128xf32, #tpu.memory_space<hbm>>
      %dma_start3A_1142 = arith.constant 0 : i32
      %dma_start3A_1143 = tpu.memref_slice %arg6[%add3A_1135, %dma_start3A_1142] : memref<512x128xf32, #tpu.memory_space<vmem>> -> memref<1x128xf32, #tpu.memory_space<vmem>>
      %dma_start3A_1144 = tpu.memref_squeeze %dma_start3A_1143 : memref<1x128xf32, #tpu.memory_space<vmem>> -> memref<128xf32, #tpu.memory_space<vmem>>
      %dma_start3A_1145 = arith.constant 0 : i32
      %dma_start3A_1146 = tpu.memref_slice %arg3[%reduce_sum3A_1131, %dma_start3A_1145] : memref<253952x128xf32, #tpu.memory_space<hbm>> -> memref<1x128xf32, #tpu.memory_space<hbm>>
      %dma_start3A_1147 = tpu.memref_squeeze %dma_start3A_1146 : memref<1x128xf32, #tpu.memory_space<hbm>> -> memref<128xf32, #tpu.memory_space<hbm>>
      tpu.enqueue_dma source(%dma_start3A_1147 : memref<128xf32, #tpu.memory_space<hbm>>) target(%dma_start3A_1144 : memref<128xf32, #tpu.memory_space<vmem>>) target_semaphore(%arg7 : memref<!tpu.dma_semaphore, #tpu.memory_space<semaphore_mem>>)
      %eq3A_1148 = arith.constant 2 : i32
      %eq3A_1149 = vector.broadcast %eq3A_1148 : i32 to vector<16xi32>
      %eq3A_1150 = arith.cmpi eq, %iota3A, %eq3A_1149 : vector<16xi32>
      %jit3A_1151 = arith.constant 0 : i32
      %broadcast_in_dim3A_1152 = vector.broadcast %jit3A_1151 : i32 to vector<16xi32>
      %select_n3A_1153 = arith.select %eq3A_1150, %get3A_1098, %broadcast_in_dim3A_1152 : vector<16xi1>, vector<16xi32>
      %reduce_sum3A_1154 = arith.constant true
      %reduce_sum3A_1155 = vector.broadcast %reduce_sum3A_1154 : i1 to vector<16xi1>
      %reduce_sum3A_1156 = tpu.scan <sum>, %select_n3A_1153 masked %reduce_sum3A_1155 : vector<16xi32>, vector<16xi1> -> vector<16xi32>
      %reduce_sum3A_1157 = vector.extract %reduce_sum3A_1156[15] : i32 from vector<16xi32>
      %mul3A_1158 = arith.constant 16 : i32
      %mul3A_1159 = arith.muli %scan3A_1093, %mul3A_1158 : i32
      %add3A_1160 = arith.constant 2 : i32
      %add3A_1161 = arith.addi %mul3A_1159, %add3A_1160 : i32
      %dma_start3A_1162 = arith.constant 0 : i32
      %dma_start3A_1163 = tpu.memref_slice %arg6[%add3A_1161, %dma_start3A_1162] : memref<512x128xf32, #tpu.memory_space<vmem>> -> memref<1x128xf32, #tpu.memory_space<vmem>>
      %dma_start3A_1164 = tpu.memref_squeeze %dma_start3A_1163 : memref<1x128xf32, #tpu.memory_space<vmem>> -> memref<128xf32, #tpu.memory_space<vmem>>
      %dma_start3A_1165 = arith.constant 0 : i32
      %dma_start3A_1166 = tpu.memref_slice %arg3[%reduce_sum3A_1157, %dma_start3A_1165] : memref<253952x128xf32, #tpu.memory_space<hbm>> -> memref<1x128xf32, #tpu.memory_space<hbm>>
      %dma_start3A_1167 = tpu.memref_squeeze %dma_start3A_1166 : memref<1x128xf32, #tpu.memory_space<hbm>> -> memref<128xf32, #tpu.memory_space<hbm>>
      %dma_start3A_1168 = arith.constant 0 : i32
      %dma_start3A_1169 = tpu.memref_slice %arg6[%add3A_1161, %dma_start3A_1168] : memref<512x128xf32, #tpu.memory_space<vmem>> -> memref<1x128xf32, #tpu.memory_space<vmem>>
      %dma_start3A_1170 = tpu.memref_squeeze %dma_start3A_1169 : memref<1x128xf32, #tpu.memory_space<vmem>> -> memref<128xf32, #tpu.memory_space<vmem>>
      %dma_start3A_1171 = arith.constant 0 : i32
      %dma_start3A_1172 = tpu.memref_slice %arg3[%reduce_sum3A_1157, %dma_start3A_1171] : memref<253952x128xf32, #tpu.memory_space<hbm>> -> memref<1x128xf32, #tpu.memory_space<hbm>>
      %dma_start3A_1173 = tpu.memref_squeeze %dma_start3A_1172 : memref<1x128xf32, #tpu.memory_space<hbm>> -> memref<128xf32, #tpu.memory_space<hbm>>
      tpu.enqueue_dma source(%dma_start3A_1173 : memref<128xf32, #tpu.memory_space<hbm>>) target(%dma_start3A_1170 : memref<128xf32, #tpu.memory_space<vmem>>) target_semaphore(%arg7 : memref<!tpu.dma_semaphore, #tpu.memory_space<semaphore_mem>>)
      %eq3A_1174 = arith.constant 3 : i32
      %eq3A_1175 = vector.broadcast %eq3A_1174 : i32 to vector<16xi32>
      %eq3A_1176 = arith.cmpi eq, %iota3A, %eq3A_1175 : vector<16xi32>
      %jit3A_1177 = arith.constant 0 : i32
      %broadcast_in_dim3A_1178 = vector.broadcast %jit3A_1177 : i32 to vector<16xi32>
      %select_n3A_1179 = arith.select %eq3A_1176, %get3A_1098, %broadcast_in_dim3A_1178 : vector<16xi1>, vector<16xi32>
      %reduce_sum3A_1180 = arith.constant true
      %reduce_sum3A_1181 = vector.broadcast %reduce_sum3A_1180 : i1 to vector<16xi1>
      %reduce_sum3A_1182 = tpu.scan <sum>, %select_n3A_1179 masked %reduce_sum3A_1181 : vector<16xi32>, vector<16xi1> -> vector<16xi32>
      %reduce_sum3A_1183 = vector.extract %reduce_sum3A_1182[15] : i32 from vector<16xi32>
      %mul3A_1184 = arith.constant 16 : i32
      %mul3A_1185 = arith.muli %scan3A_1093, %mul3A_1184 : i32
      %add3A_1186 = arith.constant 3 : i32
      %add3A_1187 = arith.addi %mul3A_1185, %add3A_1186 : i32
      %dma_start3A_1188 = arith.constant 0 : i32
      %dma_start3A_1189 = tpu.memref_slice %arg6[%add3A_1187, %dma_start3A_1188] : memref<512x128xf32, #tpu.memory_space<vmem>> -> memref<1x128xf32, #tpu.memory_space<vmem>>
      %dma_start3A_1190 = tpu.memref_squeeze %dma_start3A_1189 : memref<1x128xf32, #tpu.memory_space<vmem>> -> memref<128xf32, #tpu.memory_space<vmem>>
      %dma_start3A_1191 = arith.constant 0 : i32
      %dma_start3A_1192 = tpu.memref_slice %arg3[%reduce_sum3A_1183, %dma_start3A_1191] : memref<253952x128xf32, #tpu.memory_space<hbm>> -> memref<1x128xf32, #tpu.memory_space<hbm>>
      %dma_start3A_1193 = tpu.memref_squeeze %dma_start3A_1192 : memref<1x128xf32, #tpu.memory_space<hbm>> -> memref<128xf32, #tpu.memory_space<hbm>>
      %dma_start3A_1194 = arith.constant 0 : i32
      %dma_start3A_1195 = tpu.memref_slice %arg6[%add3A_1187, %dma_start3A_1194] : memref<512x128xf32, #tpu.memory_space<vmem>> -> memref<1x128xf32, #tpu.memory_space<vmem>>
      %dma_start3A_1196 = tpu.memref_squeeze %dma_start3A_1195 : memref<1x128xf32, #tpu.memory_space<vmem>> -> memref<128xf32, #tpu.memory_space<vmem>>
      %dma_start3A_1197 = arith.constant 0 : i32
      %dma_start3A_1198 = tpu.memref_slice %arg3[%reduce_sum3A_1183, %dma_start3A_1197] : memref<253952x128xf32, #tpu.memory_space<hbm>> -> memref<1x128xf32, #tpu.memory_space<hbm>>
      %dma_start3A_1199 = tpu.memref_squeeze %dma_start3A_1198 : memref<1x128xf32, #tpu.memory_space<hbm>> -> memref<128xf32, #tpu.memory_space<hbm>>
      tpu.enqueue_dma source(%dma_start3A_1199 : memref<128xf32, #tpu.memory_space<hbm>>) target(%dma_start3A_1196 : memref<128xf32, #tpu.memory_space<vmem>>) target_semaphore(%arg7 : memref<!tpu.dma_semaphore, #tpu.memory_space<semaphore_mem>>)
      %eq3A_1200 = arith.constant 4 : i32
      %eq3A_1201 = vector.broadcast %eq3A_1200 : i32 to vector<16xi32>
      %eq3A_1202 = arith.cmpi eq, %iota3A, %eq3A_1201 : vector<16xi32>
      %jit3A_1203 = arith.constant 0 : i32
      %broadcast_in_dim3A_1204 = vector.broadcast %jit3A_1203 : i32 to vector<16xi32>
      %select_n3A_1205 = arith.select %eq3A_1202, %get3A_1098, %broadcast_in_dim3A_1204 : vector<16xi1>, vector<16xi32>
      %reduce_sum3A_1206 = arith.constant true
      %reduce_sum3A_1207 = vector.broadcast %reduce_sum3A_1206 : i1 to vector<16xi1>
      %reduce_sum3A_1208 = tpu.scan <sum>, %select_n3A_1205 masked %reduce_sum3A_1207 : vector<16xi32>, vector<16xi1> -> vector<16xi32>
      %reduce_sum3A_1209 = vector.extract %reduce_sum3A_1208[15] : i32 from vector<16xi32>
      %mul3A_1210 = arith.constant 16 : i32
      %mul3A_1211 = arith.muli %scan3A_1093, %mul3A_1210 : i32
      %add3A_1212 = arith.constant 4 : i32
      %add3A_1213 = arith.addi %mul3A_1211, %add3A_1212 : i32
      %dma_start3A_1214 = arith.constant 0 : i32
      %dma_start3A_1215 = tpu.memref_slice %arg6[%add3A_1213, %dma_start3A_1214] : memref<512x128xf32, #tpu.memory_space<vmem>> -> memref<1x128xf32, #tpu.memory_space<vmem>>
      %dma_start3A_1216 = tpu.memref_squeeze %dma_start3A_1215 : memref<1x128xf32, #tpu.memory_space<vmem>> -> memref<128xf32, #tpu.memory_space<vmem>>
      %dma_start3A_1217 = arith.constant 0 : i32
      %dma_start3A_1218 = tpu.memref_slice %arg3[%reduce_sum3A_1209, %dma_start3A_1217] : memref<253952x128xf32, #tpu.memory_space<hbm>> -> memref<1x128xf32, #tpu.memory_space<hbm>>
      %dma_start3A_1219 = tpu.memref_squeeze %dma_start3A_1218 : memref<1x128xf32, #tpu.memory_space<hbm>> -> memref<128xf32, #tpu.memory_space<hbm>>
      %dma_start3A_1220 = arith.constant 0 : i32
      %dma_start3A_1221 = tpu.memref_slice %arg6[%add3A_1213, %dma_start3A_1220] : memref<512x128xf32, #tpu.memory_space<vmem>> -> memref<1x128xf32, #tpu.memory_space<vmem>>
      %dma_start3A_1222 = tpu.memref_squeeze %dma_start3A_1221 : memref<1x128xf32, #tpu.memory_space<vmem>> -> memref<128xf32, #tpu.memory_space<vmem>>
      %dma_start3A_1223 = arith.constant 0 : i32
      %dma_start3A_1224 = tpu.memref_slice %arg3[%reduce_sum3A_1209, %dma_start3A_1223] : memref<253952x128xf32, #tpu.memory_space<hbm>> -> memref<1x128xf32, #tpu.memory_space<hbm>>
      %dma_start3A_1225 = tpu.memref_squeeze %dma_start3A_1224 : memref<1x128xf32, #tpu.memory_space<hbm>> -> memref<128xf32, #tpu.memory_space<hbm>>
      tpu.enqueue_dma source(%dma_start3A_1225 : memref<128xf32, #tpu.memory_space<hbm>>) target(%dma_start3A_1222 : memref<128xf32, #tpu.memory_space<vmem>>) target_semaphore(%arg7 : memref<!tpu.dma_semaphore, #tpu.memory_space<semaphore_mem>>)
      %eq3A_1226 = arith.constant 5 : i32
      %eq3A_1227 = vector.broadcast %eq3A_1226 : i32 to vector<16xi32>
      %eq3A_1228 = arith.cmpi eq, %iota3A, %eq3A_1227 : vector<16xi32>
      %jit3A_1229 = arith.constant 0 : i32
      %broadcast_in_dim3A_1230 = vector.broadcast %jit3A_1229 : i32 to vector<16xi32>
      %select_n3A_1231 = arith.select %eq3A_1228, %get3A_1098, %broadcast_in_dim3A_1230 : vector<16xi1>, vector<16xi32>
      %reduce_sum3A_1232 = arith.constant true
      %reduce_sum3A_1233 = vector.broadcast %reduce_sum3A_1232 : i1 to vector<16xi1>
      %reduce_sum3A_1234 = tpu.scan <sum>, %select_n3A_1231 masked %reduce_sum3A_1233 : vector<16xi32>, vector<16xi1> -> vector<16xi32>
      %reduce_sum3A_1235 = vector.extract %reduce_sum3A_1234[15] : i32 from vector<16xi32>
      %mul3A_1236 = arith.constant 16 : i32
      %mul3A_1237 = arith.muli %scan3A_1093, %mul3A_1236 : i32
      %add3A_1238 = arith.constant 5 : i32
      %add3A_1239 = arith.addi %mul3A_1237, %add3A_1238 : i32
      %dma_start3A_1240 = arith.constant 0 : i32
      %dma_start3A_1241 = tpu.memref_slice %arg6[%add3A_1239, %dma_start3A_1240] : memref<512x128xf32, #tpu.memory_space<vmem>> -> memref<1x128xf32, #tpu.memory_space<vmem>>
      %dma_start3A_1242 = tpu.memref_squeeze %dma_start3A_1241 : memref<1x128xf32, #tpu.memory_space<vmem>> -> memref<128xf32, #tpu.memory_space<vmem>>
      %dma_start3A_1243 = arith.constant 0 : i32
      %dma_start3A_1244 = tpu.memref_slice %arg3[%reduce_sum3A_1235, %dma_start3A_1243] : memref<253952x128xf32, #tpu.memory_space<hbm>> -> memref<1x128xf32, #tpu.memory_space<hbm>>
      %dma_start3A_1245 = tpu.memref_squeeze %dma_start3A_1244 : memref<1x128xf32, #tpu.memory_space<hbm>> -> memref<128xf32, #tpu.memory_space<hbm>>
      %dma_start3A_1246 = arith.constant 0 : i32
      %dma_start3A_1247 = tpu.memref_slice %arg6[%add3A_1239, %dma_start3A_1246] : memref<512x128xf32, #tpu.memory_space<vmem>> -> memref<1x128xf32, #tpu.memory_space<vmem>>
      %dma_start3A_1248 = tpu.memref_squeeze %dma_start3A_1247 : memref<1x128xf32, #tpu.memory_space<vmem>> -> memref<128xf32, #tpu.memory_space<vmem>>
      %dma_start3A_1249 = arith.constant 0 : i32
      %dma_start3A_1250 = tpu.memref_slice %arg3[%reduce_sum3A_1235, %dma_start3A_1249] : memref<253952x128xf32, #tpu.memory_space<hbm>> -> memref<1x128xf32, #tpu.memory_space<hbm>>
      %dma_start3A_1251 = tpu.memref_squeeze %dma_start3A_1250 : memref<1x128xf32, #tpu.memory_space<hbm>> -> memref<128xf32, #tpu.memory_space<hbm>>
      tpu.enqueue_dma source(%dma_start3A_1251 : memref<128xf32, #tpu.memory_space<hbm>>) target(%dma_start3A_1248 : memref<128xf32, #tpu.memory_space<vmem>>) target_semaphore(%arg7 : memref<!tpu.dma_semaphore, #tpu.memory_space<semaphore_mem>>)
      %eq3A_1252 = arith.constant 6 : i32
      %eq3A_1253 = vector.broadcast %eq3A_1252 : i32 to vector<16xi32>
      %eq3A_1254 = arith.cmpi eq, %iota3A, %eq3A_1253 : vector<16xi32>
      %jit3A_1255 = arith.constant 0 : i32
      %broadcast_in_dim3A_1256 = vector.broadcast %jit3A_1255 : i32 to vector<16xi32>
      %select_n3A_1257 = arith.select %eq3A_1254, %get3A_1098, %broadcast_in_dim3A_1256 : vector<16xi1>, vector<16xi32>
      %reduce_sum3A_1258 = arith.constant true
      %reduce_sum3A_1259 = vector.broadcast %reduce_sum3A_1258 : i1 to vector<16xi1>
      %reduce_sum3A_1260 = tpu.scan <sum>, %select_n3A_1257 masked %reduce_sum3A_1259 : vector<16xi32>, vector<16xi1> -> vector<16xi32>
      %reduce_sum3A_1261 = vector.extract %reduce_sum3A_1260[15] : i32 from vector<16xi32>
      %mul3A_1262 = arith.constant 16 : i32
      %mul3A_1263 = arith.muli %scan3A_1093, %mul3A_1262 : i32
      %add3A_1264 = arith.constant 6 : i32
      %add3A_1265 = arith.addi %mul3A_1263, %add3A_1264 : i32
      %dma_start3A_1266 = arith.constant 0 : i32
      %dma_start3A_1267 = tpu.memref_slice %arg6[%add3A_1265, %dma_start3A_1266] : memref<512x128xf32, #tpu.memory_space<vmem>> -> memref<1x128xf32, #tpu.memory_space<vmem>>
      %dma_start3A_1268 = tpu.memref_squeeze %dma_start3A_1267 : memref<1x128xf32, #tpu.memory_space<vmem>> -> memref<128xf32, #tpu.memory_space<vmem>>
      %dma_start3A_1269 = arith.constant 0 : i32
      %dma_start3A_1270 = tpu.memref_slice %arg3[%reduce_sum3A_1261, %dma_start3A_1269] : memref<253952x128xf32, #tpu.memory_space<hbm>> -> memref<1x128xf32, #tpu.memory_space<hbm>>
      %dma_start3A_1271 = tpu.memref_squeeze %dma_start3A_1270 : memref<1x128xf32, #tpu.memory_space<hbm>> -> memref<128xf32, #tpu.memory_space<hbm>>
      %dma_start3A_1272 = arith.constant 0 : i32
      %dma_start3A_1273 = tpu.memref_slice %arg6[%add3A_1265, %dma_start3A_1272] : memref<512x128xf32, #tpu.memory_space<vmem>> -> memref<1x128xf32, #tpu.memory_space<vmem>>
      %dma_start3A_1274 = tpu.memref_squeeze %dma_start3A_1273 : memref<1x128xf32, #tpu.memory_space<vmem>> -> memref<128xf32, #tpu.memory_space<vmem>>
      %dma_start3A_1275 = arith.constant 0 : i32
      %dma_start3A_1276 = tpu.memref_slice %arg3[%reduce_sum3A_1261, %dma_start3A_1275] : memref<253952x128xf32, #tpu.memory_space<hbm>> -> memref<1x128xf32, #tpu.memory_space<hbm>>
      %dma_start3A_1277 = tpu.memref_squeeze %dma_start3A_1276 : memref<1x128xf32, #tpu.memory_space<hbm>> -> memref<128xf32, #tpu.memory_space<hbm>>
      tpu.enqueue_dma source(%dma_start3A_1277 : memref<128xf32, #tpu.memory_space<hbm>>) target(%dma_start3A_1274 : memref<128xf32, #tpu.memory_space<vmem>>) target_semaphore(%arg7 : memref<!tpu.dma_semaphore, #tpu.memory_space<semaphore_mem>>)
      %eq3A_1278 = arith.constant 7 : i32
      %eq3A_1279 = vector.broadcast %eq3A_1278 : i32 to vector<16xi32>
      %eq3A_1280 = arith.cmpi eq, %iota3A, %eq3A_1279 : vector<16xi32>
      %jit3A_1281 = arith.constant 0 : i32
      %broadcast_in_dim3A_1282 = vector.broadcast %jit3A_1281 : i32 to vector<16xi32>
      %select_n3A_1283 = arith.select %eq3A_1280, %get3A_1098, %broadcast_in_dim3A_1282 : vector<16xi1>, vector<16xi32>
      %reduce_sum3A_1284 = arith.constant true
      %reduce_sum3A_1285 = vector.broadcast %reduce_sum3A_1284 : i1 to vector<16xi1>
      %reduce_sum3A_1286 = tpu.scan <sum>, %select_n3A_1283 masked %reduce_sum3A_1285 : vector<16xi32>, vector<16xi1> -> vector<16xi32>
      %reduce_sum3A_1287 = vector.extract %reduce_sum3A_1286[15] : i32 from vector<16xi32>
      %mul3A_1288 = arith.constant 16 : i32
      %mul3A_1289 = arith.muli %scan3A_1093, %mul3A_1288 : i32
      %add3A_1290 = arith.constant 7 : i32
      %add3A_1291 = arith.addi %mul3A_1289, %add3A_1290 : i32
      %dma_start3A_1292 = arith.constant 0 : i32
      %dma_start3A_1293 = tpu.memref_slice %arg6[%add3A_1291, %dma_start3A_1292] : memref<512x128xf32, #tpu.memory_space<vmem>> -> memref<1x128xf32, #tpu.memory_space<vmem>>
      %dma_start3A_1294 = tpu.memref_squeeze %dma_start3A_1293 : memref<1x128xf32, #tpu.memory_space<vmem>> -> memref<128xf32, #tpu.memory_space<vmem>>
      %dma_start3A_1295 = arith.constant 0 : i32
      %dma_start3A_1296 = tpu.memref_slice %arg3[%reduce_sum3A_1287, %dma_start3A_1295] : memref<253952x128xf32, #tpu.memory_space<hbm>> -> memref<1x128xf32, #tpu.memory_space<hbm>>
      %dma_start3A_1297 = tpu.memref_squeeze %dma_start3A_1296 : memref<1x128xf32, #tpu.memory_space<hbm>> -> memref<128xf32, #tpu.memory_space<hbm>>
      %dma_start3A_1298 = arith.constant 0 : i32
      %dma_start3A_1299 = tpu.memref_slice %arg6[%add3A_1291, %dma_start3A_1298] : memref<512x128xf32, #tpu.memory_space<vmem>> -> memref<1x128xf32, #tpu.memory_space<vmem>>
      %dma_start3A_1300 = tpu.memref_squeeze %dma_start3A_1299 : memref<1x128xf32, #tpu.memory_space<vmem>> -> memref<128xf32, #tpu.memory_space<vmem>>
      %dma_start3A_1301 = arith.constant 0 : i32
      %dma_start3A_1302 = tpu.memref_slice %arg3[%reduce_sum3A_1287, %dma_start3A_1301] : memref<253952x128xf32, #tpu.memory_space<hbm>> -> memref<1x128xf32, #tpu.memory_space<hbm>>
      %dma_start3A_1303 = tpu.memref_squeeze %dma_start3A_1302 : memref<1x128xf32, #tpu.memory_space<hbm>> -> memref<128xf32, #tpu.memory_space<hbm>>
      tpu.enqueue_dma source(%dma_start3A_1303 : memref<128xf32, #tpu.memory_space<hbm>>) target(%dma_start3A_1300 : memref<128xf32, #tpu.memory_space<vmem>>) target_semaphore(%arg7 : memref<!tpu.dma_semaphore, #tpu.memory_space<semaphore_mem>>)
      %eq3A_1304 = arith.constant 8 : i32
      %eq3A_1305 = vector.broadcast %eq3A_1304 : i32 to vector<16xi32>
      %eq3A_1306 = arith.cmpi eq, %iota3A, %eq3A_1305 : vector<16xi32>
      %jit3A_1307 = arith.constant 0 : i32
      %broadcast_in_dim3A_1308 = vector.broadcast %jit3A_1307 : i32 to vector<16xi32>
      %select_n3A_1309 = arith.select %eq3A_1306, %get3A_1098, %broadcast_in_dim3A_1308 : vector<16xi1>, vector<16xi32>
      %reduce_sum3A_1310 = arith.constant true
      %reduce_sum3A_1311 = vector.broadcast %reduce_sum3A_1310 : i1 to vector<16xi1>
      %reduce_sum3A_1312 = tpu.scan <sum>, %select_n3A_1309 masked %reduce_sum3A_1311 : vector<16xi32>, vector<16xi1> -> vector<16xi32>
      %reduce_sum3A_1313 = vector.extract %reduce_sum3A_1312[15] : i32 from vector<16xi32>
      %mul3A_1314 = arith.constant 16 : i32
      %mul3A_1315 = arith.muli %scan3A_1093, %mul3A_1314 : i32
      %add3A_1316 = arith.constant 8 : i32
      %add3A_1317 = arith.addi %mul3A_1315, %add3A_1316 : i32
      %dma_start3A_1318 = arith.constant 0 : i32
      %dma_start3A_1319 = tpu.memref_slice %arg6[%add3A_1317, %dma_start3A_1318] : memref<512x128xf32, #tpu.memory_space<vmem>> -> memref<1x128xf32, #tpu.memory_space<vmem>>
      %dma_start3A_1320 = tpu.memref_squeeze %dma_start3A_1319 : memref<1x128xf32, #tpu.memory_space<vmem>> -> memref<128xf32, #tpu.memory_space<vmem>>
      %dma_start3A_1321 = arith.constant 0 : i32
      %dma_start3A_1322 = tpu.memref_slice %arg3[%reduce_sum3A_1313, %dma_start3A_1321] : memref<253952x128xf32, #tpu.memory_space<hbm>> -> memref<1x128xf32, #tpu.memory_space<hbm>>
      %dma_start3A_1323 = tpu.memref_squeeze %dma_start3A_1322 : memref<1x128xf32, #tpu.memory_space<hbm>> -> memref<128xf32, #tpu.memory_space<hbm>>
      %dma_start3A_1324 = arith.constant 0 : i32
      %dma_start3A_1325 = tpu.memref_slice %arg6[%add3A_1317, %dma_start3A_1324] : memref<512x128xf32, #tpu.memory_space<vmem>> -> memref<1x128xf32, #tpu.memory_space<vmem>>
      %dma_start3A_1326 = tpu.memref_squeeze %dma_start3A_1325 : memref<1x128xf32, #tpu.memory_space<vmem>> -> memref<128xf32, #tpu.memory_space<vmem>>
      %dma_start3A_1327 = arith.constant 0 : i32
      %dma_start3A_1328 = tpu.memref_slice %arg3[%reduce_sum3A_1313, %dma_start3A_1327] : memref<253952x128xf32, #tpu.memory_space<hbm>> -> memref<1x128xf32, #tpu.memory_space<hbm>>
      %dma_start3A_1329 = tpu.memref_squeeze %dma_start3A_1328 : memref<1x128xf32, #tpu.memory_space<hbm>> -> memref<128xf32, #tpu.memory_space<hbm>>
      tpu.enqueue_dma source(%dma_start3A_1329 : memref<128xf32, #tpu.memory_space<hbm>>) target(%dma_start3A_1326 : memref<128xf32, #tpu.memory_space<vmem>>) target_semaphore(%arg7 : memref<!tpu.dma_semaphore, #tpu.memory_space<semaphore_mem>>)
      %eq3A_1330 = arith.constant 9 : i32
      %eq3A_1331 = vector.broadcast %eq3A_1330 : i32 to vector<16xi32>
      %eq3A_1332 = arith.cmpi eq, %iota3A, %eq3A_1331 : vector<16xi32>
      %jit3A_1333 = arith.constant 0 : i32
      %broadcast_in_dim3A_1334 = vector.broadcast %jit3A_1333 : i32 to vector<16xi32>
      %select_n3A_1335 = arith.select %eq3A_1332, %get3A_1098, %broadcast_in_dim3A_1334 : vector<16xi1>, vector<16xi32>
      %reduce_sum3A_1336 = arith.constant true
      %reduce_sum3A_1337 = vector.broadcast %reduce_sum3A_1336 : i1 to vector<16xi1>
      %reduce_sum3A_1338 = tpu.scan <sum>, %select_n3A_1335 masked %reduce_sum3A_1337 : vector<16xi32>, vector<16xi1> -> vector<16xi32>
      %reduce_sum3A_1339 = vector.extract %reduce_sum3A_1338[15] : i32 from vector<16xi32>
      %mul3A_1340 = arith.constant 16 : i32
      %mul3A_1341 = arith.muli %scan3A_1093, %mul3A_1340 : i32
      %add3A_1342 = arith.constant 9 : i32
      %add3A_1343 = arith.addi %mul3A_1341, %add3A_1342 : i32
      %dma_start3A_1344 = arith.constant 0 : i32
      %dma_start3A_1345 = tpu.memref_slice %arg6[%add3A_1343, %dma_start3A_1344] : memref<512x128xf32, #tpu.memory_space<vmem>> -> memref<1x128xf32, #tpu.memory_space<vmem>>
      %dma_start3A_1346 = tpu.memref_squeeze %dma_start3A_1345 : memref<1x128xf32, #tpu.memory_space<vmem>> -> memref<128xf32, #tpu.memory_space<vmem>>
      %dma_start3A_1347 = arith.constant 0 : i32
      %dma_start3A_1348 = tpu.memref_slice %arg3[%reduce_sum3A_1339, %dma_start3A_1347] : memref<253952x128xf32, #tpu.memory_space<hbm>> -> memref<1x128xf32, #tpu.memory_space<hbm>>
      %dma_start3A_1349 = tpu.memref_squeeze %dma_start3A_1348 : memref<1x128xf32, #tpu.memory_space<hbm>> -> memref<128xf32, #tpu.memory_space<hbm>>
      %dma_start3A_1350 = arith.constant 0 : i32
      %dma_start3A_1351 = tpu.memref_slice %arg6[%add3A_1343, %dma_start3A_1350] : memref<512x128xf32, #tpu.memory_space<vmem>> -> memref<1x128xf32, #tpu.memory_space<vmem>>
      %dma_start3A_1352 = tpu.memref_squeeze %dma_start3A_1351 : memref<1x128xf32, #tpu.memory_space<vmem>> -> memref<128xf32, #tpu.memory_space<vmem>>
      %dma_start3A_1353 = arith.constant 0 : i32
      %dma_start3A_1354 = tpu.memref_slice %arg3[%reduce_sum3A_1339, %dma_start3A_1353] : memref<253952x128xf32, #tpu.memory_space<hbm>> -> memref<1x128xf32, #tpu.memory_space<hbm>>
      %dma_start3A_1355 = tpu.memref_squeeze %dma_start3A_1354 : memref<1x128xf32, #tpu.memory_space<hbm>> -> memref<128xf32, #tpu.memory_space<hbm>>
      tpu.enqueue_dma source(%dma_start3A_1355 : memref<128xf32, #tpu.memory_space<hbm>>) target(%dma_start3A_1352 : memref<128xf32, #tpu.memory_space<vmem>>) target_semaphore(%arg7 : memref<!tpu.dma_semaphore, #tpu.memory_space<semaphore_mem>>)
      %eq3A_1356 = arith.constant 10 : i32
      %eq3A_1357 = vector.broadcast %eq3A_1356 : i32 to vector<16xi32>
      %eq3A_1358 = arith.cmpi eq, %iota3A, %eq3A_1357 : vector<16xi32>
      %jit3A_1359 = arith.constant 0 : i32
      %broadcast_in_dim3A_1360 = vector.broadcast %jit3A_1359 : i32 to vector<16xi32>
      %select_n3A_1361 = arith.select %eq3A_1358, %get3A_1098, %broadcast_in_dim3A_1360 : vector<16xi1>, vector<16xi32>
      %reduce_sum3A_1362 = arith.constant true
      %reduce_sum3A_1363 = vector.broadcast %reduce_sum3A_1362 : i1 to vector<16xi1>
      %reduce_sum3A_1364 = tpu.scan <sum>, %select_n3A_1361 masked %reduce_sum3A_1363 : vector<16xi32>, vector<16xi1> -> vector<16xi32>
      %reduce_sum3A_1365 = vector.extract %reduce_sum3A_1364[15] : i32 from vector<16xi32>
      %mul3A_1366 = arith.constant 16 : i32
      %mul3A_1367 = arith.muli %scan3A_1093, %mul3A_1366 : i32
      %add3A_1368 = arith.constant 10 : i32
      %add3A_1369 = arith.addi %mul3A_1367, %add3A_1368 : i32
      %dma_start3A_1370 = arith.constant 0 : i32
      %dma_start3A_1371 = tpu.memref_slice %arg6[%add3A_1369, %dma_start3A_1370] : memref<512x128xf32, #tpu.memory_space<vmem>> -> memref<1x128xf32, #tpu.memory_space<vmem>>
      %dma_start3A_1372 = tpu.memref_squeeze %dma_start3A_1371 : memref<1x128xf32, #tpu.memory_space<vmem>> -> memref<128xf32, #tpu.memory_space<vmem>>
      %dma_start3A_1373 = arith.constant 0 : i32
      %dma_start3A_1374 = tpu.memref_slice %arg3[%reduce_sum3A_1365, %dma_start3A_1373] : memref<253952x128xf32, #tpu.memory_space<hbm>> -> memref<1x128xf32, #tpu.memory_space<hbm>>
      %dma_start3A_1375 = tpu.memref_squeeze %dma_start3A_1374 : memref<1x128xf32, #tpu.memory_space<hbm>> -> memref<128xf32, #tpu.memory_space<hbm>>
      %dma_start3A_1376 = arith.constant 0 : i32
      %dma_start3A_1377 = tpu.memref_slice %arg6[%add3A_1369, %dma_start3A_1376] : memref<512x128xf32, #tpu.memory_space<vmem>> -> memref<1x128xf32, #tpu.memory_space<vmem>>
      %dma_start3A_1378 = tpu.memref_squeeze %dma_start3A_1377 : memref<1x128xf32, #tpu.memory_space<vmem>> -> memref<128xf32, #tpu.memory_space<vmem>>
      %dma_start3A_1379 = arith.constant 0 : i32
      %dma_start3A_1380 = tpu.memref_slice %arg3[%reduce_sum3A_1365, %dma_start3A_1379] : memref<253952x128xf32, #tpu.memory_space<hbm>> -> memref<1x128xf32, #tpu.memory_space<hbm>>
      %dma_start3A_1381 = tpu.memref_squeeze %dma_start3A_1380 : memref<1x128xf32, #tpu.memory_space<hbm>> -> memref<128xf32, #tpu.memory_space<hbm>>
      tpu.enqueue_dma source(%dma_start3A_1381 : memref<128xf32, #tpu.memory_space<hbm>>) target(%dma_start3A_1378 : memref<128xf32, #tpu.memory_space<vmem>>) target_semaphore(%arg7 : memref<!tpu.dma_semaphore, #tpu.memory_space<semaphore_mem>>)
      %eq3A_1382 = arith.constant 11 : i32
      %eq3A_1383 = vector.broadcast %eq3A_1382 : i32 to vector<16xi32>
      %eq3A_1384 = arith.cmpi eq, %iota3A, %eq3A_1383 : vector<16xi32>
      %jit3A_1385 = arith.constant 0 : i32
      %broadcast_in_dim3A_1386 = vector.broadcast %jit3A_1385 : i32 to vector<16xi32>
      %select_n3A_1387 = arith.select %eq3A_1384, %get3A_1098, %broadcast_in_dim3A_1386 : vector<16xi1>, vector<16xi32>
      %reduce_sum3A_1388 = arith.constant true
      %reduce_sum3A_1389 = vector.broadcast %reduce_sum3A_1388 : i1 to vector<16xi1>
      %reduce_sum3A_1390 = tpu.scan <sum>, %select_n3A_1387 masked %reduce_sum3A_1389 : vector<16xi32>, vector<16xi1> -> vector<16xi32>
      %reduce_sum3A_1391 = vector.extract %reduce_sum3A_1390[15] : i32 from vector<16xi32>
      %mul3A_1392 = arith.constant 16 : i32
      %mul3A_1393 = arith.muli %scan3A_1093, %mul3A_1392 : i32
      %add3A_1394 = arith.constant 11 : i32
      %add3A_1395 = arith.addi %mul3A_1393, %add3A_1394 : i32
      %dma_start3A_1396 = arith.constant 0 : i32
      %dma_start3A_1397 = tpu.memref_slice %arg6[%add3A_1395, %dma_start3A_1396] : memref<512x128xf32, #tpu.memory_space<vmem>> -> memref<1x128xf32, #tpu.memory_space<vmem>>
      %dma_start3A_1398 = tpu.memref_squeeze %dma_start3A_1397 : memref<1x128xf32, #tpu.memory_space<vmem>> -> memref<128xf32, #tpu.memory_space<vmem>>
      %dma_start3A_1399 = arith.constant 0 : i32
      %dma_start3A_1400 = tpu.memref_slice %arg3[%reduce_sum3A_1391, %dma_start3A_1399] : memref<253952x128xf32, #tpu.memory_space<hbm>> -> memref<1x128xf32, #tpu.memory_space<hbm>>
      %dma_start3A_1401 = tpu.memref_squeeze %dma_start3A_1400 : memref<1x128xf32, #tpu.memory_space<hbm>> -> memref<128xf32, #tpu.memory_space<hbm>>
      %dma_start3A_1402 = arith.constant 0 : i32
      %dma_start3A_1403 = tpu.memref_slice %arg6[%add3A_1395, %dma_start3A_1402] : memref<512x128xf32, #tpu.memory_space<vmem>> -> memref<1x128xf32, #tpu.memory_space<vmem>>
      %dma_start3A_1404 = tpu.memref_squeeze %dma_start3A_1403 : memref<1x128xf32, #tpu.memory_space<vmem>> -> memref<128xf32, #tpu.memory_space<vmem>>
      %dma_start3A_1405 = arith.constant 0 : i32
      %dma_start3A_1406 = tpu.memref_slice %arg3[%reduce_sum3A_1391, %dma_start3A_1405] : memref<253952x128xf32, #tpu.memory_space<hbm>> -> memref<1x128xf32, #tpu.memory_space<hbm>>
      %dma_start3A_1407 = tpu.memref_squeeze %dma_start3A_1406 : memref<1x128xf32, #tpu.memory_space<hbm>> -> memref<128xf32, #tpu.memory_space<hbm>>
      tpu.enqueue_dma source(%dma_start3A_1407 : memref<128xf32, #tpu.memory_space<hbm>>) target(%dma_start3A_1404 : memref<128xf32, #tpu.memory_space<vmem>>) target_semaphore(%arg7 : memref<!tpu.dma_semaphore, #tpu.memory_space<semaphore_mem>>)
      %eq3A_1408 = arith.constant 12 : i32
      %eq3A_1409 = vector.broadcast %eq3A_1408 : i32 to vector<16xi32>
      %eq3A_1410 = arith.cmpi eq, %iota3A, %eq3A_1409 : vector<16xi32>
      %jit3A_1411 = arith.constant 0 : i32
      %broadcast_in_dim3A_1412 = vector.broadcast %jit3A_1411 : i32 to vector<16xi32>
      %select_n3A_1413 = arith.select %eq3A_1410, %get3A_1098, %broadcast_in_dim3A_1412 : vector<16xi1>, vector<16xi32>
      %reduce_sum3A_1414 = arith.constant true
      %reduce_sum3A_1415 = vector.broadcast %reduce_sum3A_1414 : i1 to vector<16xi1>
      %reduce_sum3A_1416 = tpu.scan <sum>, %select_n3A_1413 masked %reduce_sum3A_1415 : vector<16xi32>, vector<16xi1> -> vector<16xi32>
      %reduce_sum3A_1417 = vector.extract %reduce_sum3A_1416[15] : i32 from vector<16xi32>
      %mul3A_1418 = arith.constant 16 : i32
      %mul3A_1419 = arith.muli %scan3A_1093, %mul3A_1418 : i32
      %add3A_1420 = arith.constant 12 : i32
      %add3A_1421 = arith.addi %mul3A_1419, %add3A_1420 : i32
      %dma_start3A_1422 = arith.constant 0 : i32
      %dma_start3A_1423 = tpu.memref_slice %arg6[%add3A_1421, %dma_start3A_1422] : memref<512x128xf32, #tpu.memory_space<vmem>> -> memref<1x128xf32, #tpu.memory_space<vmem>>
      %dma_start3A_1424 = tpu.memref_squeeze %dma_start3A_1423 : memref<1x128xf32, #tpu.memory_space<vmem>> -> memref<128xf32, #tpu.memory_space<vmem>>
      %dma_start3A_1425 = arith.constant 0 : i32
      %dma_start3A_1426 = tpu.memref_slice %arg3[%reduce_sum3A_1417, %dma_start3A_1425] : memref<253952x128xf32, #tpu.memory_space<hbm>> -> memref<1x128xf32, #tpu.memory_space<hbm>>
      %dma_start3A_1427 = tpu.memref_squeeze %dma_start3A_1426 : memref<1x128xf32, #tpu.memory_space<hbm>> -> memref<128xf32, #tpu.memory_space<hbm>>
      %dma_start3A_1428 = arith.constant 0 : i32
      %dma_start3A_1429 = tpu.memref_slice %arg6[%add3A_1421, %dma_start3A_1428] : memref<512x128xf32, #tpu.memory_space<vmem>> -> memref<1x128xf32, #tpu.memory_space<vmem>>
      %dma_start3A_1430 = tpu.memref_squeeze %dma_start3A_1429 : memref<1x128xf32, #tpu.memory_space<vmem>> -> memref<128xf32, #tpu.memory_space<vmem>>
      %dma_start3A_1431 = arith.constant 0 : i32
      %dma_start3A_1432 = tpu.memref_slice %arg3[%reduce_sum3A_1417, %dma_start3A_1431] : memref<253952x128xf32, #tpu.memory_space<hbm>> -> memref<1x128xf32, #tpu.memory_space<hbm>>
      %dma_start3A_1433 = tpu.memref_squeeze %dma_start3A_1432 : memref<1x128xf32, #tpu.memory_space<hbm>> -> memref<128xf32, #tpu.memory_space<hbm>>
      tpu.enqueue_dma source(%dma_start3A_1433 : memref<128xf32, #tpu.memory_space<hbm>>) target(%dma_start3A_1430 : memref<128xf32, #tpu.memory_space<vmem>>) target_semaphore(%arg7 : memref<!tpu.dma_semaphore, #tpu.memory_space<semaphore_mem>>)
      %eq3A_1434 = arith.constant 13 : i32
      %eq3A_1435 = vector.broadcast %eq3A_1434 : i32 to vector<16xi32>
      %eq3A_1436 = arith.cmpi eq, %iota3A, %eq3A_1435 : vector<16xi32>
      %jit3A_1437 = arith.constant 0 : i32
      %broadcast_in_dim3A_1438 = vector.broadcast %jit3A_1437 : i32 to vector<16xi32>
      %select_n3A_1439 = arith.select %eq3A_1436, %get3A_1098, %broadcast_in_dim3A_1438 : vector<16xi1>, vector<16xi32>
      %reduce_sum3A_1440 = arith.constant true
      %reduce_sum3A_1441 = vector.broadcast %reduce_sum3A_1440 : i1 to vector<16xi1>
      %reduce_sum3A_1442 = tpu.scan <sum>, %select_n3A_1439 masked %reduce_sum3A_1441 : vector<16xi32>, vector<16xi1> -> vector<16xi32>
      %reduce_sum3A_1443 = vector.extract %reduce_sum3A_1442[15] : i32 from vector<16xi32>
      %mul3A_1444 = arith.constant 16 : i32
      %mul3A_1445 = arith.muli %scan3A_1093, %mul3A_1444 : i32
      %add3A_1446 = arith.constant 13 : i32
      %add3A_1447 = arith.addi %mul3A_1445, %add3A_1446 : i32
      %dma_start3A_1448 = arith.constant 0 : i32
      %dma_start3A_1449 = tpu.memref_slice %arg6[%add3A_1447, %dma_start3A_1448] : memref<512x128xf32, #tpu.memory_space<vmem>> -> memref<1x128xf32, #tpu.memory_space<vmem>>
      %dma_start3A_1450 = tpu.memref_squeeze %dma_start3A_1449 : memref<1x128xf32, #tpu.memory_space<vmem>> -> memref<128xf32, #tpu.memory_space<vmem>>
      %dma_start3A_1451 = arith.constant 0 : i32
      %dma_start3A_1452 = tpu.memref_slice %arg3[%reduce_sum3A_1443, %dma_start3A_1451] : memref<253952x128xf32, #tpu.memory_space<hbm>> -> memref<1x128xf32, #tpu.memory_space<hbm>>
      %dma_start3A_1453 = tpu.memref_squeeze %dma_start3A_1452 : memref<1x128xf32, #tpu.memory_space<hbm>> -> memref<128xf32, #tpu.memory_space<hbm>>
      %dma_start3A_1454 = arith.constant 0 : i32
      %dma_start3A_1455 = tpu.memref_slice %arg6[%add3A_1447, %dma_start3A_1454] : memref<512x128xf32, #tpu.memory_space<vmem>> -> memref<1x128xf32, #tpu.memory_space<vmem>>
      %dma_start3A_1456 = tpu.memref_squeeze %dma_start3A_1455 : memref<1x128xf32, #tpu.memory_space<vmem>> -> memref<128xf32, #tpu.memory_space<vmem>>
      %dma_start3A_1457 = arith.constant 0 : i32
      %dma_start3A_1458 = tpu.memref_slice %arg3[%reduce_sum3A_1443, %dma_start3A_1457] : memref<253952x128xf32, #tpu.memory_space<hbm>> -> memref<1x128xf32, #tpu.memory_space<hbm>>
      %dma_start3A_1459 = tpu.memref_squeeze %dma_start3A_1458 : memref<1x128xf32, #tpu.memory_space<hbm>> -> memref<128xf32, #tpu.memory_space<hbm>>
      tpu.enqueue_dma source(%dma_start3A_1459 : memref<128xf32, #tpu.memory_space<hbm>>) target(%dma_start3A_1456 : memref<128xf32, #tpu.memory_space<vmem>>) target_semaphore(%arg7 : memref<!tpu.dma_semaphore, #tpu.memory_space<semaphore_mem>>)
      %eq3A_1460 = arith.constant 14 : i32
      %eq3A_1461 = vector.broadcast %eq3A_1460 : i32 to vector<16xi32>
      %eq3A_1462 = arith.cmpi eq, %iota3A, %eq3A_1461 : vector<16xi32>
      %jit3A_1463 = arith.constant 0 : i32
      %broadcast_in_dim3A_1464 = vector.broadcast %jit3A_1463 : i32 to vector<16xi32>
      %select_n3A_1465 = arith.select %eq3A_1462, %get3A_1098, %broadcast_in_dim3A_1464 : vector<16xi1>, vector<16xi32>
      %reduce_sum3A_1466 = arith.constant true
      %reduce_sum3A_1467 = vector.broadcast %reduce_sum3A_1466 : i1 to vector<16xi1>
      %reduce_sum3A_1468 = tpu.scan <sum>, %select_n3A_1465 masked %reduce_sum3A_1467 : vector<16xi32>, vector<16xi1> -> vector<16xi32>
      %reduce_sum3A_1469 = vector.extract %reduce_sum3A_1468[15] : i32 from vector<16xi32>
      %mul3A_1470 = arith.constant 16 : i32
      %mul3A_1471 = arith.muli %scan3A_1093, %mul3A_1470 : i32
      %add3A_1472 = arith.constant 14 : i32
      %add3A_1473 = arith.addi %mul3A_1471, %add3A_1472 : i32
      %dma_start3A_1474 = arith.constant 0 : i32
      %dma_start3A_1475 = tpu.memref_slice %arg6[%add3A_1473, %dma_start3A_1474] : memref<512x128xf32, #tpu.memory_space<vmem>> -> memref<1x128xf32, #tpu.memory_space<vmem>>
      %dma_start3A_1476 = tpu.memref_squeeze %dma_start3A_1475 : memref<1x128xf32, #tpu.memory_space<vmem>> -> memref<128xf32, #tpu.memory_space<vmem>>
      %dma_start3A_1477 = arith.constant 0 : i32
      %dma_start3A_1478 = tpu.memref_slice %arg3[%reduce_sum3A_1469, %dma_start3A_1477] : memref<253952x128xf32, #tpu.memory_space<hbm>> -> memref<1x128xf32, #tpu.memory_space<hbm>>
      %dma_start3A_1479 = tpu.memref_squeeze %dma_start3A_1478 : memref<1x128xf32, #tpu.memory_space<hbm>> -> memref<128xf32, #tpu.memory_space<hbm>>
      %dma_start3A_1480 = arith.constant 0 : i32
      %dma_start3A_1481 = tpu.memref_slice %arg6[%add3A_1473, %dma_start3A_1480] : memref<512x128xf32, #tpu.memory_space<vmem>> -> memref<1x128xf32, #tpu.memory_space<vmem>>
      %dma_start3A_1482 = tpu.memref_squeeze %dma_start3A_1481 : memref<1x128xf32, #tpu.memory_space<vmem>> -> memref<128xf32, #tpu.memory_space<vmem>>
      %dma_start3A_1483 = arith.constant 0 : i32
      %dma_start3A_1484 = tpu.memref_slice %arg3[%reduce_sum3A_1469, %dma_start3A_1483] : memref<253952x128xf32, #tpu.memory_space<hbm>> -> memref<1x128xf32, #tpu.memory_space<hbm>>
      %dma_start3A_1485 = tpu.memref_squeeze %dma_start3A_1484 : memref<1x128xf32, #tpu.memory_space<hbm>> -> memref<128xf32, #tpu.memory_space<hbm>>
      tpu.enqueue_dma source(%dma_start3A_1485 : memref<128xf32, #tpu.memory_space<hbm>>) target(%dma_start3A_1482 : memref<128xf32, #tpu.memory_space<vmem>>) target_semaphore(%arg7 : memref<!tpu.dma_semaphore, #tpu.memory_space<semaphore_mem>>)
      %eq3A_1486 = arith.constant 15 : i32
      %eq3A_1487 = vector.broadcast %eq3A_1486 : i32 to vector<16xi32>
      %eq3A_1488 = arith.cmpi eq, %iota3A, %eq3A_1487 : vector<16xi32>
      %jit3A_1489 = arith.constant 0 : i32
      %broadcast_in_dim3A_1490 = vector.broadcast %jit3A_1489 : i32 to vector<16xi32>
      %select_n3A_1491 = arith.select %eq3A_1488, %get3A_1098, %broadcast_in_dim3A_1490 : vector<16xi1>, vector<16xi32>
      %reduce_sum3A_1492 = arith.constant true
      %reduce_sum3A_1493 = vector.broadcast %reduce_sum3A_1492 : i1 to vector<16xi1>
      %reduce_sum3A_1494 = tpu.scan <sum>, %select_n3A_1491 masked %reduce_sum3A_1493 : vector<16xi32>, vector<16xi1> -> vector<16xi32>
      %reduce_sum3A_1495 = vector.extract %reduce_sum3A_1494[15] : i32 from vector<16xi32>
      %mul3A_1496 = arith.constant 16 : i32
      %mul3A_1497 = arith.muli %scan3A_1093, %mul3A_1496 : i32
      %add3A_1498 = arith.constant 15 : i32
      %add3A_1499 = arith.addi %mul3A_1497, %add3A_1498 : i32
      %dma_start3A_1500 = arith.constant 0 : i32
      %dma_start3A_1501 = tpu.memref_slice %arg6[%add3A_1499, %dma_start3A_1500] : memref<512x128xf32, #tpu.memory_space<vmem>> -> memref<1x128xf32, #tpu.memory_space<vmem>>
      %dma_start3A_1502 = tpu.memref_squeeze %dma_start3A_1501 : memref<1x128xf32, #tpu.memory_space<vmem>> -> memref<128xf32, #tpu.memory_space<vmem>>
      %dma_start3A_1503 = arith.constant 0 : i32
      %dma_start3A_1504 = tpu.memref_slice %arg3[%reduce_sum3A_1495, %dma_start3A_1503] : memref<253952x128xf32, #tpu.memory_space<hbm>> -> memref<1x128xf32, #tpu.memory_space<hbm>>
      %dma_start3A_1505 = tpu.memref_squeeze %dma_start3A_1504 : memref<1x128xf32, #tpu.memory_space<hbm>> -> memref<128xf32, #tpu.memory_space<hbm>>
      %dma_start3A_1506 = arith.constant 0 : i32
      %dma_start3A_1507 = tpu.memref_slice %arg6[%add3A_1499, %dma_start3A_1506] : memref<512x128xf32, #tpu.memory_space<vmem>> -> memref<1x128xf32, #tpu.memory_space<vmem>>
      %dma_start3A_1508 = tpu.memref_squeeze %dma_start3A_1507 : memref<1x128xf32, #tpu.memory_space<vmem>> -> memref<128xf32, #tpu.memory_space<vmem>>
      %dma_start3A_1509 = arith.constant 0 : i32
      %dma_start3A_1510 = tpu.memref_slice %arg3[%reduce_sum3A_1495, %dma_start3A_1509] : memref<253952x128xf32, #tpu.memory_space<hbm>> -> memref<1x128xf32, #tpu.memory_space<hbm>>
      %dma_start3A_1511 = tpu.memref_squeeze %dma_start3A_1510 : memref<1x128xf32, #tpu.memory_space<hbm>> -> memref<128xf32, #tpu.memory_space<hbm>>
      tpu.enqueue_dma source(%dma_start3A_1511 : memref<128xf32, #tpu.memory_space<hbm>>) target(%dma_start3A_1508 : memref<128xf32, #tpu.memory_space<vmem>>) target_semaphore(%arg7 : memref<!tpu.dma_semaphore, #tpu.memory_space<semaphore_mem>>)
      %scan3A_1512 = arith.constant 0 : i32
      scf.yield %scan3A_1512 : i32
    }
    %scan3A_1089 = arith.constant 32 : i32
    %dma_wait3A = arith.constant 0 : i32
    %dma_wait3A_1090 = tpu.memref_slice %arg4[%mul3A_2, %dma_wait3A] : memref<16384x128xf32, #tpu.memory_space<hbm>> -> memref<512x128xf32, #tpu.memory_space<hbm>>
    %dma_wait3A_1091 = arith.constant 0 : i32
    %dma_wait3A_1092 = tpu.memref_slice %arg4[%mul3A_2, %dma_wait3A_1091] : memref<16384x128xf32, #tpu.memory_space<hbm>> -> memref<512x128xf32, #tpu.memory_space<hbm>>
    tpu.wait_dma2 semaphore(%arg7 : memref<!tpu.dma_semaphore, #tpu.memory_space<semaphore_mem>>) src(%dma_wait3A_1092 : memref<512x128xf32, #tpu.memory_space<hbm>>) dst(%arg6 : memref<512x128xf32, #tpu.memory_space<vmem>>)
    "tpu.region"() ({
      %run_scoped3A = tpu.sem_alloc : memref<!tpu.dma_semaphore, #tpu.memory_space<semaphore_mem>>
      %dma_start3A = arith.constant 0 : i32
      %dma_start3A_1093 = tpu.memref_slice %arg4[%mul3A_2, %dma_start3A] : memref<16384x128xf32, #tpu.memory_space<hbm>> -> memref<512x128xf32, #tpu.memory_space<hbm>>
      %dma_start3A_1094 = arith.constant 0 : i32
      %dma_start3A_1095 = tpu.memref_slice %arg4[%mul3A_2, %dma_start3A_1094] : memref<16384x128xf32, #tpu.memory_space<hbm>> -> memref<512x128xf32, #tpu.memory_space<hbm>>
      tpu.enqueue_dma source(%arg6 : memref<512x128xf32, #tpu.memory_space<vmem>>) target(%dma_start3A_1095 : memref<512x128xf32, #tpu.memory_space<hbm>>) target_semaphore(%run_scoped3A : memref<!tpu.dma_semaphore, #tpu.memory_space<semaphore_mem>>)
      %dma_wait3A_1096 = arith.constant 0 : i32
      %dma_wait3A_1097 = tpu.memref_slice %arg4[%mul3A_2, %dma_wait3A_1096] : memref<16384x128xf32, #tpu.memory_space<hbm>> -> memref<512x128xf32, #tpu.memory_space<hbm>>
      %dma_wait3A_1098 = arith.constant 0 : i32
      %dma_wait3A_1099 = tpu.memref_slice %arg4[%mul3A_2, %dma_wait3A_1098] : memref<16384x128xf32, #tpu.memory_space<hbm>> -> memref<512x128xf32, #tpu.memory_space<hbm>>
      tpu.wait_dma2 semaphore(%run_scoped3A : memref<!tpu.dma_semaphore, #tpu.memory_space<semaphore_mem>>) src(%arg6 : memref<512x128xf32, #tpu.memory_space<vmem>>) dst(%dma_wait3A_1099 : memref<512x128xf32, #tpu.memory_space<hbm>>)
      tpu.yield
    }) : () -> ()
    return
  }
}

module attributes {stable_mosaic.version = 14 : i64} {
  func.func @_mlp_body(%arg0: i32, %arg1: memref<2048x128xf32, #tpu.memory_space<vmem>>, %arg2: memref<2048x128xf32, #tpu.memory_space<vmem>>, %arg3: memref<2048x1xi32, #tpu.memory_space<vmem>>, %arg4: memref<2048x1xi32, #tpu.memory_space<vmem>>, %arg5: memref<64x64xf32, #tpu.memory_space<vmem>>, %arg6: memref<64x64xf32, #tpu.memory_space<vmem>>, %arg7: memref<1x64xf32, #tpu.memory_space<vmem>>, %arg8: memref<1x64xf32, #tpu.memory_space<vmem>>, %arg9: memref<1x1xf32, #tpu.memory_space<vmem>>, %arg10: memref<2048x1xf32, #tpu.memory_space<vmem>>) attributes {dimension_semantics = [#tpu.dimension_semantics<arbitrary>], iteration_bounds = array<i64: 8>, scalar_prefetch = 0 : i64, scratch_operands = 0 : i64, tpu.core_type = #tpu.core_type<tc>, window_params = [{transform_indices = @transform_0, window_bounds = array<i64: 2048, 128>}, {transform_indices = @transform_1, window_bounds = array<i64: 2048, 128>}, {transform_indices = @transform_2, window_bounds = array<i64: 2048, 1>}, {transform_indices = @transform_3, window_bounds = array<i64: 2048, 1>}, {pipeline_mode = #tpu.pipeline_mode<synchronous>, transform_indices = @transform_4, window_bounds = array<i64: 64, 64>}, {pipeline_mode = #tpu.pipeline_mode<synchronous>, transform_indices = @transform_5, window_bounds = array<i64: 64, 64>}, {pipeline_mode = #tpu.pipeline_mode<synchronous>, transform_indices = @transform_6, window_bounds = array<i64: 1, 64>}, {pipeline_mode = #tpu.pipeline_mode<synchronous>, transform_indices = @transform_7, window_bounds = array<i64: 1, 64>}, {pipeline_mode = #tpu.pipeline_mode<synchronous>, transform_indices = @transform_8, window_bounds = array<i64: 1, 1>}, {transform_indices = @transform_9, window_bounds = array<i64: 2048, 1>}]} {
    %get3A = arith.constant 0 : index
    %get3A_0 = arith.constant 0 : index
    %get3A_1 = vector.load %arg3[%get3A, %get3A_0] : memref<2048x1xi32, #tpu.memory_space<vmem>>, vector<2048x1xi32>
    %ge3A = arith.constant 253952 : i32
    %ge3A_2 = vector.broadcast %ge3A : i32 to vector<2048x1xi32>
    %ge3A_3 = arith.cmpi sge, %get3A_1, %ge3A_2 : vector<2048x1xi32>
    %jit3A = arith.constant 1 : i32
    %jit3A_4 = arith.constant 0 : i32
    %broadcast_in_dim3A = vector.broadcast %jit3A : i32 to vector<2048x1xi32>
    %broadcast_in_dim3A_5 = vector.broadcast %jit3A_4 : i32 to vector<2048x1xi32>
    %select_n3A = arith.select %ge3A_3, %broadcast_in_dim3A, %broadcast_in_dim3A_5 : vector<2048x1xi1>, vector<2048x1xi32>
    %ge3A_6 = arith.constant 507904 : i32
    %ge3A_7 = vector.broadcast %ge3A_6 : i32 to vector<2048x1xi32>
    %ge3A_8 = arith.cmpi sge, %get3A_1, %ge3A_7 : vector<2048x1xi32>
    %jit3A_9 = arith.constant 1 : i32
    %jit3A_10 = arith.constant 0 : i32
    %broadcast_in_dim3A_11 = vector.broadcast %jit3A_9 : i32 to vector<2048x1xi32>
    %broadcast_in_dim3A_12 = vector.broadcast %jit3A_10 : i32 to vector<2048x1xi32>
    %select_n3A_13 = arith.select %ge3A_8, %broadcast_in_dim3A_11, %broadcast_in_dim3A_12 : vector<2048x1xi1>, vector<2048x1xi32>
    %add3A = arith.addi %select_n3A, %select_n3A_13 : vector<2048x1xi32>
    %ge3A_14 = arith.constant 761856 : i32
    %ge3A_15 = vector.broadcast %ge3A_14 : i32 to vector<2048x1xi32>
    %ge3A_16 = arith.cmpi sge, %get3A_1, %ge3A_15 : vector<2048x1xi32>
    %jit3A_17 = arith.constant 1 : i32
    %jit3A_18 = arith.constant 0 : i32
    %broadcast_in_dim3A_19 = vector.broadcast %jit3A_17 : i32 to vector<2048x1xi32>
    %broadcast_in_dim3A_20 = vector.broadcast %jit3A_18 : i32 to vector<2048x1xi32>
    %select_n3A_21 = arith.select %ge3A_16, %broadcast_in_dim3A_19, %broadcast_in_dim3A_20 : vector<2048x1xi1>, vector<2048x1xi32>
    %add3A_22 = arith.addi %add3A, %select_n3A_21 : vector<2048x1xi32>
    %and3A = arith.constant 1 : i32
    %and3A_23 = vector.broadcast %and3A : i32 to vector<2048x1xi32>
    %and3A_24 = arith.andi %add3A_22, %and3A_23 : vector<2048x1xi32>
    %eq3A = arith.constant 1 : i32
    %eq3A_25 = vector.broadcast %eq3A : i32 to vector<2048x1xi32>
    %eq3A_26 = arith.cmpi eq, %and3A_24, %eq3A_25 : vector<2048x1xi32>
    %get3A_27 = arith.constant 0 : index
    %get3A_28 = arith.constant 64 : index
    %get3A_29 = vector.load %arg1[%get3A_27, %get3A_28] : memref<2048x128xf32, #tpu.memory_space<vmem>>, vector<2048x64xf32>
    %get3A_30 = arith.constant 0 : index
    %get3A_31 = arith.constant 0 : index
    %get3A_32 = vector.load %arg1[%get3A_30, %get3A_31] : memref<2048x128xf32, #tpu.memory_space<vmem>>, vector<2048x64xf32>
    %broadcast_in_dim3A_33 = vector.shape_cast %eq3A_26 : vector<2048x1xi1> to vector<2048x1xi1>
    %broadcast_in_dim3A_34 = vector.broadcast %broadcast_in_dim3A_33 : vector<2048x1xi1> to vector<2048x64xi1>
    %select_n3A_35 = arith.select %broadcast_in_dim3A_34, %get3A_29, %get3A_32 : vector<2048x64xi1>, vector<2048x64xf32>
    %bitcast_convert_type3A = tpu.bitcast %select_n3A_35 : vector<2048x64xf32> -> vector<2048x64xi32>
    %and3A_36 = arith.constant -65536 : i32
    %and3A_37 = vector.broadcast %and3A_36 : i32 to vector<2048x64xi32>
    %and3A_38 = arith.andi %bitcast_convert_type3A, %and3A_37 : vector<2048x64xi32>
    %bitcast_convert_type3A_39 = tpu.bitcast %and3A_38 : vector<2048x64xi32> -> vector<2048x64xf32>
    %shift_left3A = arith.constant 16 : i32
    %shift_left3A_40 = vector.broadcast %shift_left3A : i32 to vector<2048x64xi32>
    %shift_left3A_41 = arith.shli %bitcast_convert_type3A, %shift_left3A_40 : vector<2048x64xi32>
    %bitcast_convert_type3A_42 = tpu.bitcast %shift_left3A_41 : vector<2048x64xi32> -> vector<2048x64xf32>
    %ge3A_43 = arith.constant 2 : i32
    %ge3A_44 = vector.broadcast %ge3A_43 : i32 to vector<2048x1xi32>
    %ge3A_45 = arith.cmpi sge, %add3A_22, %ge3A_44 : vector<2048x1xi32>
    %broadcast_in_dim3A_46 = vector.shape_cast %ge3A_45 : vector<2048x1xi1> to vector<2048x1xi1>
    %broadcast_in_dim3A_47 = vector.broadcast %broadcast_in_dim3A_46 : vector<2048x1xi1> to vector<2048x64xi1>
    %select_n3A_48 = arith.select %broadcast_in_dim3A_47, %bitcast_convert_type3A_42, %bitcast_convert_type3A_39 : vector<2048x64xi1>, vector<2048x64xf32>
    %max3A = arith.constant 0.000000e+00 : f32
    %max3A_49 = vector.broadcast %max3A : f32 to vector<2048x64xf32>
    %max3A_50 = arith.maximumf %select_n3A_48, %max3A_49 : vector<2048x64xf32>
    %get3A_51 = arith.constant 0 : index
    %get3A_52 = arith.constant 0 : index
    %get3A_53 = vector.load %arg4[%get3A_51, %get3A_52] : memref<2048x1xi32, #tpu.memory_space<vmem>>, vector<2048x1xi32>
    %ge3A_54 = arith.constant 253952 : i32
    %ge3A_55 = vector.broadcast %ge3A_54 : i32 to vector<2048x1xi32>
    %ge3A_56 = arith.cmpi sge, %get3A_53, %ge3A_55 : vector<2048x1xi32>
    %jit3A_57 = arith.constant 1 : i32
    %jit3A_58 = arith.constant 0 : i32
    %broadcast_in_dim3A_59 = vector.broadcast %jit3A_57 : i32 to vector<2048x1xi32>
    %broadcast_in_dim3A_60 = vector.broadcast %jit3A_58 : i32 to vector<2048x1xi32>
    %select_n3A_61 = arith.select %ge3A_56, %broadcast_in_dim3A_59, %broadcast_in_dim3A_60 : vector<2048x1xi1>, vector<2048x1xi32>
    %ge3A_62 = arith.constant 507904 : i32
    %ge3A_63 = vector.broadcast %ge3A_62 : i32 to vector<2048x1xi32>
    %ge3A_64 = arith.cmpi sge, %get3A_53, %ge3A_63 : vector<2048x1xi32>
    %jit3A_65 = arith.constant 1 : i32
    %jit3A_66 = arith.constant 0 : i32
    %broadcast_in_dim3A_67 = vector.broadcast %jit3A_65 : i32 to vector<2048x1xi32>
    %broadcast_in_dim3A_68 = vector.broadcast %jit3A_66 : i32 to vector<2048x1xi32>
    %select_n3A_69 = arith.select %ge3A_64, %broadcast_in_dim3A_67, %broadcast_in_dim3A_68 : vector<2048x1xi1>, vector<2048x1xi32>
    %add3A_70 = arith.addi %select_n3A_61, %select_n3A_69 : vector<2048x1xi32>
    %ge3A_71 = arith.constant 761856 : i32
    %ge3A_72 = vector.broadcast %ge3A_71 : i32 to vector<2048x1xi32>
    %ge3A_73 = arith.cmpi sge, %get3A_53, %ge3A_72 : vector<2048x1xi32>
    %jit3A_74 = arith.constant 1 : i32
    %jit3A_75 = arith.constant 0 : i32
    %broadcast_in_dim3A_76 = vector.broadcast %jit3A_74 : i32 to vector<2048x1xi32>
    %broadcast_in_dim3A_77 = vector.broadcast %jit3A_75 : i32 to vector<2048x1xi32>
    %select_n3A_78 = arith.select %ge3A_73, %broadcast_in_dim3A_76, %broadcast_in_dim3A_77 : vector<2048x1xi1>, vector<2048x1xi32>
    %add3A_79 = arith.addi %add3A_70, %select_n3A_78 : vector<2048x1xi32>
    %and3A_80 = arith.constant 1 : i32
    %and3A_81 = vector.broadcast %and3A_80 : i32 to vector<2048x1xi32>
    %and3A_82 = arith.andi %add3A_79, %and3A_81 : vector<2048x1xi32>
    %eq3A_83 = arith.constant 1 : i32
    %eq3A_84 = vector.broadcast %eq3A_83 : i32 to vector<2048x1xi32>
    %eq3A_85 = arith.cmpi eq, %and3A_82, %eq3A_84 : vector<2048x1xi32>
    %get3A_86 = arith.constant 0 : index
    %get3A_87 = arith.constant 64 : index
    %get3A_88 = vector.load %arg2[%get3A_86, %get3A_87] : memref<2048x128xf32, #tpu.memory_space<vmem>>, vector<2048x64xf32>
    %get3A_89 = arith.constant 0 : index
    %get3A_90 = arith.constant 0 : index
    %get3A_91 = vector.load %arg2[%get3A_89, %get3A_90] : memref<2048x128xf32, #tpu.memory_space<vmem>>, vector<2048x64xf32>
    %broadcast_in_dim3A_92 = vector.shape_cast %eq3A_85 : vector<2048x1xi1> to vector<2048x1xi1>
    %broadcast_in_dim3A_93 = vector.broadcast %broadcast_in_dim3A_92 : vector<2048x1xi1> to vector<2048x64xi1>
    %select_n3A_94 = arith.select %broadcast_in_dim3A_93, %get3A_88, %get3A_91 : vector<2048x64xi1>, vector<2048x64xf32>
    %bitcast_convert_type3A_95 = tpu.bitcast %select_n3A_94 : vector<2048x64xf32> -> vector<2048x64xi32>
    %and3A_96 = arith.constant -65536 : i32
    %and3A_97 = vector.broadcast %and3A_96 : i32 to vector<2048x64xi32>
    %and3A_98 = arith.andi %bitcast_convert_type3A_95, %and3A_97 : vector<2048x64xi32>
    %bitcast_convert_type3A_99 = tpu.bitcast %and3A_98 : vector<2048x64xi32> -> vector<2048x64xf32>
    %shift_left3A_100 = arith.constant 16 : i32
    %shift_left3A_101 = vector.broadcast %shift_left3A_100 : i32 to vector<2048x64xi32>
    %shift_left3A_102 = arith.shli %bitcast_convert_type3A_95, %shift_left3A_101 : vector<2048x64xi32>
    %bitcast_convert_type3A_103 = tpu.bitcast %shift_left3A_102 : vector<2048x64xi32> -> vector<2048x64xf32>
    %ge3A_104 = arith.constant 2 : i32
    %ge3A_105 = vector.broadcast %ge3A_104 : i32 to vector<2048x1xi32>
    %ge3A_106 = arith.cmpi sge, %add3A_79, %ge3A_105 : vector<2048x1xi32>
    %broadcast_in_dim3A_107 = vector.shape_cast %ge3A_106 : vector<2048x1xi1> to vector<2048x1xi1>
    %broadcast_in_dim3A_108 = vector.broadcast %broadcast_in_dim3A_107 : vector<2048x1xi1> to vector<2048x64xi1>
    %select_n3A_109 = arith.select %broadcast_in_dim3A_108, %bitcast_convert_type3A_103, %bitcast_convert_type3A_99 : vector<2048x64xi1>, vector<2048x64xf32>
    %max3A_110 = arith.constant 0.000000e+00 : f32
    %max3A_111 = vector.broadcast %max3A_110 : f32 to vector<2048x64xf32>
    %max3A_112 = arith.maximumf %select_n3A_109, %max3A_111 : vector<2048x64xf32>
    %get3A_113 = arith.constant 0 : index
    %get3A_114 = arith.constant 0 : index
    %get3A_115 = vector.load %arg5[%get3A_113, %get3A_114] : memref<64x64xf32, #tpu.memory_space<vmem>>, vector<64x64xf32>
    %dot_general3A = arith.constant dense<0.000000e+00> : vector<2048x64xf32>
    %dot_general3A_116 = tpu.matmul %max3A_50, %get3A_115, %dot_general3A {dimension_numbers = #tpu.dot_dimension_numbers<[1], [0], [0], [1], [0, 0, 1, 1], [], []>, transpose_lhs_hint = false} : vector<2048x64xf32>, vector<64x64xf32>, vector<2048x64xf32> -> vector<2048x64xf32>
    %get3A_117 = arith.constant 0 : index
    %get3A_118 = arith.constant 0 : index
    %get3A_119 = vector.load %arg6[%get3A_117, %get3A_118] : memref<64x64xf32, #tpu.memory_space<vmem>>, vector<64x64xf32>
    %dot_general3A_120 = arith.constant dense<0.000000e+00> : vector<2048x64xf32>
    %dot_general3A_121 = tpu.matmul %max3A_112, %get3A_119, %dot_general3A_120 {dimension_numbers = #tpu.dot_dimension_numbers<[1], [0], [0], [1], [0, 0, 1, 1], [], []>, transpose_lhs_hint = false} : vector<2048x64xf32>, vector<64x64xf32>, vector<2048x64xf32> -> vector<2048x64xf32>
    %add3A_122 = arith.addf %dot_general3A_116, %dot_general3A_121 : vector<2048x64xf32>
    %get3A_123 = arith.constant 0 : index
    %get3A_124 = arith.constant 0 : index
    %get3A_125 = vector.load %arg7[%get3A_123, %get3A_124] : memref<1x64xf32, #tpu.memory_space<vmem>>, vector<1x64xf32>
    %add3A_126 = vector.broadcast %get3A_125 : vector<1x64xf32> to vector<2048x64xf32>
    %add3A_127 = arith.addf %add3A_122, %add3A_126 : vector<2048x64xf32>
    %max3A_128 = arith.constant 0.000000e+00 : f32
    %max3A_129 = vector.broadcast %max3A_128 : f32 to vector<2048x64xf32>
    %max3A_130 = arith.maximumf %add3A_127, %max3A_129 : vector<2048x64xf32>
    %get3A_131 = arith.constant 0 : index
    %get3A_132 = arith.constant 0 : index
    %get3A_133 = vector.load %arg8[%get3A_131, %get3A_132] : memref<1x64xf32, #tpu.memory_space<vmem>>, vector<1x64xf32>
    %mul3A = vector.broadcast %get3A_133 : vector<1x64xf32> to vector<2048x64xf32>
    %mul3A_134 = arith.mulf %max3A_130, %mul3A : vector<2048x64xf32>
    %reduce_sum3A = arith.constant dense<0.000000e+00> : vector<2048xf32>
    %reduce_sum3A_135 = vector.multi_reduction <add>, %mul3A_134, %reduce_sum3A [1] : vector<2048x64xf32> to vector<2048xf32>
    %broadcast_in_dim3A_136 = vector.shape_cast %reduce_sum3A_135 : vector<2048xf32> to vector<2048x1xf32>
    %get3A_137 = arith.constant 0 : index
    %get3A_138 = arith.constant 0 : index
    %get3A_139 = vector.load %arg9[%get3A_137, %get3A_138] : memref<1x1xf32, #tpu.memory_space<vmem>>, vector<1x1xf32>
    %add3A_140 = vector.broadcast %get3A_139 : vector<1x1xf32> to vector<2048x1xf32>
    %add3A_141 = arith.addf %broadcast_in_dim3A_136, %add3A_140 : vector<2048x1xf32>
    %swap3A = arith.constant 0 : index
    %swap3A_142 = arith.constant 0 : index
    %swap3A_143 = vector.load %arg10[%swap3A, %swap3A_142] : memref<2048x1xf32, #tpu.memory_space<vmem>>, vector<2048x1xf32>
    tpu.vector_store %arg10[%swap3A, %swap3A_142], %add3A_141 {strides = array<i32>} : memref<2048x1xf32, #tpu.memory_space<vmem>>, vector<2048x1xf32>,
    return
  }
  func.func @transform_0(%arg0: i32) -> (i32, i32) {
    %c0_i32 = arith.constant 0 : i32
    %c0_i32_0 = arith.constant 0 : i32
    return %arg0, %c0_i32 : i32, i32
  }
  func.func @transform_1(%arg0: i32) -> (i32, i32) {
    %c0_i32 = arith.constant 0 : i32
    %c0_i32_0 = arith.constant 0 : i32
    return %arg0, %c0_i32 : i32, i32
  }
  func.func @transform_2(%arg0: i32) -> (i32, i32) {
    %c0_i32 = arith.constant 0 : i32
    %c0_i32_0 = arith.constant 0 : i32
    return %arg0, %c0_i32 : i32, i32
  }
  func.func @transform_3(%arg0: i32) -> (i32, i32) {
    %c0_i32 = arith.constant 0 : i32
    %c0_i32_0 = arith.constant 0 : i32
    return %arg0, %c0_i32 : i32, i32
  }
  func.func @transform_4(%arg0: i32) -> (i32, i32) {
    %c0_i32 = arith.constant 0 : i32
    %c0_i32_0 = arith.constant 0 : i32
    %c0_i32_1 = arith.constant 0 : i32
    return %c0_i32, %c0_i32_0 : i32, i32
  }
  func.func @transform_5(%arg0: i32) -> (i32, i32) {
    %c0_i32 = arith.constant 0 : i32
    %c0_i32_0 = arith.constant 0 : i32
    %c0_i32_1 = arith.constant 0 : i32
    return %c0_i32, %c0_i32_0 : i32, i32
  }
  func.func @transform_6(%arg0: i32) -> (i32, i32) {
    %c0_i32 = arith.constant 0 : i32
    %c0_i32_0 = arith.constant 0 : i32
    %c0_i32_1 = arith.constant 0 : i32
    return %c0_i32, %c0_i32_0 : i32, i32
  }
  func.func @transform_7(%arg0: i32) -> (i32, i32) {
    %c0_i32 = arith.constant 0 : i32
    %c0_i32_0 = arith.constant 0 : i32
    %c0_i32_1 = arith.constant 0 : i32
    return %c0_i32, %c0_i32_0 : i32, i32
  }
  func.func @transform_8(%arg0: i32) -> (i32, i32) {
    %c0_i32 = arith.constant 0 : i32
    %c0_i32_0 = arith.constant 0 : i32
    %c0_i32_1 = arith.constant 0 : i32
    return %c0_i32, %c0_i32_0 : i32, i32
  }
  func.func @transform_9(%arg0: i32) -> (i32, i32) {
    %c0_i32 = arith.constant 0 : i32
    %c0_i32_0 = arith.constant 0 : i32
    return %arg0, %c0_i32 : i32, i32
  }
}

module attributes {stable_mosaic.version = 14 : i64} {
  func.func @_t_body(%arg0: i32, %arg1: memref<64x8192xf32, #tpu.memory_space<vmem>>, %arg2: memref<64x8192xf32, #tpu.memory_space<vmem>>, %arg3: memref<64x8192xf32, #tpu.memory_space<vmem>>, %arg4: memref<64x8192xf32, #tpu.memory_space<vmem>>, %arg5: memref<64x64xf32, #tpu.memory_space<vmem>>, %arg6: memref<8192x128xf32, #tpu.memory_space<vmem>>) attributes {dimension_semantics = [#tpu.dimension_semantics<arbitrary>], iteration_bounds = array<i64: 31>, scalar_prefetch = 0 : i64, scratch_operands = 0 : i64, tpu.core_type = #tpu.core_type<tc>, window_params = [{transform_indices = @transform_0, window_bounds = array<i64: 64, 8192>}, {transform_indices = @transform_1, window_bounds = array<i64: 64, 8192>}, {transform_indices = @transform_2, window_bounds = array<i64: 64, 8192>}, {transform_indices = @transform_3, window_bounds = array<i64: 64, 8192>}, {pipeline_mode = #tpu.pipeline_mode<synchronous>, transform_indices = @transform_4, window_bounds = array<i64: 64, 64>}, {transform_indices = @transform_5, window_bounds = array<i64: 8192, 128>}]} {
    %get3A = arith.constant 0 : index
    %get3A_0 = arith.constant 0 : index
    %get3A_1 = vector.load %arg5[%get3A, %get3A_0] : memref<64x64xf32, #tpu.memory_space<vmem>>, vector<64x64xf32>
    %convert_element_type3A = arith.truncf %get3A_1 : vector<64x64xf32> to vector<64x64xbf16>
    %get3A_2 = arith.constant 0 : index
    %get3A_3 = arith.constant 0 : index
    %get3A_4 = vector.load %arg1[%get3A_2, %get3A_3] : memref<64x8192xf32, #tpu.memory_space<vmem>>, vector<64x8192xf32>
    %convert_element_type3A_5 = arith.truncf %get3A_4 : vector<64x8192xf32> to vector<64x8192xbf16>
    %dot_general3A = arith.constant dense<0.000000e+00> : vector<8192x64xf32>
    %dot_general3A_6 = tpu.matmul %convert_element_type3A_5, %convert_element_type3A, %dot_general3A {dimension_numbers = #tpu.dot_dimension_numbers<[0], [0], [1], [1], [0, 1, 1, 1], [], []>, transpose_lhs_hint = false} : vector<64x8192xbf16>, vector<64x64xbf16>, vector<8192x64xf32> -> vector<8192x64xf32>
    %get3A_7 = arith.constant 0 : index
    %get3A_8 = arith.constant 0 : index
    %get3A_9 = vector.load %arg3[%get3A_7, %get3A_8] : memref<64x8192xf32, #tpu.memory_space<vmem>>, vector<64x8192xf32>
    %convert_element_type3A_10 = arith.truncf %get3A_9 : vector<64x8192xf32> to vector<64x8192xbf16>
    %dot_general3A_11 = arith.constant dense<0.000000e+00> : vector<8192x64xf32>
    %dot_general3A_12 = tpu.matmul %convert_element_type3A_10, %convert_element_type3A, %dot_general3A_11 {dimension_numbers = #tpu.dot_dimension_numbers<[0], [0], [1], [1], [0, 1, 1, 1], [], []>, transpose_lhs_hint = false} : vector<64x8192xbf16>, vector<64x64xbf16>, vector<8192x64xf32> -> vector<8192x64xf32>
    %bitcast_convert_type3A = tpu.bitcast %dot_general3A_6 : vector<8192x64xf32> -> vector<8192x64xi32>
    %bitcast_convert_type3A_13 = tpu.bitcast %dot_general3A_12 : vector<8192x64xf32> -> vector<8192x64xi32>
    %and3A = arith.constant -65536 : i32
    %and3A_14 = vector.broadcast %and3A : i32 to vector<8192x64xi32>
    %and3A_15 = arith.andi %bitcast_convert_type3A, %and3A_14 : vector<8192x64xi32>
    %shift_right_logical3A = arith.constant 16 : i32
    %shift_right_logical3A_16 = vector.broadcast %shift_right_logical3A : i32 to vector<8192x64xi32>
    %shift_right_logical3A_17 = arith.shrui %bitcast_convert_type3A_13, %shift_right_logical3A_16 : vector<8192x64xi32>
    %or3A = arith.ori %and3A_15, %shift_right_logical3A_17 : vector<8192x64xi32>
    %bitcast_convert_type3A_18 = tpu.bitcast %or3A : vector<8192x64xi32> -> vector<8192x64xf32>
    %swap3A = arith.constant 0 : index
    %swap3A_19 = arith.constant 0 : index
    %swap3A_20 = vector.load %arg6[%swap3A, %swap3A_19] : memref<8192x128xf32, #tpu.memory_space<vmem>>, vector<8192x64xf32>
    tpu.vector_store %arg6[%swap3A, %swap3A_19], %bitcast_convert_type3A_18 {strides = array<i32>} : memref<8192x128xf32, #tpu.memory_space<vmem>>, vector<8192x64xf32>,
    %get3A_21 = arith.constant 0 : index
    %get3A_22 = arith.constant 0 : index
    %get3A_23 = vector.load %arg2[%get3A_21, %get3A_22] : memref<64x8192xf32, #tpu.memory_space<vmem>>, vector<64x8192xf32>
    %convert_element_type3A_24 = arith.truncf %get3A_23 : vector<64x8192xf32> to vector<64x8192xbf16>
    %dot_general3A_25 = arith.constant dense<0.000000e+00> : vector<8192x64xf32>
    %dot_general3A_26 = tpu.matmul %convert_element_type3A_24, %convert_element_type3A, %dot_general3A_25 {dimension_numbers = #tpu.dot_dimension_numbers<[0], [0], [1], [1], [0, 1, 1, 1], [], []>, transpose_lhs_hint = false} : vector<64x8192xbf16>, vector<64x64xbf16>, vector<8192x64xf32> -> vector<8192x64xf32>
    %get3A_27 = arith.constant 0 : index
    %get3A_28 = arith.constant 0 : index
    %get3A_29 = vector.load %arg4[%get3A_27, %get3A_28] : memref<64x8192xf32, #tpu.memory_space<vmem>>, vector<64x8192xf32>
    %convert_element_type3A_30 = arith.truncf %get3A_29 : vector<64x8192xf32> to vector<64x8192xbf16>
    %dot_general3A_31 = arith.constant dense<0.000000e+00> : vector<8192x64xf32>
    %dot_general3A_32 = tpu.matmul %convert_element_type3A_30, %convert_element_type3A, %dot_general3A_31 {dimension_numbers = #tpu.dot_dimension_numbers<[0], [0], [1], [1], [0, 1, 1, 1], [], []>, transpose_lhs_hint = false} : vector<64x8192xbf16>, vector<64x64xbf16>, vector<8192x64xf32> -> vector<8192x64xf32>
    %bitcast_convert_type3A_33 = tpu.bitcast %dot_general3A_26 : vector<8192x64xf32> -> vector<8192x64xi32>
    %bitcast_convert_type3A_34 = tpu.bitcast %dot_general3A_32 : vector<8192x64xf32> -> vector<8192x64xi32>
    %and3A_35 = arith.constant -65536 : i32
    %and3A_36 = vector.broadcast %and3A_35 : i32 to vector<8192x64xi32>
    %and3A_37 = arith.andi %bitcast_convert_type3A_33, %and3A_36 : vector<8192x64xi32>
    %shift_right_logical3A_38 = arith.constant 16 : i32
    %shift_right_logical3A_39 = vector.broadcast %shift_right_logical3A_38 : i32 to vector<8192x64xi32>
    %shift_right_logical3A_40 = arith.shrui %bitcast_convert_type3A_34, %shift_right_logical3A_39 : vector<8192x64xi32>
    %or3A_41 = arith.ori %and3A_37, %shift_right_logical3A_40 : vector<8192x64xi32>
    %bitcast_convert_type3A_42 = tpu.bitcast %or3A_41 : vector<8192x64xi32> -> vector<8192x64xf32>
    %swap3A_43 = arith.constant 0 : index
    %swap3A_44 = arith.constant 64 : index
    %swap3A_45 = vector.load %arg6[%swap3A_43, %swap3A_44] : memref<8192x128xf32, #tpu.memory_space<vmem>>, vector<8192x64xf32>
    tpu.vector_store %arg6[%swap3A_43, %swap3A_44], %bitcast_convert_type3A_42 {strides = array<i32>} : memref<8192x128xf32, #tpu.memory_space<vmem>>, vector<8192x64xf32>,
    return
  }
  func.func @transform_0(%arg0: i32) -> (i32, i32) {
    %add3A = arith.constant 0 : i32
    %add3A_0 = arith.addi %arg0, %add3A : i32
    %min3A = arith.constant 122 : i32
    %min3A_1 = arith.minsi %add3A_0, %min3A : i32
    %c0_i32 = arith.constant 0 : i32
    %c0_i32_2 = arith.constant 0 : i32
    return %c0_i32, %min3A_1 : i32, i32
  }
  func.func @transform_1(%arg0: i32) -> (i32, i32) {
    %add3A = arith.constant 31 : i32
    %add3A_0 = arith.addi %arg0, %add3A : i32
    %min3A = arith.constant 122 : i32
    %min3A_1 = arith.minsi %add3A_0, %min3A : i32
    %c0_i32 = arith.constant 0 : i32
    %c0_i32_2 = arith.constant 0 : i32
    return %c0_i32, %min3A_1 : i32, i32
  }
  func.func @transform_2(%arg0: i32) -> (i32, i32) {
    %add3A = arith.constant 62 : i32
    %add3A_0 = arith.addi %arg0, %add3A : i32
    %min3A = arith.constant 122 : i32
    %min3A_1 = arith.minsi %add3A_0, %min3A : i32
    %c0_i32 = arith.constant 0 : i32
    %c0_i32_2 = arith.constant 0 : i32
    return %c0_i32, %min3A_1 : i32, i32
  }
  func.func @transform_3(%arg0: i32) -> (i32, i32) {
    %add3A = arith.constant 93 : i32
    %add3A_0 = arith.addi %arg0, %add3A : i32
    %min3A = arith.constant 122 : i32
    %min3A_1 = arith.minsi %add3A_0, %min3A : i32
    %c0_i32 = arith.constant 0 : i32
    %c0_i32_2 = arith.constant 0 : i32
    return %c0_i32, %min3A_1 : i32, i32
  }
  func.func @transform_4(%arg0: i32) -> (i32, i32) {
    %c0_i32 = arith.constant 0 : i32
    %c0_i32_0 = arith.constant 0 : i32
    %c0_i32_1 = arith.constant 0 : i32
    return %c0_i32, %c0_i32_0 : i32, i32
  }
  func.func @transform_5(%arg0: i32) -> (i32, i32) {
    %c0_i32 = arith.constant 0 : i32
    %c0_i32_0 = arith.constant 0 : i32
    return %arg0, %c0_i32 : i32, i32
  }
}

</mosaic_0001>

<sc_bundles>
// kernel: kernel.10.cloned.1.call-start
scs
__scs_entry_jumppad:
0x0: {  	(pc) =	sbr.rel $0x88, $3  }
0x1: {  	(tag) =	ssettag $0x0;
	lr =	simm.s32 $0x1  }
0x2: {  	[smem:$0x3F99] =	sst lr;
	_ =	strace $0xD0000000  }
0x3: {  	_ = 	snop  }
0x4: {  	_ = 	snop  }
0x5: {  	_ = 	snop  }
0x6: {  	_ = 	snop  }
0x7: {  	_ = 	snop  }
__scs_overlays_trampoline_lowered:
0x8: {  	[smem:$0x3FA8] =	sst s0  }
0x9: {  	[smem:$0x3FA9] =	sst s1  }
0xa: {  	[smem:$0x3FAA] =	sst s2  }
0xb: {  	[smem:$0x3FAB] =	sst s3  }
0xc: {  	[smem:$0x3FAC] =	sst s4  }
0xd: {  	[smem:$0x3FAD] =	sst s5  }
0xe: {  	[smem:$0x3FAE] =	sst s6  }
0xf: {  	[smem:$0x3FAF] =	sst s7  }
0x10: {  	[smem:$0x3FB0] =	sst s8  }
0x11: {  	[smem:$0x3FB1] =	sst s9;
	s0 =	simm.s32 @!p0 $0x0  }
0x12: {  	s1 =	sld [smem:$0x3F97];
	s0 =	simm.s32 @p0 $0x1  }
0x13: {  	[smem:$0x3FB2] =	sst s0;
	s0 =	simm.s32 @!p1 $0x0  }
0x14: {  	s2 =	sld [smem:$0x3F96];
	s0 =	simm.s32 @p1 $0x1  }
0x15: {  	[smem:$0x3FB3] =	sst s0;
	s0 =	simm.s32 @!p2 $0x0  }
0x16: {  	s3 =	sld [smem:$0x3FDB];
	s0 =	simm.s32 @p2 $0x1  }
0x17: {  	s4 =	simm.s32 $0x1BF5;
	[smem:$0x3FB5] =	sst s0  }
0x18: {  	s0 =	sld [smem:$0x3F98];
	_ =	swait.ge [sflag:s4], $0x0  }
0x19: {  	s7 =	sld [smem:$0x3F99]  }
0x1a: {  	s8 =	sadd.s32 $0xFFFFE003, lr  }
0x1b: {  	s9 =	sadd.s32 $0xFFFFFEF7, lr;
	s5 =	simm.s32 $0xFFFFFFFF;
	p2 =	slt.u32 s8, $0xFFFFF086  }
0x1c: {  	p1 =	slt.u32 s9, $0xF7A;
	s5 =	simm.s32 @!p2 $0x0  }
0x1d: {  	s5 =	simm.s32 @p1 $0x1;
	p0 =	seq.s32 s7, s2  }
0x1e: {  	s7 =	smul.u32 @!p0 $0xF7A, s2;
	p2 =	seq.s32 @!p0 s5, $0x0  }
0x1f: {  	s9 =	smul.u32 $0xF7A, s1;
	s8 =	simm.s32 @!p0 $0x1BF5;
	p2 =	por !p2, p0  }
0x20: {  	[sflag:s8] =	ssyncset.s32 @!p0 $0xFFFFF086;
	s6 =	sadd.s32 @!p0 s3, s7;
	s7 =	simm.s32 @!p0 $0x108  }
0x21: {  	s3 =	sadd.s32 s3, s9;
	s6 =	sadd.s32 @!p0 $0x88, s6;
	s7 =	simm.s32 @p2 $0x1082  }
0x22: {  	[simem:s7], [sflag:s8] =	dma.local @!p0 [hbm:s6], $0xF7A  }
0x23: {  	s9 =	sor.u32 $0xD0000000, s2;
	s6 =	simm.s32 $0x108;
	_ =	swait.ge @!p0 [sflag:s8], $0x0  }
0x24: {  	s3 =	sadd.s32 $0x88, s3;
	s6 =	simm.s32 @!p1 $0x1082;
	[sflag:s4] =	ssyncset.s32 $0xFFFFF086  }
0x25: {  	[simem:s6], [sflag:s4] =	dma.local [hbm:s3], $0xF7A  }
0x26: {  	[smem:$0x3F99] =	sst s1;
	(tag) =	ssettag s2;
	_ =	strace s9  }
0x27: {  	s1 =	sld [smem:$0x3FA9]  }
0x28: {  	s2 =	sld [smem:$0x3FAA]  }
0x29: {  	s4 =	sld [smem:$0x3FAC]  }
0x2a: {  	p0 =	seq.s32 s5, $0x0;
	s5 =	sld [smem:$0x3FAD]  }
0x2b: {  	s6 =	sld [smem:$0x3FAE]  }
0x2c: {  	s7 =	sld [smem:$0x3FAF]  }
0x2d: {  	s3 =	simm.s32 $0x108;
	s8 =	sld [smem:$0x3FB0]  }
0x2e: {  	s3 =	simm.s32 @!p0 $0x1082;
	s9 =	sld [smem:$0x3FB1]  }
0x2f: {  	lr =	sadd.s32 s0, s3;
	s0 =	sld [smem:$0x3FA8]  }
0x30: {  	s3 =	sld [smem:$0x3FAB]  }
0x31: {  	[smem:$0x3FB4] =	sst s10  }
0x32: {  	s10 =	sld [smem:$0x3FB2];
	_ =	sdelay $0x3  }
0x33: {  	p0 =	seq.s32 s10, $0x1;
	s10 =	sld [smem:$0x3FB4];
	_ =	sdelay $0x3  }
0x34: {  	[smem:$0x3FB4] =	sst s10  }
0x35: {  	s10 =	sld [smem:$0x3FB3];
	_ =	sdelay $0x3  }
0x36: {  	p1 =	seq.s32 s10, $0x1;
	s10 =	sld [smem:$0x3FB4];
	_ =	sdelay $0x3  }
0x37: {  	[smem:$0x3FB4] =	sst s10  }
0x38: {  	s10 =	sld [smem:$0x3FB5]  }
0x39: {  	_ = 	snop;
	(pc) =	sbr.ind lr, $3  }
0x3a: {  	_ = 	snop  }
0x3b: {  	_ = 	snop  }
0x3c: {  	p2 =	seq.s32 s10, $0x1;
	s10 =	sld [smem:$0x3FB4]  }
0x3d: {  	_ =	shalt  }
0x3e: {  	_ =	shalt  }
0x3f: {  	_ =	shalt  }
0x40: {  	_ =	shalt  }
0x41: {  	_ =	shalt  }
0x42: {  	_ =	shalt  }
0x43: {  	_ =	shalt  }
0x44: {  	_ =	shalt  }
0x45: {  	_ =	shalt  }
0x46: {  	_ =	shalt  }
0x47: {  	_ =	shalt  }
0x48: {  	_ =	shalt  }
0x49: {  	_ =	shalt  }
0x4a: {  	_ =	shalt  }
0x4b: {  	_ =	shalt  }
0x4c: {  	_ =	shalt  }
0x4d: {  	_ =	shalt  }
0x4e: {  	_ =	shalt  }
0x4f: {  	_ =	shalt  }
0x50: {  	_ =	shalt  }
0x51: {  	_ =	shalt  }
0x52: {  	_ =	shalt  }
0x53: {  	_ =	shalt  }
0x54: {  	_ =	shalt  }
0x55: {  	_ =	shalt  }
0x56: {  	_ =	shalt  }
0x57: {  	_ =	shalt  }
0x58: {  	_ =	shalt  }
0x59: {  	_ =	shalt  }
0x5a: {  	_ =	shalt  }
0x5b: {  	_ =	shalt  }
0x5c: {  	_ =	shalt  }
0x5d: {  	_ =	shalt  }
0x5e: {  	_ =	shalt  }
0x5f: {  	_ =	shalt  }
0x60: {  	_ =	shalt  }
0x61: {  	_ =	shalt  }
0x62: {  	_ =	shalt  }
0x63: {  	_ =	shalt  }
0x64: {  	_ =	shalt  }
0x65: {  	_ =	shalt  }
0x66: {  	_ =	shalt  }
0x67: {  	_ =	shalt  }
0x68: {  	_ =	shalt  }
0x69: {  	_ =	shalt  }
0x6a: {  	_ =	shalt  }
0x6b: {  	_ =	shalt  }
0x6c: {  	_ =	shalt  }
0x6d: {  	_ =	shalt  }
0x6e: {  	_ =	shalt  }
0x6f: {  	_ =	shalt  }
0x70: {  	_ =	shalt  }
0x71: {  	_ =	shalt  }
0x72: {  	_ =	shalt  }
0x73: {  	_ =	shalt  }
0x74: {  	_ =	shalt  }
0x75: {  	_ =	shalt  }
0x76: {  	_ =	shalt  }
0x77: {  	_ =	shalt  }
0x78: {  	_ =	shalt  }
0x79: {  	_ =	shalt  }
0x7a: {  	_ =	shalt  }
0x7b: {  	_ =	shalt  }
0x7c: {  	_ =	shalt  }
0x7d: {  	_ =	shalt  }
0x7e: {  	_ =	shalt  }
0x7f: {  	_ =	shalt  }
0x80: {  	_ =	shalt  }
0x81: {  	_ =	shalt  }
0x82: {  	_ =	shalt  }
0x83: {  	_ =	shalt  }
0x84: {  	_ =	shalt  }
0x85: {  	_ =	shalt  }
0x86: {  	_ =	shalt  }
0x87: {  	_ =	shalt  }
.Lfunc_end0:
.L_simem_size_0:
called_computation.1_lowered:
.L_overlay_start_0:
0x88: {  	s2 =	sld [smem:$0x3FD9]  }
0x89: {  	s3 =	sld [smem:$0x3FFE];
	_ =	sdelay $0x1  }
0x8a: {  	s1 =	srdreg.scid  }
0x8b: {  	s0 =	sand.u32 $0x1, s1  }
0x8c: {  	s17 =	sshll.u32 s0, $0xA;
	s2 =	sadd.s32 s3, s2  }
0x8d: {  	s2 =	sadd.s32 s2, s17  }
0x8e: {  	[smem:$0x3FC0] =	sst s2  }
0x8f: {  	_ = 	snop  }
0x90: {  	s2 =	sld [smem:$0x3FC8];
	(tm) =	ssettm $0x1  }
0x91: {  	s18 =	sld [smem:$0x3FFB];
	_ =	sdelay $0x3  }
0x92: {  	_ =	strace s18  }
0x93: {  	s3 =	sld [smem:$0x3FFC];
	_ =	sdelay $0x3  }
0x94: {  	_ =	strace s3  }
0x95: {  	s3 =	sld [smem:$0x3FFD];
	_ =	sdelay $0x3  }
0x96: {  	_ =	strace s3  }
0x97: {  	_ =	strace $0x8FFFFFFF  }
0x98: {  	s19 =	sld [smem:$0x3FDB];
	_ =	sdelay $0x1  }
0x99: {  	s4 =	simm.s32 $_scs_section_size  }
0x9a: {  	s5 =	simm.s32 $_size__tile_overlayer_lowered;
	s6 =	simm.s32 $_tile_overlayer_lowered  }
0x9b: {  	s22 =	simm.s32 $0x1BFF;
	s21 =	sshll.u32 s6, $0x1;
	s3 =	sadd.s32 s4, s19  }
0x9c: {  	s7 =	simm.s32 $0x0;
	s20 =	sshll.u32 s5, $0x1;
	s5 =	sadd.s32 s21, s3  }
0x9d: {  	[timem:s7], [sflag:s22] =	dma.local [hbm:s5], s20  }
0x9e: {  	_ =	swait.ge [sflag:s22], s20  }
0x9f: {  	s4 =	ssub.s32 $0x0, s20;
	[sflag:s22] =	ssyncset.done $0x0  }
0xa0: {  	[sflag:s22] =	ssyncadd.s32 s4;
	_ =	sdelay $0x1  }
0xa1: {  	s23 =	simm.s32 $0x1B8B  }
0xa2: {  	_ =	swait.ge [sflag:s23], $0x1  }
0xa3: {  	[sflag:s23] =	ssyncset.done $0x0  }
0xa4: {  	s25 =	simm.s32 $0x1B8E;
	s24 =	sld [smem:$0x3FFE];
	[sflag:s23] =	ssyncadd.s32 $0xFFFFFFFF  }
0xa5: {  	s26 =	simm.s32 $execute0_lowered;
	[smem:$0x3FD2] =	sst s25  }
0xa6: {  	s5 =	sshll.u32 s26, $0x1;
	_ =	strace $0x80000046;
	[dreg:$0x1] =	wrdreg $0xFFFFFFFF  }
0xa7: {  	s28 =	simm.s32 $_size_execute0_lowered;
	s3 =	sadd.s32 s3, s5;
	[dreg:$0x0] =	wrdreg $0x0  }
0xa8: {  	s5 =	sshll.u32 s28, $0x1;
	[dreg:$0x2] =	wrdreg s3  }
0xa9: {  	[dreg:$0x3] =	wrdreg s5  }
0xaa: {  	[dreg:$0x4] =	wrdreg $0xC0  }
0xab: {  	_ =	task [dreg:s7], $0x5FFFF  }
0xac: {  	[dreg:$0x1] =	wrdreg $0xFFFFFFFF  }
0xad: {  	[dreg:$0x0] =	wrdreg $0x60  }
0xae: {  	[dreg:$0x2] =	wrdreg s2  }
0xaf: {  	[dreg:$0x3] =	wrdreg s24  }
0xb0: {  	[dreg:$0x4] =	wrdreg $0xA  }
0xb1: {  	_ =	task.clear_ibuf [dreg:s7], $0x5FFFF;
	_ =	strace $0x90000046  }
0xb2: {  	s29 =	simm.s32 $0xA;
	_ =	strace $0x80000048  }
0xb3: {  	_ =	swait.ge [sflag:s29], $0x1  }
0xb4: {  	[sflag:s29] =	ssyncadd.s32 $0xFFFFFFFF  }
0xb5: {  	_ =	strace $0x90000048  }
0xb6: {  	_ =	sfence  }
0xb7: {  	s30 =	sld [smem:$0x0];
	_ =	sdelay $0x2  }
0xb8: {  	s31 =	sshll.u32 s1, $0xD;
	s1 =	sshrl.u32 s1, $0x2  }
0xb9: {  	s3 =	sand.u32 $0x4000, s31;
	s1 =	sadd.s32 s1, s30  }
0xba: {  	s0 =	sor.u32 s3, s0;
	s1 =	sshll.u32 s1, $0x11  }
0xbb: {  	s0 =	sor.u32 s1, s0  }
0xbc: {  	s0 =	sadd.s32 $0x8F2B, s0  }
0xbd: {  	[sflag:s0] =	ssyncadd.remote.s32 $0x1  }
0xbe: {  	_ =	sfence.sel $0xFFFF  }
0xbf: {  	[dreg:$0x0] =	wrdreg $0xFFFFFFFF;
	(pc) =	sbr.abs _section_cstart, $3  }
0xc0: {  	[dreg:$0x1] =	wrdreg $0xFFFFFFFF  }
0xc1: {  	_ =	task.clear_ibuf [dreg:s7], $0x2FFFF;
	_ =	strace $0x9FFFFFFF  }
0xc2: {  	(tm) =	ssettm $0x7FFFFFFF  }
0xc3: {  	_ =	shalt  }
tec
execute0_lowered:
.L_overlay_start_1:
0x0: {  	(tag) =	ssettag $0x1  }
0x1: {  	s4 =	rddreg [dreg:$0x0]  }
0x2: {  	s5 =	rddreg [dreg:$0x1];
	s2 =	simm.s32 $0x0  }
0x3: {  	s3 =	srdreg.scid;
	s0 =	stileid.u32;
	s10 =	simm.s32 $0x0  }
0x4: {  	v0 =	vimm.s32 $0x0;
	[smem:$0x7FF] =	sst s2;
	s6 =	sand.u32 $0x1, s3;
	s7 =	sshll.u32 s0, $0xA  }
0x5: {  	vm0 =	vmmov $0x1;
	vm2 =	vcmask $0x70C;
	vm3 =	vcmask $0xB10;
	s3 =	sadd.s32 $0x1600, s5;
	s8 =	sshll.u32 s6, $0x9;
	s6 =	ssub.s32 $0x2, s6  }
0x6: {  	vm4 =	vcmask $0xF14;
	vm5 =	vcmask $0x1318;
	vm6 =	vcmask $0x171C;
	_ =	strace $0x80000047;
	s7 =	sor.u32 s8, s7;
	s9 =	sshrl.u32 s6, $0x1  }
0x7: {  	vm7 =	vcmask $0x1B20;
	vm8 =	vcmask $0x1F24;
	vm9 =	vcmask $0x2328;
	s8 =	sshll.u32 s7, $0x4;
	s7 =	sshrl.u32 s7, $0x3;
	s6 =	ssub.s32 s6, s9  }
0x8: {  	vm10 =	vcmask $0x272C;
	vm11 =	vcmask $0x2B30;
	vm12 =	vcmask $0x2F34;
	s5 =	sadd.s32 s8, s5;
	s4 =	sadd.s32 s4, s7;
	s6 =	smax.u32 s6, $0x1  }
0x9: {  	vm13 =	vcmask $0x3338;
	vm14 =	vcmask $0x373C;
	vm15 =	vmmov $0x7fff;
	s7 =	simm.s32 $0x2;
	s8 =	simm.s32 $0x1;
	s5 =	sadd.s32 $0x3E1600, s5  }
.LBB2_1:
0xa: {  	[tilespmem:s2], [sflag:$0x2] =	stream.linear.gather [hbm4b:s4+s2], $0x200, $0x38;
	[tilespmem:$0x10200] =	vst v63  }
0xb: {  	_ =	swait.ge [sflag:s7], $0x200  }
0xc: {  	[sflag:s7] =	ssyncset.done $0x0  }
0xd: {  	[sflag:s7] =	ssyncadd.s32 $0xFFFFFE00  }
0xe: {  	v1 =	vld [tilespmem:$0x0];
	_ =	sdelay $0x4  }
0xf: {  	v3 =	vimm.s32 $0x0;
	vm1 =	vgt.s32 v1, $0x3DFFF  }
0x10: {  	v3 =	vsel vm1, $0xFFFFFFFF, v3  }
0x11: {  	vm1 =	vgt.s32 v1, $0x7BFFF;
	[tilespmem:$0x1FBC0] =	vst v3;
	v3 =	vimm.s32 $0x0  }
0x12: {  	v3 =	vsel vm1, $0xFFFFFFFF, v3  }
0x13: {  	[tilespmem:$0x1FBD0] =	vst v3;
	v3 =	vld [tilespmem:$0x1FBC0]  }
0x14: {  	v4 =	vld [tilespmem:$0x1FBD0];
	_ =	sdelay $0x1  }
0x15: {  	v2 =	vld [tilespmem:$0x10];
	_ =	sdelay $0x1  }
0x16: {  	vm1 =	vnez.u8 v3  }
0x17: {  	v3 =	vsel vm1, $0x1, v0;
	vm1 =	vnez.u8 v4  }
0x18: {  	v10 =	vimm.s32 $0x0;
	v4 =	vsel vm1, $0x1, v0;
	vm1 =	vgt.s32 v1, $0xB9FFF  }
0x19: {  	v11 =	vimm.s32 $0x0;
	v9 =	vsel vm1, $0x1, v0;
	vm1 =	vgt.s32 v2, $0x3DFFF  }
0x1a: {  	v3 =	vadd.s32 v4, v3;
	v4 =	vsel vm1, $0xFFFFFFFF, v10;
	vm1 =	vgt.s32 v2, $0x7BFFF  }
0x1b: {  	[tilespmem:$0x1FBE0] =	vst v4;
	v4 =	vsel vm1, $0xFFFFFFFF, v11  }
0x1c: {  	[tilespmem:$0x1FBF0] =	vst v4;
	v12 =	vld [tilespmem:$0x1FBE0]  }
0x1d: {  	v6 =	vld [tilespmem:$0x1FBF0];
	_ =	sdelay $0x1  }
0x1e: {  	v5 =	vld [tilespmem:$0x20]  }
0x1f: {  	v3 =	vadd.s32 v9, v3  }
0x20: {  	v3 =	vmul.u32 $0xFFFC2000, v3;
	vm1 =	vnez.u8 v12  }
0x21: {  	v4 =	vsel vm1, $0x1, v0;
	vm1 =	vnez.u8 v6  }
0x22: {  	v59 =	vadd.s32 v1, v3;
	v6 =	vsel vm1, $0x1, v0;
	vm1 =	vgt.s32 v2, $0xB9FFF  }
0x23: {  	v1 =	vimm.s32 $0x0;
	v13 =	vsel vm1, $0x1, v0;
	vm1 =	vgt.s32 v5, $0x3DFFF  }
0x24: {  	v1 =	vsel vm1, $0xFFFFFFFF, v1  }
0x25: {  	vm1 =	vgt.s32 v5, $0x7BFFF;
	[tilespmem:$0x1FC00] =	vst v1;
	v1 =	vimm.s32 $0x0  }
0x26: {  	v1 =	vsel vm1, $0xFFFFFFFF, v1  }
0x27: {  	[tilespmem:$0x1FC10] =	vst v1;
	v1 =	vld [tilespmem:$0x1FC00];
	_ =	sdelay $0x4  }
0x28: {  	vm1 =	vnez.u8 v1;
	v1 =	vld [tilespmem:$0x1FC10];
	_ =	sdelay $0x1  }
0x29: {  	v7 =	vld [tilespmem:$0x30];
	_ =	sdelay $0x2  }
0x2a: {  	v14 =	vsel vm1, $0x1, v0;
	vm1 =	vnez.u8 v1  }
0x2b: {  	v15 =	vsel vm1, $0x1, v0;
	vm1 =	vgt.s32 v5, $0xB9FFF  }
0x2c: {  	v1 =	vimm.s32 $0x0;
	v8 =	vsel vm1, $0x1, v0;
	vm1 =	vgt.s32 v7, $0x3DFFF  }
0x2d: {  	v1 =	vsel vm1, $0xFFFFFFFF, v1  }
0x2e: {  	vm1 =	vgt.s32 v7, $0x7BFFF;
	[tilespmem:$0x1FC20] =	vst v1;
	v1 =	vimm.s32 $0x0  }
0x2f: {  	v1 =	vsel vm1, $0xFFFFFFFF, v1  }
0x30: {  	[tilespmem:$0x1FC30] =	vst v1;
	v1 =	vld [tilespmem:$0x1FC20];
	_ =	sdelay $0x4  }
0x31: {  	vm1 =	vnez.u8 v1;
	v1 =	vld [tilespmem:$0x1FC30];
	_ =	sdelay $0x1  }
0x32: {  	v16 =	vld [tilespmem:$0x40];
	_ =	sdelay $0x2  }
0x33: {  	v9 =	vsel vm1, $0x1, v0;
	vm1 =	vnez.u8 v1  }
0x34: {  	v10 =	vsel vm1, $0x1, v0;
	vm1 =	vgt.s32 v7, $0xB9FFF  }
0x35: {  	v1 =	vimm.s32 $0x0;
	v18 =	vsel vm1, $0x1, v0;
	vm1 =	vgt.s32 v16, $0x3DFFF  }
0x36: {  	v1 =	vsel vm1, $0xFFFFFFFF, v1  }
0x37: {  	vm1 =	vgt.s32 v16, $0x7BFFF;
	[tilespmem:$0x1FC40] =	vst v1;
	v1 =	vimm.s32 $0x0  }
0x38: {  	v1 =	vsel vm1, $0xFFFFFFFF, v1  }
0x39: {  	[tilespmem:$0x1FC50] =	vst v1;
	v1 =	vld [tilespmem:$0x1FC40];
	_ =	sdelay $0x4  }
0x3a: {  	vm1 =	vnez.u8 v1;
	v1 =	vld [tilespmem:$0x1FC50];
	_ =	sdelay $0x1  }
0x3b: {  	v19 =	vld [tilespmem:$0x50];
	_ =	sdelay $0x2  }
0x3c: {  	v21 =	vsel vm1, $0x1, v0;
	vm1 =	vnez.u8 v1  }
0x3d: {  	v22 =	vsel vm1, $0x1, v0;
	vm1 =	vgt.s32 v16, $0xB9FFF  }
0x3e: {  	v1 =	vimm.s32 $0x0;
	v23 =	vsel vm1, $0x1, v0;
	vm1 =	vgt.s32 v19, $0x3DFFF  }
0x3f: {  	v1 =	vsel vm1, $0xFFFFFFFF, v1  }
0x40: {  	vm1 =	vgt.s32 v19, $0x7BFFF;
	[tilespmem:$0x1FC60] =	vst v1;
	v1 =	vimm.s32 $0x0  }
0x41: {  	v1 =	vsel vm1, $0xFFFFFFFF, v1  }
0x42: {  	[tilespmem:$0x1FC70] =	vst v1;
	v1 =	vld [tilespmem:$0x1FC60];
	_ =	sdelay $0x4  }
0x43: {  	vm1 =	vnez.u8 v1;
	v1 =	vld [tilespmem:$0x1FC70];
	_ =	sdelay $0x1  }
0x44: {  	v11 =	vld [tilespmem:$0x60];
	_ =	sdelay $0x2  }
0x45: {  	v24 =	vsel vm1, $0x1, v0;
	vm1 =	vnez.u8 v1  }
0x46: {  	v25 =	vsel vm1, $0x1, v0;
	vm1 =	vgt.s32 v19, $0xB9FFF  }
0x47: {  	v1 =	vimm.s32 $0x0;
	v27 =	vsel vm1, $0x1, v0;
	vm1 =	vgt.s32 v11, $0x3DFFF  }
0x48: {  	v1 =	vsel vm1, $0xFFFFFFFF, v1  }
0x49: {  	vm1 =	vgt.s32 v11, $0x7BFFF;
	[tilespmem:$0x1FC80] =	vst v1;
	v1 =	vimm.s32 $0x0  }
0x4a: {  	v1 =	vsel vm1, $0xFFFFFFFF, v1  }
0x4b: {  	[tilespmem:$0x1FC90] =	vst v1;
	v1 =	vld [tilespmem:$0x1FC80];
	_ =	sdelay $0x4  }
0x4c: {  	v3 =	vadd.s32 v6, v4;
	vm1 =	vnez.u8 v1;
	v1 =	vld [tilespmem:$0x1FC90]  }
0x4d: {  	v3 =	vadd.s32 v13, v3  }
0x4e: {  	v26 =	vld [tilespmem:$0x70];
	v3 =	vmul.u32 $0xFFFC2000, v3;
	v4 =	vadd.s32 v15, v14  }
0x4f: {  	v4 =	vadd.s32 v8, v4  }
0x50: {  	v2 =	vadd.s32 v2, v3;
	v3 =	vmul.u32 $0xFFFC2000, v4  }
0x51: {  	v12 =	vsel vm1, $0x1, v0;
	vm1 =	vnez.u8 v1  }
0x52: {  	v4 =	vadd.s32 v5, v3;
	v13 =	vsel vm1, $0x1, v0;
	vm1 =	vgt.s32 v11, $0xB9FFF  }
0x53: {  	v3 =	vimm.s32 $0x0;
	v29 =	vsel vm1, $0x1, v0;
	vm1 =	vgt.s32 v26, $0x3DFFF  }
0x54: {  	v3 =	vsel vm1, $0xFFFFFFFF, v3  }
0x55: {  	vm1 =	vgt.s32 v26, $0x7BFFF;
	[tilespmem:$0x1FCA0] =	vst v3;
	v3 =	vimm.s32 $0x0  }
0x56: {  	v3 =	vsel vm1, $0xFFFFFFFF, v3  }
0x57: {  	v33 =	vld [tilespmem:$0x1FCA0];
	[tilespmem:$0x1FCB0] =	vst v3  }
0x58: {  	v35 =	vld [tilespmem:$0x1FCB0];
	_ =	sdelay $0x1  }
0x59: {  	v30 =	vld [tilespmem:$0x80];
	_ =	sdelay $0x1  }
0x5a: {  	v39 =	vimm.s32 $0x0;
	v5 =	vadd.s32 v22, v21;
	vm1 =	vnez.u8 v33  }
0x5b: {  	v5 =	vadd.s32 v23, v5;
	v34 =	vsel vm1, $0x1, v0;
	vm1 =	vnez.u8 v35  }
0x5c: {  	v5 =	vmul.u32 $0xFFFC2000, v5;
	v36 =	vsel vm1, $0x1, v0;
	vm1 =	vgt.s32 v26, $0xB9FFF  }
0x5d: {  	v40 =	vimm.s32 $0x0;
	v38 =	vsel vm1, $0x1, v0;
	vm1 =	vgt.s32 v30, $0x3DFFF  }
0x5e: {  	v1 =	vadd.s32 v16, v5;
	v5 =	vsel vm1, $0xFFFFFFFF, v39;
	vm1 =	vgt.s32 v30, $0x7BFFF  }
0x5f: {  	[tilespmem:$0x1FCC0] =	vst v5;
	v5 =	vsel vm1, $0xFFFFFFFF, v40  }
0x60: {  	[tilespmem:$0x1FCD0] =	vst v5;
	v41 =	vld [tilespmem:$0x1FCC0]  }
0x61: {  	v43 =	vld [tilespmem:$0x1FCD0];
	_ =	sdelay $0x1  }
0x62: {  	v37 =	vld [tilespmem:$0x90];
	_ =	sdelay $0x1  }
0x63: {  	vm1 =	vnez.u8 v41  }
0x64: {  	v42 =	vsel vm1, $0x1, v0;
	vm1 =	vnez.u8 v43  }
0x65: {  	v44 =	vsel vm1, $0x1, v0;
	vm1 =	vgt.s32 v30, $0xB9FFF  }
0x66: {  	v46 =	vimm.s32 $0x0;
	v14 =	vsel vm1, $0x1, v0;
	vm1 =	vgt.s32 v37, $0x3DFFF  }
0x67: {  	v47 =	vimm.s32 $0x0;
	v5 =	vsel vm1, $0xFFFFFFFF, v46;
	vm1 =	vgt.s32 v37, $0x7BFFF  }
0x68: {  	[tilespmem:$0x1FCE0] =	vst v5;
	v5 =	vsel vm1, $0xFFFFFFFF, v47  }
0x69: {  	[tilespmem:$0x1FCF0] =	vst v5;
	v48 =	vld [tilespmem:$0x1FCE0]  }
0x6a: {  	v49 =	vld [tilespmem:$0x1FCF0];
	_ =	sdelay $0x1  }
0x6b: {  	v45 =	vld [tilespmem:$0xA0];
	_ =	sdelay $0x1  }
0x6c: {  	vm1 =	vnez.u8 v48  }
0x6d: {  	v15 =	vsel vm1, $0x1, v0;
	vm1 =	vnez.u8 v49  }
0x6e: {  	v16 =	vsel vm1, $0x1, v0;
	vm1 =	vgt.s32 v37, $0xB9FFF  }
0x6f: {  	v56 =	vimm.s32 $0x0;
	v51 =	vsel vm1, $0x1, v0;
	vm1 =	vgt.s32 v45, $0x3DFFF  }
0x70: {  	v57 =	vimm.s32 $0x0;
	v5 =	vsel vm1, $0xFFFFFFFF, v56;
	vm1 =	vgt.s32 v45, $0x7BFFF  }
0x71: {  	v17 =	vadd.s32 v10, v9;
	[tilespmem:$0x1FD00] =	vst v5;
	v5 =	vsel vm1, $0xFFFFFFFF, v57  }
0x72: {  	v20 =	vadd.s32 v18, v17;
	[tilespmem:$0x1FD10] =	vst v5;
	v60 =	vld [tilespmem:$0x1FD00]  }
0x73: {  	v8 =	vmul.u32 $0xFFFC2000, v20;
	v62 =	vld [tilespmem:$0x1FD10];
	_ =	sdelay $0x1  }
0x74: {  	v52 =	vld [tilespmem:$0xB0];
	v63 =	vadd.s32 v7, v8;
	v7 =	vadd.s32 v25, v24  }
0x75: {  	v7 =	vadd.s32 v27, v7  }
0x76: {  	v31 =	vmul.u32 $0xFFFC2000, v7;
	vm1 =	vnez.u8 v60  }
0x77: {  	v61 =	vsel vm1, $0x1, v0;
	vm1 =	vnez.u8 v62  }
0x78: {  	v3 =	vadd.s32 v19, v31;
	v8 =	vsel vm1, $0x1, v0;
	vm1 =	vgt.s32 v45, $0xB9FFF  }
0x79: {  	v19 =	vimm.s32 $0x0;
	v18 =	vsel vm1, $0x1, v0;
	vm1 =	vgt.s32 v52, $0x3DFFF  }
0x7a: {  	v20 =	vimm.s32 $0x0;
	v5 =	vsel vm1, $0xFFFFFFFF, v19;
	vm1 =	vgt.s32 v52, $0x7BFFF  }
0x7b: {  	v9 =	vadd.s32 v36, v34;
	[tilespmem:$0x1FD20] =	vst v5;
	v5 =	vsel vm1, $0xFFFFFFFF, v20  }
0x7c: {  	v9 =	vadd.s32 v38, v9;
	[tilespmem:$0x1FD30] =	vst v5;
	v21 =	vld [tilespmem:$0x1FD20]  }
0x7d: {  	v9 =	vmul.u32 $0xFFFC2000, v9;
	v23 =	vld [tilespmem:$0x1FD30]  }
0x7e: {  	v10 =	vadd.s32 v44, v42;
	v50 =	vadd.s32 v16, v15  }
0x7f: {  	v53 =	vadd.s32 v26, v9;
	v9 =	vld [tilespmem:$0xC0];
	v10 =	vadd.s32 v14, v10;
	v55 =	vadd.s32 v51, v50  }
0x80: {  	v54 =	vmul.u32 $0xFFFC2000, v10;
	v10 =	vmul.u32 $0xFFFC2000, v55  }
0x81: {  	v28 =	vadd.s32 v13, v12;
	v26 =	vimm.s32 $0x0;
	vm1 =	vnez.u8 v21  }
0x82: {  	v12 =	vadd.s32 v37, v10;
	v22 =	vsel vm1, $0x1, v0;
	vm1 =	vnez.u8 v23  }
0x83: {  	v17 =	vadd.s32 v8, v61;
	v24 =	vsel vm1, $0x1, v0;
	vm1 =	vgt.s32 v52, $0xB9FFF  }
0x84: {  	[tilespmem:$0x1FFC0] =	vst v12;
	v12 =	vadd.s32 v18, v17;
	v17 =	vsel vm1, $0x1, v0;
	vm1 =	vgt.s32 v9, $0x3DFFF  }
0x85: {  	v27 =	vimm.s32 $0x0;
	v5 =	vsel vm1, $0xFFFFFFFF, v26;
	vm1 =	vgt.s32 v9, $0x7BFFF  }
0x86: {  	[tilespmem:$0x1FD40] =	vst v5;
	v5 =	vsel vm1, $0xFFFFFFFF, v27  }
0x87: {  	v32 =	vadd.s32 v29, v28;
	[tilespmem:$0x1FD50] =	vst v5;
	v28 =	vld [tilespmem:$0x1FD40]  }
0x88: {  	v29 =	vld [tilespmem:$0x1FD50];
	_ =	sdelay $0x1  }
0x89: {  	v25 =	vld [tilespmem:$0xD0];
	_ =	sdelay $0x1  }
0x8a: {  	vm1 =	vnez.u8 v28  }
0x8b: {  	v18 =	vsel vm1, $0x1, v0;
	vm1 =	vnez.u8 v29  }
0x8c: {  	v19 =	vsel vm1, $0x1, v0;
	vm1 =	vgt.s32 v9, $0xB9FFF  }
0x8d: {  	v35 =	vimm.s32 $0x0;
	v31 =	vsel vm1, $0x1, v0;
	vm1 =	vgt.s32 v25, $0x3DFFF  }
0x8e: {  	v36 =	vimm.s32 $0x0;
	v5 =	vsel vm1, $0xFFFFFFFF, v35;
	vm1 =	vgt.s32 v25, $0x7BFFF  }
0x8f: {  	[tilespmem:$0x1FD60] =	vst v5;
	v5 =	vsel vm1, $0xFFFFFFFF, v36  }
0x90: {  	[tilespmem:$0x1FD70] =	vst v5;
	v38 =	vld [tilespmem:$0x1FD60]  }
0x91: {  	v40 =	vld [tilespmem:$0x1FD70];
	_ =	sdelay $0x1  }
0x92: {  	v20 =	vld [tilespmem:$0xE0];
	_ =	sdelay $0x1  }
0x93: {  	v12 =	vmul.u32 $0xFFFC2000, v12;
	vm1 =	vnez.u8 v38  }
0x94: {  	v7 =	vmul.u32 $0xFFFC2000, v32;
	v39 =	vsel vm1, $0x1, v0;
	vm1 =	vnez.u8 v40  }
0x95: {  	v32 =	vadd.s32 v45, v12;
	v41 =	vsel vm1, $0x1, v0;
	vm1 =	vgt.s32 v25, $0xB9FFF  }
0x96: {  	v45 =	vimm.s32 $0x0;
	v44 =	vsel vm1, $0x1, v0;
	vm1 =	vgt.s32 v20, $0x3DFFF  }
0x97: {  	v46 =	vimm.s32 $0x0;
	v5 =	vsel vm1, $0xFFFFFFFF, v45;
	vm1 =	vgt.s32 v20, $0x7BFFF  }
0x98: {  	[tilespmem:$0x1FD80] =	vst v5;
	v5 =	vsel vm1, $0xFFFFFFFF, v46  }
0x99: {  	[tilespmem:$0x1FD90] =	vst v5;
	v47 =	vld [tilespmem:$0x1FD80]  }
0x9a: {  	v49 =	vld [tilespmem:$0x1FD90];
	_ =	sdelay $0x1  }
0x9b: {  	v42 =	vld [tilespmem:$0xF0];
	v13 =	vadd.s32 v24, v22  }
0x9c: {  	v13 =	vadd.s32 v17, v13  }
0x9d: {  	v33 =	vmul.u32 $0xFFFC2000, v13;
	vm1 =	vnez.u8 v47  }
0x9e: {  	v48 =	vsel vm1, $0x1, v0;
	vm1 =	vnez.u8 v49  }
0x9f: {  	v37 =	vadd.s32 v52, v33;
	v50 =	vsel vm1, $0x1, v0;
	vm1 =	vgt.s32 v20, $0xB9FFF  }
0xa0: {  	v52 =	vimm.s32 $0x0;
	v51 =	vsel vm1, $0x1, v0;
	vm1 =	vgt.s32 v42, $0x3DFFF  }
0xa1: {  	[tilespmem:$0x1FF80] =	vst v53;
	v53 =	vimm.s32 $0x0;
	v5 =	vsel vm1, $0xFFFFFFFF, v52;
	vm1 =	vgt.s32 v42, $0x7BFFF  }
0xa2: {  	[tilespmem:$0x1FDA0] =	vst v5;
	v5 =	vsel vm1, $0xFFFFFFFF, v53  }
0xa3: {  	v58 =	vadd.s32 v30, v54;
	[tilespmem:$0x1FDB0] =	vst v5;
	v54 =	vld [tilespmem:$0x1FDA0]  }
0xa4: {  	v55 =	vld [tilespmem:$0x1FDB0];
	_ =	sdelay $0x1  }
0xa5: {  	v30 =	vadd.s32 v19, v18;
	v19 =	vld [tilespmem:$0x100];
	_ =	sdelay $0x1  }
0xa6: {  	vm1 =	vnez.u8 v54  }
0xa7: {  	v21 =	vsel vm1, $0x1, v0;
	vm1 =	vnez.u8 v55  }
0xa8: {  	v22 =	vsel vm1, $0x1, v0;
	vm1 =	vgt.s32 v42, $0xB9FFF  }
0xa9: {  	v61 =	vimm.s32 $0x0;
	v57 =	vsel vm1, $0x1, v0;
	vm1 =	vgt.s32 v19, $0x3DFFF  }
0xaa: {  	v62 =	vimm.s32 $0x0;
	v5 =	vsel vm1, $0xFFFFFFFF, v61;
	vm1 =	vgt.s32 v19, $0x7BFFF  }
0xab: {  	[tilespmem:$0x1FDC0] =	vst v5;
	v5 =	vsel vm1, $0xFFFFFFFF, v62  }
0xac: {  	[tilespmem:$0x1FDD0] =	vst v5;
	v8 =	vld [tilespmem:$0x1FDC0]  }
0xad: {  	v10 =	vld [tilespmem:$0x1FDD0];
	_ =	sdelay $0x1  }
0xae: {  	v34 =	vadd.s32 v31, v30;
	v43 =	vadd.s32 v41, v39;
	v56 =	vadd.s32 v22, v21;
	v21 =	vld [tilespmem:$0x110]  }
0xaf: {  	v13 =	vmul.u32 $0xFFFC2000, v34;
	v15 =	vadd.s32 v44, v43  }
0xb0: {  	v7 =	vadd.s32 v11, v7;
	v15 =	vmul.u32 $0xFFFC2000, v15;
	vm1 =	vnez.u8 v8  }
0xb1: {  	v13 =	vadd.s32 v9, v13;
	v9 =	vsel vm1, $0x1, v0;
	vm1 =	vnez.u8 v10  }
0xb2: {  	v14 =	vadd.s32 v25, v15;
	v11 =	vsel vm1, $0x1, v0;
	vm1 =	vgt.s32 v19, $0xB9FFF  }
0xb3: {  	v25 =	vimm.s32 $0x0;
	v12 =	vsel vm1, $0x1, v0;
	vm1 =	vgt.s32 v21, $0x3DFFF  }
0xb4: {  	v26 =	vimm.s32 $0x0;
	v5 =	vsel vm1, $0xFFFFFFFF, v25;
	vm1 =	vgt.s32 v21, $0x7BFFF  }
0xb5: {  	[tilespmem:$0x1FDE0] =	vst v5;
	v5 =	vsel vm1, $0xFFFFFFFF, v26  }
0xb6: {  	[tilespmem:$0x1FDF0] =	vst v5;
	v27 =	vld [tilespmem:$0x1FDE0]  }
0xb7: {  	v28 =	vld [tilespmem:$0x1FDF0];
	_ =	sdelay $0x1  }
0xb8: {  	v15 =	vld [tilespmem:$0x120];
	_ =	sdelay $0x1  }
0xb9: {  	vm1 =	vnez.u8 v27  }
0xba: {  	v18 =	vld [tilespmem:$0x130];
	v23 =	vsel vm1, $0x1, v0;
	vm1 =	vnez.u8 v28  }
0xbb: {  	v24 =	vsel vm1, $0x1, v0;
	vm1 =	vgt.s32 v21, $0xB9FFF  }
0xbc: {  	v29 =	vsel vm1, $0x1, v0;
	vm1 =	vgt.s32 v15, $0x3DFFF  }
0xbd: {  	v27 =	vsel vm1, $0x1, v0;
	vm1 =	vgt.s32 v15, $0x7BFFF  }
0xbe: {  	v31 =	vimm.s32 $0x0;
	v28 =	vsel vm1, $0x1, v0;
	vm1 =	vgt.s32 v15, $0xB9FFF  }
0xbf: {  	[tilespmem:$0x1FFE0] =	vst v32;
	v32 =	vimm.s32 $0x0;
	v5 =	vsel vm1, $0xFFFFFFFF, v31;
	vm1 =	vgt.s32 v18, $0x3DFFF  }
0xc0: {  	[tilespmem:$0x1FE00] =	vst v5;
	v5 =	vsel vm1, $0xFFFFFFFF, v32  }
0xc1: {  	[tilespmem:$0x1FE10] =	vst v5;
	v33 =	vld [tilespmem:$0x1FE00]  }
0xc2: {  	v34 =	vld [tilespmem:$0x1FE10];
	_ =	sdelay $0x2  }
0xc3: {  	v22 =	vld [tilespmem:$0x140]  }
0xc4: {  	v23 =	vadd.s32 v24, v23;
	vm1 =	vnez.u8 v33  }
0xc5: {  	v30 =	vadd.s32 v29, v23;
	v29 =	vsel vm1, $0x1, v0;
	vm1 =	vnez.u8 v34  }
0xc6: {  	v26 =	vmul.u32 $0xFFFC2000, v30;
	v30 =	vsel vm1, $0x1, v0;
	vm1 =	vgt.s32 v18, $0x7BFFF  }
0xc7: {  	v35 =	vimm.s32 $0x0;
	v32 =	vsel vm1, $0x1, v0;
	vm1 =	vgt.s32 v18, $0xB9FFF  }
0xc8: {  	[tilespmem:$0x1FFF0] =	vst v37;
	v36 =	vimm.s32 $0x0;
	v5 =	vsel vm1, $0xFFFFFFFF, v35;
	vm1 =	vgt.s32 v22, $0x3DFFF  }
0xc9: {  	[tilespmem:$0x1FE20] =	vst v5;
	v5 =	vsel vm1, $0xFFFFFFFF, v36  }
0xca: {  	[tilespmem:$0x1FE30] =	vst v5;
	v37 =	vld [tilespmem:$0x1FE20]  }
0xcb: {  	v38 =	vld [tilespmem:$0x1FE30];
	_ =	sdelay $0x2  }
0xcc: {  	v23 =	vld [tilespmem:$0x150]  }
0xcd: {  	vm1 =	vnez.u8 v37  }
0xce: {  	v33 =	vsel vm1, $0x1, v0;
	vm1 =	vnez.u8 v38  }
0xcf: {  	v40 =	vimm.s32 $0x0;
	v34 =	vsel vm1, $0x1, v0;
	vm1 =	vgt.s32 v22, $0x7BFFF  }
0xd0: {  	v39 =	vimm.s32 $0x0;
	v35 =	vsel vm1, $0x1, v0;
	vm1 =	vgt.s32 v22, $0xB9FFF  }
0xd1: {  	v60 =	vadd.s32 v57, v56;
	v5 =	vsel vm1, $0xFFFFFFFF, v39;
	vm1 =	vgt.s32 v23, $0x3DFFF  }
0xd2: {  	v17 =	vmul.u32 $0xFFFC2000, v60;
	[tilespmem:$0x1FE40] =	vst v5;
	v5 =	vsel vm1, $0xFFFFFFFF, v40  }
0xd3: {  	[tilespmem:$0x1FE50] =	vst v5;
	v41 =	vld [tilespmem:$0x1FE40]  }
0xd4: {  	v17 =	vadd.s32 v42, v17;
	v42 =	vld [tilespmem:$0x1FE50];
	_ =	sdelay $0x2  }
0xd5: {  	v31 =	vld [tilespmem:$0x160]  }
0xd6: {  	vm1 =	vnez.u8 v41  }
0xd7: {  	v36 =	vsel vm1, $0x1, v0;
	vm1 =	vnez.u8 v42  }
0xd8: {  	v43 =	vimm.s32 $0x0;
	v37 =	vsel vm1, $0x1, v0;
	vm1 =	vgt.s32 v23, $0x7BFFF  }
0xd9: {  	v44 =	vimm.s32 $0x0;
	v38 =	vsel vm1, $0x1, v0;
	vm1 =	vgt.s32 v23, $0xB9FFF  }
0xda: {  	[tilespmem:$0x1FF90] =	vst v58;
	v16 =	vadd.s32 v50, v48;
	v5 =	vsel vm1, $0xFFFFFFFF, v43;
	vm1 =	vgt.s32 v31, $0x3DFFF  }
0xdb: {  	v16 =	vadd.s32 v51, v16;
	[tilespmem:$0x1FE60] =	vst v5;
	v5 =	vsel vm1, $0xFFFFFFFF, v44  }
0xdc: {  	v58 =	vmul.u32 $0xFFFC2000, v16;
	[tilespmem:$0x1FE70] =	vst v5;
	v45 =	vld [tilespmem:$0x1FE60]  }
0xdd: {  	v46 =	vld [tilespmem:$0x1FE70]  }
0xde: {  	v16 =	vadd.s32 v20, v58;
	v20 =	vadd.s32 v11, v9  }
0xdf: {  	v20 =	vadd.s32 v12, v20  }
0xe0: {  	v25 =	vmul.u32 $0xFFFC2000, v20;
	v20 =	vld [tilespmem:$0x170]  }
0xe1: {  	vm1 =	vnez.u8 v45  }
0xe2: {  	v39 =	vsel vm1, $0x1, v0;
	vm1 =	vnez.u8 v46  }
0xe3: {  	v40 =	vsel vm1, $0x1, v0;
	vm1 =	vgt.s32 v31, $0x7BFFF  }
0xe4: {  	v47 =	vimm.s32 $0x0;
	v42 =	vsel vm1, $0x1, v0;
	vm1 =	vgt.s32 v31, $0xB9FFF  }
0xe5: {  	v48 =	vimm.s32 $0x0;
	v5 =	vsel vm1, $0xFFFFFFFF, v47;
	vm1 =	vgt.s32 v20, $0x3DFFF  }
0xe6: {  	[tilespmem:$0x1FE80] =	vst v5;
	v5 =	vsel vm1, $0xFFFFFFFF, v48  }
0xe7: {  	[tilespmem:$0x1FE90] =	vst v5;
	v49 =	vld [tilespmem:$0x1FE80]  }
0xe8: {  	v50 =	vld [tilespmem:$0x1FE90];
	_ =	sdelay $0x2  }
0xe9: {  	v24 =	vld [tilespmem:$0x180]  }
0xea: {  	vm1 =	vnez.u8 v49  }
0xeb: {  	v43 =	vsel vm1, $0x1, v0;
	vm1 =	vnez.u8 v50  }
0xec: {  	v44 =	vsel vm1, $0x1, v0;
	vm1 =	vgt.s32 v20, $0x7BFFF  }
0xed: {  	v51 =	vimm.s32 $0x0;
	v46 =	vsel vm1, $0x1, v0;
	vm1 =	vgt.s32 v20, $0xB9FFF  }
0xee: {  	v52 =	vimm.s32 $0x0;
	v5 =	vsel vm1, $0xFFFFFFFF, v51;
	vm1 =	vgt.s32 v24, $0x3DFFF  }
0xef: {  	[tilespmem:$0x1FEA0] =	vst v5;
	v5 =	vsel vm1, $0xFFFFFFFF, v52  }
0xf0: {  	[tilespmem:$0x1FEB0] =	vst v5;
	v53 =	vld [tilespmem:$0x1FEA0]  }
0xf1: {  	v54 =	vld [tilespmem:$0x1FEB0];
	_ =	sdelay $0x2  }
0xf2: {  	v41 =	vld [tilespmem:$0x190]  }
0xf3: {  	vm1 =	vnez.u8 v53  }
0xf4: {  	v47 =	vsel vm1, $0x1, v0;
	vm1 =	vnez.u8 v54  }
0xf5: {  	v48 =	vsel vm1, $0x1, v0;
	vm1 =	vgt.s32 v24, $0x7BFFF  }
0xf6: {  	v55 =	vimm.s32 $0x0;
	v50 =	vsel vm1, $0x1, v0;
	vm1 =	vgt.s32 v24, $0xB9FFF  }
0xf7: {  	v56 =	vimm.s32 $0x0;
	v5 =	vsel vm1, $0xFFFFFFFF, v55;
	vm1 =	vgt.s32 v41, $0x3DFFF  }
0xf8: {  	[tilespmem:$0x1FEC0] =	vst v5;
	v5 =	vsel vm1, $0xFFFFFFFF, v56  }
0xf9: {  	[tilespmem:$0x1FED0] =	vst v5;
	v57 =	vld [tilespmem:$0x1FEC0]  }
0xfa: {  	v58 =	vld [tilespmem:$0x1FED0];
	_ =	sdelay $0x2  }
0xfb: {  	v45 =	vld [tilespmem:$0x1A0]  }
0xfc: {  	vm1 =	vnez.u8 v57  }
0xfd: {  	v51 =	vsel vm1, $0x1, v0;
	vm1 =	vnez.u8 v58  }
0xfe: {  	v52 =	vsel vm1, $0x1, v0;
	vm1 =	vgt.s32 v41, $0x7BFFF  }
0xff: {  	v60 =	vimm.s32 $0x0;
	v54 =	vsel vm1, $0x1, v0;
	vm1 =	vgt.s32 v41, $0xB9FFF  }
0x100: {  	v61 =	vimm.s32 $0x0;
	v5 =	vsel vm1, $0xFFFFFFFF, v60;
	vm1 =	vgt.s32 v45, $0x3DFFF  }
0x101: {  	[tilespmem:$0x1FEE0] =	vst v5;
	v5 =	vsel vm1, $0xFFFFFFFF, v61  }
0x102: {  	[tilespmem:$0x1FEF0] =	vst v5;
	v62 =	vld [tilespmem:$0x1FEE0]  }
0x103: {  	v8 =	vld [tilespmem:$0x1FEF0];
	_ =	sdelay $0x2  }
0x104: {  	v49 =	vld [tilespmem:$0x1B0]  }
0x105: {  	vm1 =	vnez.u8 v62  }
0x106: {  	v55 =	vsel vm1, $0x1, v0;
	vm1 =	vnez.u8 v8  }
0x107: {  	v56 =	vsel vm1, $0x1, v0;
	vm1 =	vgt.s32 v45, $0x7BFFF  }
0x108: {  	v9 =	vimm.s32 $0x0;
	v58 =	vsel vm1, $0x1, v0;
	vm1 =	vgt.s32 v45, $0xB9FFF  }
0x109: {  	v10 =	vimm.s32 $0x0;
	v5 =	vsel vm1, $0xFFFFFFFF, v9;
	vm1 =	vgt.s32 v49, $0x3DFFF  }
0x10a: {  	[tilespmem:$0x1FF00] =	vst v5;
	v5 =	vsel vm1, $0xFFFFFFFF, v10  }
0x10b: {  	[tilespmem:$0x1FF10] =	vst v5;
	v11 =	vld [tilespmem:$0x1FF00]  }
0x10c: {  	v12 =	vld [tilespmem:$0x1FF10];
	_ =	sdelay $0x3  }
0x10d: {  	v53 =	vld [tilespmem:$0x1C0];
	vm1 =	vnez.u8 v11  }
0x10e: {  	v10 =	vsel vm1, $0x1, v0;
	vm1 =	vnez.u8 v12  }
0x10f: {  	[tilespmem:$0x0] =	vst v59;
	v59 =	vsel vm1, $0x1, v0;
	vm1 =	vgt.s32 v49, $0x7BFFF  }
0x110: {  	[tilespmem:$0x10] =	vst v2;
	v2 =	vimm.s32 $0x0;
	v8 =	vsel vm1, $0x1, v0;
	vm1 =	vgt.s32 v49, $0xB9FFF  }
0x111: {  	v2 =	vsel vm1, $0xFFFFFFFF, v2  }
0x112: {  	vm1 =	vgt.s32 v53, $0x3DFFF;
	[tilespmem:$0x1FF20] =	vst v2;
	v2 =	vimm.s32 $0x0  }
0x113: {  	v2 =	vsel vm1, $0xFFFFFFFF, v2  }
0x114: {  	[tilespmem:$0x1FF30] =	vst v2;
	v2 =	vld [tilespmem:$0x1FF20];
	_ =	sdelay $0x4  }
0x115: {  	vm1 =	vnez.u8 v2;
	v2 =	vld [tilespmem:$0x1FF30];
	_ =	sdelay $0x4  }
0x116: {  	v6 =	vsel vm1, $0x1, v0;
	vm1 =	vnez.u8 v2  }
0x117: {  	v61 =	vsel vm1, $0x1, v0;
	vm1 =	vgt.s32 v53, $0x7BFFF  }
0x118: {  	v57 =	vld [tilespmem:$0x1D0];
	v2 =	vimm.s32 $0x0;
	v12 =	vsel vm1, $0x1, v0;
	vm1 =	vgt.s32 v53, $0xB9FFF  }
0x119: {  	v2 =	vsel vm1, $0xFFFFFFFF, v2  }
0x11a: {  	[tilespmem:$0x1FF40] =	vst v2  }
0x11b: {  	[tilespmem:$0x40] =	vst v1;
	v1 =	vld [tilespmem:$0x1FF40];
	_ =	sdelay $0x1  }
0x11c: {  	vm1 =	vgt.s32 v57, $0x3DFFF;
	v2 =	vimm.s32 $0x0  }
0x11d: {  	v2 =	vsel vm1, $0xFFFFFFFF, v2  }
0x11e: {  	[tilespmem:$0x1FF50] =	vst v2  }
0x11f: {  	vm1 =	vnez.u8 v1;
	v1 =	vld [tilespmem:$0x1FF50];
	_ =	sdelay $0x3  }
0x120: {  	v60 =	vld [tilespmem:$0x1E0]  }
0x121: {  	v11 =	vsel vm1, $0x1, v0;
	vm1 =	vnez.u8 v1  }
0x122: {  	[tilespmem:$0x30] =	vst v63;
	v63 =	vsel vm1, $0x1, v0;
	vm1 =	vgt.s32 v57, $0x7BFFF  }
0x123: {  	v1 =	vimm.s32 $0x0;
	v9 =	vsel vm1, $0x1, v0;
	vm1 =	vgt.s32 v57, $0xB9FFF  }
0x124: {  	v1 =	vsel vm1, $0xFFFFFFFF, v1  }
0x125: {  	vm1 =	vgt.s32 v60, $0x3DFFF;
	[tilespmem:$0x1FF60] =	vst v1;
	v1 =	vimm.s32 $0x0  }
0x126: {  	v1 =	vsel vm1, $0xFFFFFFFF, v1  }
0x127: {  	[tilespmem:$0x1FF70] =	vst v1;
	v1 =	vld [tilespmem:$0x1FF60];
	_ =	sdelay $0x4  }
0x128: {  	vm1 =	vnez.u8 v1;
	v1 =	vld [tilespmem:$0x1FF70];
	_ =	sdelay $0x4  }
0x129: {  	[tilespmem:$0x60] =	vst v7;
	v7 =	vsel vm1, $0x1, v0;
	vm1 =	vnez.u8 v1;
	v1 =	vld [tilespmem:$0x1FF80];
	_ =	sdelay $0x1  }
0x12a: {  	v62 =	vld [tilespmem:$0x1F0];
	_ =	sdelay $0x1  }
0x12b: {  	[tilespmem:$0x20] =	vst v4;
	v5 =	vsel vm1, $0x1, v0;
	vm1 =	vgt.s32 v60, $0x7BFFF  }
0x12c: {  	v4 =	vsel vm1, $0x1, v0;
	vm1 =	vgt.s32 v60, $0xB9FFF;
	[tilespmem:$0x70] =	vst v1;
	v1 =	vimm.s32 $0x0  }
0x12d: {  	v1 =	vsel vm1, $0xFFFFFFFF, v1  }
0x12e: {  	vm1 =	vgt.s32 v62, $0x3DFFF;
	[tilespmem:$0x1FFA0] =	vst v1;
	v1 =	vimm.s32 $0x0  }
0x12f: {  	v1 =	vsel vm1, $0xFFFFFFFF, v1  }
0x130: {  	[tilespmem:$0x1FFB0] =	vst v1;
	v1 =	vld [tilespmem:$0x1FF90];
	_ =	sdelay $0x4  }
0x131: {  	[tilespmem:$0x80] =	vst v1;
	v1 =	vld [tilespmem:$0x1FFA0];
	_ =	sdelay $0x4  }
0x132: {  	vm1 =	vnez.u8 v1  }
0x133: {  	[tilespmem:$0x50] =	vst v3;
	v1 =	vimm.s32 $0x0;
	v3 =	vsel vm1, $0x1, v0;
	vm1 =	vgt.s32 v62, $0x7BFFF  }
0x134: {  	v1 =	vsel vm1, $0xFFFFFFFF, v1  }
0x135: {  	[tilespmem:$0x1FFD0] =	vst v1;
	v1 =	vld [tilespmem:$0x1FFB0]  }
0x136: {  	v21 =	vadd.s32 v21, v26;
	v26 =	vadd.s32 v28, v27;
	v27 =	vld [tilespmem:$0x1FFF0]  }
0x137: {  	v26 =	vadd.s32 v29, v26;
	v32 =	vadd.s32 v32, v30  }
0x138: {  	[tilespmem:$0xC0] =	vst v13;
	v26 =	vmul.u32 $0xFFFC2000, v26;
	v13 =	vadd.s32 v33, v32  }
0x139: {  	[tilespmem:$0xD0] =	vst v14;
	v13 =	vmul.u32 $0xFFFC2000, v13;
	v35 =	vadd.s32 v35, v34;
	v33 =	vadd.s32 v38, v37  }
0x13a: {  	[tilespmem:$0xE0] =	vst v16;
	v32 =	vadd.s32 v36, v35;
	v34 =	vadd.s32 v39, v33;
	vm1 =	vnez.u8 v1;
	v1 =	vld [tilespmem:$0x1FFC0]  }
0x13b: {  	v19 =	vadd.s32 v19, v25;
	[tilespmem:$0xB0] =	vst v27;
	v27 =	vmul.u32 $0xFFFC2000, v32;
	v14 =	vmul.u32 $0xFFFC2000, v34  }
0x13c: {  	[tilespmem:$0xF0] =	vst v17;
	v15 =	vadd.s32 v15, v26;
	v13 =	vadd.s32 v18, v13;
	v35 =	vadd.s32 v42, v40  }
0x13d: {  	[tilespmem:$0x100] =	vst v19;
	v37 =	vadd.s32 v22, v27;
	v14 =	vadd.s32 v23, v14;
	v36 =	vadd.s32 v43, v35  }
0x13e: {  	[tilespmem:$0x110] =	vst v21;
	v16 =	vmul.u32 $0xFFFC2000, v36;
	v38 =	vadd.s32 v46, v44;
	v39 =	vadd.s32 v50, v48  }
0x13f: {  	v18 =	vadd.s32 v47, v38;
	v43 =	vadd.s32 v51, v39;
	v42 =	vadd.s32 v58, v56;
	[tilespmem:$0x90] =	vst v1;
	v1 =	vld [tilespmem:$0x1FFD0]  }
0x140: {  	[tilespmem:$0x130] =	vst v13;
	v46 =	vmul.u32 $0xFFFC2000, v18;
	v13 =	vmul.u32 $0xFFFC2000, v43;
	v10 =	vadd.s32 v10, v42  }
0x141: {  	[tilespmem:$0x120] =	vst v15;
	v16 =	vadd.s32 v31, v16;
	v40 =	vadd.s32 v54, v52;
	v10 =	vmul.u32 $0xFFFC2000, v10  }
0x142: {  	[tilespmem:$0x140] =	vst v37;
	v48 =	vadd.s32 v20, v46;
	v13 =	vadd.s32 v24, v13;
	v44 =	vadd.s32 v55, v40  }
0x143: {  	[tilespmem:$0x150] =	vst v14;
	v47 =	vmul.u32 $0xFFFC2000, v44;
	v8 =	vadd.s32 v8, v59;
	v10 =	vadd.s32 v45, v10  }
0x144: {  	[tilespmem:$0x160] =	vst v16;
	v6 =	vadd.s32 v6, v8;
	v2 =	vsel vm1, $0x1, v0;
	vm1 =	vnez.u8 v1;
	v1 =	vld [tilespmem:$0x1FFE0]  }
0x145: {  	[tilespmem:$0x170] =	vst v48;
	v6 =	vmul.u32 $0xFFFC2000, v6;
	v12 =	vadd.s32 v12, v61;
	v9 =	vadd.s32 v9, v63  }
0x146: {  	[tilespmem:$0x180] =	vst v13;
	v8 =	vadd.s32 v41, v47;
	v11 =	vadd.s32 v11, v12;
	v7 =	vadd.s32 v7, v9  }
0x147: {  	[tilespmem:$0x1A0] =	vst v10;
	v6 =	vadd.s32 v49, v6;
	v49 =	vmul.u32 $0xFFFC2000, v11;
	v50 =	vmul.u32 $0xFFFC2000, v7  }
0x148: {  	[tilespmem:$0x190] =	vst v8;
	v4 =	vadd.s32 v4, v5;
	v25 =	vsel vm1, $0x1, v0;
	vm1 =	vgt.s32 v62, $0xB9FFF  }
0x149: {  	v3 =	vadd.s32 v3, v4;
	v2 =	vadd.s32 v25, v2;
	[tilespmem:$0xA0] =	vst v1;
	v1 =	vsel vm1, $0x1, v0  }
0x14a: {  	[tilespmem:$0x1B0] =	vst v6;
	v5 =	vadd.s32 v53, v49;
	v3 =	vmul.u32 $0xFFFC2000, v3;
	v1 =	vadd.s32 v1, v2  }
0x14b: {  	[tilespmem:$0x1C0] =	vst v5;
	v2 =	vadd.s32 v57, v50;
	v1 =	vmul.u32 $0xFFFC2000, v1  }
0x14c: {  	[tilespmem:$0x1D0] =	vst v2;
	v2 =	vadd.s32 v60, v3  }
0x14d: {  	[tilespmem:$0x1E0] =	vst v2;
	v1 =	vadd.s32 v62, v1  }
0x14e: {  	[tilespmem:$0x1F0] =	vst v1  }
0x14f: {  	v1 =	vld [tilespmem:s2+$0x0];
	_ =	sdelay $0x4  }
0x150: {  	v2 =	vnsel vm0, $0x0, v1  }
0x151: {  	v3 =	vsel vm2, $0x0, v1;
	(xrf0) =	vadd.scan.msk.s32 $0xffff, v2  }
0x152: {  	vm1 =	vcmask $0x308;
	v2 =	vsel vm3, $0x0, v1;
	(xrf0) =	vadd.scan.msk.s32 $0xffff, v3  }
0x153: {  	v3 =	vsel vm1, $0x0, v1;
	(xrf0) =	vadd.scan.msk.s32 $0xffff, v2  }
0x154: {  	(xrf0) =	vadd.scan.msk.s32 $0xffff, v3;
	_ =	sdelay $0x2  }
0x155: {  	v2, _, _ =	vpop (xrf0)  }
0x156: {  	v3 =	vsel vm8, $0x0, v1;
	(v2sf) =	vpush v2, $0xF;
	v2, _, _ =	vpop (xrf0)  }
0x157: {  	v51 =	vsel vm9, $0x0, v1;
	(xrf0) =	vadd.scan.msk.s32 $0xffff, v3;
	(v2sf) =	vpush v2, $0xF;
	v2, _, _ =	vpop (xrf0)  }
0x158: {  	v3 =	vsel vm5, $0x0, v1;
	(xrf0) =	vadd.scan.msk.s32 $0xffff, v51;
	v52, _, _ =	vpop (xrf0);
	(v2sf) =	vpush v2, $0xF  }
0x159: {  	v2 =	vsel vm4, $0x0, v1;
	(xrf0) =	vadd.scan.msk.s32 $0xffff, v3;
	(v2sf) =	vpush v52, $0xF  }
0x15a: {  	(xrf0) =	vadd.scan.msk.s32 $0xffff, v2;
	v2 =	vsel vm10, $0x0, v1  }
0x15b: {  	v3 =	vsel vm11, $0x0, v1;
	_ =	sdelay $0x1  }
0x15c: {  	(xrf0) =	vadd.scan.msk.s32 $0xffff, v2;
	v2, _, _ =	vpop (xrf0)  }
0x15d: {  	v53 =	vsel vm12, $0x0, v1;
	(xrf0) =	vadd.scan.msk.s32 $0xffff, v3;
	v3, _, _ =	vpop (xrf0)  }
0x15e: {  	v54 =	vsel vm13, $0x0, v1;
	(xrf0) =	vadd.scan.msk.s32 $0xffff, v53;
	(v2sf) =	vpush v2, $0xF;
	v2, _, _ =	vpop (xrf0)  }
0x15f: {  	v55 =	vsel vm14, $0x0, v1;
	(xrf0) =	vadd.scan.msk.s32 $0xffff, v54;
	v56, _, _ =	vpop (xrf0)  }
0x160: {  	v57 =	vsel vm6, $0x0, v1;
	(xrf0) =	vadd.scan.msk.s32 $0xffff, v55;
	(v2sf) =	vpush v56, $0xF  }
0x161: {  	v58 =	vsel vm7, $0x0, v1;
	(xrf0) =	vadd.scan.msk.s32 $0xffff, v57  }
0x162: {  	s11 =	simm.s32 $0x2000;
	s12 =	simm.s32 $0x0;
	s20 =	simm.s32 $0x300;
	(xrf0) =	vadd.scan.msk.s32 $0xffff, v58;
	v59, _, _ =	vpop (xrf0);
	(v2sf) =	vpush v2, $0xF  }
0x163: {  	s21 =	simm.s32 $0x400;
	s16 =	simm.s32 $0x580;
	s13 =	simm.s32 $0x200;
	v2, _, _ =	vpop (xrf0)  }
0x164: {  	s22 =	simm.s32 $0x280;
	s17 =	simm.s32 $0x500;
	(v2sf) =	vpush v59, $0xF;
	v60, _, _ =	vpop (xrf0);
	s14 =	spop (v2sf)  }
0x165: {  	s23 =	simm.s32 $0x480;
	v61, _, _ =	vpop (xrf0);
	s14 =	sshll.u32 s14, $0x4;
	s24 =	spop (v2sf)  }
0x166: {  	s15 =	simm.s32 $0x800;
	v62, _, _ =	vpop (xrf0);
	(v2sf) =	vpush v3, $0xF;
	s18 =	sand.u32 $0x1FFFFFF0, s14;
	s25 =	spop (v2sf)  }
0x167: {  	s19 =	simm.s32 $0x700;
	v3, _, _ =	vpop (xrf0);
	s18 =	sadd.s32 s3, s18;
	s26 =	spop (v2sf)  }
0x168: {  	v63, _, _ =	vpop (xrf0);
	(v2sf) =	vpush v3, $0xF;
	[tilespmem:s13], [sflag:$0x1] =	stream.linear.gather [hbm4b:s18+s2], $0x80, $0x38;
	[tilespmem:$0x10200] =	vst v63  }
0x169: {  	s0 =	simm.s32 $0x380;
	(v2sf) =	vpush v63, $0xF;
	s24 =	sshll.u32 s24, $0x4;
	s26 =	sshll.u32 s26, $0x4  }
0x16a: {  	s14 =	simm.s32 $0x880;
	s24 =	sand.u32 $0x1FFFFFF0, s24;
	s26 =	sand.u32 $0x1FFFFFF0, s26  }
0x16b: {  	s25 =	sshll.u32 s25, $0x4;
	(v2sf) =	vpush v2, $0xF;
	s13 =	simm.s32 $0x10;
	s26 =	sadd.s32 s3, s26  }
0x16c: {  	[tilespmem:s22], [sflag:$0x1] =	stream.linear.gather [hbm4b:s26+s2], $0x80, $0x38;
	[tilespmem:$0x10200] =	vst v63  }
0x16d: {  	s25 =	sand.u32 $0x1FFFFFF0, s25;
	s24 =	sadd.s32 s3, s24;
	s30 =	spop (v2sf)  }
0x16e: {  	v1 =	vsel vm15, $0x0, v1;
	[tilespmem:s20], [sflag:$0x1] =	stream.linear.gather [hbm4b:s24+s2], $0x80, $0x38;
	[tilespmem:$0x10200] =	vst v63  }
0x16f: {  	(xrf0) =	vadd.scan.msk.s32 $0xffff, v1;
	s18 =	simm.s32 $0x780;
	(v2sf) =	vpush v60, $0xF;
	s25 =	sadd.s32 s3, s25;
	s31 =	spop (v2sf)  }
0x170: {  	[tilespmem:s0], [sflag:$0x1] =	stream.linear.gather [hbm4b:s25+s2], $0x80, $0x38;
	[tilespmem:$0x10200] =	vst v63  }
0x171: {  	(v2sf) =	vpush v61, $0xF;
	s22 =	sshll.u32 s30, $0x4;
	s24 =	sshll.u32 s31, $0x4;
	s1 =	spop (v2sf)  }
0x172: {  	s20 =	simm.s32 $0x680;
	s24 =	sand.u32 $0x1FFFFFF0, s24;
	s25 =	sshll.u32 s1, $0x4  }
0x173: {  	s9 =	spop (v2sf);
	s25 =	sand.u32 $0x1FFFFFF0, s25;
	s24 =	sadd.s32 s3, s24  }
0x174: {  	[tilespmem:s21], [sflag:$0x1] =	stream.linear.gather [hbm4b:s24+s2], $0x80, $0x38;
	[tilespmem:$0x10200] =	vst v63  }
0x175: {  	s30 =	sshll.u32 s9, $0x4;
	s25 =	sadd.s32 s3, s25;
	s29 =	spop (v2sf);
	(v2sf) =	vpush v62, $0xF  }
0x176: {  	v1, _, _ =	vpop (xrf0);
	[tilespmem:s23], [sflag:$0x1] =	stream.linear.gather [hbm4b:s25+s2], $0x80, $0x38;
	[tilespmem:$0x10200] =	vst v63  }
0x177: {  	s24 =	simm.s32 $0x600;
	s26 =	sand.u32 $0x1FFFFFF0, s30;
	s31 =	spop (v2sf);
	(v2sf) =	vpush v1, $0xF  }
0x178: {  	s25 =	sand.u32 $0x1FFFFFF0, s22;
	s23 =	sshll.u32 s31, $0x4;
	s28 =	spop (v2sf)  }
0x179: {  	s22 =	sshll.u32 s29, $0x4;
	s21 =	sand.u32 $0x1FFFFFF0, s23;
	s28 =	sshll.u32 s28, $0x4  }
.LBB2_2:
0x17a: {  	s21 =	sadd.s32 s3, s21;
	s23 =	sand.u32 $0x1FFFFFF0, s28;
	s28 =	spop (v2sf)  }
0x17b: {  	[tilespmem:s17], [sflag:$0x1] =	stream.linear.gather [hbm4b:s21+s2], $0x80, $0x38;
	[tilespmem:$0x10200] =	vst v63  }
0x17c: {  	s17 =	sadd.s32 s3, s23;
	s21 =	sand.u32 $0x1FFFFFF0, s22;
	s22 =	sshll.u32 s28, $0x4  }
0x17d: {  	[tilespmem:s16], [sflag:$0x1] =	stream.linear.gather [hbm4b:s17+s2], $0x80, $0x38;
	[tilespmem:$0x10200] =	vst v63  }
0x17e: {  	s16 =	sadd.s32 s3, s25;
	s17 =	sand.u32 $0x1FFFFFF0, s22;
	s22 =	spop (v2sf)  }
0x17f: {  	[tilespmem:s24], [sflag:$0x1] =	stream.linear.gather [hbm4b:s16+s2], $0x80, $0x38;
	[tilespmem:$0x10200] =	vst v63  }
0x180: {  	s16 =	sadd.s32 s3, s21;
	s21 =	sshll.u32 s22, $0x4;
	s22 =	spop (v2sf)  }
0x181: {  	[tilespmem:s20], [sflag:$0x1] =	stream.linear.gather [hbm4b:s16+s2], $0x80, $0x38;
	[tilespmem:$0x10200] =	vst v63  }
0x182: {  	s16 =	sadd.s32 s3, s26;
	s20 =	sand.u32 $0x1FFFFFF0, s21;
	s21 =	sshll.u32 s22, $0x4  }
0x183: {  	[tilespmem:s19], [sflag:$0x1] =	stream.linear.gather [hbm4b:s16+s2], $0x80, $0x38;
	[tilespmem:$0x10200] =	vst v63  }
0x184: {  	s16 =	sadd.s32 s3, s17;
	s17 =	sand.u32 $0x1FFFFFF0, s21;
	s19 =	spop (v2sf)  }
0x185: {  	[tilespmem:s18], [sflag:$0x1] =	stream.linear.gather [hbm4b:s16+s2], $0x80, $0x38;
	[tilespmem:$0x10200] =	vst v63  }
0x186: {  	s16 =	sadd.s32 s3, s20;
	s18 =	sshll.u32 s19, $0x4;
	s19 =	spop (v2sf)  }
0x187: {  	[tilespmem:s15], [sflag:$0x1] =	stream.linear.gather [hbm4b:s16+s2], $0x80, $0x38;
	[tilespmem:$0x10200] =	vst v63  }
0x188: {  	s15 =	sadd.s32 s3, s17;
	s16 =	sand.u32 $0x1FFFFFF0, s18;
	s17 =	sshll.u32 s19, $0x4  }
0x189: {  	[tilespmem:s14], [sflag:$0x1] =	stream.linear.gather [hbm4b:s15+s2], $0x80, $0x38;
	[tilespmem:$0x10200] =	vst v63  }
0x18a: {  	s14 =	sadd.s32 $0x900, s12;
	s15 =	sadd.s32 s3, s16;
	s16 =	sand.u32 $0x1FFFFFF0, s17  }
0x18b: {  	[tilespmem:s14], [sflag:$0x1] =	stream.linear.gather [hbm4b:s15+s2], $0x80, $0x38;
	[tilespmem:$0x10200] =	vst v63  }
0x18c: {  	p0 =	sne.s32 s11, $0x3E000;
	s12 =	sadd.s32 $0x980, s12;
	s14 =	sadd.s32 s3, s16  }
0x18d: {  	[tilespmem:s12], [sflag:$0x1] =	stream.linear.gather [hbm4b:s14+s2], $0x80, $0x38;
	[tilespmem:$0x10200] =	vst v63  }
0x18e: {  	s12 =	smov.u32 s11;
	s11 =	sadd.s32 $0x2000, s11;
	v1 =	vld [tilespmem:s13+$0x0];
	_ =	sdelay $0x4  }
0x18f: {  	v2 =	vnsel vm0, $0x0, v1;
	v3 =	vsel vm3, $0x0, v1;
	v4 =	vsel vm14, $0x0, v1  }
0x190: {  	v5 =	vsel vm2, $0x0, v1;
	v6 =	vsel vm15, $0x0, v1;
	(xrf0) =	vadd.scan.msk.s32 $0xffff, v2  }
0x191: {  	v7 =	vsel vm6, $0x0, v1;
	v2 =	vsel vm1, $0x0, v1;
	(xrf0) =	vadd.scan.msk.s32 $0xffff, v5  }
0x192: {  	v5 =	vsel vm7, $0x0, v1;
	(xrf0) =	vadd.scan.msk.s32 $0xffff, v3  }
0x193: {  	v3 =	vsel vm8, $0x0, v1;
	(xrf0) =	vadd.scan.msk.s32 $0xffff, v2  }
0x194: {  	v2 =	vsel vm9, $0x0, v1;
	(xrf0) =	vadd.scan.msk.s32 $0xffff, v3  }
0x195: {  	v3 =	vsel vm5, $0x0, v1;
	(xrf0) =	vadd.scan.msk.s32 $0xffff, v2  }
0x196: {  	v2 =	vsel vm4, $0x0, v1;
	v8, _, _ =	vpop (xrf0);
	(xrf0) =	vadd.scan.msk.s32 $0xffff, v3  }
0x197: {  	v3 =	vsel vm10, $0x0, v1;
	(v2sf) =	vpush v8, $0xF;
	v8, _, _ =	vpop (xrf0);
	(xrf0) =	vadd.scan.msk.s32 $0xffff, v2  }
0x198: {  	v10 =	vsel vm11, $0x0, v1;
	(v2sf) =	vpush v8, $0xF;
	v8, _, _ =	vpop (xrf0);
	(xrf0) =	vadd.scan.msk.s32 $0xffff, v3  }
0x199: {  	s12 =	sshra.s32 s12, $0x2;
	v3 =	vsel vm12, $0x0, v1;
	v9, _, _ =	vpop (xrf0);
	(v2sf) =	vpush v8, $0xF;
	(xrf0) =	vadd.scan.msk.s32 $0xffff, v10  }
0x19a: {  	s22 =	sadd.s32 $0x300, s12;
	v8 =	vsel vm13, $0x0, v1;
	(v2sf) =	vpush v9, $0xF;
	v2, _, _ =	vpop (xrf0);
	(xrf0) =	vadd.scan.msk.s32 $0xffff, v3  }
0x19b: {  	s21 =	sadd.s32 $0x400, s12;
	s16 =	sadd.s32 $0x580, s12;
	(v2sf) =	vpush v2, $0xF;
	v2, _, _ =	vpop (xrf0);
	(xrf0) =	vadd.scan.msk.s32 $0xffff, v8  }
0x19c: {  	s24 =	sadd.s32 $0x200, s12;
	s26 =	sadd.s32 $0x280, s12;
	v1, _, _ =	vpop (xrf0);
	(xrf0) =	vadd.scan.msk.s32 $0xffff, v4  }
0x19d: {  	s17 =	sadd.s32 $0x500, s12;
	v3, _, _ =	vpop (xrf0);
	(xrf0) =	vadd.scan.msk.s32 $0xffff, v7  }
0x19e: {  	s23 =	sadd.s32 $0x480, s12;
	(v2sf) =	vpush v3, $0xF;
	(xrf0) =	vadd.scan.msk.s32 $0xffff, v5;
	v3, _, _ =	vpop (xrf0)  }
0x19f: {  	(v2sf) =	vpush v1, $0xF;
	v1, _, _ =	vpop (xrf0);
	(xrf0) =	vadd.scan.msk.s32 $0xffff, v6  }
0x1a0: {  	(v2sf) =	vpush v3, $0xF;
	v3, _, _ =	vpop (xrf0)  }
0x1a1: {  	v4, _, _ =	vpop (xrf0)  }
0x1a2: {  	v5, _, _ =	vpop (xrf0)  }
0x1a3: {  	v6, _, _ =	vpop (xrf0);
	(v2sf) =	vpush v2, $0xF  }
0x1a4: {  	v2, _, _ =	vpop (xrf0)  }
0x1a5: {  	s13 =	sadd.s32 $0x10, s13;
	s15 =	sadd.s32 $0x800, s12;
	s14 =	sadd.s32 $0x880, s12;
	(v2sf) =	vpush v6, $0xF;
	v6, _, _ =	vpop (xrf0)  }
0x1a6: {  	s19 =	sadd.s32 $0x700, s12;
	s18 =	sadd.s32 $0x780, s12;
	s20 =	spop (v2sf)  }
0x1a7: {  	s25 =	sshll.u32 s20, $0x4;
	s20 =	sadd.s32 $0x680, s12;
	s28 =	spop (v2sf);
	(v2sf) =	vpush v2, $0xF  }
0x1a8: {  	s25 =	sand.u32 $0x1FFFFFF0, s25;
	s28 =	sshll.u32 s28, $0x4;
	s29 =	spop (v2sf)  }
0x1a9: {  	s25 =	sadd.s32 s3, s25;
	s28 =	sand.u32 $0x1FFFFFF0, s28;
	s30 =	spop (v2sf)  }
0x1aa: {  	s29 =	sshll.u32 s29, $0x4;
	s30 =	sshll.u32 s30, $0x4;
	s31 =	spop (v2sf)  }
0x1ab: {  	s29 =	sand.u32 $0x1FFFFFF0, s29;
	s30 =	sand.u32 $0x1FFFFFF0, s30;
	s31 =	sshll.u32 s31, $0x4;
	(v2sf) =	vpush v1, $0xF  }
0x1ac: {  	[tilespmem:s24], [sflag:$0x1] =	stream.linear.gather [hbm4b:s25+s2], $0x80, $0x38;
	[tilespmem:$0x10200] =	vst v63  }
0x1ad: {  	s24 =	sadd.s32 $0x600, s12;
	s25 =	sand.u32 $0x1FFFFFF0, s31;
	s31 =	spop (v2sf)  }
0x1ae: {  	s0 =	sadd.s32 $0x380, s12;
	s31 =	sshll.u32 s31, $0x4;
	s1 =	spop (v2sf)  }
0x1af: {  	s31 =	sand.u32 $0x1FFFFFF0, s31;
	s1 =	sshll.u32 s1, $0x4;
	s9 =	spop (v2sf);
	(v2sf) =	vpush v3, $0xF  }
0x1b0: {  	s30 =	sadd.s32 s3, s30;
	s1 =	sand.u32 $0x1FFFFFF0, s1;
	s9 =	sshll.u32 s9, $0x4  }
0x1b1: {  	[tilespmem:s26], [sflag:$0x1] =	stream.linear.gather [hbm4b:s30+s2], $0x80, $0x38;
	(v2sf) =	vpush v4, $0xF;
	[tilespmem:$0x10200] =	vst v63  }
0x1b2: {  	s28 =	sadd.s32 s3, s28;
	s26 =	sand.u32 $0x1FFFFFF0, s9;
	s9 =	spop (v2sf)  }
0x1b3: {  	[tilespmem:s22], [sflag:$0x1] =	stream.linear.gather [hbm4b:s28+s2], $0x80, $0x38;
	[tilespmem:$0x10200] =	vst v63  }
0x1b4: {  	s28 =	sadd.s32 s3, s29;
	s22 =	sshll.u32 s9, $0x4;
	s9 =	spop (v2sf)  }
0x1b5: {  	[tilespmem:s0], [sflag:$0x1] =	stream.linear.gather [hbm4b:s28+s2], $0x80, $0x38;
	[tilespmem:$0x10200] =	vst v63  }
.Ltmp0:
0x1b6: {  	(v2sf) =	vpush v5, $0xF;
	(pc) =	sbr.rel @p0 .LBB2_2-.Ltmp0, $4  }
0x1b7: {  	s0 =	sadd.s32 s3, s31;
	s9 =	sshll.u32 s9, $0x4;
	s28 =	spop (v2sf)  }
0x1b8: {  	[tilespmem:s21], [sflag:$0x1] =	stream.linear.gather [hbm4b:s0+s2], $0x80, $0x38;
	(v2sf) =	vpush v6, $0xF;
	[tilespmem:$0x10200] =	vst v63  }
0x1b9: {  	s0 =	sadd.s32 s3, s1;
	s21 =	sand.u32 $0x1FFFFFF0, s9;
	s28 =	sshll.u32 s28, $0x4  }
0x1ba: {  	[tilespmem:s23], [sflag:$0x1] =	stream.linear.gather [hbm4b:s0+s2], $0x80, $0x38;
	[tilespmem:$0x10200] =	vst v63  }
0x1bb: {  	s0 =	sadd.s32 s3, s21;
	s1 =	sand.u32 $0x1FFFFFF0, s28;
	s9 =	spop (v2sf)  }
0x1bc: {  	[tilespmem:s17], [sflag:$0x1] =	stream.linear.gather [hbm4b:s0+s2], $0x80, $0x38;
	[tilespmem:$0x10200] =	vst v63  }
0x1bd: {  	s30 =	sand.u32 $0x1FFFFFF0, s22;
	s31 =	sadd.s32 s3, s25;
	s29 =	sadd.s32 s3, s1  }
0x1be: {  	[tilespmem:s16], [sflag:$0x1] =	stream.linear.gather [hbm4b:s29+s2], $0x80, $0x38;
	[tilespmem:$0x10200] =	vst v63  }
0x1bf: {  	s9 =	sshll.u32 s9, $0x4;
	s1 =	sadd.s32 s3, s30;
	s11 =	spop (v2sf)  }
0x1c0: {  	[tilespmem:s24], [sflag:$0x1] =	stream.linear.gather [hbm4b:s31+s2], $0x80, $0x38;
	[tilespmem:$0x10200] =	vst v63  }
0x1c1: {  	s17 =	sadd.s32 s3, s26;
	s13 =	sshll.u32 s11, $0x4;
	s16 =	spop (v2sf)  }
0x1c2: {  	[tilespmem:s20], [sflag:$0x1] =	stream.linear.gather [hbm4b:s1+s2], $0x80, $0x38;
	[tilespmem:$0x10200] =	vst v63  }
0x1c3: {  	s9 =	sand.u32 $0x1FFFFFF0, s9;
	s11 =	sshll.u32 s16, $0x4;
	s1 =	sand.u32 $0x1FFFFFF0, s13  }
0x1c4: {  	[tilespmem:s19], [sflag:$0x1] =	stream.linear.gather [hbm4b:s17+s2], $0x80, $0x38;
	[tilespmem:$0x10200] =	vst v63  }
0x1c5: {  	s20 =	sand.u32 $0x1FFFFFF0, s11;
	s19 =	sadd.s32 s3, s9;
	s21 =	spop (v2sf)  }
0x1c6: {  	[tilespmem:s18], [sflag:$0x1] =	stream.linear.gather [hbm4b:s19+s2], $0x80, $0x38;
	[tilespmem:$0x10200] =	vst v63  }
0x1c7: {  	s22 =	sadd.s32 s3, s1;
	s23 =	sshll.u32 s21, $0x4;
	s24 =	spop (v2sf)  }
0x1c8: {  	[tilespmem:s15], [sflag:$0x1] =	stream.linear.gather [hbm4b:s22+s2], $0x80, $0x38;
	[tilespmem:$0x10200] =	vst v63  }
0x1c9: {  	s25 =	sadd.s32 s3, s20;
	s1 =	sand.u32 $0x1FFFFFF0, s23;
	s26 =	sshll.u32 s24, $0x4  }
0x1ca: {  	[tilespmem:s14], [sflag:$0x1] =	stream.linear.gather [hbm4b:s25+s2], $0x80, $0x38;
	[tilespmem:$0x10200] =	vst v63  }
0x1cb: {  	s28 =	sadd.s32 $0x900, s12;
	s1 =	sadd.s32 s3, s1;
	s9 =	sand.u32 $0x1FFFFFF0, s26  }
0x1cc: {  	[tilespmem:s28], [sflag:$0x1] =	stream.linear.gather [hbm4b:s1+s2], $0x80, $0x38;
	[tilespmem:$0x10200] =	vst v63  }
0x1cd: {  	s29 =	sadd.s32 $0x980, s12;
	s30 =	sadd.s32 s3, s9  }
0x1ce: {  	[tilespmem:s29], [sflag:$0x1] =	stream.linear.gather [hbm4b:s30+s2], $0x80, $0x38;
	[tilespmem:$0x10200] =	vst v63  }
0x1cf: {  	s10 =	sadd.s32 $0x1, s10;
	_ =	swait.ge [sflag:s8], $0x10000  }
0x1d0: {  	p0 =	sne.s32 s10, s6;
	[sflag:s8] =	ssyncset.done $0x0  }
.Ltmp1:
0x1d1: {  	s31 =	simm.s32 $0x200;
	[sflag:s8] =	ssyncadd.s32 $0xFFFF0000;
	(pc) =	sbr.rel @p0 .LBB2_1-.Ltmp1, $4  }
0x1d2: {  	[hbm4b:s5+s2] =	stream.linear.scatter [tilespmem:s31], [sflag:$0x2], $0x10000, $0x38;
	[tilespmem:$0x10200] =	vst v63  }
0x1d3: {  	_ =	swait.ge [sflag:s7], $0x10000  }
0x1d4: {  	[sflag:s7] =	ssyncset.done $0x0  }
0x1d5: {  	[sflag:s7] =	ssyncadd.s32 $0xFFFF0000  }
0x1d6: {  	_ =	sfence.sel $0x180000  }
0x1d7: {  	[bflag:$0x0] =	sbarrier.arrive $0xFFFF  }
0x1d8: {  	_ =	strace $0x90000047  }
0x1d9: {  	s0 =	stileid.u32;
	[bflag:$0x2] =	sbarrier.arrive $0xFFFF  }
0x1da: {  	p0 =	sne.s32 s0, $0x0;
	s0 =	rddreg [dreg:$0x2]  }
0x1db: {  	s0 =	sadd.s32 @!p0 $0x100000, s0  }
0x1dc: {  	[sflag:s0] =	ssyncadd.tile.s32 @!p0 $0x1;
	_ =	shalt  }
.Lfunc_end2:
_tile_overlayer_lowered:
.L_overlay_start_2:
0x1dd: {  	(tag) =	ssettag $0x2  }
0x1de: {  	s0 =	rddreg [dreg:$0x0];
	s2 =	stileid.u32  }
0x1df: {  	s1 =	rddreg [dreg:$0x1];
	p0 =	sne.s32 s2, $0x0  }
0x1e0: {  	s3 =	rddreg [dreg:$0x2];
	[bflag:$0x3] =	sbarrier.arrive $0xFFFF;
	s2 =	simm.s32 @!p0 $0x1C02  }
0x1e1: {  	[timem:s3], [sflag:s2] =	dma.local @!p0 [hbm:s0], s1  }
0x1e2: {  	s0 =	simm.s32 @!p0 $0x2  }
0x1e3: {  	_ =	swait.ge @!p0 [sflag:s0], s1  }
0x1e4: {  	s1 =	ssub.s32 @!p0 $0x0, s1;
	[sflag:s0] =	ssyncset.done @!p0 $0x0  }
0x1e5: {  	[sflag:s0] =	ssyncadd.s32 @!p0 s1  }
0x1e6: {  	[bflag:$0x3] =	sbarrier.arrive $0xFFFF  }
0x1e7: {  	_ =	shalt  }

// kernel: kernel.7.cloned.1.call-start
scs
__scs_entry_jumppad:
0x0: {  	(pc) =	sbr.rel $0x88, $3  }
0x1: {  	(tag) =	ssettag $0x0;
	lr =	simm.s32 $0x1  }
0x2: {  	[smem:$0x3F99] =	sst lr;
	_ =	strace $0xD0000000  }
0x3: {  	_ = 	snop  }
0x4: {  	_ = 	snop  }
0x5: {  	_ = 	snop  }
0x6: {  	_ = 	snop  }
0x7: {  	_ = 	snop  }
__scs_overlays_trampoline_lowered:
0x8: {  	[smem:$0x3FA8] =	sst s0  }
0x9: {  	[smem:$0x3FA9] =	sst s1  }
0xa: {  	[smem:$0x3FAA] =	sst s2  }
0xb: {  	[smem:$0x3FAB] =	sst s3  }
0xc: {  	[smem:$0x3FAC] =	sst s4  }
0xd: {  	[smem:$0x3FAD] =	sst s5  }
0xe: {  	[smem:$0x3FAE] =	sst s6  }
0xf: {  	[smem:$0x3FAF] =	sst s7  }
0x10: {  	[smem:$0x3FB0] =	sst s8  }
0x11: {  	[smem:$0x3FB1] =	sst s9;
	s0 =	simm.s32 @!p0 $0x0  }
0x12: {  	s1 =	sld [smem:$0x3F97];
	s0 =	simm.s32 @p0 $0x1  }
0x13: {  	[smem:$0x3FB2] =	sst s0;
	s0 =	simm.s32 @!p1 $0x0  }
0x14: {  	s2 =	sld [smem:$0x3F96];
	s0 =	simm.s32 @p1 $0x1  }
0x15: {  	[smem:$0x3FB3] =	sst s0;
	s0 =	simm.s32 @!p2 $0x0  }
0x16: {  	s3 =	sld [smem:$0x3FDB];
	s0 =	simm.s32 @p2 $0x1  }
0x17: {  	s4 =	simm.s32 $0x1BF5;
	[smem:$0x3FB5] =	sst s0  }
0x18: {  	s0 =	sld [smem:$0x3F98];
	_ =	swait.ge [sflag:s4], $0x0  }
0x19: {  	s7 =	sld [smem:$0x3F99]  }
0x1a: {  	s8 =	sadd.s32 $0xFFFFE003, lr  }
0x1b: {  	s9 =	sadd.s32 $0xFFFFFEF7, lr;
	s5 =	simm.s32 $0xFFFFFFFF;
	p2 =	slt.u32 s8, $0xFFFFF086  }
0x1c: {  	p1 =	slt.u32 s9, $0xF7A;
	s5 =	simm.s32 @!p2 $0x0  }
0x1d: {  	s5 =	simm.s32 @p1 $0x1;
	p0 =	seq.s32 s7, s2  }
0x1e: {  	s7 =	smul.u32 @!p0 $0xF7A, s2;
	p2 =	seq.s32 @!p0 s5, $0x0  }
0x1f: {  	s9 =	smul.u32 $0xF7A, s1;
	s8 =	simm.s32 @!p0 $0x1BF5;
	p2 =	por !p2, p0  }
0x20: {  	[sflag:s8] =	ssyncset.s32 @!p0 $0xFFFFF086;
	s6 =	sadd.s32 @!p0 s3, s7;
	s7 =	simm.s32 @!p0 $0x108  }
0x21: {  	s3 =	sadd.s32 s3, s9;
	s6 =	sadd.s32 @!p0 $0x88, s6;
	s7 =	simm.s32 @p2 $0x1082  }
0x22: {  	[simem:s7], [sflag:s8] =	dma.local @!p0 [hbm:s6], $0xF7A  }
0x23: {  	s9 =	sor.u32 $0xD0000000, s2;
	s6 =	simm.s32 $0x108;
	_ =	swait.ge @!p0 [sflag:s8], $0x0  }
0x24: {  	s3 =	sadd.s32 $0x88, s3;
	s6 =	simm.s32 @!p1 $0x1082;
	[sflag:s4] =	ssyncset.s32 $0xFFFFF086  }
0x25: {  	[simem:s6], [sflag:s4] =	dma.local [hbm:s3], $0xF7A  }
0x26: {  	[smem:$0x3F99] =	sst s1;
	(tag) =	ssettag s2;
	_ =	strace s9  }
0x27: {  	s1 =	sld [smem:$0x3FA9]  }
0x28: {  	s2 =	sld [smem:$0x3FAA]  }
0x29: {  	s4 =	sld [smem:$0x3FAC]  }
0x2a: {  	p0 =	seq.s32 s5, $0x0;
	s5 =	sld [smem:$0x3FAD]  }
0x2b: {  	s6 =	sld [smem:$0x3FAE]  }
0x2c: {  	s7 =	sld [smem:$0x3FAF]  }
0x2d: {  	s3 =	simm.s32 $0x108;
	s8 =	sld [smem:$0x3FB0]  }
0x2e: {  	s3 =	simm.s32 @!p0 $0x1082;
	s9 =	sld [smem:$0x3FB1]  }
0x2f: {  	lr =	sadd.s32 s0, s3;
	s0 =	sld [smem:$0x3FA8]  }
0x30: {  	s3 =	sld [smem:$0x3FAB]  }
0x31: {  	[smem:$0x3FB4] =	sst s10  }
0x32: {  	s10 =	sld [smem:$0x3FB2];
	_ =	sdelay $0x3  }
0x33: {  	p0 =	seq.s32 s10, $0x1;
	s10 =	sld [smem:$0x3FB4];
	_ =	sdelay $0x3  }
0x34: {  	[smem:$0x3FB4] =	sst s10  }
0x35: {  	s10 =	sld [smem:$0x3FB3];
	_ =	sdelay $0x3  }
0x36: {  	p1 =	seq.s32 s10, $0x1;
	s10 =	sld [smem:$0x3FB4];
	_ =	sdelay $0x3  }
0x37: {  	[smem:$0x3FB4] =	sst s10  }
0x38: {  	s10 =	sld [smem:$0x3FB5]  }
0x39: {  	_ = 	snop;
	(pc) =	sbr.ind lr, $3  }
0x3a: {  	_ = 	snop  }
0x3b: {  	_ = 	snop  }
0x3c: {  	p2 =	seq.s32 s10, $0x1;
	s10 =	sld [smem:$0x3FB4]  }
0x3d: {  	_ =	shalt  }
0x3e: {  	_ =	shalt  }
0x3f: {  	_ =	shalt  }
0x40: {  	_ =	shalt  }
0x41: {  	_ =	shalt  }
0x42: {  	_ =	shalt  }
0x43: {  	_ =	shalt  }
0x44: {  	_ =	shalt  }
0x45: {  	_ =	shalt  }
0x46: {  	_ =	shalt  }
0x47: {  	_ =	shalt  }
0x48: {  	_ =	shalt  }
0x49: {  	_ =	shalt  }
0x4a: {  	_ =	shalt  }
0x4b: {  	_ =	shalt  }
0x4c: {  	_ =	shalt  }
0x4d: {  	_ =	shalt  }
0x4e: {  	_ =	shalt  }
0x4f: {  	_ =	shalt  }
0x50: {  	_ =	shalt  }
0x51: {  	_ =	shalt  }
0x52: {  	_ =	shalt  }
0x53: {  	_ =	shalt  }
0x54: {  	_ =	shalt  }
0x55: {  	_ =	shalt  }
0x56: {  	_ =	shalt  }
0x57: {  	_ =	shalt  }
0x58: {  	_ =	shalt  }
0x59: {  	_ =	shalt  }
0x5a: {  	_ =	shalt  }
0x5b: {  	_ =	shalt  }
0x5c: {  	_ =	shalt  }
0x5d: {  	_ =	shalt  }
0x5e: {  	_ =	shalt  }
0x5f: {  	_ =	shalt  }
0x60: {  	_ =	shalt  }
0x61: {  	_ =	shalt  }
0x62: {  	_ =	shalt  }
0x63: {  	_ =	shalt  }
0x64: {  	_ =	shalt  }
0x65: {  	_ =	shalt  }
0x66: {  	_ =	shalt  }
0x67: {  	_ =	shalt  }
0x68: {  	_ =	shalt  }
0x69: {  	_ =	shalt  }
0x6a: {  	_ =	shalt  }
0x6b: {  	_ =	shalt  }
0x6c: {  	_ =	shalt  }
0x6d: {  	_ =	shalt  }
0x6e: {  	_ =	shalt  }
0x6f: {  	_ =	shalt  }
0x70: {  	_ =	shalt  }
0x71: {  	_ =	shalt  }
0x72: {  	_ =	shalt  }
0x73: {  	_ =	shalt  }
0x74: {  	_ =	shalt  }
0x75: {  	_ =	shalt  }
0x76: {  	_ =	shalt  }
0x77: {  	_ =	shalt  }
0x78: {  	_ =	shalt  }
0x79: {  	_ =	shalt  }
0x7a: {  	_ =	shalt  }
0x7b: {  	_ =	shalt  }
0x7c: {  	_ =	shalt  }
0x7d: {  	_ =	shalt  }
0x7e: {  	_ =	shalt  }
0x7f: {  	_ =	shalt  }
0x80: {  	_ =	shalt  }
0x81: {  	_ =	shalt  }
0x82: {  	_ =	shalt  }
0x83: {  	_ =	shalt  }
0x84: {  	_ =	shalt  }
0x85: {  	_ =	shalt  }
0x86: {  	_ =	shalt  }
0x87: {  	_ =	shalt  }
.Lfunc_end0:
.L_simem_size_0:
called_computation_lowered:
.L_overlay_start_0:
0x88: {  	s2 =	sld [smem:$0x3FD9]  }
0x89: {  	s3 =	sld [smem:$0x3FFE];
	_ =	sdelay $0x1  }
0x8a: {  	s1 =	srdreg.scid  }
0x8b: {  	s0 =	sand.u32 $0x1, s1  }
0x8c: {  	s17 =	sshll.u32 s0, $0xA;
	s2 =	sadd.s32 s3, s2  }
0x8d: {  	s2 =	sadd.s32 s2, s17  }
0x8e: {  	[smem:$0x3FC0] =	sst s2  }
0x8f: {  	_ = 	snop  }
0x90: {  	s18 =	sld [smem:$0x3FC9];
	(tm) =	ssettm $0x1  }
0x91: {  	s19 =	sld [smem:$0x3FFB];
	_ =	sdelay $0x3  }
0x92: {  	_ =	strace s19  }
0x93: {  	s2 =	sld [smem:$0x3FFC];
	_ =	sdelay $0x3  }
0x94: {  	_ =	strace s2  }
0x95: {  	s2 =	sld [smem:$0x3FFD];
	_ =	sdelay $0x3  }
0x96: {  	_ =	strace s2  }
0x97: {  	_ =	strace $0x8FFFFFFF  }
0x98: {  	s20 =	sld [smem:$0x3FDB];
	_ =	sdelay $0x1  }
0x99: {  	s4 =	simm.s32 $_scs_section_size  }
0x9a: {  	s5 =	simm.s32 $_size__tile_overlayer_lowered;
	s6 =	simm.s32 $_tile_overlayer_lowered  }
0x9b: {  	s7 =	simm.s32 $0x1BFF;
	s21 =	sshll.u32 s6, $0x1;
	s4 =	sadd.s32 s4, s20  }
0x9c: {  	s22 =	simm.s32 $0x0;
	s5 =	sshll.u32 s5, $0x1;
	s6 =	sadd.s32 s21, s4  }
0x9d: {  	[timem:s22], [sflag:s7] =	dma.local [hbm:s6], s5  }
0x9e: {  	_ =	swait.ge [sflag:s7], s5  }
0x9f: {  	s5 =	ssub.s32 $0x0, s5;
	[sflag:s7] =	ssyncset.done $0x0  }
0xa0: {  	[sflag:s7] =	ssyncadd.s32 s5;
	_ =	sdelay $0x1  }
0xa1: {  	s23 =	simm.s32 $0x1B8B  }
0xa2: {  	_ =	swait.ge [sflag:s23], $0x1  }
0xa3: {  	[sflag:s23] =	ssyncset.done $0x0  }
0xa4: {  	[sflag:s23] =	ssyncadd.s32 $0xFFFFFFFF  }
0xa5: {  	s5 =	sld [smem:$0x0]  }
0xa6: {  	s6 =	sand.u32 $0xFFFFFFFE, s1  }
0xa7: {  	p0 =	sne.s32 s1, s6  }
0xa8: {  	s6 =	sshll.u32 @p0 s6, $0xE  }
0xa9: {  	s6 =	sadd.s32 @p0 $0x11B8D, s6;
	s7 =	sshll.u32 @p0 s5, $0x11  }
0xaa: {  	s6 =	sor.u32 @p0 s7, s6  }
0xab: {  	[sflag:s6] =	ssyncadd.remote.s32 @p0 $0x1;
	_ =	sdelay $0x1  }
0xac: {  	s6 =	simm.s32 @p0 $0x1B8D  }
0xad: {  	_ =	swait.eq @p0 [sflag:s6], $0x1  }
0xae: {  	[sflag:s6] =	ssyncadd.s32 @p0 $0xFFFFFFFF  }
0xaf: {  	s7 =	sshll.u32 @!p0 s1, $0xE  }
0xb0: {  	s7 =	sor.u32 @!p0 $0x4000, s7;
	s6 =	simm.s32 @!p0 $0x1B8D  }
0xb1: {  	s5 =	sshll.u32 @!p0 s5, $0x11;
	s7 =	sadd.s32 @!p0 $0x11B8D, s7;
	_ =	swait.eq @!p0 [sflag:s6], $0x1  }
0xb2: {  	s5 =	sor.u32 @!p0 s5, s7;
	[sflag:s6] =	ssyncadd.s32 @!p0 $0xFFFFFFFF  }
0xb3: {  	s25 =	simm.s32 $0x1B8E;
	s24 =	sld [smem:$0x3FFE];
	[sflag:s5] =	ssyncadd.remote.s32 @!p0 $0x1  }
0xb4: {  	s26 =	simm.s32 $execute0_lowered;
	[smem:$0x3FD2] =	sst s25  }
0xb5: {  	s6 =	sshll.u32 s26, $0x1;
	_ =	strace $0x80000049;
	[dreg:$0x1] =	wrdreg $0xFFFFFFFF  }
0xb6: {  	s28 =	simm.s32 $_size_execute0_lowered;
	s4 =	sadd.s32 s4, s6;
	[dreg:$0x0] =	wrdreg $0x0  }
0xb7: {  	s6 =	sshll.u32 s28, $0x1;
	[dreg:$0x2] =	wrdreg s4  }
0xb8: {  	[dreg:$0x3] =	wrdreg s6  }
0xb9: {  	[dreg:$0x4] =	wrdreg $0xC0  }
0xba: {  	_ =	task [dreg:s22], $0x5FFFF  }
0xbb: {  	[dreg:$0x1] =	wrdreg $0xFFFFFFFF  }
0xbc: {  	[dreg:$0x0] =	wrdreg $0x60  }
0xbd: {  	[dreg:$0x2] =	wrdreg s18  }
0xbe: {  	[dreg:$0x3] =	wrdreg s24  }
0xbf: {  	[dreg:$0x4] =	wrdreg $0x9  }
0xc0: {  	_ =	task.clear_ibuf [dreg:s22], $0x5FFFF;
	_ =	strace $0x90000049  }
0xc1: {  	s29 =	simm.s32 $0x9;
	_ =	strace $0x8000004B  }
0xc2: {  	_ =	swait.ge [sflag:s29], $0x1  }
0xc3: {  	[sflag:s29] =	ssyncadd.s32 $0xFFFFFFFF  }
0xc4: {  	_ =	strace $0x9000004B  }
0xc5: {  	_ =	sfence  }
0xc6: {  	s30 =	sld [smem:$0x0];
	_ =	sdelay $0x2  }
0xc7: {  	s31 =	sshll.u32 s1, $0xD;
	s1 =	sshrl.u32 s1, $0x2  }
0xc8: {  	s4 =	sand.u32 $0x4000, s31;
	s1 =	sadd.s32 s1, s30  }
0xc9: {  	s0 =	sor.u32 s4, s0;
	s1 =	sshll.u32 s1, $0x11  }
0xca: {  	s0 =	sor.u32 s1, s0  }
0xcb: {  	s0 =	sadd.s32 $0x8F2B, s0  }
0xcc: {  	[sflag:s0] =	ssyncadd.remote.s32 $0x1  }
0xcd: {  	_ =	sfence.sel $0xFFFF  }
0xce: {  	[dreg:$0x0] =	wrdreg $0xFFFFFFFF;
	(pc) =	sbr.abs _section_cstart, $3  }
0xcf: {  	[dreg:$0x1] =	wrdreg $0xFFFFFFFF  }
0xd0: {  	_ =	task.clear_ibuf [dreg:s22], $0x2FFFF;
	_ =	strace $0x9FFFFFFF  }
0xd1: {  	(tm) =	ssettm $0x7FFFFFFF  }
tec
execute0_lowered:
.L_overlay_start_1:
0x0: {  	(tag) =	ssettag $0x1  }
0x1: {  	s4 =	rddreg [dreg:$0x0]  }
0x2: {  	s5 =	rddreg [dreg:$0x1];
	s2 =	simm.s32 $0x0  }
0x3: {  	s3 =	srdreg.scid;
	s0 =	stileid.u32;
	s10 =	simm.s32 $0x0  }
0x4: {  	v0 =	vimm.s32 $0x0;
	[smem:$0x7FF] =	sst s2;
	s6 =	sand.u32 $0x1, s3;
	s7 =	sshll.u32 s0, $0xA  }
0x5: {  	vm0 =	vmmov $0x1;
	vm2 =	vcmask $0x70C;
	vm3 =	vcmask $0xB10;
	s3 =	sadd.s32 $0x421600, s5;
	s8 =	sshll.u32 s6, $0x9;
	s6 =	ssub.s32 $0x2, s6  }
0x6: {  	vm4 =	vcmask $0xF14;
	vm5 =	vcmask $0x1318;
	vm6 =	vcmask $0x171C;
	_ =	strace $0x8000004A;
	s7 =	sor.u32 s8, s7;
	s9 =	sshrl.u32 s6, $0x1  }
0x7: {  	vm7 =	vcmask $0x1B20;
	vm8 =	vcmask $0x1F24;
	vm9 =	vcmask $0x2328;
	s8 =	sshll.u32 s7, $0x4;
	s7 =	sshrl.u32 s7, $0x3;
	s6 =	ssub.s32 s6, s9  }
0x8: {  	vm10 =	vcmask $0x272C;
	vm11 =	vcmask $0x2B30;
	vm12 =	vcmask $0x2F34;
	s5 =	sadd.s32 s8, s5;
	s4 =	sadd.s32 s4, s7;
	s6 =	smax.u32 s6, $0x1  }
0x9: {  	vm13 =	vcmask $0x3338;
	vm14 =	vcmask $0x373C;
	vm15 =	vmmov $0x7fff;
	s7 =	simm.s32 $0x2;
	s8 =	simm.s32 $0x1;
	s5 =	sadd.s32 $0x801600, s5  }
.LBB2_1:
0xa: {  	[tilespmem:s2], [sflag:$0x2] =	stream.linear.gather [hbm4b:s4+s2], $0x200, $0x38;
	[tilespmem:$0x10200] =	vst v63  }
0xb: {  	_ =	swait.ge [sflag:s7], $0x200  }
0xc: {  	[sflag:s7] =	ssyncset.done $0x0  }
0xd: {  	[sflag:s7] =	ssyncadd.s32 $0xFFFFFE00  }
0xe: {  	v1 =	vld [tilespmem:$0x0];
	_ =	sdelay $0x4  }
0xf: {  	v3 =	vimm.s32 $0x0;
	vm1 =	vgt.s32 v1, $0x3DFFF  }
0x10: {  	v3 =	vsel vm1, $0xFFFFFFFF, v3  }
0x11: {  	vm1 =	vgt.s32 v1, $0x7BFFF;
	[tilespmem:$0x1FBC0] =	vst v3;
	v3 =	vimm.s32 $0x0  }
0x12: {  	v3 =	vsel vm1, $0xFFFFFFFF, v3  }
0x13: {  	[tilespmem:$0x1FBD0] =	vst v3;
	v3 =	vld [tilespmem:$0x1FBC0]  }
0x14: {  	v4 =	vld [tilespmem:$0x1FBD0];
	_ =	sdelay $0x1  }
0x15: {  	v2 =	vld [tilespmem:$0x10];
	_ =	sdelay $0x1  }
0x16: {  	vm1 =	vnez.u8 v3  }
0x17: {  	v3 =	vsel vm1, $0x1, v0;
	vm1 =	vnez.u8 v4  }
0x18: {  	v10 =	vimm.s32 $0x0;
	v4 =	vsel vm1, $0x1, v0;
	vm1 =	vgt.s32 v1, $0xB9FFF  }
0x19: {  	v11 =	vimm.s32 $0x0;
	v9 =	vsel vm1, $0x1, v0;
	vm1 =	vgt.s32 v2, $0x3DFFF  }
0x1a: {  	v3 =	vadd.s32 v4, v3;
	v4 =	vsel vm1, $0xFFFFFFFF, v10;
	vm1 =	vgt.s32 v2, $0x7BFFF  }
0x1b: {  	[tilespmem:$0x1FBE0] =	vst v4;
	v4 =	vsel vm1, $0xFFFFFFFF, v11  }
0x1c: {  	[tilespmem:$0x1FBF0] =	vst v4;
	v12 =	vld [tilespmem:$0x1FBE0]  }
0x1d: {  	v6 =	vld [tilespmem:$0x1FBF0];
	_ =	sdelay $0x1  }
0x1e: {  	v5 =	vld [tilespmem:$0x20]  }
0x1f: {  	v3 =	vadd.s32 v9, v3  }
0x20: {  	v3 =	vmul.u32 $0xFFFC2000, v3;
	vm1 =	vnez.u8 v12  }
0x21: {  	v4 =	vsel vm1, $0x1, v0;
	vm1 =	vnez.u8 v6  }
0x22: {  	v59 =	vadd.s32 v1, v3;
	v6 =	vsel vm1, $0x1, v0;
	vm1 =	vgt.s32 v2, $0xB9FFF  }
0x23: {  	v1 =	vimm.s32 $0x0;
	v13 =	vsel vm1, $0x1, v0;
	vm1 =	vgt.s32 v5, $0x3DFFF  }
0x24: {  	v1 =	vsel vm1, $0xFFFFFFFF, v1  }
0x25: {  	vm1 =	vgt.s32 v5, $0x7BFFF;
	[tilespmem:$0x1FC00] =	vst v1;
	v1 =	vimm.s32 $0x0  }
0x26: {  	v1 =	vsel vm1, $0xFFFFFFFF, v1  }
0x27: {  	[tilespmem:$0x1FC10] =	vst v1;
	v1 =	vld [tilespmem:$0x1FC00];
	_ =	sdelay $0x4  }
0x28: {  	vm1 =	vnez.u8 v1;
	v1 =	vld [tilespmem:$0x1FC10];
	_ =	sdelay $0x1  }
0x29: {  	v7 =	vld [tilespmem:$0x30];
	_ =	sdelay $0x2  }
0x2a: {  	v14 =	vsel vm1, $0x1, v0;
	vm1 =	vnez.u8 v1  }
0x2b: {  	v15 =	vsel vm1, $0x1, v0;
	vm1 =	vgt.s32 v5, $0xB9FFF  }
0x2c: {  	v1 =	vimm.s32 $0x0;
	v8 =	vsel vm1, $0x1, v0;
	vm1 =	vgt.s32 v7, $0x3DFFF  }
0x2d: {  	v1 =	vsel vm1, $0xFFFFFFFF, v1  }
0x2e: {  	vm1 =	vgt.s32 v7, $0x7BFFF;
	[tilespmem:$0x1FC20] =	vst v1;
	v1 =	vimm.s32 $0x0  }
0x2f: {  	v1 =	vsel vm1, $0xFFFFFFFF, v1  }
0x30: {  	[tilespmem:$0x1FC30] =	vst v1;
	v1 =	vld [tilespmem:$0x1FC20];
	_ =	sdelay $0x4  }
0x31: {  	vm1 =	vnez.u8 v1;
	v1 =	vld [tilespmem:$0x1FC30];
	_ =	sdelay $0x1  }
0x32: {  	v16 =	vld [tilespmem:$0x40];
	_ =	sdelay $0x2  }
0x33: {  	v9 =	vsel vm1, $0x1, v0;
	vm1 =	vnez.u8 v1  }
0x34: {  	v10 =	vsel vm1, $0x1, v0;
	vm1 =	vgt.s32 v7, $0xB9FFF  }
0x35: {  	v1 =	vimm.s32 $0x0;
	v18 =	vsel vm1, $0x1, v0;
	vm1 =	vgt.s32 v16, $0x3DFFF  }
0x36: {  	v1 =	vsel vm1, $0xFFFFFFFF, v1  }
0x37: {  	vm1 =	vgt.s32 v16, $0x7BFFF;
	[tilespmem:$0x1FC40] =	vst v1;
	v1 =	vimm.s32 $0x0  }
0x38: {  	v1 =	vsel vm1, $0xFFFFFFFF, v1  }
0x39: {  	[tilespmem:$0x1FC50] =	vst v1;
	v1 =	vld [tilespmem:$0x1FC40];
	_ =	sdelay $0x4  }
0x3a: {  	vm1 =	vnez.u8 v1;
	v1 =	vld [tilespmem:$0x1FC50];
	_ =	sdelay $0x1  }
0x3b: {  	v19 =	vld [tilespmem:$0x50];
	_ =	sdelay $0x2  }
0x3c: {  	v21 =	vsel vm1, $0x1, v0;
	vm1 =	vnez.u8 v1  }
0x3d: {  	v22 =	vsel vm1, $0x1, v0;
	vm1 =	vgt.s32 v16, $0xB9FFF  }
0x3e: {  	v1 =	vimm.s32 $0x0;
	v23 =	vsel vm1, $0x1, v0;
	vm1 =	vgt.s32 v19, $0x3DFFF  }
0x3f: {  	v1 =	vsel vm1, $0xFFFFFFFF, v1  }
0x40: {  	vm1 =	vgt.s32 v19, $0x7BFFF;
	[tilespmem:$0x1FC60] =	vst v1;
	v1 =	vimm.s32 $0x0  }
0x41: {  	v1 =	vsel vm1, $0xFFFFFFFF, v1  }
0x42: {  	[tilespmem:$0x1FC70] =	vst v1;
	v1 =	vld [tilespmem:$0x1FC60];
	_ =	sdelay $0x4  }
0x43: {  	vm1 =	vnez.u8 v1;
	v1 =	vld [tilespmem:$0x1FC70];
	_ =	sdelay $0x1  }
0x44: {  	v11 =	vld [tilespmem:$0x60];
	_ =	sdelay $0x2  }
0x45: {  	v24 =	vsel vm1, $0x1, v0;
	vm1 =	vnez.u8 v1  }
0x46: {  	v25 =	vsel vm1, $0x1, v0;
	vm1 =	vgt.s32 v19, $0xB9FFF  }
0x47: {  	v1 =	vimm.s32 $0x0;
	v27 =	vsel vm1, $0x1, v0;
	vm1 =	vgt.s32 v11, $0x3DFFF  }
0x48: {  	v1 =	vsel vm1, $0xFFFFFFFF, v1  }
0x49: {  	vm1 =	vgt.s32 v11, $0x7BFFF;
	[tilespmem:$0x1FC80] =	vst v1;
	v1 =	vimm.s32 $0x0  }
0x4a: {  	v1 =	vsel vm1, $0xFFFFFFFF, v1  }
0x4b: {  	[tilespmem:$0x1FC90] =	vst v1;
	v1 =	vld [tilespmem:$0x1FC80];
	_ =	sdelay $0x4  }
0x4c: {  	v3 =	vadd.s32 v6, v4;
	vm1 =	vnez.u8 v1;
	v1 =	vld [tilespmem:$0x1FC90]  }
0x4d: {  	v3 =	vadd.s32 v13, v3  }
0x4e: {  	v26 =	vld [tilespmem:$0x70];
	v3 =	vmul.u32 $0xFFFC2000, v3;
	v4 =	vadd.s32 v15, v14  }
0x4f: {  	v4 =	vadd.s32 v8, v4  }
0x50: {  	v2 =	vadd.s32 v2, v3;
	v3 =	vmul.u32 $0xFFFC2000, v4  }
0x51: {  	v12 =	vsel vm1, $0x1, v0;
	vm1 =	vnez.u8 v1  }
0x52: {  	v4 =	vadd.s32 v5, v3;
	v13 =	vsel vm1, $0x1, v0;
	vm1 =	vgt.s32 v11, $0xB9FFF  }
0x53: {  	v3 =	vimm.s32 $0x0;
	v29 =	vsel vm1, $0x1, v0;
	vm1 =	vgt.s32 v26, $0x3DFFF  }
0x54: {  	v3 =	vsel vm1, $0xFFFFFFFF, v3  }
0x55: {  	vm1 =	vgt.s32 v26, $0x7BFFF;
	[tilespmem:$0x1FCA0] =	vst v3;
	v3 =	vimm.s32 $0x0  }
0x56: {  	v3 =	vsel vm1, $0xFFFFFFFF, v3  }
0x57: {  	v33 =	vld [tilespmem:$0x1FCA0];
	[tilespmem:$0x1FCB0] =	vst v3  }
0x58: {  	v35 =	vld [tilespmem:$0x1FCB0];
	_ =	sdelay $0x1  }
0x59: {  	v30 =	vld [tilespmem:$0x80];
	_ =	sdelay $0x1  }
0x5a: {  	v39 =	vimm.s32 $0x0;
	v5 =	vadd.s32 v22, v21;
	vm1 =	vnez.u8 v33  }
0x5b: {  	v5 =	vadd.s32 v23, v5;
	v34 =	vsel vm1, $0x1, v0;
	vm1 =	vnez.u8 v35  }
0x5c: {  	v5 =	vmul.u32 $0xFFFC2000, v5;
	v36 =	vsel vm1, $0x1, v0;
	vm1 =	vgt.s32 v26, $0xB9FFF  }
0x5d: {  	v40 =	vimm.s32 $0x0;
	v38 =	vsel vm1, $0x1, v0;
	vm1 =	vgt.s32 v30, $0x3DFFF  }
0x5e: {  	v1 =	vadd.s32 v16, v5;
	v5 =	vsel vm1, $0xFFFFFFFF, v39;
	vm1 =	vgt.s32 v30, $0x7BFFF  }
0x5f: {  	[tilespmem:$0x1FCC0] =	vst v5;
	v5 =	vsel vm1, $0xFFFFFFFF, v40  }
0x60: {  	[tilespmem:$0x1FCD0] =	vst v5;
	v41 =	vld [tilespmem:$0x1FCC0]  }
0x61: {  	v43 =	vld [tilespmem:$0x1FCD0];
	_ =	sdelay $0x1  }
0x62: {  	v37 =	vld [tilespmem:$0x90];
	_ =	sdelay $0x1  }
0x63: {  	vm1 =	vnez.u8 v41  }
0x64: {  	v42 =	vsel vm1, $0x1, v0;
	vm1 =	vnez.u8 v43  }
0x65: {  	v44 =	vsel vm1, $0x1, v0;
	vm1 =	vgt.s32 v30, $0xB9FFF  }
0x66: {  	v46 =	vimm.s32 $0x0;
	v14 =	vsel vm1, $0x1, v0;
	vm1 =	vgt.s32 v37, $0x3DFFF  }
0x67: {  	v47 =	vimm.s32 $0x0;
	v5 =	vsel vm1, $0xFFFFFFFF, v46;
	vm1 =	vgt.s32 v37, $0x7BFFF  }
0x68: {  	[tilespmem:$0x1FCE0] =	vst v5;
	v5 =	vsel vm1, $0xFFFFFFFF, v47  }
0x69: {  	[tilespmem:$0x1FCF0] =	vst v5;
	v48 =	vld [tilespmem:$0x1FCE0]  }
0x6a: {  	v49 =	vld [tilespmem:$0x1FCF0];
	_ =	sdelay $0x1  }
0x6b: {  	v45 =	vld [tilespmem:$0xA0];
	_ =	sdelay $0x1  }
0x6c: {  	vm1 =	vnez.u8 v48  }
0x6d: {  	v15 =	vsel vm1, $0x1, v0;
	vm1 =	vnez.u8 v49  }
0x6e: {  	v16 =	vsel vm1, $0x1, v0;
	vm1 =	vgt.s32 v37, $0xB9FFF  }
0x6f: {  	v56 =	vimm.s32 $0x0;
	v51 =	vsel vm1, $0x1, v0;
	vm1 =	vgt.s32 v45, $0x3DFFF  }
0x70: {  	v57 =	vimm.s32 $0x0;
	v5 =	vsel vm1, $0xFFFFFFFF, v56;
	vm1 =	vgt.s32 v45, $0x7BFFF  }
0x71: {  	v17 =	vadd.s32 v10, v9;
	[tilespmem:$0x1FD00] =	vst v5;
	v5 =	vsel vm1, $0xFFFFFFFF, v57  }
0x72: {  	v20 =	vadd.s32 v18, v17;
	[tilespmem:$0x1FD10] =	vst v5;
	v60 =	vld [tilespmem:$0x1FD00]  }
0x73: {  	v8 =	vmul.u32 $0xFFFC2000, v20;
	v62 =	vld [tilespmem:$0x1FD10];
	_ =	sdelay $0x1  }
0x74: {  	v52 =	vld [tilespmem:$0xB0];
	v63 =	vadd.s32 v7, v8;
	v7 =	vadd.s32 v25, v24  }
0x75: {  	v7 =	vadd.s32 v27, v7  }
0x76: {  	v31 =	vmul.u32 $0xFFFC2000, v7;
	vm1 =	vnez.u8 v60  }
0x77: {  	v61 =	vsel vm1, $0x1, v0;
	vm1 =	vnez.u8 v62  }
0x78: {  	v3 =	vadd.s32 v19, v31;
	v8 =	vsel vm1, $0x1, v0;
	vm1 =	vgt.s32 v45, $0xB9FFF  }
0x79: {  	v19 =	vimm.s32 $0x0;
	v18 =	vsel vm1, $0x1, v0;
	vm1 =	vgt.s32 v52, $0x3DFFF  }
0x7a: {  	v20 =	vimm.s32 $0x0;
	v5 =	vsel vm1, $0xFFFFFFFF, v19;
	vm1 =	vgt.s32 v52, $0x7BFFF  }
0x7b: {  	v9 =	vadd.s32 v36, v34;
	[tilespmem:$0x1FD20] =	vst v5;
	v5 =	vsel vm1, $0xFFFFFFFF, v20  }
0x7c: {  	v9 =	vadd.s32 v38, v9;
	[tilespmem:$0x1FD30] =	vst v5;
	v21 =	vld [tilespmem:$0x1FD20]  }
0x7d: {  	v9 =	vmul.u32 $0xFFFC2000, v9;
	v23 =	vld [tilespmem:$0x1FD30]  }
0x7e: {  	v10 =	vadd.s32 v44, v42;
	v50 =	vadd.s32 v16, v15  }
0x7f: {  	v53 =	vadd.s32 v26, v9;
	v9 =	vld [tilespmem:$0xC0];
	v10 =	vadd.s32 v14, v10;
	v55 =	vadd.s32 v51, v50  }
0x80: {  	v54 =	vmul.u32 $0xFFFC2000, v10;
	v10 =	vmul.u32 $0xFFFC2000, v55  }
0x81: {  	v28 =	vadd.s32 v13, v12;
	v26 =	vimm.s32 $0x0;
	vm1 =	vnez.u8 v21  }
0x82: {  	v12 =	vadd.s32 v37, v10;
	v22 =	vsel vm1, $0x1, v0;
	vm1 =	vnez.u8 v23  }
0x83: {  	v17 =	vadd.s32 v8, v61;
	v24 =	vsel vm1, $0x1, v0;
	vm1 =	vgt.s32 v52, $0xB9FFF  }
0x84: {  	[tilespmem:$0x1FFC0] =	vst v12;
	v12 =	vadd.s32 v18, v17;
	v17 =	vsel vm1, $0x1, v0;
	vm1 =	vgt.s32 v9, $0x3DFFF  }
0x85: {  	v27 =	vimm.s32 $0x0;
	v5 =	vsel vm1, $0xFFFFFFFF, v26;
	vm1 =	vgt.s32 v9, $0x7BFFF  }
0x86: {  	[tilespmem:$0x1FD40] =	vst v5;
	v5 =	vsel vm1, $0xFFFFFFFF, v27  }
0x87: {  	v32 =	vadd.s32 v29, v28;
	[tilespmem:$0x1FD50] =	vst v5;
	v28 =	vld [tilespmem:$0x1FD40]  }
0x88: {  	v29 =	vld [tilespmem:$0x1FD50];
	_ =	sdelay $0x1  }
0x89: {  	v25 =	vld [tilespmem:$0xD0];
	_ =	sdelay $0x1  }
0x8a: {  	vm1 =	vnez.u8 v28  }
0x8b: {  	v18 =	vsel vm1, $0x1, v0;
	vm1 =	vnez.u8 v29  }
0x8c: {  	v19 =	vsel vm1, $0x1, v0;
	vm1 =	vgt.s32 v9, $0xB9FFF  }
0x8d: {  	v35 =	vimm.s32 $0x0;
	v31 =	vsel vm1, $0x1, v0;
	vm1 =	vgt.s32 v25, $0x3DFFF  }
0x8e: {  	v36 =	vimm.s32 $0x0;
	v5 =	vsel vm1, $0xFFFFFFFF, v35;
	vm1 =	vgt.s32 v25, $0x7BFFF  }
0x8f: {  	[tilespmem:$0x1FD60] =	vst v5;
	v5 =	vsel vm1, $0xFFFFFFFF, v36  }
0x90: {  	[tilespmem:$0x1FD70] =	vst v5;
	v38 =	vld [tilespmem:$0x1FD60]  }
0x91: {  	v40 =	vld [tilespmem:$0x1FD70];
	_ =	sdelay $0x1  }
0x92: {  	v20 =	vld [tilespmem:$0xE0];
	_ =	sdelay $0x1  }
0x93: {  	v12 =	vmul.u32 $0xFFFC2000, v12;
	vm1 =	vnez.u8 v38  }
0x94: {  	v7 =	vmul.u32 $0xFFFC2000, v32;
	v39 =	vsel vm1, $0x1, v0;
	vm1 =	vnez.u8 v40  }
0x95: {  	v32 =	vadd.s32 v45, v12;
	v41 =	vsel vm1, $0x1, v0;
	vm1 =	vgt.s32 v25, $0xB9FFF  }
0x96: {  	v45 =	vimm.s32 $0x0;
	v44 =	vsel vm1, $0x1, v0;
	vm1 =	vgt.s32 v20, $0x3DFFF  }
0x97: {  	v46 =	vimm.s32 $0x0;
	v5 =	vsel vm1, $0xFFFFFFFF, v45;
	vm1 =	vgt.s32 v20, $0x7BFFF  }
0x98: {  	[tilespmem:$0x1FD80] =	vst v5;
	v5 =	vsel vm1, $0xFFFFFFFF, v46  }
0x99: {  	[tilespmem:$0x1FD90] =	vst v5;
	v47 =	vld [tilespmem:$0x1FD80]  }
0x9a: {  	v49 =	vld [tilespmem:$0x1FD90];
	_ =	sdelay $0x1  }
0x9b: {  	v42 =	vld [tilespmem:$0xF0];
	v13 =	vadd.s32 v24, v22  }
0x9c: {  	v13 =	vadd.s32 v17, v13  }
0x9d: {  	v33 =	vmul.u32 $0xFFFC2000, v13;
	vm1 =	vnez.u8 v47  }
0x9e: {  	v48 =	vsel vm1, $0x1, v0;
	vm1 =	vnez.u8 v49  }
0x9f: {  	v37 =	vadd.s32 v52, v33;
	v50 =	vsel vm1, $0x1, v0;
	vm1 =	vgt.s32 v20, $0xB9FFF  }
0xa0: {  	v52 =	vimm.s32 $0x0;
	v51 =	vsel vm1, $0x1, v0;
	vm1 =	vgt.s32 v42, $0x3DFFF  }
0xa1: {  	[tilespmem:$0x1FF80] =	vst v53;
	v53 =	vimm.s32 $0x0;
	v5 =	vsel vm1, $0xFFFFFFFF, v52;
	vm1 =	vgt.s32 v42, $0x7BFFF  }
0xa2: {  	[tilespmem:$0x1FDA0] =	vst v5;
	v5 =	vsel vm1, $0xFFFFFFFF, v53  }
0xa3: {  	v58 =	vadd.s32 v30, v54;
	[tilespmem:$0x1FDB0] =	vst v5;
	v54 =	vld [tilespmem:$0x1FDA0]  }
0xa4: {  	v55 =	vld [tilespmem:$0x1FDB0];
	_ =	sdelay $0x1  }
0xa5: {  	v30 =	vadd.s32 v19, v18;
	v19 =	vld [tilespmem:$0x100];
	_ =	sdelay $0x1  }
0xa6: {  	vm1 =	vnez.u8 v54  }
0xa7: {  	v21 =	vsel vm1, $0x1, v0;
	vm1 =	vnez.u8 v55  }
0xa8: {  	v22 =	vsel vm1, $0x1, v0;
	vm1 =	vgt.s32 v42, $0xB9FFF  }
0xa9: {  	v61 =	vimm.s32 $0x0;
	v57 =	vsel vm1, $0x1, v0;
	vm1 =	vgt.s32 v19, $0x3DFFF  }
0xaa: {  	v62 =	vimm.s32 $0x0;
	v5 =	vsel vm1, $0xFFFFFFFF, v61;
	vm1 =	vgt.s32 v19, $0x7BFFF  }
0xab: {  	[tilespmem:$0x1FDC0] =	vst v5;
	v5 =	vsel vm1, $0xFFFFFFFF, v62  }
0xac: {  	[tilespmem:$0x1FDD0] =	vst v5;
	v8 =	vld [tilespmem:$0x1FDC0]  }
0xad: {  	v10 =	vld [tilespmem:$0x1FDD0];
	_ =	sdelay $0x1  }
0xae: {  	v34 =	vadd.s32 v31, v30;
	v43 =	vadd.s32 v41, v39;
	v56 =	vadd.s32 v22, v21;
	v21 =	vld [tilespmem:$0x110]  }
0xaf: {  	v13 =	vmul.u32 $0xFFFC2000, v34;
	v15 =	vadd.s32 v44, v43  }
0xb0: {  	v7 =	vadd.s32 v11, v7;
	v15 =	vmul.u32 $0xFFFC2000, v15;
	vm1 =	vnez.u8 v8  }
0xb1: {  	v13 =	vadd.s32 v9, v13;
	v9 =	vsel vm1, $0x1, v0;
	vm1 =	vnez.u8 v10  }
0xb2: {  	v14 =	vadd.s32 v25, v15;
	v11 =	vsel vm1, $0x1, v0;
	vm1 =	vgt.s32 v19, $0xB9FFF  }
0xb3: {  	v25 =	vimm.s32 $0x0;
	v12 =	vsel vm1, $0x1, v0;
	vm1 =	vgt.s32 v21, $0x3DFFF  }
0xb4: {  	v26 =	vimm.s32 $0x0;
	v5 =	vsel vm1, $0xFFFFFFFF, v25;
	vm1 =	vgt.s32 v21, $0x7BFFF  }
0xb5: {  	[tilespmem:$0x1FDE0] =	vst v5;
	v5 =	vsel vm1, $0xFFFFFFFF, v26  }
0xb6: {  	[tilespmem:$0x1FDF0] =	vst v5;
	v27 =	vld [tilespmem:$0x1FDE0]  }
0xb7: {  	v28 =	vld [tilespmem:$0x1FDF0];
	_ =	sdelay $0x1  }
0xb8: {  	v15 =	vld [tilespmem:$0x120];
	_ =	sdelay $0x1  }
0xb9: {  	vm1 =	vnez.u8 v27  }
0xba: {  	v18 =	vld [tilespmem:$0x130];
	v23 =	vsel vm1, $0x1, v0;
	vm1 =	vnez.u8 v28  }
0xbb: {  	v24 =	vsel vm1, $0x1, v0;
	vm1 =	vgt.s32 v21, $0xB9FFF  }
0xbc: {  	v29 =	vsel vm1, $0x1, v0;
	vm1 =	vgt.s32 v15, $0x3DFFF  }
0xbd: {  	v27 =	vsel vm1, $0x1, v0;
	vm1 =	vgt.s32 v15, $0x7BFFF  }
0xbe: {  	v31 =	vimm.s32 $0x0;
	v28 =	vsel vm1, $0x1, v0;
	vm1 =	vgt.s32 v15, $0xB9FFF  }
0xbf: {  	[tilespmem:$0x1FFE0] =	vst v32;
	v32 =	vimm.s32 $0x0;
	v5 =	vsel vm1, $0xFFFFFFFF, v31;
	vm1 =	vgt.s32 v18, $0x3DFFF  }
0xc0: {  	[tilespmem:$0x1FE00] =	vst v5;
	v5 =	vsel vm1, $0xFFFFFFFF, v32  }
0xc1: {  	[tilespmem:$0x1FE10] =	vst v5;
	v33 =	vld [tilespmem:$0x1FE00]  }
0xc2: {  	v34 =	vld [tilespmem:$0x1FE10];
	_ =	sdelay $0x2  }
0xc3: {  	v22 =	vld [tilespmem:$0x140]  }
0xc4: {  	v23 =	vadd.s32 v24, v23;
	vm1 =	vnez.u8 v33  }
0xc5: {  	v30 =	vadd.s32 v29, v23;
	v29 =	vsel vm1, $0x1, v0;
	vm1 =	vnez.u8 v34  }
0xc6: {  	v26 =	vmul.u32 $0xFFFC2000, v30;
	v30 =	vsel vm1, $0x1, v0;
	vm1 =	vgt.s32 v18, $0x7BFFF  }
0xc7: {  	v35 =	vimm.s32 $0x0;
	v32 =	vsel vm1, $0x1, v0;
	vm1 =	vgt.s32 v18, $0xB9FFF  }
0xc8: {  	[tilespmem:$0x1FFF0] =	vst v37;
	v36 =	vimm.s32 $0x0;
	v5 =	vsel vm1, $0xFFFFFFFF, v35;
	vm1 =	vgt.s32 v22, $0x3DFFF  }
0xc9: {  	[tilespmem:$0x1FE20] =	vst v5;
	v5 =	vsel vm1, $0xFFFFFFFF, v36  }
0xca: {  	[tilespmem:$0x1FE30] =	vst v5;
	v37 =	vld [tilespmem:$0x1FE20]  }
0xcb: {  	v38 =	vld [tilespmem:$0x1FE30];
	_ =	sdelay $0x2  }
0xcc: {  	v23 =	vld [tilespmem:$0x150]  }
0xcd: {  	vm1 =	vnez.u8 v37  }
0xce: {  	v33 =	vsel vm1, $0x1, v0;
	vm1 =	vnez.u8 v38  }
0xcf: {  	v40 =	vimm.s32 $0x0;
	v34 =	vsel vm1, $0x1, v0;
	vm1 =	vgt.s32 v22, $0x7BFFF  }
0xd0: {  	v39 =	vimm.s32 $0x0;
	v35 =	vsel vm1, $0x1, v0;
	vm1 =	vgt.s32 v22, $0xB9FFF  }
0xd1: {  	v60 =	vadd.s32 v57, v56;
	v5 =	vsel vm1, $0xFFFFFFFF, v39;
	vm1 =	vgt.s32 v23, $0x3DFFF  }
0xd2: {  	v17 =	vmul.u32 $0xFFFC2000, v60;
	[tilespmem:$0x1FE40] =	vst v5;
	v5 =	vsel vm1, $0xFFFFFFFF, v40  }
0xd3: {  	[tilespmem:$0x1FE50] =	vst v5;
	v41 =	vld [tilespmem:$0x1FE40]  }
0xd4: {  	v17 =	vadd.s32 v42, v17;
	v42 =	vld [tilespmem:$0x1FE50];
	_ =	sdelay $0x2  }
0xd5: {  	v31 =	vld [tilespmem:$0x160]  }
0xd6: {  	vm1 =	vnez.u8 v41  }
0xd7: {  	v36 =	vsel vm1, $0x1, v0;
	vm1 =	vnez.u8 v42  }
0xd8: {  	v43 =	vimm.s32 $0x0;
	v37 =	vsel vm1, $0x1, v0;
	vm1 =	vgt.s32 v23, $0x7BFFF  }
0xd9: {  	v44 =	vimm.s32 $0x0;
	v38 =	vsel vm1, $0x1, v0;
	vm1 =	vgt.s32 v23, $0xB9FFF  }
0xda: {  	[tilespmem:$0x1FF90] =	vst v58;
	v16 =	vadd.s32 v50, v48;
	v5 =	vsel vm1, $0xFFFFFFFF, v43;
	vm1 =	vgt.s32 v31, $0x3DFFF  }
0xdb: {  	v16 =	vadd.s32 v51, v16;
	[tilespmem:$0x1FE60] =	vst v5;
	v5 =	vsel vm1, $0xFFFFFFFF, v44  }
0xdc: {  	v58 =	vmul.u32 $0xFFFC2000, v16;
	[tilespmem:$0x1FE70] =	vst v5;
	v45 =	vld [tilespmem:$0x1FE60]  }
0xdd: {  	v46 =	vld [tilespmem:$0x1FE70]  }
0xde: {  	v16 =	vadd.s32 v20, v58;
	v20 =	vadd.s32 v11, v9  }
0xdf: {  	v20 =	vadd.s32 v12, v20  }
0xe0: {  	v25 =	vmul.u32 $0xFFFC2000, v20;
	v20 =	vld [tilespmem:$0x170]  }
0xe1: {  	vm1 =	vnez.u8 v45  }
0xe2: {  	v39 =	vsel vm1, $0x1, v0;
	vm1 =	vnez.u8 v46  }
0xe3: {  	v40 =	vsel vm1, $0x1, v0;
	vm1 =	vgt.s32 v31, $0x7BFFF  }
0xe4: {  	v47 =	vimm.s32 $0x0;
	v42 =	vsel vm1, $0x1, v0;
	vm1 =	vgt.s32 v31, $0xB9FFF  }
0xe5: {  	v48 =	vimm.s32 $0x0;
	v5 =	vsel vm1, $0xFFFFFFFF, v47;
	vm1 =	vgt.s32 v20, $0x3DFFF  }
0xe6: {  	[tilespmem:$0x1FE80] =	vst v5;
	v5 =	vsel vm1, $0xFFFFFFFF, v48  }
0xe7: {  	[tilespmem:$0x1FE90] =	vst v5;
	v49 =	vld [tilespmem:$0x1FE80]  }
0xe8: {  	v50 =	vld [tilespmem:$0x1FE90];
	_ =	sdelay $0x2  }
0xe9: {  	v24 =	vld [tilespmem:$0x180]  }
0xea: {  	vm1 =	vnez.u8 v49  }
0xeb: {  	v43 =	vsel vm1, $0x1, v0;
	vm1 =	vnez.u8 v50  }
0xec: {  	v44 =	vsel vm1, $0x1, v0;
	vm1 =	vgt.s32 v20, $0x7BFFF  }
0xed: {  	v51 =	vimm.s32 $0x0;
	v46 =	vsel vm1, $0x1, v0;
	vm1 =	vgt.s32 v20, $0xB9FFF  }
0xee: {  	v52 =	vimm.s32 $0x0;
	v5 =	vsel vm1, $0xFFFFFFFF, v51;
	vm1 =	vgt.s32 v24, $0x3DFFF  }
0xef: {  	[tilespmem:$0x1FEA0] =	vst v5;
	v5 =	vsel vm1, $0xFFFFFFFF, v52  }
0xf0: {  	[tilespmem:$0x1FEB0] =	vst v5;
	v53 =	vld [tilespmem:$0x1FEA0]  }
0xf1: {  	v54 =	vld [tilespmem:$0x1FEB0];
	_ =	sdelay $0x2  }
0xf2: {  	v41 =	vld [tilespmem:$0x190]  }
0xf3: {  	vm1 =	vnez.u8 v53  }
0xf4: {  	v47 =	vsel vm1, $0x1, v0;
	vm1 =	vnez.u8 v54  }
0xf5: {  	v48 =	vsel vm1, $0x1, v0;
	vm1 =	vgt.s32 v24, $0x7BFFF  }
0xf6: {  	v55 =	vimm.s32 $0x0;
	v50 =	vsel vm1, $0x1, v0;
	vm1 =	vgt.s32 v24, $0xB9FFF  }
0xf7: {  	v56 =	vimm.s32 $0x0;
	v5 =	vsel vm1, $0xFFFFFFFF, v55;
	vm1 =	vgt.s32 v41, $0x3DFFF  }
0xf8: {  	[tilespmem:$0x1FEC0] =	vst v5;
	v5 =	vsel vm1, $0xFFFFFFFF, v56  }
0xf9: {  	[tilespmem:$0x1FED0] =	vst v5;
	v57 =	vld [tilespmem:$0x1FEC0]  }
0xfa: {  	v58 =	vld [tilespmem:$0x1FED0];
	_ =	sdelay $0x2  }
0xfb: {  	v45 =	vld [tilespmem:$0x1A0]  }
0xfc: {  	vm1 =	vnez.u8 v57  }
0xfd: {  	v51 =	vsel vm1, $0x1, v0;
	vm1 =	vnez.u8 v58  }
0xfe: {  	v52 =	vsel vm1, $0x1, v0;
	vm1 =	vgt.s32 v41, $0x7BFFF  }
0xff: {  	v60 =	vimm.s32 $0x0;
	v54 =	vsel vm1, $0x1, v0;
	vm1 =	vgt.s32 v41, $0xB9FFF  }
0x100: {  	v61 =	vimm.s32 $0x0;
	v5 =	vsel vm1, $0xFFFFFFFF, v60;
	vm1 =	vgt.s32 v45, $0x3DFFF  }
0x101: {  	[tilespmem:$0x1FEE0] =	vst v5;
	v5 =	vsel vm1, $0xFFFFFFFF, v61  }
0x102: {  	[tilespmem:$0x1FEF0] =	vst v5;
	v62 =	vld [tilespmem:$0x1FEE0]  }
0x103: {  	v8 =	vld [tilespmem:$0x1FEF0];
	_ =	sdelay $0x2  }
0x104: {  	v49 =	vld [tilespmem:$0x1B0]  }
0x105: {  	vm1 =	vnez.u8 v62  }
0x106: {  	v55 =	vsel vm1, $0x1, v0;
	vm1 =	vnez.u8 v8  }
0x107: {  	v56 =	vsel vm1, $0x1, v0;
	vm1 =	vgt.s32 v45, $0x7BFFF  }
0x108: {  	v9 =	vimm.s32 $0x0;
	v58 =	vsel vm1, $0x1, v0;
	vm1 =	vgt.s32 v45, $0xB9FFF  }
0x109: {  	v10 =	vimm.s32 $0x0;
	v5 =	vsel vm1, $0xFFFFFFFF, v9;
	vm1 =	vgt.s32 v49, $0x3DFFF  }
0x10a: {  	[tilespmem:$0x1FF00] =	vst v5;
	v5 =	vsel vm1, $0xFFFFFFFF, v10  }
0x10b: {  	[tilespmem:$0x1FF10] =	vst v5;
	v11 =	vld [tilespmem:$0x1FF00]  }
0x10c: {  	v12 =	vld [tilespmem:$0x1FF10];
	_ =	sdelay $0x3  }
0x10d: {  	v53 =	vld [tilespmem:$0x1C0];
	vm1 =	vnez.u8 v11  }
0x10e: {  	v10 =	vsel vm1, $0x1, v0;
	vm1 =	vnez.u8 v12  }
0x10f: {  	[tilespmem:$0x0] =	vst v59;
	v59 =	vsel vm1, $0x1, v0;
	vm1 =	vgt.s32 v49, $0x7BFFF  }
0x110: {  	[tilespmem:$0x10] =	vst v2;
	v2 =	vimm.s32 $0x0;
	v8 =	vsel vm1, $0x1, v0;
	vm1 =	vgt.s32 v49, $0xB9FFF  }
0x111: {  	v2 =	vsel vm1, $0xFFFFFFFF, v2  }
0x112: {  	vm1 =	vgt.s32 v53, $0x3DFFF;
	[tilespmem:$0x1FF20] =	vst v2;
	v2 =	vimm.s32 $0x0  }
0x113: {  	v2 =	vsel vm1, $0xFFFFFFFF, v2  }
0x114: {  	[tilespmem:$0x1FF30] =	vst v2;
	v2 =	vld [tilespmem:$0x1FF20];
	_ =	sdelay $0x4  }
0x115: {  	vm1 =	vnez.u8 v2;
	v2 =	vld [tilespmem:$0x1FF30];
	_ =	sdelay $0x4  }
0x116: {  	v6 =	vsel vm1, $0x1, v0;
	vm1 =	vnez.u8 v2  }
0x117: {  	v61 =	vsel vm1, $0x1, v0;
	vm1 =	vgt.s32 v53, $0x7BFFF  }
0x118: {  	v57 =	vld [tilespmem:$0x1D0];
	v2 =	vimm.s32 $0x0;
	v12 =	vsel vm1, $0x1, v0;
	vm1 =	vgt.s32 v53, $0xB9FFF  }
0x119: {  	v2 =	vsel vm1, $0xFFFFFFFF, v2  }
0x11a: {  	[tilespmem:$0x1FF40] =	vst v2  }
0x11b: {  	[tilespmem:$0x40] =	vst v1;
	v1 =	vld [tilespmem:$0x1FF40];
	_ =	sdelay $0x1  }
0x11c: {  	vm1 =	vgt.s32 v57, $0x3DFFF;
	v2 =	vimm.s32 $0x0  }
0x11d: {  	v2 =	vsel vm1, $0xFFFFFFFF, v2  }
0x11e: {  	[tilespmem:$0x1FF50] =	vst v2  }
0x11f: {  	vm1 =	vnez.u8 v1;
	v1 =	vld [tilespmem:$0x1FF50];
	_ =	sdelay $0x3  }
0x120: {  	v60 =	vld [tilespmem:$0x1E0]  }
0x121: {  	v11 =	vsel vm1, $0x1, v0;
	vm1 =	vnez.u8 v1  }
0x122: {  	[tilespmem:$0x30] =	vst v63;
	v63 =	vsel vm1, $0x1, v0;
	vm1 =	vgt.s32 v57, $0x7BFFF  }
0x123: {  	v1 =	vimm.s32 $0x0;
	v9 =	vsel vm1, $0x1, v0;
	vm1 =	vgt.s32 v57, $0xB9FFF  }
0x124: {  	v1 =	vsel vm1, $0xFFFFFFFF, v1  }
0x125: {  	vm1 =	vgt.s32 v60, $0x3DFFF;
	[tilespmem:$0x1FF60] =	vst v1;
	v1 =	vimm.s32 $0x0  }
0x126: {  	v1 =	vsel vm1, $0xFFFFFFFF, v1  }
0x127: {  	[tilespmem:$0x1FF70] =	vst v1;
	v1 =	vld [tilespmem:$0x1FF60];
	_ =	sdelay $0x4  }
0x128: {  	vm1 =	vnez.u8 v1;
	v1 =	vld [tilespmem:$0x1FF70];
	_ =	sdelay $0x4  }
0x129: {  	[tilespmem:$0x60] =	vst v7;
	v7 =	vsel vm1, $0x1, v0;
	vm1 =	vnez.u8 v1;
	v1 =	vld [tilespmem:$0x1FF80];
	_ =	sdelay $0x1  }
0x12a: {  	v62 =	vld [tilespmem:$0x1F0];
	_ =	sdelay $0x1  }
0x12b: {  	[tilespmem:$0x20] =	vst v4;
	v5 =	vsel vm1, $0x1, v0;
	vm1 =	vgt.s32 v60, $0x7BFFF  }
0x12c: {  	v4 =	vsel vm1, $0x1, v0;
	vm1 =	vgt.s32 v60, $0xB9FFF;
	[tilespmem:$0x70] =	vst v1;
	v1 =	vimm.s32 $0x0  }
0x12d: {  	v1 =	vsel vm1, $0xFFFFFFFF, v1  }
0x12e: {  	vm1 =	vgt.s32 v62, $0x3DFFF;
	[tilespmem:$0x1FFA0] =	vst v1;
	v1 =	vimm.s32 $0x0  }
0x12f: {  	v1 =	vsel vm1, $0xFFFFFFFF, v1  }
0x130: {  	[tilespmem:$0x1FFB0] =	vst v1;
	v1 =	vld [tilespmem:$0x1FF90];
	_ =	sdelay $0x4  }
0x131: {  	[tilespmem:$0x80] =	vst v1;
	v1 =	vld [tilespmem:$0x1FFA0];
	_ =	sdelay $0x4  }
0x132: {  	vm1 =	vnez.u8 v1  }
0x133: {  	[tilespmem:$0x50] =	vst v3;
	v1 =	vimm.s32 $0x0;
	v3 =	vsel vm1, $0x1, v0;
	vm1 =	vgt.s32 v62, $0x7BFFF  }
0x134: {  	v1 =	vsel vm1, $0xFFFFFFFF, v1  }
0x135: {  	[tilespmem:$0x1FFD0] =	vst v1;
	v1 =	vld [tilespmem:$0x1FFB0]  }
0x136: {  	v21 =	vadd.s32 v21, v26;
	v26 =	vadd.s32 v28, v27;
	v27 =	vld [tilespmem:$0x1FFF0]  }
0x137: {  	v26 =	vadd.s32 v29, v26;
	v32 =	vadd.s32 v32, v30  }
0x138: {  	[tilespmem:$0xC0] =	vst v13;
	v26 =	vmul.u32 $0xFFFC2000, v26;
	v13 =	vadd.s32 v33, v32  }
0x139: {  	[tilespmem:$0xD0] =	vst v14;
	v13 =	vmul.u32 $0xFFFC2000, v13;
	v35 =	vadd.s32 v35, v34;
	v33 =	vadd.s32 v38, v37  }
0x13a: {  	[tilespmem:$0xE0] =	vst v16;
	v32 =	vadd.s32 v36, v35;
	v34 =	vadd.s32 v39, v33;
	vm1 =	vnez.u8 v1;
	v1 =	vld [tilespmem:$0x1FFC0]  }
0x13b: {  	v19 =	vadd.s32 v19, v25;
	[tilespmem:$0xB0] =	vst v27;
	v27 =	vmul.u32 $0xFFFC2000, v32;
	v14 =	vmul.u32 $0xFFFC2000, v34  }
0x13c: {  	[tilespmem:$0xF0] =	vst v17;
	v15 =	vadd.s32 v15, v26;
	v13 =	vadd.s32 v18, v13;
	v35 =	vadd.s32 v42, v40  }
0x13d: {  	[tilespmem:$0x100] =	vst v19;
	v37 =	vadd.s32 v22, v27;
	v14 =	vadd.s32 v23, v14;
	v36 =	vadd.s32 v43, v35  }
0x13e: {  	[tilespmem:$0x110] =	vst v21;
	v16 =	vmul.u32 $0xFFFC2000, v36;
	v38 =	vadd.s32 v46, v44;
	v39 =	vadd.s32 v50, v48  }
0x13f: {  	v18 =	vadd.s32 v47, v38;
	v43 =	vadd.s32 v51, v39;
	v42 =	vadd.s32 v58, v56;
	[tilespmem:$0x90] =	vst v1;
	v1 =	vld [tilespmem:$0x1FFD0]  }
0x140: {  	[tilespmem:$0x130] =	vst v13;
	v46 =	vmul.u32 $0xFFFC2000, v18;
	v13 =	vmul.u32 $0xFFFC2000, v43;
	v10 =	vadd.s32 v10, v42  }
0x141: {  	[tilespmem:$0x120] =	vst v15;
	v16 =	vadd.s32 v31, v16;
	v40 =	vadd.s32 v54, v52;
	v10 =	vmul.u32 $0xFFFC2000, v10  }
0x142: {  	[tilespmem:$0x140] =	vst v37;
	v48 =	vadd.s32 v20, v46;
	v13 =	vadd.s32 v24, v13;
	v44 =	vadd.s32 v55, v40  }
0x143: {  	[tilespmem:$0x150] =	vst v14;
	v47 =	vmul.u32 $0xFFFC2000, v44;
	v8 =	vadd.s32 v8, v59;
	v10 =	vadd.s32 v45, v10  }
0x144: {  	[tilespmem:$0x160] =	vst v16;
	v6 =	vadd.s32 v6, v8;
	v2 =	vsel vm1, $0x1, v0;
	vm1 =	vnez.u8 v1;
	v1 =	vld [tilespmem:$0x1FFE0]  }
0x145: {  	[tilespmem:$0x170] =	vst v48;
	v6 =	vmul.u32 $0xFFFC2000, v6;
	v12 =	vadd.s32 v12, v61;
	v9 =	vadd.s32 v9, v63  }
0x146: {  	[tilespmem:$0x180] =	vst v13;
	v8 =	vadd.s32 v41, v47;
	v11 =	vadd.s32 v11, v12;
	v7 =	vadd.s32 v7, v9  }
0x147: {  	[tilespmem:$0x1A0] =	vst v10;
	v6 =	vadd.s32 v49, v6;
	v49 =	vmul.u32 $0xFFFC2000, v11;
	v50 =	vmul.u32 $0xFFFC2000, v7  }
0x148: {  	[tilespmem:$0x190] =	vst v8;
	v4 =	vadd.s32 v4, v5;
	v25 =	vsel vm1, $0x1, v0;
	vm1 =	vgt.s32 v62, $0xB9FFF  }
0x149: {  	v3 =	vadd.s32 v3, v4;
	v2 =	vadd.s32 v25, v2;
	[tilespmem:$0xA0] =	vst v1;
	v1 =	vsel vm1, $0x1, v0  }
0x14a: {  	[tilespmem:$0x1B0] =	vst v6;
	v5 =	vadd.s32 v53, v49;
	v3 =	vmul.u32 $0xFFFC2000, v3;
	v1 =	vadd.s32 v1, v2  }
0x14b: {  	[tilespmem:$0x1C0] =	vst v5;
	v2 =	vadd.s32 v57, v50;
	v1 =	vmul.u32 $0xFFFC2000, v1  }
0x14c: {  	[tilespmem:$0x1D0] =	vst v2;
	v2 =	vadd.s32 v60, v3  }
0x14d: {  	[tilespmem:$0x1E0] =	vst v2;
	v1 =	vadd.s32 v62, v1  }
0x14e: {  	[tilespmem:$0x1F0] =	vst v1  }
0x14f: {  	v1 =	vld [tilespmem:s2+$0x0];
	_ =	sdelay $0x4  }
0x150: {  	v2 =	vnsel vm0, $0x0, v1  }
0x151: {  	v3 =	vsel vm2, $0x0, v1;
	(xrf0) =	vadd.scan.msk.s32 $0xffff, v2  }
0x152: {  	vm1 =	vcmask $0x308;
	v2 =	vsel vm3, $0x0, v1;
	(xrf0) =	vadd.scan.msk.s32 $0xffff, v3  }
0x153: {  	v3 =	vsel vm1, $0x0, v1;
	(xrf0) =	vadd.scan.msk.s32 $0xffff, v2  }
0x154: {  	(xrf0) =	vadd.scan.msk.s32 $0xffff, v3;
	_ =	sdelay $0x2  }
0x155: {  	v2, _, _ =	vpop (xrf0)  }
0x156: {  	v3 =	vsel vm8, $0x0, v1;
	(v2sf) =	vpush v2, $0xF;
	v2, _, _ =	vpop (xrf0)  }
0x157: {  	v51 =	vsel vm9, $0x0, v1;
	(xrf0) =	vadd.scan.msk.s32 $0xffff, v3;
	(v2sf) =	vpush v2, $0xF;
	v2, _, _ =	vpop (xrf0)  }
0x158: {  	v3 =	vsel vm5, $0x0, v1;
	(xrf0) =	vadd.scan.msk.s32 $0xffff, v51;
	v52, _, _ =	vpop (xrf0);
	(v2sf) =	vpush v2, $0xF  }
0x159: {  	v2 =	vsel vm4, $0x0, v1;
	(xrf0) =	vadd.scan.msk.s32 $0xffff, v3;
	(v2sf) =	vpush v52, $0xF  }
0x15a: {  	(xrf0) =	vadd.scan.msk.s32 $0xffff, v2;
	v2 =	vsel vm10, $0x0, v1  }
0x15b: {  	v3 =	vsel vm11, $0x0, v1;
	_ =	sdelay $0x1  }
0x15c: {  	(xrf0) =	vadd.scan.msk.s32 $0xffff, v2;
	v2, _, _ =	vpop (xrf0)  }
0x15d: {  	v53 =	vsel vm12, $0x0, v1;
	(xrf0) =	vadd.scan.msk.s32 $0xffff, v3;
	v3, _, _ =	vpop (xrf0)  }
0x15e: {  	v54 =	vsel vm13, $0x0, v1;
	(xrf0) =	vadd.scan.msk.s32 $0xffff, v53;
	(v2sf) =	vpush v2, $0xF;
	v2, _, _ =	vpop (xrf0)  }
0x15f: {  	v55 =	vsel vm14, $0x0, v1;
	(xrf0) =	vadd.scan.msk.s32 $0xffff, v54;
	v56, _, _ =	vpop (xrf0)  }
0x160: {  	v57 =	vsel vm6, $0x0, v1;
	(xrf0) =	vadd.scan.msk.s32 $0xffff, v55;
	(v2sf) =	vpush v56, $0xF  }
0x161: {  	v58 =	vsel vm7, $0x0, v1;
	(xrf0) =	vadd.scan.msk.s32 $0xffff, v57  }
0x162: {  	s11 =	simm.s32 $0x2000;
	s12 =	simm.s32 $0x0;
	s20 =	simm.s32 $0x300;
	(xrf0) =	vadd.scan.msk.s32 $0xffff, v58;
	v59, _, _ =	vpop (xrf0);
	(v2sf) =	vpush v2, $0xF  }
0x163: {  	s21 =	simm.s32 $0x400;
	s16 =	simm.s32 $0x580;
	s13 =	simm.s32 $0x200;
	v2, _, _ =	vpop (xrf0)  }
0x164: {  	s22 =	simm.s32 $0x280;
	s17 =	simm.s32 $0x500;
	(v2sf) =	vpush v59, $0xF;
	v60, _, _ =	vpop (xrf0);
	s14 =	spop (v2sf)  }
0x165: {  	s23 =	simm.s32 $0x480;
	v61, _, _ =	vpop (xrf0);
	s14 =	sshll.u32 s14, $0x4;
	s24 =	spop (v2sf)  }
0x166: {  	s15 =	simm.s32 $0x800;
	v62, _, _ =	vpop (xrf0);
	(v2sf) =	vpush v3, $0xF;
	s18 =	sand.u32 $0x1FFFFFF0, s14;
	s25 =	spop (v2sf)  }
0x167: {  	s19 =	simm.s32 $0x700;
	v3, _, _ =	vpop (xrf0);
	s18 =	sadd.s32 s3, s18;
	s26 =	spop (v2sf)  }
0x168: {  	v63, _, _ =	vpop (xrf0);
	(v2sf) =	vpush v3, $0xF;
	[tilespmem:s13], [sflag:$0x1] =	stream.linear.gather [hbm4b:s18+s2], $0x80, $0x38;
	[tilespmem:$0x10200] =	vst v63  }
0x169: {  	s0 =	simm.s32 $0x380;
	(v2sf) =	vpush v63, $0xF;
	s24 =	sshll.u32 s24, $0x4;
	s26 =	sshll.u32 s26, $0x4  }
0x16a: {  	s14 =	simm.s32 $0x880;
	s24 =	sand.u32 $0x1FFFFFF0, s24;
	s26 =	sand.u32 $0x1FFFFFF0, s26  }
0x16b: {  	s25 =	sshll.u32 s25, $0x4;
	(v2sf) =	vpush v2, $0xF;
	s13 =	simm.s32 $0x10;
	s26 =	sadd.s32 s3, s26  }
0x16c: {  	[tilespmem:s22], [sflag:$0x1] =	stream.linear.gather [hbm4b:s26+s2], $0x80, $0x38;
	[tilespmem:$0x10200] =	vst v63  }
0x16d: {  	s25 =	sand.u32 $0x1FFFFFF0, s25;
	s24 =	sadd.s32 s3, s24;
	s30 =	spop (v2sf)  }
0x16e: {  	v1 =	vsel vm15, $0x0, v1;
	[tilespmem:s20], [sflag:$0x1] =	stream.linear.gather [hbm4b:s24+s2], $0x80, $0x38;
	[tilespmem:$0x10200] =	vst v63  }
0x16f: {  	(xrf0) =	vadd.scan.msk.s32 $0xffff, v1;
	s18 =	simm.s32 $0x780;
	(v2sf) =	vpush v60, $0xF;
	s25 =	sadd.s32 s3, s25;
	s31 =	spop (v2sf)  }
0x170: {  	[tilespmem:s0], [sflag:$0x1] =	stream.linear.gather [hbm4b:s25+s2], $0x80, $0x38;
	[tilespmem:$0x10200] =	vst v63  }
0x171: {  	(v2sf) =	vpush v61, $0xF;
	s22 =	sshll.u32 s30, $0x4;
	s24 =	sshll.u32 s31, $0x4;
	s1 =	spop (v2sf)  }
0x172: {  	s20 =	simm.s32 $0x680;
	s24 =	sand.u32 $0x1FFFFFF0, s24;
	s25 =	sshll.u32 s1, $0x4  }
0x173: {  	s9 =	spop (v2sf);
	s25 =	sand.u32 $0x1FFFFFF0, s25;
	s24 =	sadd.s32 s3, s24  }
0x174: {  	[tilespmem:s21], [sflag:$0x1] =	stream.linear.gather [hbm4b:s24+s2], $0x80, $0x38;
	[tilespmem:$0x10200] =	vst v63  }
0x175: {  	s30 =	sshll.u32 s9, $0x4;
	s25 =	sadd.s32 s3, s25;
	s29 =	spop (v2sf);
	(v2sf) =	vpush v62, $0xF  }
0x176: {  	v1, _, _ =	vpop (xrf0);
	[tilespmem:s23], [sflag:$0x1] =	stream.linear.gather [hbm4b:s25+s2], $0x80, $0x38;
	[tilespmem:$0x10200] =	vst v63  }
0x177: {  	s24 =	simm.s32 $0x600;
	s26 =	sand.u32 $0x1FFFFFF0, s30;
	s31 =	spop (v2sf);
	(v2sf) =	vpush v1, $0xF  }
0x178: {  	s25 =	sand.u32 $0x1FFFFFF0, s22;
	s23 =	sshll.u32 s31, $0x4;
	s28 =	spop (v2sf)  }
0x179: {  	s22 =	sshll.u32 s29, $0x4;
	s21 =	sand.u32 $0x1FFFFFF0, s23;
	s28 =	sshll.u32 s28, $0x4  }
.LBB2_2:
0x17a: {  	s21 =	sadd.s32 s3, s21;
	s23 =	sand.u32 $0x1FFFFFF0, s28;
	s28 =	spop (v2sf)  }
0x17b: {  	[tilespmem:s17], [sflag:$0x1] =	stream.linear.gather [hbm4b:s21+s2], $0x80, $0x38;
	[tilespmem:$0x10200] =	vst v63  }
0x17c: {  	s17 =	sadd.s32 s3, s23;
	s21 =	sand.u32 $0x1FFFFFF0, s22;
	s22 =	sshll.u32 s28, $0x4  }
0x17d: {  	[tilespmem:s16], [sflag:$0x1] =	stream.linear.gather [hbm4b:s17+s2], $0x80, $0x38;
	[tilespmem:$0x10200] =	vst v63  }
0x17e: {  	s16 =	sadd.s32 s3, s25;
	s17 =	sand.u32 $0x1FFFFFF0, s22;
	s22 =	spop (v2sf)  }
0x17f: {  	[tilespmem:s24], [sflag:$0x1] =	stream.linear.gather [hbm4b:s16+s2], $0x80, $0x38;
	[tilespmem:$0x10200] =	vst v63  }
0x180: {  	s16 =	sadd.s32 s3, s21;
	s21 =	sshll.u32 s22, $0x4;
	s22 =	spop (v2sf)  }
0x181: {  	[tilespmem:s20], [sflag:$0x1] =	stream.linear.gather [hbm4b:s16+s2], $0x80, $0x38;
	[tilespmem:$0x10200] =	vst v63  }
0x182: {  	s16 =	sadd.s32 s3, s26;
	s20 =	sand.u32 $0x1FFFFFF0, s21;
	s21 =	sshll.u32 s22, $0x4  }
0x183: {  	[tilespmem:s19], [sflag:$0x1] =	stream.linear.gather [hbm4b:s16+s2], $0x80, $0x38;
	[tilespmem:$0x10200] =	vst v63  }
0x184: {  	s16 =	sadd.s32 s3, s17;
	s17 =	sand.u32 $0x1FFFFFF0, s21;
	s19 =	spop (v2sf)  }
0x185: {  	[tilespmem:s18], [sflag:$0x1] =	stream.linear.gather [hbm4b:s16+s2], $0x80, $0x38;
	[tilespmem:$0x10200] =	vst v63  }
0x186: {  	s16 =	sadd.s32 s3, s20;
	s18 =	sshll.u32 s19, $0x4;
	s19 =	spop (v2sf)  }
0x187: {  	[tilespmem:s15], [sflag:$0x1] =	stream.linear.gather [hbm4b:s16+s2], $0x80, $0x38;
	[tilespmem:$0x10200] =	vst v63  }
0x188: {  	s15 =	sadd.s32 s3, s17;
	s16 =	sand.u32 $0x1FFFFFF0, s18;
	s17 =	sshll.u32 s19, $0x4  }
0x189: {  	[tilespmem:s14], [sflag:$0x1] =	stream.linear.gather [hbm4b:s15+s2], $0x80, $0x38;
	[tilespmem:$0x10200] =	vst v63  }
0x18a: {  	s14 =	sadd.s32 $0x900, s12;
	s15 =	sadd.s32 s3, s16;
	s16 =	sand.u32 $0x1FFFFFF0, s17  }
0x18b: {  	[tilespmem:s14], [sflag:$0x1] =	stream.linear.gather [hbm4b:s15+s2], $0x80, $0x38;
	[tilespmem:$0x10200] =	vst v63  }
0x18c: {  	p0 =	sne.s32 s11, $0x3E000;
	s12 =	sadd.s32 $0x980, s12;
	s14 =	sadd.s32 s3, s16  }
0x18d: {  	[tilespmem:s12], [sflag:$0x1] =	stream.linear.gather [hbm4b:s14+s2], $0x80, $0x38;
	[tilespmem:$0x10200] =	vst v63  }
0x18e: {  	s12 =	smov.u32 s11;
	s11 =	sadd.s32 $0x2000, s11;
	v1 =	vld [tilespmem:s13+$0x0];
	_ =	sdelay $0x4  }
0x18f: {  	v2 =	vnsel vm0, $0x0, v1;
	v3 =	vsel vm3, $0x0, v1;
	v4 =	vsel vm14, $0x0, v1  }
0x190: {  	v5 =	vsel vm2, $0x0, v1;
	v6 =	vsel vm15, $0x0, v1;
	(xrf0) =	vadd.scan.msk.s32 $0xffff, v2  }
0x191: {  	v7 =	vsel vm6, $0x0, v1;
	v2 =	vsel vm1, $0x0, v1;
	(xrf0) =	vadd.scan.msk.s32 $0xffff, v5  }
0x192: {  	v5 =	vsel vm7, $0x0, v1;
	(xrf0) =	vadd.scan.msk.s32 $0xffff, v3  }
0x193: {  	v3 =	vsel vm8, $0x0, v1;
	(xrf0) =	vadd.scan.msk.s32 $0xffff, v2  }
0x194: {  	v2 =	vsel vm9, $0x0, v1;
	(xrf0) =	vadd.scan.msk.s32 $0xffff, v3  }
0x195: {  	v3 =	vsel vm5, $0x0, v1;
	(xrf0) =	vadd.scan.msk.s32 $0xffff, v2  }
0x196: {  	v2 =	vsel vm4, $0x0, v1;
	v8, _, _ =	vpop (xrf0);
	(xrf0) =	vadd.scan.msk.s32 $0xffff, v3  }
0x197: {  	v3 =	vsel vm10, $0x0, v1;
	(v2sf) =	vpush v8, $0xF;
	v8, _, _ =	vpop (xrf0);
	(xrf0) =	vadd.scan.msk.s32 $0xffff, v2  }
0x198: {  	v10 =	vsel vm11, $0x0, v1;
	(v2sf) =	vpush v8, $0xF;
	v8, _, _ =	vpop (xrf0);
	(xrf0) =	vadd.scan.msk.s32 $0xffff, v3  }
0x199: {  	s12 =	sshra.s32 s12, $0x2;
	v3 =	vsel vm12, $0x0, v1;
	v9, _, _ =	vpop (xrf0);
	(v2sf) =	vpush v8, $0xF;
	(xrf0) =	vadd.scan.msk.s32 $0xffff, v10  }
0x19a: {  	s22 =	sadd.s32 $0x300, s12;
	v8 =	vsel vm13, $0x0, v1;
	(v2sf) =	vpush v9, $0xF;
	v2, _, _ =	vpop (xrf0);
	(xrf0) =	vadd.scan.msk.s32 $0xffff, v3  }
0x19b: {  	s21 =	sadd.s32 $0x400, s12;
	s16 =	sadd.s32 $0x580, s12;
	(v2sf) =	vpush v2, $0xF;
	v2, _, _ =	vpop (xrf0);
	(xrf0) =	vadd.scan.msk.s32 $0xffff, v8  }
0x19c: {  	s24 =	sadd.s32 $0x200, s12;
	s26 =	sadd.s32 $0x280, s12;
	v1, _, _ =	vpop (xrf0);
	(xrf0) =	vadd.scan.msk.s32 $0xffff, v4  }
0x19d: {  	s17 =	sadd.s32 $0x500, s12;
	v3, _, _ =	vpop (xrf0);
	(xrf0) =	vadd.scan.msk.s32 $0xffff, v7  }
0x19e: {  	s23 =	sadd.s32 $0x480, s12;
	(v2sf) =	vpush v3, $0xF;
	(xrf0) =	vadd.scan.msk.s32 $0xffff, v5;
	v3, _, _ =	vpop (xrf0)  }
0x19f: {  	(v2sf) =	vpush v1, $0xF;
	v1, _, _ =	vpop (xrf0);
	(xrf0) =	vadd.scan.msk.s32 $0xffff, v6  }
0x1a0: {  	(v2sf) =	vpush v3, $0xF;
	v3, _, _ =	vpop (xrf0)  }
0x1a1: {  	v4, _, _ =	vpop (xrf0)  }
0x1a2: {  	v5, _, _ =	vpop (xrf0)  }
0x1a3: {  	v6, _, _ =	vpop (xrf0);
	(v2sf) =	vpush v2, $0xF  }
0x1a4: {  	v2, _, _ =	vpop (xrf0)  }
0x1a5: {  	s13 =	sadd.s32 $0x10, s13;
	s15 =	sadd.s32 $0x800, s12;
	s14 =	sadd.s32 $0x880, s12;
	(v2sf) =	vpush v6, $0xF;
	v6, _, _ =	vpop (xrf0)  }
0x1a6: {  	s19 =	sadd.s32 $0x700, s12;
	s18 =	sadd.s32 $0x780, s12;
	s20 =	spop (v2sf)  }
0x1a7: {  	s25 =	sshll.u32 s20, $0x4;
	s20 =	sadd.s32 $0x680, s12;
	s28 =	spop (v2sf);
	(v2sf) =	vpush v2, $0xF  }
0x1a8: {  	s25 =	sand.u32 $0x1FFFFFF0, s25;
	s28 =	sshll.u32 s28, $0x4;
	s29 =	spop (v2sf)  }
0x1a9: {  	s25 =	sadd.s32 s3, s25;
	s28 =	sand.u32 $0x1FFFFFF0, s28;
	s30 =	spop (v2sf)  }
0x1aa: {  	s29 =	sshll.u32 s29, $0x4;
	s30 =	sshll.u32 s30, $0x4;
	s31 =	spop (v2sf)  }
0x1ab: {  	s29 =	sand.u32 $0x1FFFFFF0, s29;
	s30 =	sand.u32 $0x1FFFFFF0, s30;
	s31 =	sshll.u32 s31, $0x4;
	(v2sf) =	vpush v1, $0xF  }
0x1ac: {  	[tilespmem:s24], [sflag:$0x1] =	stream.linear.gather [hbm4b:s25+s2], $0x80, $0x38;
	[tilespmem:$0x10200] =	vst v63  }
0x1ad: {  	s24 =	sadd.s32 $0x600, s12;
	s25 =	sand.u32 $0x1FFFFFF0, s31;
	s31 =	spop (v2sf)  }
0x1ae: {  	s0 =	sadd.s32 $0x380, s12;
	s31 =	sshll.u32 s31, $0x4;
	s1 =	spop (v2sf)  }
0x1af: {  	s31 =	sand.u32 $0x1FFFFFF0, s31;
	s1 =	sshll.u32 s1, $0x4;
	s9 =	spop (v2sf);
	(v2sf) =	vpush v3, $0xF  }
0x1b0: {  	s30 =	sadd.s32 s3, s30;
	s1 =	sand.u32 $0x1FFFFFF0, s1;
	s9 =	sshll.u32 s9, $0x4  }
0x1b1: {  	[tilespmem:s26], [sflag:$0x1] =	stream.linear.gather [hbm4b:s30+s2], $0x80, $0x38;
	(v2sf) =	vpush v4, $0xF;
	[tilespmem:$0x10200] =	vst v63  }
0x1b2: {  	s28 =	sadd.s32 s3, s28;
	s26 =	sand.u32 $0x1FFFFFF0, s9;
	s9 =	spop (v2sf)  }
0x1b3: {  	[tilespmem:s22], [sflag:$0x1] =	stream.linear.gather [hbm4b:s28+s2], $0x80, $0x38;
	[tilespmem:$0x10200] =	vst v63  }
0x1b4: {  	s28 =	sadd.s32 s3, s29;
	s22 =	sshll.u32 s9, $0x4;
	s9 =	spop (v2sf)  }
0x1b5: {  	[tilespmem:s0], [sflag:$0x1] =	stream.linear.gather [hbm4b:s28+s2], $0x80, $0x38;
	[tilespmem:$0x10200] =	vst v63  }
.Ltmp0:
0x1b6: {  	(v2sf) =	vpush v5, $0xF;
	(pc) =	sbr.rel @p0 .LBB2_2-.Ltmp0, $4  }
0x1b7: {  	s0 =	sadd.s32 s3, s31;
	s9 =	sshll.u32 s9, $0x4;
	s28 =	spop (v2sf)  }
0x1b8: {  	[tilespmem:s21], [sflag:$0x1] =	stream.linear.gather [hbm4b:s0+s2], $0x80, $0x38;
	(v2sf) =	vpush v6, $0xF;
	[tilespmem:$0x10200] =	vst v63  }
0x1b9: {  	s0 =	sadd.s32 s3, s1;
	s21 =	sand.u32 $0x1FFFFFF0, s9;
	s28 =	sshll.u32 s28, $0x4  }
0x1ba: {  	[tilespmem:s23], [sflag:$0x1] =	stream.linear.gather [hbm4b:s0+s2], $0x80, $0x38;
	[tilespmem:$0x10200] =	vst v63  }
0x1bb: {  	s0 =	sadd.s32 s3, s21;
	s1 =	sand.u32 $0x1FFFFFF0, s28;
	s9 =	spop (v2sf)  }
0x1bc: {  	[tilespmem:s17], [sflag:$0x1] =	stream.linear.gather [hbm4b:s0+s2], $0x80, $0x38;
	[tilespmem:$0x10200] =	vst v63  }
0x1bd: {  	s30 =	sand.u32 $0x1FFFFFF0, s22;
	s31 =	sadd.s32 s3, s25;
	s29 =	sadd.s32 s3, s1  }
0x1be: {  	[tilespmem:s16], [sflag:$0x1] =	stream.linear.gather [hbm4b:s29+s2], $0x80, $0x38;
	[tilespmem:$0x10200] =	vst v63  }
0x1bf: {  	s9 =	sshll.u32 s9, $0x4;
	s1 =	sadd.s32 s3, s30;
	s11 =	spop (v2sf)  }
0x1c0: {  	[tilespmem:s24], [sflag:$0x1] =	stream.linear.gather [hbm4b:s31+s2], $0x80, $0x38;
	[tilespmem:$0x10200] =	vst v63  }
0x1c1: {  	s17 =	sadd.s32 s3, s26;
	s13 =	sshll.u32 s11, $0x4;
	s16 =	spop (v2sf)  }
0x1c2: {  	[tilespmem:s20], [sflag:$0x1] =	stream.linear.gather [hbm4b:s1+s2], $0x80, $0x38;
	[tilespmem:$0x10200] =	vst v63  }
0x1c3: {  	s9 =	sand.u32 $0x1FFFFFF0, s9;
	s11 =	sshll.u32 s16, $0x4;
	s1 =	sand.u32 $0x1FFFFFF0, s13  }
0x1c4: {  	[tilespmem:s19], [sflag:$0x1] =	stream.linear.gather [hbm4b:s17+s2], $0x80, $0x38;
	[tilespmem:$0x10200] =	vst v63  }
0x1c5: {  	s20 =	sand.u32 $0x1FFFFFF0, s11;
	s19 =	sadd.s32 s3, s9;
	s21 =	spop (v2sf)  }
0x1c6: {  	[tilespmem:s18], [sflag:$0x1] =	stream.linear.gather [hbm4b:s19+s2], $0x80, $0x38;
	[tilespmem:$0x10200] =	vst v63  }
0x1c7: {  	s22 =	sadd.s32 s3, s1;
	s23 =	sshll.u32 s21, $0x4;
	s24 =	spop (v2sf)  }
0x1c8: {  	[tilespmem:s15], [sflag:$0x1] =	stream.linear.gather [hbm4b:s22+s2], $0x80, $0x38;
	[tilespmem:$0x10200] =	vst v63  }
0x1c9: {  	s25 =	sadd.s32 s3, s20;
	s1 =	sand.u32 $0x1FFFFFF0, s23;
	s26 =	sshll.u32 s24, $0x4  }
0x1ca: {  	[tilespmem:s14], [sflag:$0x1] =	stream.linear.gather [hbm4b:s25+s2], $0x80, $0x38;
	[tilespmem:$0x10200] =	vst v63  }
0x1cb: {  	s28 =	sadd.s32 $0x900, s12;
	s1 =	sadd.s32 s3, s1;
	s9 =	sand.u32 $0x1FFFFFF0, s26  }
0x1cc: {  	[tilespmem:s28], [sflag:$0x1] =	stream.linear.gather [hbm4b:s1+s2], $0x80, $0x38;
	[tilespmem:$0x10200] =	vst v63  }
0x1cd: {  	s29 =	sadd.s32 $0x980, s12;
	s30 =	sadd.s32 s3, s9  }
0x1ce: {  	[tilespmem:s29], [sflag:$0x1] =	stream.linear.gather [hbm4b:s30+s2], $0x80, $0x38;
	[tilespmem:$0x10200] =	vst v63  }
0x1cf: {  	s10 =	sadd.s32 $0x1, s10;
	_ =	swait.ge [sflag:s8], $0x10000  }
0x1d0: {  	p0 =	sne.s32 s10, s6;
	[sflag:s8] =	ssyncset.done $0x0  }
.Ltmp1:
0x1d1: {  	s31 =	simm.s32 $0x200;
	[sflag:s8] =	ssyncadd.s32 $0xFFFF0000;
	(pc) =	sbr.rel @p0 .LBB2_1-.Ltmp1, $4  }
0x1d2: {  	[hbm4b:s5+s2] =	stream.linear.scatter [tilespmem:s31], [sflag:$0x2], $0x10000, $0x38;
	[tilespmem:$0x10200] =	vst v63  }
0x1d3: {  	_ =	swait.ge [sflag:s7], $0x10000  }
0x1d4: {  	[sflag:s7] =	ssyncset.done $0x0  }
0x1d5: {  	[sflag:s7] =	ssyncadd.s32 $0xFFFF0000  }
0x1d6: {  	_ =	sfence.sel $0x180000  }
0x1d7: {  	[bflag:$0x0] =	sbarrier.arrive $0xFFFF  }
0x1d8: {  	_ =	strace $0x9000004A  }
0x1d9: {  	s0 =	stileid.u32;
	[bflag:$0x2] =	sbarrier.arrive $0xFFFF  }
0x1da: {  	p0 =	sne.s32 s0, $0x0;
	s0 =	rddreg [dreg:$0x2]  }
0x1db: {  	s0 =	sadd.s32 @!p0 $0x100000, s0  }
0x1dc: {  	[sflag:s0] =	ssyncadd.tile.s32 @!p0 $0x1;
	_ =	shalt  }
.Lfunc_end2:
_tile_overlayer_lowered:
.L_overlay_start_2:
0x1dd: {  	(tag) =	ssettag $0x2  }
0x1de: {  	s0 =	rddreg [dreg:$0x0];
	s2 =	stileid.u32  }
0x1df: {  	s1 =	rddreg [dreg:$0x1];
	p0 =	sne.s32 s2, $0x0  }
0x1e0: {  	s3 =	rddreg [dreg:$0x2];
	[bflag:$0x3] =	sbarrier.arrive $0xFFFF;
	s2 =	simm.s32 @!p0 $0x1C02  }
0x1e1: {  	[timem:s3], [sflag:s2] =	dma.local @!p0 [hbm:s0], s1  }
0x1e2: {  	s0 =	simm.s32 @!p0 $0x2  }
0x1e3: {  	_ =	swait.ge @!p0 [sflag:s0], s1  }
0x1e4: {  	s1 =	ssub.s32 @!p0 $0x0, s1;
	[sflag:s0] =	ssyncset.done @!p0 $0x0  }
0x1e5: {  	[sflag:s0] =	ssyncadd.s32 @!p0 s1  }
0x1e6: {  	[bflag:$0x3] =	sbarrier.arrive $0xFFFF  }
0x1e7: {  	_ =	shalt  }

</sc_bundles>
